<compile_context>
chip_gen: v7x
topology: tpu7x:2x2x1
jax: 0.10.2.dev20260603
libtpu: 0.0.44.dev20260713+nightly
codegen_flags: <defaults>
</compile_context>

<pallas_src>
import functools

import jax
import jax.numpy as jnp
from jax import lax
from jax.experimental import pallas as pl
from jax.experimental.pallas import tpu as pltpu
from jax.experimental.pallas import tpu_sc as plsc

BATCH = 16384
DIM = 32
NUM_WORKERS = 32
B_PER_W = BATCH // NUM_WORKERS
CHUNK = 128
NCHUNK = B_PER_W // CHUNK
BLOCKS_PER_CHUNK = CHUNK // 16

S_SCI = 1 << 15
S_PAP = 1 << 18
SH_SCI = 15
SH_PAP = 18


def _pack_body(in0, in1, in2, in3, out_ref):
    x = jnp.concatenate(
        [in0[...], in1[...], in2[...], in3[...]], axis=0)
    hi = x.astype(jnp.bfloat16).astype(jnp.float32)
    lo = x - hi
    eye = jnp.eye(128, dtype=jnp.float32)
    dims = (((0,), (0,)), ((), ()))
    out_ref[...] = (
        lax.dot_general(hi, eye, dims, preferred_element_type=jnp.float32)
        + lax.dot_general(lo, eye, dims, preferred_element_type=jnp.float32))


def _tc_pack(table_t, s, blkr):
    n = table_t.shape[1]
    k_steps = s // blkr
    max_blk = (n + blkr - 1) // blkr - 1

    def in_map(c):
        return lambda k: (0, jnp.minimum(c * k_steps + k, max_blk))

    return pl.pallas_call(
        _pack_body,
        grid=(k_steps,),
        in_specs=[pl.BlockSpec((32, blkr), in_map(c)) for c in range(4)],
        out_specs=pl.BlockSpec((blkr, 128), lambda k: (k, 0)),
        out_shape=jax.ShapeDtypeStruct((s, 128), jnp.float32),
    )(table_t, table_t, table_t, table_t)


def _gather_body(sid_hbm, pid_hbm, s_packed, p_packed, out_hbm,
                 sid_v, pid_v, srow_v, prow_v, srows, prows, out_v,
                 sem_s, sem_p):
    num_cores = 2
    wid = lax.axis_index("s") * num_cores + lax.axis_index("c")
    base = wid * B_PER_W

    pltpu.sync_copy(sid_hbm.at[pl.ds(base, B_PER_W)], sid_v)
    pltpu.sync_copy(pid_hbm.at[pl.ds(base, B_PER_W)], pid_v)

    for i in range(B_PER_W // 16):
        sv = sid_v[pl.ds(i * 16, 16)]
        pv = pid_v[pl.ds(i * 16, 16)]
        c = i // BLOCKS_PER_CHUNK
        r = i % BLOCKS_PER_CHUNK
        srow_v[c, pl.ds(r * 16, 16)] = jnp.bitwise_and(sv, S_SCI - 1)
        prow_v[c, pl.ds(r * 16, 16)] = jnp.bitwise_and(pv, S_PAP - 1)

    lanes = lax.iota(jnp.int32, 16)

    def fire(c, buf):
        cp_s = pltpu.async_copy(s_packed.at[srow_v.at[c]], srows.at[buf],
                                sem_s)
        cp_p = pltpu.async_copy(p_packed.at[prow_v.at[c]], prows.at[buf],
                                sem_p)
        return cp_s, cp_p

    inflight = fire(0, 0)
    for c in range(NCHUNK):
        cp_s, cp_p = inflight
        cp_s.wait()
        cp_p.wait()
        buf = c % 2
        if c + 1 < NCHUNK:
            inflight = fire(c + 1, (c + 1) % 2)

        def blk_body(lb, _):
            b = c * BLOCKS_PER_CHUNK + lb
            row_idx = lb * 16 + lanes
            sv = sid_v[pl.ds(b * 16, 16)]
            pv = pid_v[pl.ds(b * 16, 16)]
            scol0 = lax.shift_left(lax.shift_right_logical(sv, SH_SCI), 5)
            pcol0 = lax.shift_left(lax.shift_right_logical(pv, SH_PAP), 5)
            acc = jnp.zeros((16,), jnp.float32)
            for d in range(DIM):
                se = plsc.load_gather(srows.at[buf], [row_idx, scol0 + d])
                pe = plsc.load_gather(prows.at[buf], [row_idx, pcol0 + d])
                acc = acc + se * pe
            out_v[pl.ds(b * 16, 16)] = acc
            return ()

        lax.fori_loop(0, BLOCKS_PER_CHUNK, blk_body, ())

    pltpu.sync_copy(out_v, out_hbm.at[pl.ds(base, B_PER_W)])


@jax.jit
def kernel(sid, pid, scientist_table, paper_table):
    s_packed = _tc_pack(scientist_table.T, S_SCI, 8192)
    p_packed = _tc_pack(paper_table.T, S_PAP, 8192)
    mesh = plsc.VectorSubcoreMesh(core_axis_name="c", subcore_axis_name="s")
    run = pl.kernel(
        _gather_body,
        out_type=jax.ShapeDtypeStruct((BATCH,), jnp.float32),
        mesh=mesh,
        scratch_types=[
            pltpu.VMEM((B_PER_W,), jnp.int32),
            pltpu.VMEM((B_PER_W,), jnp.int32),
            pltpu.VMEM((NCHUNK, CHUNK), jnp.int32),
            pltpu.VMEM((NCHUNK, CHUNK), jnp.int32),
            pltpu.VMEM((2, CHUNK, 128), jnp.float32),
            pltpu.VMEM((2, CHUNK, 128), jnp.float32),
            pltpu.VMEM((B_PER_W,), jnp.float32),
            pltpu.SemaphoreType.DMA,
            pltpu.SemaphoreType.DMA,
        ],
        compiler_params=pltpu.CompilerParams(
            needs_layout_passes=False, use_tc_tiling_on_sc=True),
    )
    return run(sid.astype(jnp.int32), pid.astype(jnp.int32),
               s_packed, p_packed)

# --- scband reference (transcript-rebuilt; emitter-appended) ---
"""Pipeline reference for scband-embedding-dot-product-model-27608049779274 (READ-ONLY COPY).

The authoritative reference and input builder live on the scoring server;
editing this copy changes nothing except your own understanding.
"""

import jax, jax.numpy as jnp
import numpy as np

NUM_SCIENTISTS = 100000
NUM_PAPERS = 1000000
DIM = 32
BATCH = 16384

def setup_inputs(seed: int = 0) -> dict:
    key = jax.random.key(seed)
    k1, k2, k3, k4 = jax.random.split(key, 4)
    sid = jax.random.randint(k1, (BATCH,), 0, NUM_SCIENTISTS, dtype=jnp.int64) if jax.config.jax_enable_x64 else jax.random.randint(k1, (BATCH,), 0, NUM_SCIENTISTS, dtype=jnp.int32)
    pid = jax.random.randint(k2, (BATCH,), 0, NUM_PAPERS, dtype=jnp.int32)
    scientist_table = jax.random.normal(k3, (NUM_SCIENTISTS, DIM), dtype=jnp.float32)
    paper_table = jax.random.normal(k4, (NUM_PAPERS, DIM), dtype=jnp.float32)
    return {"sid": sid, "pid": pid, "scientist_table": scientist_table, "paper_table": paper_table}

def reference(sid, pid, scientist_table, paper_table):
    s_emb = jnp.take(scientist_table, sid, axis=0)
    p_emb = jnp.take(paper_table, pid, axis=0)
    return jnp.sum(s_emb * p_emb, axis=-1)

if __name__ == "__main__":
    import jax
    _d = setup_inputs()
    print(jax.jit(kernel)(*tuple(_d.values())))

</pallas_src>

<mosaic_0001>
#map = affine_map<(d0, d1) -> (0)>
#map1 = affine_map<(d0, d1) -> (0, 0)>
module attributes {stable_mosaic.version = 14 : i64} {
  func.func @_gather_body(%arg0: i32, %arg1: i32, %arg2: memref<16384xi32, #tpu.memory_space<hbm>>, %arg3: memref<16384xi32, #tpu.memory_space<hbm>>, %arg4: memref<32768x128xf32, #tpu.memory_space<hbm>>, %arg5: memref<262144x128xf32, #tpu.memory_space<hbm>>, %arg6: memref<16384xf32, #tpu.memory_space<hbm>>, %arg7: memref<512xi32, #tpu.memory_space<vmem>>, %arg8: memref<512xi32, #tpu.memory_space<vmem>>, %arg9: memref<4x128xi32, #tpu.memory_space<vmem>>, %arg10: memref<4x128xi32, #tpu.memory_space<vmem>>, %arg11: memref<2x128x128xf32, #tpu.memory_space<vmem>>, %arg12: memref<2x128x128xf32, #tpu.memory_space<vmem>>, %arg13: memref<512xf32, #tpu.memory_space<vmem>>, %arg14: memref<!tpu.dma_semaphore, #tpu.memory_space<semaphore_mem>>, %arg15: memref<!tpu.dma_semaphore, #tpu.memory_space<semaphore_mem>>) attributes {dimension_semantics = [#tpu.dimension_semantics<core_parallel>, #tpu.dimension_semantics<subcore_parallel>], iteration_bounds = array<i64: 2, 16>, scalar_prefetch = 0 : i64, scratch_operands = 9 : i64, tpu.core_type = #tpu.core_type<sc_vector_subcore>, window_params = [{transform_indices = #map}, {transform_indices = #map}, {transform_indices = #map1}, {transform_indices = #map1}, {transform_indices = #map}]} {
    %mul3A = arith.constant 2 : i32
    %mul3A_0 = arith.muli %arg1, %mul3A : i32
    %add3A = arith.addi %mul3A_0, %arg0 : i32
    %mul3A_1 = arith.constant 512 : i32
    %mul3A_2 = arith.muli %add3A, %mul3A_1 : i32
    "tpu.region"() ({
      %run_scoped3A = tpu.sem_alloc : memref<!tpu.dma_semaphore, #tpu.memory_space<semaphore_mem>>
      %dma_start3A_785 = tpu.memref_slice %arg2[%mul3A_2] : memref<16384xi32, #tpu.memory_space<hbm>> -> memref<512xi32, #tpu.memory_space<hbm>>
      %dma_start3A_786 = tpu.memref_slice %arg2[%mul3A_2] : memref<16384xi32, #tpu.memory_space<hbm>> -> memref<512xi32, #tpu.memory_space<hbm>>
      tpu.enqueue_dma source(%dma_start3A_786 : memref<512xi32, #tpu.memory_space<hbm>>) target(%arg7 : memref<512xi32, #tpu.memory_space<vmem>>) target_semaphore(%run_scoped3A : memref<!tpu.dma_semaphore, #tpu.memory_space<semaphore_mem>>)
      %dma_wait3A_787 = tpu.memref_slice %arg2[%mul3A_2] : memref<16384xi32, #tpu.memory_space<hbm>> -> memref<512xi32, #tpu.memory_space<hbm>>
      %dma_wait3A_788 = tpu.memref_slice %arg2[%mul3A_2] : memref<16384xi32, #tpu.memory_space<hbm>> -> memref<512xi32, #tpu.memory_space<hbm>>
      tpu.wait_dma2 semaphore(%run_scoped3A : memref<!tpu.dma_semaphore, #tpu.memory_space<semaphore_mem>>) src(%dma_wait3A_788 : memref<512xi32, #tpu.memory_space<hbm>>) dst(%arg7 : memref<512xi32, #tpu.memory_space<vmem>>)
      tpu.yield
    }) : () -> ()
    "tpu.region"() ({
      %run_scoped3A = tpu.sem_alloc : memref<!tpu.dma_semaphore, #tpu.memory_space<semaphore_mem>>
      %dma_start3A_785 = tpu.memref_slice %arg3[%mul3A_2] : memref<16384xi32, #tpu.memory_space<hbm>> -> memref<512xi32, #tpu.memory_space<hbm>>
      %dma_start3A_786 = tpu.memref_slice %arg3[%mul3A_2] : memref<16384xi32, #tpu.memory_space<hbm>> -> memref<512xi32, #tpu.memory_space<hbm>>
      tpu.enqueue_dma source(%dma_start3A_786 : memref<512xi32, #tpu.memory_space<hbm>>) target(%arg8 : memref<512xi32, #tpu.memory_space<vmem>>) target_semaphore(%run_scoped3A : memref<!tpu.dma_semaphore, #tpu.memory_space<semaphore_mem>>)
      %dma_wait3A_787 = tpu.memref_slice %arg3[%mul3A_2] : memref<16384xi32, #tpu.memory_space<hbm>> -> memref<512xi32, #tpu.memory_space<hbm>>
      %dma_wait3A_788 = tpu.memref_slice %arg3[%mul3A_2] : memref<16384xi32, #tpu.memory_space<hbm>> -> memref<512xi32, #tpu.memory_space<hbm>>
      tpu.wait_dma2 semaphore(%run_scoped3A : memref<!tpu.dma_semaphore, #tpu.memory_space<semaphore_mem>>) src(%dma_wait3A_788 : memref<512xi32, #tpu.memory_space<hbm>>) dst(%arg8 : memref<512xi32, #tpu.memory_space<vmem>>)
      tpu.yield
    }) : () -> ()
    %get3A = arith.constant 0 : index
    %get3A_3 = tpu.vector_load %arg7[%get3A] {strides = array<i32>} : memref<512xi32, #tpu.memory_space<vmem>>, vector<16xi32>,
    %get3A_4 = arith.constant 0 : index
    %get3A_5 = tpu.vector_load %arg8[%get3A_4] {strides = array<i32>} : memref<512xi32, #tpu.memory_space<vmem>>, vector<16xi32>,
    %and3A = arith.constant 32767 : i32
    %and3A_6 = vector.broadcast %and3A : i32 to vector<16xi32>
    %and3A_7 = arith.andi %get3A_3, %and3A_6 : vector<16xi32>
    %swap3A = arith.constant 0 : i32
    %swap3A_8 = arith.index_cast %swap3A : i32 to index
    %swap3A_9 = arith.constant 0 : index
    %swap3A_10 = tpu.vector_load %arg9[%swap3A_8, %swap3A_9] {strides = array<i32>} : memref<4x128xi32, #tpu.memory_space<vmem>>, vector<16xi32>,
    tpu.vector_store %arg9[%swap3A_8, %swap3A_9], %and3A_7 {strides = array<i32>} : memref<4x128xi32, #tpu.memory_space<vmem>>, vector<16xi32>,
    %and3A_11 = arith.constant 262143 : i32
    %and3A_12 = vector.broadcast %and3A_11 : i32 to vector<16xi32>
    %and3A_13 = arith.andi %get3A_5, %and3A_12 : vector<16xi32>
    %swap3A_14 = arith.constant 0 : i32
    %swap3A_15 = arith.index_cast %swap3A_14 : i32 to index
    %swap3A_16 = arith.constant 0 : index
    %swap3A_17 = tpu.vector_load %arg10[%swap3A_15, %swap3A_16] {strides = array<i32>} : memref<4x128xi32, #tpu.memory_space<vmem>>, vector<16xi32>,
    tpu.vector_store %arg10[%swap3A_15, %swap3A_16], %and3A_13 {strides = array<i32>} : memref<4x128xi32, #tpu.memory_space<vmem>>, vector<16xi32>,
    %get3A_18 = arith.constant 16 : index
    %get3A_19 = tpu.vector_load %arg7[%get3A_18] {strides = array<i32>} : memref<512xi32, #tpu.memory_space<vmem>>, vector<16xi32>,
    %get3A_20 = arith.constant 16 : index
    %get3A_21 = tpu.vector_load %arg8[%get3A_20] {strides = array<i32>} : memref<512xi32, #tpu.memory_space<vmem>>, vector<16xi32>,
    %and3A_22 = arith.constant 32767 : i32
    %and3A_23 = vector.broadcast %and3A_22 : i32 to vector<16xi32>
    %and3A_24 = arith.andi %get3A_19, %and3A_23 : vector<16xi32>
    %swap3A_25 = arith.constant 0 : i32
    %swap3A_26 = arith.index_cast %swap3A_25 : i32 to index
    %swap3A_27 = arith.constant 16 : index
    %swap3A_28 = tpu.vector_load %arg9[%swap3A_26, %swap3A_27] {strides = array<i32>} : memref<4x128xi32, #tpu.memory_space<vmem>>, vector<16xi32>,
    tpu.vector_store %arg9[%swap3A_26, %swap3A_27], %and3A_24 {strides = array<i32>} : memref<4x128xi32, #tpu.memory_space<vmem>>, vector<16xi32>,
    %and3A_29 = arith.constant 262143 : i32
    %and3A_30 = vector.broadcast %and3A_29 : i32 to vector<16xi32>
    %and3A_31 = arith.andi %get3A_21, %and3A_30 : vector<16xi32>
    %swap3A_32 = arith.constant 0 : i32
    %swap3A_33 = arith.index_cast %swap3A_32 : i32 to index
    %swap3A_34 = arith.constant 16 : index
    %swap3A_35 = tpu.vector_load %arg10[%swap3A_33, %swap3A_34] {strides = array<i32>} : memref<4x128xi32, #tpu.memory_space<vmem>>, vector<16xi32>,
    tpu.vector_store %arg10[%swap3A_33, %swap3A_34], %and3A_31 {strides = array<i32>} : memref<4x128xi32, #tpu.memory_space<vmem>>, vector<16xi32>,
    %get3A_36 = arith.constant 32 : index
    %get3A_37 = tpu.vector_load %arg7[%get3A_36] {strides = array<i32>} : memref<512xi32, #tpu.memory_space<vmem>>, vector<16xi32>,
    %get3A_38 = arith.constant 32 : index
    %get3A_39 = tpu.vector_load %arg8[%get3A_38] {strides = array<i32>} : memref<512xi32, #tpu.memory_space<vmem>>, vector<16xi32>,
    %and3A_40 = arith.constant 32767 : i32
    %and3A_41 = vector.broadcast %and3A_40 : i32 to vector<16xi32>
    %and3A_42 = arith.andi %get3A_37, %and3A_41 : vector<16xi32>
    %swap3A_43 = arith.constant 0 : i32
    %swap3A_44 = arith.index_cast %swap3A_43 : i32 to index
    %swap3A_45 = arith.constant 32 : index
    %swap3A_46 = tpu.vector_load %arg9[%swap3A_44, %swap3A_45] {strides = array<i32>} : memref<4x128xi32, #tpu.memory_space<vmem>>, vector<16xi32>,
    tpu.vector_store %arg9[%swap3A_44, %swap3A_45], %and3A_42 {strides = array<i32>} : memref<4x128xi32, #tpu.memory_space<vmem>>, vector<16xi32>,
    %and3A_47 = arith.constant 262143 : i32
    %and3A_48 = vector.broadcast %and3A_47 : i32 to vector<16xi32>
    %and3A_49 = arith.andi %get3A_39, %and3A_48 : vector<16xi32>
    %swap3A_50 = arith.constant 0 : i32
    %swap3A_51 = arith.index_cast %swap3A_50 : i32 to index
    %swap3A_52 = arith.constant 32 : index
    %swap3A_53 = tpu.vector_load %arg10[%swap3A_51, %swap3A_52] {strides = array<i32>} : memref<4x128xi32, #tpu.memory_space<vmem>>, vector<16xi32>,
    tpu.vector_store %arg10[%swap3A_51, %swap3A_52], %and3A_49 {strides = array<i32>} : memref<4x128xi32, #tpu.memory_space<vmem>>, vector<16xi32>,
    %get3A_54 = arith.constant 48 : index
    %get3A_55 = tpu.vector_load %arg7[%get3A_54] {strides = array<i32>} : memref<512xi32, #tpu.memory_space<vmem>>, vector<16xi32>,
    %get3A_56 = arith.constant 48 : index
    %get3A_57 = tpu.vector_load %arg8[%get3A_56] {strides = array<i32>} : memref<512xi32, #tpu.memory_space<vmem>>, vector<16xi32>,
    %and3A_58 = arith.constant 32767 : i32
    %and3A_59 = vector.broadcast %and3A_58 : i32 to vector<16xi32>
    %and3A_60 = arith.andi %get3A_55, %and3A_59 : vector<16xi32>
    %swap3A_61 = arith.constant 0 : i32
    %swap3A_62 = arith.index_cast %swap3A_61 : i32 to index
    %swap3A_63 = arith.constant 48 : index
    %swap3A_64 = tpu.vector_load %arg9[%swap3A_62, %swap3A_63] {strides = array<i32>} : memref<4x128xi32, #tpu.memory_space<vmem>>, vector<16xi32>,
    tpu.vector_store %arg9[%swap3A_62, %swap3A_63], %and3A_60 {strides = array<i32>} : memref<4x128xi32, #tpu.memory_space<vmem>>, vector<16xi32>,
    %and3A_65 = arith.constant 262143 : i32
    %and3A_66 = vector.broadcast %and3A_65 : i32 to vector<16xi32>
    %and3A_67 = arith.andi %get3A_57, %and3A_66 : vector<16xi32>
    %swap3A_68 = arith.constant 0 : i32
    %swap3A_69 = arith.index_cast %swap3A_68 : i32 to index
    %swap3A_70 = arith.constant 48 : index
    %swap3A_71 = tpu.vector_load %arg10[%swap3A_69, %swap3A_70] {strides = array<i32>} : memref<4x128xi32, #tpu.memory_space<vmem>>, vector<16xi32>,
    tpu.vector_store %arg10[%swap3A_69, %swap3A_70], %and3A_67 {strides = array<i32>} : memref<4x128xi32, #tpu.memory_space<vmem>>, vector<16xi32>,
    %get3A_72 = arith.constant 64 : index
    %get3A_73 = tpu.vector_load %arg7[%get3A_72] {strides = array<i32>} : memref<512xi32, #tpu.memory_space<vmem>>, vector<16xi32>,
    %get3A_74 = arith.constant 64 : index
    %get3A_75 = tpu.vector_load %arg8[%get3A_74] {strides = array<i32>} : memref<512xi32, #tpu.memory_space<vmem>>, vector<16xi32>,
    %and3A_76 = arith.constant 32767 : i32
    %and3A_77 = vector.broadcast %and3A_76 : i32 to vector<16xi32>
    %and3A_78 = arith.andi %get3A_73, %and3A_77 : vector<16xi32>
    %swap3A_79 = arith.constant 0 : i32
    %swap3A_80 = arith.index_cast %swap3A_79 : i32 to index
    %swap3A_81 = arith.constant 64 : index
    %swap3A_82 = tpu.vector_load %arg9[%swap3A_80, %swap3A_81] {strides = array<i32>} : memref<4x128xi32, #tpu.memory_space<vmem>>, vector<16xi32>,
    tpu.vector_store %arg9[%swap3A_80, %swap3A_81], %and3A_78 {strides = array<i32>} : memref<4x128xi32, #tpu.memory_space<vmem>>, vector<16xi32>,
    %and3A_83 = arith.constant 262143 : i32
    %and3A_84 = vector.broadcast %and3A_83 : i32 to vector<16xi32>
    %and3A_85 = arith.andi %get3A_75, %and3A_84 : vector<16xi32>
    %swap3A_86 = arith.constant 0 : i32
    %swap3A_87 = arith.index_cast %swap3A_86 : i32 to index
    %swap3A_88 = arith.constant 64 : index
    %swap3A_89 = tpu.vector_load %arg10[%swap3A_87, %swap3A_88] {strides = array<i32>} : memref<4x128xi32, #tpu.memory_space<vmem>>, vector<16xi32>,
    tpu.vector_store %arg10[%swap3A_87, %swap3A_88], %and3A_85 {strides = array<i32>} : memref<4x128xi32, #tpu.memory_space<vmem>>, vector<16xi32>,
    %get3A_90 = arith.constant 80 : index
    %get3A_91 = tpu.vector_load %arg7[%get3A_90] {strides = array<i32>} : memref<512xi32, #tpu.memory_space<vmem>>, vector<16xi32>,
    %get3A_92 = arith.constant 80 : index
    %get3A_93 = tpu.vector_load %arg8[%get3A_92] {strides = array<i32>} : memref<512xi32, #tpu.memory_space<vmem>>, vector<16xi32>,
    %and3A_94 = arith.constant 32767 : i32
    %and3A_95 = vector.broadcast %and3A_94 : i32 to vector<16xi32>
    %and3A_96 = arith.andi %get3A_91, %and3A_95 : vector<16xi32>
    %swap3A_97 = arith.constant 0 : i32
    %swap3A_98 = arith.index_cast %swap3A_97 : i32 to index
    %swap3A_99 = arith.constant 80 : index
    %swap3A_100 = tpu.vector_load %arg9[%swap3A_98, %swap3A_99] {strides = array<i32>} : memref<4x128xi32, #tpu.memory_space<vmem>>, vector<16xi32>,
    tpu.vector_store %arg9[%swap3A_98, %swap3A_99], %and3A_96 {strides = array<i32>} : memref<4x128xi32, #tpu.memory_space<vmem>>, vector<16xi32>,
    %and3A_101 = arith.constant 262143 : i32
    %and3A_102 = vector.broadcast %and3A_101 : i32 to vector<16xi32>
    %and3A_103 = arith.andi %get3A_93, %and3A_102 : vector<16xi32>
    %swap3A_104 = arith.constant 0 : i32
    %swap3A_105 = arith.index_cast %swap3A_104 : i32 to index
    %swap3A_106 = arith.constant 80 : index
    %swap3A_107 = tpu.vector_load %arg10[%swap3A_105, %swap3A_106] {strides = array<i32>} : memref<4x128xi32, #tpu.memory_space<vmem>>, vector<16xi32>,
    tpu.vector_store %arg10[%swap3A_105, %swap3A_106], %and3A_103 {strides = array<i32>} : memref<4x128xi32, #tpu.memory_space<vmem>>, vector<16xi32>,
    %get3A_108 = arith.constant 96 : index
    %get3A_109 = tpu.vector_load %arg7[%get3A_108] {strides = array<i32>} : memref<512xi32, #tpu.memory_space<vmem>>, vector<16xi32>,
    %get3A_110 = arith.constant 96 : index
    %get3A_111 = tpu.vector_load %arg8[%get3A_110] {strides = array<i32>} : memref<512xi32, #tpu.memory_space<vmem>>, vector<16xi32>,
    %and3A_112 = arith.constant 32767 : i32
    %and3A_113 = vector.broadcast %and3A_112 : i32 to vector<16xi32>
    %and3A_114 = arith.andi %get3A_109, %and3A_113 : vector<16xi32>
    %swap3A_115 = arith.constant 0 : i32
    %swap3A_116 = arith.index_cast %swap3A_115 : i32 to index
    %swap3A_117 = arith.constant 96 : index
    %swap3A_118 = tpu.vector_load %arg9[%swap3A_116, %swap3A_117] {strides = array<i32>} : memref<4x128xi32, #tpu.memory_space<vmem>>, vector<16xi32>,
    tpu.vector_store %arg9[%swap3A_116, %swap3A_117], %and3A_114 {strides = array<i32>} : memref<4x128xi32, #tpu.memory_space<vmem>>, vector<16xi32>,
    %and3A_119 = arith.constant 262143 : i32
    %and3A_120 = vector.broadcast %and3A_119 : i32 to vector<16xi32>
    %and3A_121 = arith.andi %get3A_111, %and3A_120 : vector<16xi32>
    %swap3A_122 = arith.constant 0 : i32
    %swap3A_123 = arith.index_cast %swap3A_122 : i32 to index
    %swap3A_124 = arith.constant 96 : index
    %swap3A_125 = tpu.vector_load %arg10[%swap3A_123, %swap3A_124] {strides = array<i32>} : memref<4x128xi32, #tpu.memory_space<vmem>>, vector<16xi32>,
    tpu.vector_store %arg10[%swap3A_123, %swap3A_124], %and3A_121 {strides = array<i32>} : memref<4x128xi32, #tpu.memory_space<vmem>>, vector<16xi32>,
    %get3A_126 = arith.constant 112 : index
    %get3A_127 = tpu.vector_load %arg7[%get3A_126] {strides = array<i32>} : memref<512xi32, #tpu.memory_space<vmem>>, vector<16xi32>,
    %get3A_128 = arith.constant 112 : index
    %get3A_129 = tpu.vector_load %arg8[%get3A_128] {strides = array<i32>} : memref<512xi32, #tpu.memory_space<vmem>>, vector<16xi32>,
    %and3A_130 = arith.constant 32767 : i32
    %and3A_131 = vector.broadcast %and3A_130 : i32 to vector<16xi32>
    %and3A_132 = arith.andi %get3A_127, %and3A_131 : vector<16xi32>
    %swap3A_133 = arith.constant 0 : i32
    %swap3A_134 = arith.index_cast %swap3A_133 : i32 to index
    %swap3A_135 = arith.constant 112 : index
    %swap3A_136 = tpu.vector_load %arg9[%swap3A_134, %swap3A_135] {strides = array<i32>} : memref<4x128xi32, #tpu.memory_space<vmem>>, vector<16xi32>,
    tpu.vector_store %arg9[%swap3A_134, %swap3A_135], %and3A_132 {strides = array<i32>} : memref<4x128xi32, #tpu.memory_space<vmem>>, vector<16xi32>,
    %and3A_137 = arith.constant 262143 : i32
    %and3A_138 = vector.broadcast %and3A_137 : i32 to vector<16xi32>
    %and3A_139 = arith.andi %get3A_129, %and3A_138 : vector<16xi32>
    %swap3A_140 = arith.constant 0 : i32
    %swap3A_141 = arith.index_cast %swap3A_140 : i32 to index
    %swap3A_142 = arith.constant 112 : index
    %swap3A_143 = tpu.vector_load %arg10[%swap3A_141, %swap3A_142] {strides = array<i32>} : memref<4x128xi32, #tpu.memory_space<vmem>>, vector<16xi32>,
    tpu.vector_store %arg10[%swap3A_141, %swap3A_142], %and3A_139 {strides = array<i32>} : memref<4x128xi32, #tpu.memory_space<vmem>>, vector<16xi32>,
    %get3A_144 = arith.constant 128 : index
    %get3A_145 = tpu.vector_load %arg7[%get3A_144] {strides = array<i32>} : memref<512xi32, #tpu.memory_space<vmem>>, vector<16xi32>,
    %get3A_146 = arith.constant 128 : index
    %get3A_147 = tpu.vector_load %arg8[%get3A_146] {strides = array<i32>} : memref<512xi32, #tpu.memory_space<vmem>>, vector<16xi32>,
    %and3A_148 = arith.constant 32767 : i32
    %and3A_149 = vector.broadcast %and3A_148 : i32 to vector<16xi32>
    %and3A_150 = arith.andi %get3A_145, %and3A_149 : vector<16xi32>
    %swap3A_151 = arith.constant 1 : i32
    %swap3A_152 = arith.index_cast %swap3A_151 : i32 to index
    %swap3A_153 = arith.constant 0 : index
    %swap3A_154 = tpu.vector_load %arg9[%swap3A_152, %swap3A_153] {strides = array<i32>} : memref<4x128xi32, #tpu.memory_space<vmem>>, vector<16xi32>,
    tpu.vector_store %arg9[%swap3A_152, %swap3A_153], %and3A_150 {strides = array<i32>} : memref<4x128xi32, #tpu.memory_space<vmem>>, vector<16xi32>,
    %and3A_155 = arith.constant 262143 : i32
    %and3A_156 = vector.broadcast %and3A_155 : i32 to vector<16xi32>
    %and3A_157 = arith.andi %get3A_147, %and3A_156 : vector<16xi32>
    %swap3A_158 = arith.constant 1 : i32
    %swap3A_159 = arith.index_cast %swap3A_158 : i32 to index
    %swap3A_160 = arith.constant 0 : index
    %swap3A_161 = tpu.vector_load %arg10[%swap3A_159, %swap3A_160] {strides = array<i32>} : memref<4x128xi32, #tpu.memory_space<vmem>>, vector<16xi32>,
    tpu.vector_store %arg10[%swap3A_159, %swap3A_160], %and3A_157 {strides = array<i32>} : memref<4x128xi32, #tpu.memory_space<vmem>>, vector<16xi32>,
    %get3A_162 = arith.constant 144 : index
    %get3A_163 = tpu.vector_load %arg7[%get3A_162] {strides = array<i32>} : memref<512xi32, #tpu.memory_space<vmem>>, vector<16xi32>,
    %get3A_164 = arith.constant 144 : index
    %get3A_165 = tpu.vector_load %arg8[%get3A_164] {strides = array<i32>} : memref<512xi32, #tpu.memory_space<vmem>>, vector<16xi32>,
    %and3A_166 = arith.constant 32767 : i32
    %and3A_167 = vector.broadcast %and3A_166 : i32 to vector<16xi32>
    %and3A_168 = arith.andi %get3A_163, %and3A_167 : vector<16xi32>
    %swap3A_169 = arith.constant 1 : i32
    %swap3A_170 = arith.index_cast %swap3A_169 : i32 to index
    %swap3A_171 = arith.constant 16 : index
    %swap3A_172 = tpu.vector_load %arg9[%swap3A_170, %swap3A_171] {strides = array<i32>} : memref<4x128xi32, #tpu.memory_space<vmem>>, vector<16xi32>,
    tpu.vector_store %arg9[%swap3A_170, %swap3A_171], %and3A_168 {strides = array<i32>} : memref<4x128xi32, #tpu.memory_space<vmem>>, vector<16xi32>,
    %and3A_173 = arith.constant 262143 : i32
    %and3A_174 = vector.broadcast %and3A_173 : i32 to vector<16xi32>
    %and3A_175 = arith.andi %get3A_165, %and3A_174 : vector<16xi32>
    %swap3A_176 = arith.constant 1 : i32
    %swap3A_177 = arith.index_cast %swap3A_176 : i32 to index
    %swap3A_178 = arith.constant 16 : index
    %swap3A_179 = tpu.vector_load %arg10[%swap3A_177, %swap3A_178] {strides = array<i32>} : memref<4x128xi32, #tpu.memory_space<vmem>>, vector<16xi32>,
    tpu.vector_store %arg10[%swap3A_177, %swap3A_178], %and3A_175 {strides = array<i32>} : memref<4x128xi32, #tpu.memory_space<vmem>>, vector<16xi32>,
    %get3A_180 = arith.constant 160 : index
    %get3A_181 = tpu.vector_load %arg7[%get3A_180] {strides = array<i32>} : memref<512xi32, #tpu.memory_space<vmem>>, vector<16xi32>,
    %get3A_182 = arith.constant 160 : index
    %get3A_183 = tpu.vector_load %arg8[%get3A_182] {strides = array<i32>} : memref<512xi32, #tpu.memory_space<vmem>>, vector<16xi32>,
    %and3A_184 = arith.constant 32767 : i32
    %and3A_185 = vector.broadcast %and3A_184 : i32 to vector<16xi32>
    %and3A_186 = arith.andi %get3A_181, %and3A_185 : vector<16xi32>
    %swap3A_187 = arith.constant 1 : i32
    %swap3A_188 = arith.index_cast %swap3A_187 : i32 to index
    %swap3A_189 = arith.constant 32 : index
    %swap3A_190 = tpu.vector_load %arg9[%swap3A_188, %swap3A_189] {strides = array<i32>} : memref<4x128xi32, #tpu.memory_space<vmem>>, vector<16xi32>,
    tpu.vector_store %arg9[%swap3A_188, %swap3A_189], %and3A_186 {strides = array<i32>} : memref<4x128xi32, #tpu.memory_space<vmem>>, vector<16xi32>,
    %and3A_191 = arith.constant 262143 : i32
    %and3A_192 = vector.broadcast %and3A_191 : i32 to vector<16xi32>
    %and3A_193 = arith.andi %get3A_183, %and3A_192 : vector<16xi32>
    %swap3A_194 = arith.constant 1 : i32
    %swap3A_195 = arith.index_cast %swap3A_194 : i32 to index
    %swap3A_196 = arith.constant 32 : index
    %swap3A_197 = tpu.vector_load %arg10[%swap3A_195, %swap3A_196] {strides = array<i32>} : memref<4x128xi32, #tpu.memory_space<vmem>>, vector<16xi32>,
    tpu.vector_store %arg10[%swap3A_195, %swap3A_196], %and3A_193 {strides = array<i32>} : memref<4x128xi32, #tpu.memory_space<vmem>>, vector<16xi32>,
    %get3A_198 = arith.constant 176 : index
    %get3A_199 = tpu.vector_load %arg7[%get3A_198] {strides = array<i32>} : memref<512xi32, #tpu.memory_space<vmem>>, vector<16xi32>,
    %get3A_200 = arith.constant 176 : index
    %get3A_201 = tpu.vector_load %arg8[%get3A_200] {strides = array<i32>} : memref<512xi32, #tpu.memory_space<vmem>>, vector<16xi32>,
    %and3A_202 = arith.constant 32767 : i32
    %and3A_203 = vector.broadcast %and3A_202 : i32 to vector<16xi32>
    %and3A_204 = arith.andi %get3A_199, %and3A_203 : vector<16xi32>
    %swap3A_205 = arith.constant 1 : i32
    %swap3A_206 = arith.index_cast %swap3A_205 : i32 to index
    %swap3A_207 = arith.constant 48 : index
    %swap3A_208 = tpu.vector_load %arg9[%swap3A_206, %swap3A_207] {strides = array<i32>} : memref<4x128xi32, #tpu.memory_space<vmem>>, vector<16xi32>,
    tpu.vector_store %arg9[%swap3A_206, %swap3A_207], %and3A_204 {strides = array<i32>} : memref<4x128xi32, #tpu.memory_space<vmem>>, vector<16xi32>,
    %and3A_209 = arith.constant 262143 : i32
    %and3A_210 = vector.broadcast %and3A_209 : i32 to vector<16xi32>
    %and3A_211 = arith.andi %get3A_201, %and3A_210 : vector<16xi32>
    %swap3A_212 = arith.constant 1 : i32
    %swap3A_213 = arith.index_cast %swap3A_212 : i32 to index
    %swap3A_214 = arith.constant 48 : index
    %swap3A_215 = tpu.vector_load %arg10[%swap3A_213, %swap3A_214] {strides = array<i32>} : memref<4x128xi32, #tpu.memory_space<vmem>>, vector<16xi32>,
    tpu.vector_store %arg10[%swap3A_213, %swap3A_214], %and3A_211 {strides = array<i32>} : memref<4x128xi32, #tpu.memory_space<vmem>>, vector<16xi32>,
    %get3A_216 = arith.constant 192 : index
    %get3A_217 = tpu.vector_load %arg7[%get3A_216] {strides = array<i32>} : memref<512xi32, #tpu.memory_space<vmem>>, vector<16xi32>,
    %get3A_218 = arith.constant 192 : index
    %get3A_219 = tpu.vector_load %arg8[%get3A_218] {strides = array<i32>} : memref<512xi32, #tpu.memory_space<vmem>>, vector<16xi32>,
    %and3A_220 = arith.constant 32767 : i32
    %and3A_221 = vector.broadcast %and3A_220 : i32 to vector<16xi32>
    %and3A_222 = arith.andi %get3A_217, %and3A_221 : vector<16xi32>
    %swap3A_223 = arith.constant 1 : i32
    %swap3A_224 = arith.index_cast %swap3A_223 : i32 to index
    %swap3A_225 = arith.constant 64 : index
    %swap3A_226 = tpu.vector_load %arg9[%swap3A_224, %swap3A_225] {strides = array<i32>} : memref<4x128xi32, #tpu.memory_space<vmem>>, vector<16xi32>,
    tpu.vector_store %arg9[%swap3A_224, %swap3A_225], %and3A_222 {strides = array<i32>} : memref<4x128xi32, #tpu.memory_space<vmem>>, vector<16xi32>,
    %and3A_227 = arith.constant 262143 : i32
    %and3A_228 = vector.broadcast %and3A_227 : i32 to vector<16xi32>
    %and3A_229 = arith.andi %get3A_219, %and3A_228 : vector<16xi32>
    %swap3A_230 = arith.constant 1 : i32
    %swap3A_231 = arith.index_cast %swap3A_230 : i32 to index
    %swap3A_232 = arith.constant 64 : index
    %swap3A_233 = tpu.vector_load %arg10[%swap3A_231, %swap3A_232] {strides = array<i32>} : memref<4x128xi32, #tpu.memory_space<vmem>>, vector<16xi32>,
    tpu.vector_store %arg10[%swap3A_231, %swap3A_232], %and3A_229 {strides = array<i32>} : memref<4x128xi32, #tpu.memory_space<vmem>>, vector<16xi32>,
    %get3A_234 = arith.constant 208 : index
    %get3A_235 = tpu.vector_load %arg7[%get3A_234] {strides = array<i32>} : memref<512xi32, #tpu.memory_space<vmem>>, vector<16xi32>,
    %get3A_236 = arith.constant 208 : index
    %get3A_237 = tpu.vector_load %arg8[%get3A_236] {strides = array<i32>} : memref<512xi32, #tpu.memory_space<vmem>>, vector<16xi32>,
    %and3A_238 = arith.constant 32767 : i32
    %and3A_239 = vector.broadcast %and3A_238 : i32 to vector<16xi32>
    %and3A_240 = arith.andi %get3A_235, %and3A_239 : vector<16xi32>
    %swap3A_241 = arith.constant 1 : i32
    %swap3A_242 = arith.index_cast %swap3A_241 : i32 to index
    %swap3A_243 = arith.constant 80 : index
    %swap3A_244 = tpu.vector_load %arg9[%swap3A_242, %swap3A_243] {strides = array<i32>} : memref<4x128xi32, #tpu.memory_space<vmem>>, vector<16xi32>,
    tpu.vector_store %arg9[%swap3A_242, %swap3A_243], %and3A_240 {strides = array<i32>} : memref<4x128xi32, #tpu.memory_space<vmem>>, vector<16xi32>,
    %and3A_245 = arith.constant 262143 : i32
    %and3A_246 = vector.broadcast %and3A_245 : i32 to vector<16xi32>
    %and3A_247 = arith.andi %get3A_237, %and3A_246 : vector<16xi32>
    %swap3A_248 = arith.constant 1 : i32
    %swap3A_249 = arith.index_cast %swap3A_248 : i32 to index
    %swap3A_250 = arith.constant 80 : index
    %swap3A_251 = tpu.vector_load %arg10[%swap3A_249, %swap3A_250] {strides = array<i32>} : memref<4x128xi32, #tpu.memory_space<vmem>>, vector<16xi32>,
    tpu.vector_store %arg10[%swap3A_249, %swap3A_250], %and3A_247 {strides = array<i32>} : memref<4x128xi32, #tpu.memory_space<vmem>>, vector<16xi32>,
    %get3A_252 = arith.constant 224 : index
    %get3A_253 = tpu.vector_load %arg7[%get3A_252] {strides = array<i32>} : memref<512xi32, #tpu.memory_space<vmem>>, vector<16xi32>,
    %get3A_254 = arith.constant 224 : index
    %get3A_255 = tpu.vector_load %arg8[%get3A_254] {strides = array<i32>} : memref<512xi32, #tpu.memory_space<vmem>>, vector<16xi32>,
    %and3A_256 = arith.constant 32767 : i32
    %and3A_257 = vector.broadcast %and3A_256 : i32 to vector<16xi32>
    %and3A_258 = arith.andi %get3A_253, %and3A_257 : vector<16xi32>
    %swap3A_259 = arith.constant 1 : i32
    %swap3A_260 = arith.index_cast %swap3A_259 : i32 to index
    %swap3A_261 = arith.constant 96 : index
    %swap3A_262 = tpu.vector_load %arg9[%swap3A_260, %swap3A_261] {strides = array<i32>} : memref<4x128xi32, #tpu.memory_space<vmem>>, vector<16xi32>,
    tpu.vector_store %arg9[%swap3A_260, %swap3A_261], %and3A_258 {strides = array<i32>} : memref<4x128xi32, #tpu.memory_space<vmem>>, vector<16xi32>,
    %and3A_263 = arith.constant 262143 : i32
    %and3A_264 = vector.broadcast %and3A_263 : i32 to vector<16xi32>
    %and3A_265 = arith.andi %get3A_255, %and3A_264 : vector<16xi32>
    %swap3A_266 = arith.constant 1 : i32
    %swap3A_267 = arith.index_cast %swap3A_266 : i32 to index
    %swap3A_268 = arith.constant 96 : index
    %swap3A_269 = tpu.vector_load %arg10[%swap3A_267, %swap3A_268] {strides = array<i32>} : memref<4x128xi32, #tpu.memory_space<vmem>>, vector<16xi32>,
    tpu.vector_store %arg10[%swap3A_267, %swap3A_268], %and3A_265 {strides = array<i32>} : memref<4x128xi32, #tpu.memory_space<vmem>>, vector<16xi32>,
    %get3A_270 = arith.constant 240 : index
    %get3A_271 = tpu.vector_load %arg7[%get3A_270] {strides = array<i32>} : memref<512xi32, #tpu.memory_space<vmem>>, vector<16xi32>,
    %get3A_272 = arith.constant 240 : index
    %get3A_273 = tpu.vector_load %arg8[%get3A_272] {strides = array<i32>} : memref<512xi32, #tpu.memory_space<vmem>>, vector<16xi32>,
    %and3A_274 = arith.constant 32767 : i32
    %and3A_275 = vector.broadcast %and3A_274 : i32 to vector<16xi32>
    %and3A_276 = arith.andi %get3A_271, %and3A_275 : vector<16xi32>
    %swap3A_277 = arith.constant 1 : i32
    %swap3A_278 = arith.index_cast %swap3A_277 : i32 to index
    %swap3A_279 = arith.constant 112 : index
    %swap3A_280 = tpu.vector_load %arg9[%swap3A_278, %swap3A_279] {strides = array<i32>} : memref<4x128xi32, #tpu.memory_space<vmem>>, vector<16xi32>,
    tpu.vector_store %arg9[%swap3A_278, %swap3A_279], %and3A_276 {strides = array<i32>} : memref<4x128xi32, #tpu.memory_space<vmem>>, vector<16xi32>,
    %and3A_281 = arith.constant 262143 : i32
    %and3A_282 = vector.broadcast %and3A_281 : i32 to vector<16xi32>
    %and3A_283 = arith.andi %get3A_273, %and3A_282 : vector<16xi32>
    %swap3A_284 = arith.constant 1 : i32
    %swap3A_285 = arith.index_cast %swap3A_284 : i32 to index
    %swap3A_286 = arith.constant 112 : index
    %swap3A_287 = tpu.vector_load %arg10[%swap3A_285, %swap3A_286] {strides = array<i32>} : memref<4x128xi32, #tpu.memory_space<vmem>>, vector<16xi32>,
    tpu.vector_store %arg10[%swap3A_285, %swap3A_286], %and3A_283 {strides = array<i32>} : memref<4x128xi32, #tpu.memory_space<vmem>>, vector<16xi32>,
    %get3A_288 = arith.constant 256 : index
    %get3A_289 = tpu.vector_load %arg7[%get3A_288] {strides = array<i32>} : memref<512xi32, #tpu.memory_space<vmem>>, vector<16xi32>,
    %get3A_290 = arith.constant 256 : index
    %get3A_291 = tpu.vector_load %arg8[%get3A_290] {strides = array<i32>} : memref<512xi32, #tpu.memory_space<vmem>>, vector<16xi32>,
    %and3A_292 = arith.constant 32767 : i32
    %and3A_293 = vector.broadcast %and3A_292 : i32 to vector<16xi32>
    %and3A_294 = arith.andi %get3A_289, %and3A_293 : vector<16xi32>
    %swap3A_295 = arith.constant 2 : i32
    %swap3A_296 = arith.index_cast %swap3A_295 : i32 to index
    %swap3A_297 = arith.constant 0 : index
    %swap3A_298 = tpu.vector_load %arg9[%swap3A_296, %swap3A_297] {strides = array<i32>} : memref<4x128xi32, #tpu.memory_space<vmem>>, vector<16xi32>,
    tpu.vector_store %arg9[%swap3A_296, %swap3A_297], %and3A_294 {strides = array<i32>} : memref<4x128xi32, #tpu.memory_space<vmem>>, vector<16xi32>,
    %and3A_299 = arith.constant 262143 : i32
    %and3A_300 = vector.broadcast %and3A_299 : i32 to vector<16xi32>
    %and3A_301 = arith.andi %get3A_291, %and3A_300 : vector<16xi32>
    %swap3A_302 = arith.constant 2 : i32
    %swap3A_303 = arith.index_cast %swap3A_302 : i32 to index
    %swap3A_304 = arith.constant 0 : index
    %swap3A_305 = tpu.vector_load %arg10[%swap3A_303, %swap3A_304] {strides = array<i32>} : memref<4x128xi32, #tpu.memory_space<vmem>>, vector<16xi32>,
    tpu.vector_store %arg10[%swap3A_303, %swap3A_304], %and3A_301 {strides = array<i32>} : memref<4x128xi32, #tpu.memory_space<vmem>>, vector<16xi32>,
    %get3A_306 = arith.constant 272 : index
    %get3A_307 = tpu.vector_load %arg7[%get3A_306] {strides = array<i32>} : memref<512xi32, #tpu.memory_space<vmem>>, vector<16xi32>,
    %get3A_308 = arith.constant 272 : index
    %get3A_309 = tpu.vector_load %arg8[%get3A_308] {strides = array<i32>} : memref<512xi32, #tpu.memory_space<vmem>>, vector<16xi32>,
    %and3A_310 = arith.constant 32767 : i32
    %and3A_311 = vector.broadcast %and3A_310 : i32 to vector<16xi32>
    %and3A_312 = arith.andi %get3A_307, %and3A_311 : vector<16xi32>
    %swap3A_313 = arith.constant 2 : i32
    %swap3A_314 = arith.index_cast %swap3A_313 : i32 to index
    %swap3A_315 = arith.constant 16 : index
    %swap3A_316 = tpu.vector_load %arg9[%swap3A_314, %swap3A_315] {strides = array<i32>} : memref<4x128xi32, #tpu.memory_space<vmem>>, vector<16xi32>,
    tpu.vector_store %arg9[%swap3A_314, %swap3A_315], %and3A_312 {strides = array<i32>} : memref<4x128xi32, #tpu.memory_space<vmem>>, vector<16xi32>,
    %and3A_317 = arith.constant 262143 : i32
    %and3A_318 = vector.broadcast %and3A_317 : i32 to vector<16xi32>
    %and3A_319 = arith.andi %get3A_309, %and3A_318 : vector<16xi32>
    %swap3A_320 = arith.constant 2 : i32
    %swap3A_321 = arith.index_cast %swap3A_320 : i32 to index
    %swap3A_322 = arith.constant 16 : index
    %swap3A_323 = tpu.vector_load %arg10[%swap3A_321, %swap3A_322] {strides = array<i32>} : memref<4x128xi32, #tpu.memory_space<vmem>>, vector<16xi32>,
    tpu.vector_store %arg10[%swap3A_321, %swap3A_322], %and3A_319 {strides = array<i32>} : memref<4x128xi32, #tpu.memory_space<vmem>>, vector<16xi32>,
    %get3A_324 = arith.constant 288 : index
    %get3A_325 = tpu.vector_load %arg7[%get3A_324] {strides = array<i32>} : memref<512xi32, #tpu.memory_space<vmem>>, vector<16xi32>,
    %get3A_326 = arith.constant 288 : index
    %get3A_327 = tpu.vector_load %arg8[%get3A_326] {strides = array<i32>} : memref<512xi32, #tpu.memory_space<vmem>>, vector<16xi32>,
    %and3A_328 = arith.constant 32767 : i32
    %and3A_329 = vector.broadcast %and3A_328 : i32 to vector<16xi32>
    %and3A_330 = arith.andi %get3A_325, %and3A_329 : vector<16xi32>
    %swap3A_331 = arith.constant 2 : i32
    %swap3A_332 = arith.index_cast %swap3A_331 : i32 to index
    %swap3A_333 = arith.constant 32 : index
    %swap3A_334 = tpu.vector_load %arg9[%swap3A_332, %swap3A_333] {strides = array<i32>} : memref<4x128xi32, #tpu.memory_space<vmem>>, vector<16xi32>,
    tpu.vector_store %arg9[%swap3A_332, %swap3A_333], %and3A_330 {strides = array<i32>} : memref<4x128xi32, #tpu.memory_space<vmem>>, vector<16xi32>,
    %and3A_335 = arith.constant 262143 : i32
    %and3A_336 = vector.broadcast %and3A_335 : i32 to vector<16xi32>
    %and3A_337 = arith.andi %get3A_327, %and3A_336 : vector<16xi32>
    %swap3A_338 = arith.constant 2 : i32
    %swap3A_339 = arith.index_cast %swap3A_338 : i32 to index
    %swap3A_340 = arith.constant 32 : index
    %swap3A_341 = tpu.vector_load %arg10[%swap3A_339, %swap3A_340] {strides = array<i32>} : memref<4x128xi32, #tpu.memory_space<vmem>>, vector<16xi32>,
    tpu.vector_store %arg10[%swap3A_339, %swap3A_340], %and3A_337 {strides = array<i32>} : memref<4x128xi32, #tpu.memory_space<vmem>>, vector<16xi32>,
    %get3A_342 = arith.constant 304 : index
    %get3A_343 = tpu.vector_load %arg7[%get3A_342] {strides = array<i32>} : memref<512xi32, #tpu.memory_space<vmem>>, vector<16xi32>,
    %get3A_344 = arith.constant 304 : index
    %get3A_345 = tpu.vector_load %arg8[%get3A_344] {strides = array<i32>} : memref<512xi32, #tpu.memory_space<vmem>>, vector<16xi32>,
    %and3A_346 = arith.constant 32767 : i32
    %and3A_347 = vector.broadcast %and3A_346 : i32 to vector<16xi32>
    %and3A_348 = arith.andi %get3A_343, %and3A_347 : vector<16xi32>
    %swap3A_349 = arith.constant 2 : i32
    %swap3A_350 = arith.index_cast %swap3A_349 : i32 to index
    %swap3A_351 = arith.constant 48 : index
    %swap3A_352 = tpu.vector_load %arg9[%swap3A_350, %swap3A_351] {strides = array<i32>} : memref<4x128xi32, #tpu.memory_space<vmem>>, vector<16xi32>,
    tpu.vector_store %arg9[%swap3A_350, %swap3A_351], %and3A_348 {strides = array<i32>} : memref<4x128xi32, #tpu.memory_space<vmem>>, vector<16xi32>,
    %and3A_353 = arith.constant 262143 : i32
    %and3A_354 = vector.broadcast %and3A_353 : i32 to vector<16xi32>
    %and3A_355 = arith.andi %get3A_345, %and3A_354 : vector<16xi32>
    %swap3A_356 = arith.constant 2 : i32
    %swap3A_357 = arith.index_cast %swap3A_356 : i32 to index
    %swap3A_358 = arith.constant 48 : index
    %swap3A_359 = tpu.vector_load %arg10[%swap3A_357, %swap3A_358] {strides = array<i32>} : memref<4x128xi32, #tpu.memory_space<vmem>>, vector<16xi32>,
    tpu.vector_store %arg10[%swap3A_357, %swap3A_358], %and3A_355 {strides = array<i32>} : memref<4x128xi32, #tpu.memory_space<vmem>>, vector<16xi32>,
    %get3A_360 = arith.constant 320 : index
    %get3A_361 = tpu.vector_load %arg7[%get3A_360] {strides = array<i32>} : memref<512xi32, #tpu.memory_space<vmem>>, vector<16xi32>,
    %get3A_362 = arith.constant 320 : index
    %get3A_363 = tpu.vector_load %arg8[%get3A_362] {strides = array<i32>} : memref<512xi32, #tpu.memory_space<vmem>>, vector<16xi32>,
    %and3A_364 = arith.constant 32767 : i32
    %and3A_365 = vector.broadcast %and3A_364 : i32 to vector<16xi32>
    %and3A_366 = arith.andi %get3A_361, %and3A_365 : vector<16xi32>
    %swap3A_367 = arith.constant 2 : i32
    %swap3A_368 = arith.index_cast %swap3A_367 : i32 to index
    %swap3A_369 = arith.constant 64 : index
    %swap3A_370 = tpu.vector_load %arg9[%swap3A_368, %swap3A_369] {strides = array<i32>} : memref<4x128xi32, #tpu.memory_space<vmem>>, vector<16xi32>,
    tpu.vector_store %arg9[%swap3A_368, %swap3A_369], %and3A_366 {strides = array<i32>} : memref<4x128xi32, #tpu.memory_space<vmem>>, vector<16xi32>,
    %and3A_371 = arith.constant 262143 : i32
    %and3A_372 = vector.broadcast %and3A_371 : i32 to vector<16xi32>
    %and3A_373 = arith.andi %get3A_363, %and3A_372 : vector<16xi32>
    %swap3A_374 = arith.constant 2 : i32
    %swap3A_375 = arith.index_cast %swap3A_374 : i32 to index
    %swap3A_376 = arith.constant 64 : index
    %swap3A_377 = tpu.vector_load %arg10[%swap3A_375, %swap3A_376] {strides = array<i32>} : memref<4x128xi32, #tpu.memory_space<vmem>>, vector<16xi32>,
    tpu.vector_store %arg10[%swap3A_375, %swap3A_376], %and3A_373 {strides = array<i32>} : memref<4x128xi32, #tpu.memory_space<vmem>>, vector<16xi32>,
    %get3A_378 = arith.constant 336 : index
    %get3A_379 = tpu.vector_load %arg7[%get3A_378] {strides = array<i32>} : memref<512xi32, #tpu.memory_space<vmem>>, vector<16xi32>,
    %get3A_380 = arith.constant 336 : index
    %get3A_381 = tpu.vector_load %arg8[%get3A_380] {strides = array<i32>} : memref<512xi32, #tpu.memory_space<vmem>>, vector<16xi32>,
    %and3A_382 = arith.constant 32767 : i32
    %and3A_383 = vector.broadcast %and3A_382 : i32 to vector<16xi32>
    %and3A_384 = arith.andi %get3A_379, %and3A_383 : vector<16xi32>
    %swap3A_385 = arith.constant 2 : i32
    %swap3A_386 = arith.index_cast %swap3A_385 : i32 to index
    %swap3A_387 = arith.constant 80 : index
    %swap3A_388 = tpu.vector_load %arg9[%swap3A_386, %swap3A_387] {strides = array<i32>} : memref<4x128xi32, #tpu.memory_space<vmem>>, vector<16xi32>,
    tpu.vector_store %arg9[%swap3A_386, %swap3A_387], %and3A_384 {strides = array<i32>} : memref<4x128xi32, #tpu.memory_space<vmem>>, vector<16xi32>,
    %and3A_389 = arith.constant 262143 : i32
    %and3A_390 = vector.broadcast %and3A_389 : i32 to vector<16xi32>
    %and3A_391 = arith.andi %get3A_381, %and3A_390 : vector<16xi32>
    %swap3A_392 = arith.constant 2 : i32
    %swap3A_393 = arith.index_cast %swap3A_392 : i32 to index
    %swap3A_394 = arith.constant 80 : index
    %swap3A_395 = tpu.vector_load %arg10[%swap3A_393, %swap3A_394] {strides = array<i32>} : memref<4x128xi32, #tpu.memory_space<vmem>>, vector<16xi32>,
    tpu.vector_store %arg10[%swap3A_393, %swap3A_394], %and3A_391 {strides = array<i32>} : memref<4x128xi32, #tpu.memory_space<vmem>>, vector<16xi32>,
    %get3A_396 = arith.constant 352 : index
    %get3A_397 = tpu.vector_load %arg7[%get3A_396] {strides = array<i32>} : memref<512xi32, #tpu.memory_space<vmem>>, vector<16xi32>,
    %get3A_398 = arith.constant 352 : index
    %get3A_399 = tpu.vector_load %arg8[%get3A_398] {strides = array<i32>} : memref<512xi32, #tpu.memory_space<vmem>>, vector<16xi32>,
    %and3A_400 = arith.constant 32767 : i32
    %and3A_401 = vector.broadcast %and3A_400 : i32 to vector<16xi32>
    %and3A_402 = arith.andi %get3A_397, %and3A_401 : vector<16xi32>
    %swap3A_403 = arith.constant 2 : i32
    %swap3A_404 = arith.index_cast %swap3A_403 : i32 to index
    %swap3A_405 = arith.constant 96 : index
    %swap3A_406 = tpu.vector_load %arg9[%swap3A_404, %swap3A_405] {strides = array<i32>} : memref<4x128xi32, #tpu.memory_space<vmem>>, vector<16xi32>,
    tpu.vector_store %arg9[%swap3A_404, %swap3A_405], %and3A_402 {strides = array<i32>} : memref<4x128xi32, #tpu.memory_space<vmem>>, vector<16xi32>,
    %and3A_407 = arith.constant 262143 : i32
    %and3A_408 = vector.broadcast %and3A_407 : i32 to vector<16xi32>
    %and3A_409 = arith.andi %get3A_399, %and3A_408 : vector<16xi32>
    %swap3A_410 = arith.constant 2 : i32
    %swap3A_411 = arith.index_cast %swap3A_410 : i32 to index
    %swap3A_412 = arith.constant 96 : index
    %swap3A_413 = tpu.vector_load %arg10[%swap3A_411, %swap3A_412] {strides = array<i32>} : memref<4x128xi32, #tpu.memory_space<vmem>>, vector<16xi32>,
    tpu.vector_store %arg10[%swap3A_411, %swap3A_412], %and3A_409 {strides = array<i32>} : memref<4x128xi32, #tpu.memory_space<vmem>>, vector<16xi32>,
    %get3A_414 = arith.constant 368 : index
    %get3A_415 = tpu.vector_load %arg7[%get3A_414] {strides = array<i32>} : memref<512xi32, #tpu.memory_space<vmem>>, vector<16xi32>,
    %get3A_416 = arith.constant 368 : index
    %get3A_417 = tpu.vector_load %arg8[%get3A_416] {strides = array<i32>} : memref<512xi32, #tpu.memory_space<vmem>>, vector<16xi32>,
    %and3A_418 = arith.constant 32767 : i32
    %and3A_419 = vector.broadcast %and3A_418 : i32 to vector<16xi32>
    %and3A_420 = arith.andi %get3A_415, %and3A_419 : vector<16xi32>
    %swap3A_421 = arith.constant 2 : i32
    %swap3A_422 = arith.index_cast %swap3A_421 : i32 to index
    %swap3A_423 = arith.constant 112 : index
    %swap3A_424 = tpu.vector_load %arg9[%swap3A_422, %swap3A_423] {strides = array<i32>} : memref<4x128xi32, #tpu.memory_space<vmem>>, vector<16xi32>,
    tpu.vector_store %arg9[%swap3A_422, %swap3A_423], %and3A_420 {strides = array<i32>} : memref<4x128xi32, #tpu.memory_space<vmem>>, vector<16xi32>,
    %and3A_425 = arith.constant 262143 : i32
    %and3A_426 = vector.broadcast %and3A_425 : i32 to vector<16xi32>
    %and3A_427 = arith.andi %get3A_417, %and3A_426 : vector<16xi32>
    %swap3A_428 = arith.constant 2 : i32
    %swap3A_429 = arith.index_cast %swap3A_428 : i32 to index
    %swap3A_430 = arith.constant 112 : index
    %swap3A_431 = tpu.vector_load %arg10[%swap3A_429, %swap3A_430] {strides = array<i32>} : memref<4x128xi32, #tpu.memory_space<vmem>>, vector<16xi32>,
    tpu.vector_store %arg10[%swap3A_429, %swap3A_430], %and3A_427 {strides = array<i32>} : memref<4x128xi32, #tpu.memory_space<vmem>>, vector<16xi32>,
    %get3A_432 = arith.constant 384 : index
    %get3A_433 = tpu.vector_load %arg7[%get3A_432] {strides = array<i32>} : memref<512xi32, #tpu.memory_space<vmem>>, vector<16xi32>,
    %get3A_434 = arith.constant 384 : index
    %get3A_435 = tpu.vector_load %arg8[%get3A_434] {strides = array<i32>} : memref<512xi32, #tpu.memory_space<vmem>>, vector<16xi32>,
    %and3A_436 = arith.constant 32767 : i32
    %and3A_437 = vector.broadcast %and3A_436 : i32 to vector<16xi32>
    %and3A_438 = arith.andi %get3A_433, %and3A_437 : vector<16xi32>
    %swap3A_439 = arith.constant 3 : i32
    %swap3A_440 = arith.index_cast %swap3A_439 : i32 to index
    %swap3A_441 = arith.constant 0 : index
    %swap3A_442 = tpu.vector_load %arg9[%swap3A_440, %swap3A_441] {strides = array<i32>} : memref<4x128xi32, #tpu.memory_space<vmem>>, vector<16xi32>,
    tpu.vector_store %arg9[%swap3A_440, %swap3A_441], %and3A_438 {strides = array<i32>} : memref<4x128xi32, #tpu.memory_space<vmem>>, vector<16xi32>,
    %and3A_443 = arith.constant 262143 : i32
    %and3A_444 = vector.broadcast %and3A_443 : i32 to vector<16xi32>
    %and3A_445 = arith.andi %get3A_435, %and3A_444 : vector<16xi32>
    %swap3A_446 = arith.constant 3 : i32
    %swap3A_447 = arith.index_cast %swap3A_446 : i32 to index
    %swap3A_448 = arith.constant 0 : index
    %swap3A_449 = tpu.vector_load %arg10[%swap3A_447, %swap3A_448] {strides = array<i32>} : memref<4x128xi32, #tpu.memory_space<vmem>>, vector<16xi32>,
    tpu.vector_store %arg10[%swap3A_447, %swap3A_448], %and3A_445 {strides = array<i32>} : memref<4x128xi32, #tpu.memory_space<vmem>>, vector<16xi32>,
    %get3A_450 = arith.constant 400 : index
    %get3A_451 = tpu.vector_load %arg7[%get3A_450] {strides = array<i32>} : memref<512xi32, #tpu.memory_space<vmem>>, vector<16xi32>,
    %get3A_452 = arith.constant 400 : index
    %get3A_453 = tpu.vector_load %arg8[%get3A_452] {strides = array<i32>} : memref<512xi32, #tpu.memory_space<vmem>>, vector<16xi32>,
    %and3A_454 = arith.constant 32767 : i32
    %and3A_455 = vector.broadcast %and3A_454 : i32 to vector<16xi32>
    %and3A_456 = arith.andi %get3A_451, %and3A_455 : vector<16xi32>
    %swap3A_457 = arith.constant 3 : i32
    %swap3A_458 = arith.index_cast %swap3A_457 : i32 to index
    %swap3A_459 = arith.constant 16 : index
    %swap3A_460 = tpu.vector_load %arg9[%swap3A_458, %swap3A_459] {strides = array<i32>} : memref<4x128xi32, #tpu.memory_space<vmem>>, vector<16xi32>,
    tpu.vector_store %arg9[%swap3A_458, %swap3A_459], %and3A_456 {strides = array<i32>} : memref<4x128xi32, #tpu.memory_space<vmem>>, vector<16xi32>,
    %and3A_461 = arith.constant 262143 : i32
    %and3A_462 = vector.broadcast %and3A_461 : i32 to vector<16xi32>
    %and3A_463 = arith.andi %get3A_453, %and3A_462 : vector<16xi32>
    %swap3A_464 = arith.constant 3 : i32
    %swap3A_465 = arith.index_cast %swap3A_464 : i32 to index
    %swap3A_466 = arith.constant 16 : index
    %swap3A_467 = tpu.vector_load %arg10[%swap3A_465, %swap3A_466] {strides = array<i32>} : memref<4x128xi32, #tpu.memory_space<vmem>>, vector<16xi32>,
    tpu.vector_store %arg10[%swap3A_465, %swap3A_466], %and3A_463 {strides = array<i32>} : memref<4x128xi32, #tpu.memory_space<vmem>>, vector<16xi32>,
    %get3A_468 = arith.constant 416 : index
    %get3A_469 = tpu.vector_load %arg7[%get3A_468] {strides = array<i32>} : memref<512xi32, #tpu.memory_space<vmem>>, vector<16xi32>,
    %get3A_470 = arith.constant 416 : index
    %get3A_471 = tpu.vector_load %arg8[%get3A_470] {strides = array<i32>} : memref<512xi32, #tpu.memory_space<vmem>>, vector<16xi32>,
    %and3A_472 = arith.constant 32767 : i32
    %and3A_473 = vector.broadcast %and3A_472 : i32 to vector<16xi32>
    %and3A_474 = arith.andi %get3A_469, %and3A_473 : vector<16xi32>
    %swap3A_475 = arith.constant 3 : i32
    %swap3A_476 = arith.index_cast %swap3A_475 : i32 to index
    %swap3A_477 = arith.constant 32 : index
    %swap3A_478 = tpu.vector_load %arg9[%swap3A_476, %swap3A_477] {strides = array<i32>} : memref<4x128xi32, #tpu.memory_space<vmem>>, vector<16xi32>,
    tpu.vector_store %arg9[%swap3A_476, %swap3A_477], %and3A_474 {strides = array<i32>} : memref<4x128xi32, #tpu.memory_space<vmem>>, vector<16xi32>,
    %and3A_479 = arith.constant 262143 : i32
    %and3A_480 = vector.broadcast %and3A_479 : i32 to vector<16xi32>
    %and3A_481 = arith.andi %get3A_471, %and3A_480 : vector<16xi32>
    %swap3A_482 = arith.constant 3 : i32
    %swap3A_483 = arith.index_cast %swap3A_482 : i32 to index
    %swap3A_484 = arith.constant 32 : index
    %swap3A_485 = tpu.vector_load %arg10[%swap3A_483, %swap3A_484] {strides = array<i32>} : memref<4x128xi32, #tpu.memory_space<vmem>>, vector<16xi32>,
    tpu.vector_store %arg10[%swap3A_483, %swap3A_484], %and3A_481 {strides = array<i32>} : memref<4x128xi32, #tpu.memory_space<vmem>>, vector<16xi32>,
    %get3A_486 = arith.constant 432 : index
    %get3A_487 = tpu.vector_load %arg7[%get3A_486] {strides = array<i32>} : memref<512xi32, #tpu.memory_space<vmem>>, vector<16xi32>,
    %get3A_488 = arith.constant 432 : index
    %get3A_489 = tpu.vector_load %arg8[%get3A_488] {strides = array<i32>} : memref<512xi32, #tpu.memory_space<vmem>>, vector<16xi32>,
    %and3A_490 = arith.constant 32767 : i32
    %and3A_491 = vector.broadcast %and3A_490 : i32 to vector<16xi32>
    %and3A_492 = arith.andi %get3A_487, %and3A_491 : vector<16xi32>
    %swap3A_493 = arith.constant 3 : i32
    %swap3A_494 = arith.index_cast %swap3A_493 : i32 to index
    %swap3A_495 = arith.constant 48 : index
    %swap3A_496 = tpu.vector_load %arg9[%swap3A_494, %swap3A_495] {strides = array<i32>} : memref<4x128xi32, #tpu.memory_space<vmem>>, vector<16xi32>,
    tpu.vector_store %arg9[%swap3A_494, %swap3A_495], %and3A_492 {strides = array<i32>} : memref<4x128xi32, #tpu.memory_space<vmem>>, vector<16xi32>,
    %and3A_497 = arith.constant 262143 : i32
    %and3A_498 = vector.broadcast %and3A_497 : i32 to vector<16xi32>
    %and3A_499 = arith.andi %get3A_489, %and3A_498 : vector<16xi32>
    %swap3A_500 = arith.constant 3 : i32
    %swap3A_501 = arith.index_cast %swap3A_500 : i32 to index
    %swap3A_502 = arith.constant 48 : index
    %swap3A_503 = tpu.vector_load %arg10[%swap3A_501, %swap3A_502] {strides = array<i32>} : memref<4x128xi32, #tpu.memory_space<vmem>>, vector<16xi32>,
    tpu.vector_store %arg10[%swap3A_501, %swap3A_502], %and3A_499 {strides = array<i32>} : memref<4x128xi32, #tpu.memory_space<vmem>>, vector<16xi32>,
    %get3A_504 = arith.constant 448 : index
    %get3A_505 = tpu.vector_load %arg7[%get3A_504] {strides = array<i32>} : memref<512xi32, #tpu.memory_space<vmem>>, vector<16xi32>,
    %get3A_506 = arith.constant 448 : index
    %get3A_507 = tpu.vector_load %arg8[%get3A_506] {strides = array<i32>} : memref<512xi32, #tpu.memory_space<vmem>>, vector<16xi32>,
    %and3A_508 = arith.constant 32767 : i32
    %and3A_509 = vector.broadcast %and3A_508 : i32 to vector<16xi32>
    %and3A_510 = arith.andi %get3A_505, %and3A_509 : vector<16xi32>
    %swap3A_511 = arith.constant 3 : i32
    %swap3A_512 = arith.index_cast %swap3A_511 : i32 to index
    %swap3A_513 = arith.constant 64 : index
    %swap3A_514 = tpu.vector_load %arg9[%swap3A_512, %swap3A_513] {strides = array<i32>} : memref<4x128xi32, #tpu.memory_space<vmem>>, vector<16xi32>,
    tpu.vector_store %arg9[%swap3A_512, %swap3A_513], %and3A_510 {strides = array<i32>} : memref<4x128xi32, #tpu.memory_space<vmem>>, vector<16xi32>,
    %and3A_515 = arith.constant 262143 : i32
    %and3A_516 = vector.broadcast %and3A_515 : i32 to vector<16xi32>
    %and3A_517 = arith.andi %get3A_507, %and3A_516 : vector<16xi32>
    %swap3A_518 = arith.constant 3 : i32
    %swap3A_519 = arith.index_cast %swap3A_518 : i32 to index
    %swap3A_520 = arith.constant 64 : index
    %swap3A_521 = tpu.vector_load %arg10[%swap3A_519, %swap3A_520] {strides = array<i32>} : memref<4x128xi32, #tpu.memory_space<vmem>>, vector<16xi32>,
    tpu.vector_store %arg10[%swap3A_519, %swap3A_520], %and3A_517 {strides = array<i32>} : memref<4x128xi32, #tpu.memory_space<vmem>>, vector<16xi32>,
    %get3A_522 = arith.constant 464 : index
    %get3A_523 = tpu.vector_load %arg7[%get3A_522] {strides = array<i32>} : memref<512xi32, #tpu.memory_space<vmem>>, vector<16xi32>,
    %get3A_524 = arith.constant 464 : index
    %get3A_525 = tpu.vector_load %arg8[%get3A_524] {strides = array<i32>} : memref<512xi32, #tpu.memory_space<vmem>>, vector<16xi32>,
    %and3A_526 = arith.constant 32767 : i32
    %and3A_527 = vector.broadcast %and3A_526 : i32 to vector<16xi32>
    %and3A_528 = arith.andi %get3A_523, %and3A_527 : vector<16xi32>
    %swap3A_529 = arith.constant 3 : i32
    %swap3A_530 = arith.index_cast %swap3A_529 : i32 to index
    %swap3A_531 = arith.constant 80 : index
    %swap3A_532 = tpu.vector_load %arg9[%swap3A_530, %swap3A_531] {strides = array<i32>} : memref<4x128xi32, #tpu.memory_space<vmem>>, vector<16xi32>,
    tpu.vector_store %arg9[%swap3A_530, %swap3A_531], %and3A_528 {strides = array<i32>} : memref<4x128xi32, #tpu.memory_space<vmem>>, vector<16xi32>,
    %and3A_533 = arith.constant 262143 : i32
    %and3A_534 = vector.broadcast %and3A_533 : i32 to vector<16xi32>
    %and3A_535 = arith.andi %get3A_525, %and3A_534 : vector<16xi32>
    %swap3A_536 = arith.constant 3 : i32
    %swap3A_537 = arith.index_cast %swap3A_536 : i32 to index
    %swap3A_538 = arith.constant 80 : index
    %swap3A_539 = tpu.vector_load %arg10[%swap3A_537, %swap3A_538] {strides = array<i32>} : memref<4x128xi32, #tpu.memory_space<vmem>>, vector<16xi32>,
    tpu.vector_store %arg10[%swap3A_537, %swap3A_538], %and3A_535 {strides = array<i32>} : memref<4x128xi32, #tpu.memory_space<vmem>>, vector<16xi32>,
    %get3A_540 = arith.constant 480 : index
    %get3A_541 = tpu.vector_load %arg7[%get3A_540] {strides = array<i32>} : memref<512xi32, #tpu.memory_space<vmem>>, vector<16xi32>,
    %get3A_542 = arith.constant 480 : index
    %get3A_543 = tpu.vector_load %arg8[%get3A_542] {strides = array<i32>} : memref<512xi32, #tpu.memory_space<vmem>>, vector<16xi32>,
    %and3A_544 = arith.constant 32767 : i32
    %and3A_545 = vector.broadcast %and3A_544 : i32 to vector<16xi32>
    %and3A_546 = arith.andi %get3A_541, %and3A_545 : vector<16xi32>
    %swap3A_547 = arith.constant 3 : i32
    %swap3A_548 = arith.index_cast %swap3A_547 : i32 to index
    %swap3A_549 = arith.constant 96 : index
    %swap3A_550 = tpu.vector_load %arg9[%swap3A_548, %swap3A_549] {strides = array<i32>} : memref<4x128xi32, #tpu.memory_space<vmem>>, vector<16xi32>,
    tpu.vector_store %arg9[%swap3A_548, %swap3A_549], %and3A_546 {strides = array<i32>} : memref<4x128xi32, #tpu.memory_space<vmem>>, vector<16xi32>,
    %and3A_551 = arith.constant 262143 : i32
    %and3A_552 = vector.broadcast %and3A_551 : i32 to vector<16xi32>
    %and3A_553 = arith.andi %get3A_543, %and3A_552 : vector<16xi32>
    %swap3A_554 = arith.constant 3 : i32
    %swap3A_555 = arith.index_cast %swap3A_554 : i32 to index
    %swap3A_556 = arith.constant 96 : index
    %swap3A_557 = tpu.vector_load %arg10[%swap3A_555, %swap3A_556] {strides = array<i32>} : memref<4x128xi32, #tpu.memory_space<vmem>>, vector<16xi32>,
    tpu.vector_store %arg10[%swap3A_555, %swap3A_556], %and3A_553 {strides = array<i32>} : memref<4x128xi32, #tpu.memory_space<vmem>>, vector<16xi32>,
    %get3A_558 = arith.constant 496 : index
    %get3A_559 = tpu.vector_load %arg7[%get3A_558] {strides = array<i32>} : memref<512xi32, #tpu.memory_space<vmem>>, vector<16xi32>,
    %get3A_560 = arith.constant 496 : index
    %get3A_561 = tpu.vector_load %arg8[%get3A_560] {strides = array<i32>} : memref<512xi32, #tpu.memory_space<vmem>>, vector<16xi32>,
    %and3A_562 = arith.constant 32767 : i32
    %and3A_563 = vector.broadcast %and3A_562 : i32 to vector<16xi32>
    %and3A_564 = arith.andi %get3A_559, %and3A_563 : vector<16xi32>
    %swap3A_565 = arith.constant 3 : i32
    %swap3A_566 = arith.index_cast %swap3A_565 : i32 to index
    %swap3A_567 = arith.constant 112 : index
    %swap3A_568 = tpu.vector_load %arg9[%swap3A_566, %swap3A_567] {strides = array<i32>} : memref<4x128xi32, #tpu.memory_space<vmem>>, vector<16xi32>,
    tpu.vector_store %arg9[%swap3A_566, %swap3A_567], %and3A_564 {strides = array<i32>} : memref<4x128xi32, #tpu.memory_space<vmem>>, vector<16xi32>,
    %and3A_569 = arith.constant 262143 : i32
    %and3A_570 = vector.broadcast %and3A_569 : i32 to vector<16xi32>
    %and3A_571 = arith.andi %get3A_561, %and3A_570 : vector<16xi32>
    %swap3A_572 = arith.constant 3 : i32
    %swap3A_573 = arith.index_cast %swap3A_572 : i32 to index
    %swap3A_574 = arith.constant 112 : index
    %swap3A_575 = tpu.vector_load %arg10[%swap3A_573, %swap3A_574] {strides = array<i32>} : memref<4x128xi32, #tpu.memory_space<vmem>>, vector<16xi32>,
    tpu.vector_store %arg10[%swap3A_573, %swap3A_574], %and3A_571 {strides = array<i32>} : memref<4x128xi32, #tpu.memory_space<vmem>>, vector<16xi32>,
    %iota3A = tpu.iota {dimensions = array<i32: 0>} : vector<16xi32>
    %dma_start3A = arith.constant 0 : i32
    %dma_start3A_576 = arith.constant 0 : i32
    %dma_start3A_577 = arith.constant 0 : i32
    %dma_start3A_578 = arith.constant 0 : i32
    %dma_start3A_579 = tpu.memref_slice %arg11[%dma_start3A_576, %dma_start3A_577, %dma_start3A_578] : memref<2x128x128xf32, #tpu.memory_space<vmem>> -> memref<1x128x128xf32, #tpu.memory_space<vmem>>
    %dma_start3A_580 = tpu.memref_squeeze %dma_start3A_579 : memref<1x128x128xf32, #tpu.memory_space<vmem>> -> memref<128x128xf32, #tpu.memory_space<vmem>>
    %dma_start3A_581 = arith.constant 0 : i32
    %dma_start3A_582 = tpu.memref_slice %arg9[%dma_start3A, %dma_start3A_581] : memref<4x128xi32, #tpu.memory_space<vmem>> -> memref<1x128xi32, #tpu.memory_space<vmem>>
    %dma_start3A_583 = tpu.memref_squeeze %dma_start3A_582 : memref<1x128xi32, #tpu.memory_space<vmem>> -> memref<128xi32, #tpu.memory_space<vmem>>
    %dma_start3A_584 = arith.constant 0 : i32
    %dma_start3A_585 = arith.constant 0 : i32
    %dma_start3A_586 = tpu.memref_slice %arg4[%dma_start3A_584, %dma_start3A_585] : memref<32768x128xf32, #tpu.memory_space<hbm>> -> memref<32768x128xf32, #tpu.memory_space<hbm>>
    tpu.enqueue_indirect_dma source(%dma_start3A_586 : memref<32768x128xf32, #tpu.memory_space<hbm>>) target(%dma_start3A_580 : memref<128x128xf32, #tpu.memory_space<vmem>>) offsets(%dma_start3A_583 : memref<128xi32, #tpu.memory_space<vmem>>) semaphore(%arg14 : memref<!tpu.dma_semaphore, #tpu.memory_space<semaphore_mem>>)
    %dma_start3A_587 = arith.constant 0 : i32
    %dma_start3A_588 = arith.constant 0 : i32
    %dma_start3A_589 = arith.constant 0 : i32
    %dma_start3A_590 = arith.constant 0 : i32
    %dma_start3A_591 = tpu.memref_slice %arg12[%dma_start3A_588, %dma_start3A_589, %dma_start3A_590] : memref<2x128x128xf32, #tpu.memory_space<vmem>> -> memref<1x128x128xf32, #tpu.memory_space<vmem>>
    %dma_start3A_592 = tpu.memref_squeeze %dma_start3A_591 : memref<1x128x128xf32, #tpu.memory_space<vmem>> -> memref<128x128xf32, #tpu.memory_space<vmem>>
    %dma_start3A_593 = arith.constant 0 : i32
    %dma_start3A_594 = tpu.memref_slice %arg10[%dma_start3A_587, %dma_start3A_593] : memref<4x128xi32, #tpu.memory_space<vmem>> -> memref<1x128xi32, #tpu.memory_space<vmem>>
    %dma_start3A_595 = tpu.memref_squeeze %dma_start3A_594 : memref<1x128xi32, #tpu.memory_space<vmem>> -> memref<128xi32, #tpu.memory_space<vmem>>
    %dma_start3A_596 = arith.constant 0 : i32
    %dma_start3A_597 = arith.constant 0 : i32
    %dma_start3A_598 = tpu.memref_slice %arg5[%dma_start3A_596, %dma_start3A_597] : memref<262144x128xf32, #tpu.memory_space<hbm>> -> memref<262144x128xf32, #tpu.memory_space<hbm>>
    tpu.enqueue_indirect_dma source(%dma_start3A_598 : memref<262144x128xf32, #tpu.memory_space<hbm>>) target(%dma_start3A_592 : memref<128x128xf32, #tpu.memory_space<vmem>>) offsets(%dma_start3A_595 : memref<128xi32, #tpu.memory_space<vmem>>) semaphore(%arg15 : memref<!tpu.dma_semaphore, #tpu.memory_space<semaphore_mem>>)
    %dma_wait3A = arith.constant 0 : i32
    %dma_wait3A_599 = arith.constant 0 : i32
    %dma_wait3A_600 = arith.constant 0 : i32
    %dma_wait3A_601 = arith.constant 0 : i32
    %dma_wait3A_602 = tpu.memref_slice %arg11[%dma_wait3A_599, %dma_wait3A_600, %dma_wait3A_601] : memref<2x128x128xf32, #tpu.memory_space<vmem>> -> memref<1x128x128xf32, #tpu.memory_space<vmem>>
    %dma_wait3A_603 = tpu.memref_squeeze %dma_wait3A_602 : memref<1x128x128xf32, #tpu.memory_space<vmem>> -> memref<128x128xf32, #tpu.memory_space<vmem>>
    %dma_wait3A_604 = arith.constant 0 : i32
    %dma_wait3A_605 = tpu.memref_slice %arg9[%dma_wait3A, %dma_wait3A_604] : memref<4x128xi32, #tpu.memory_space<vmem>> -> memref<1x128xi32, #tpu.memory_space<vmem>>
    %dma_wait3A_606 = tpu.memref_squeeze %dma_wait3A_605 : memref<1x128xi32, #tpu.memory_space<vmem>> -> memref<128xi32, #tpu.memory_space<vmem>>
    %dma_wait3A_607 = arith.constant 0 : i32
    %dma_wait3A_608 = arith.constant 0 : i32
    %dma_wait3A_609 = tpu.memref_slice %arg4[%dma_wait3A_607, %dma_wait3A_608] : memref<32768x128xf32, #tpu.memory_space<hbm>> -> memref<32768x128xf32, #tpu.memory_space<hbm>>
    tpu.wait_indirect_dma semaphore(%arg14 : memref<!tpu.dma_semaphore, #tpu.memory_space<semaphore_mem>>) src(%dma_wait3A_609 : memref<32768x128xf32, #tpu.memory_space<hbm>>) dst(%dma_wait3A_603 : memref<128x128xf32, #tpu.memory_space<vmem>>)
    %dma_wait3A_610 = arith.constant 0 : i32
    %dma_wait3A_611 = arith.constant 0 : i32
    %dma_wait3A_612 = arith.constant 0 : i32
    %dma_wait3A_613 = arith.constant 0 : i32
    %dma_wait3A_614 = tpu.memref_slice %arg12[%dma_wait3A_611, %dma_wait3A_612, %dma_wait3A_613] : memref<2x128x128xf32, #tpu.memory_space<vmem>> -> memref<1x128x128xf32, #tpu.memory_space<vmem>>
    %dma_wait3A_615 = tpu.memref_squeeze %dma_wait3A_614 : memref<1x128x128xf32, #tpu.memory_space<vmem>> -> memref<128x128xf32, #tpu.memory_space<vmem>>
    %dma_wait3A_616 = arith.constant 0 : i32
    %dma_wait3A_617 = tpu.memref_slice %arg10[%dma_wait3A_610, %dma_wait3A_616] : memref<4x128xi32, #tpu.memory_space<vmem>> -> memref<1x128xi32, #tpu.memory_space<vmem>>
    %dma_wait3A_618 = tpu.memref_squeeze %dma_wait3A_617 : memref<1x128xi32, #tpu.memory_space<vmem>> -> memref<128xi32, #tpu.memory_space<vmem>>
    %dma_wait3A_619 = arith.constant 0 : i32
    %dma_wait3A_620 = arith.constant 0 : i32
    %dma_wait3A_621 = tpu.memref_slice %arg5[%dma_wait3A_619, %dma_wait3A_620] : memref<262144x128xf32, #tpu.memory_space<hbm>> -> memref<262144x128xf32, #tpu.memory_space<hbm>>
    tpu.wait_indirect_dma semaphore(%arg15 : memref<!tpu.dma_semaphore, #tpu.memory_space<semaphore_mem>>) src(%dma_wait3A_621 : memref<262144x128xf32, #tpu.memory_space<hbm>>) dst(%dma_wait3A_615 : memref<128x128xf32, #tpu.memory_space<vmem>>)
    %dma_start3A_622 = arith.constant 1 : i32
    %dma_start3A_623 = arith.constant 1 : i32
    %dma_start3A_624 = arith.constant 0 : i32
    %dma_start3A_625 = arith.constant 0 : i32
    %dma_start3A_626 = tpu.memref_slice %arg11[%dma_start3A_623, %dma_start3A_624, %dma_start3A_625] : memref<2x128x128xf32, #tpu.memory_space<vmem>> -> memref<1x128x128xf32, #tpu.memory_space<vmem>>
    %dma_start3A_627 = tpu.memref_squeeze %dma_start3A_626 : memref<1x128x128xf32, #tpu.memory_space<vmem>> -> memref<128x128xf32, #tpu.memory_space<vmem>>
    %dma_start3A_628 = arith.constant 0 : i32
    %dma_start3A_629 = tpu.memref_slice %arg9[%dma_start3A_622, %dma_start3A_628] : memref<4x128xi32, #tpu.memory_space<vmem>> -> memref<1x128xi32, #tpu.memory_space<vmem>>
    %dma_start3A_630 = tpu.memref_squeeze %dma_start3A_629 : memref<1x128xi32, #tpu.memory_space<vmem>> -> memref<128xi32, #tpu.memory_space<vmem>>
    %dma_start3A_631 = arith.constant 0 : i32
    %dma_start3A_632 = arith.constant 0 : i32
    %dma_start3A_633 = tpu.memref_slice %arg4[%dma_start3A_631, %dma_start3A_632] : memref<32768x128xf32, #tpu.memory_space<hbm>> -> memref<32768x128xf32, #tpu.memory_space<hbm>>
    tpu.enqueue_indirect_dma source(%dma_start3A_633 : memref<32768x128xf32, #tpu.memory_space<hbm>>) target(%dma_start3A_627 : memref<128x128xf32, #tpu.memory_space<vmem>>) offsets(%dma_start3A_630 : memref<128xi32, #tpu.memory_space<vmem>>) semaphore(%arg14 : memref<!tpu.dma_semaphore, #tpu.memory_space<semaphore_mem>>)
    %dma_start3A_634 = arith.constant 1 : i32
    %dma_start3A_635 = arith.constant 1 : i32
    %dma_start3A_636 = arith.constant 0 : i32
    %dma_start3A_637 = arith.constant 0 : i32
    %dma_start3A_638 = tpu.memref_slice %arg12[%dma_start3A_635, %dma_start3A_636, %dma_start3A_637] : memref<2x128x128xf32, #tpu.memory_space<vmem>> -> memref<1x128x128xf32, #tpu.memory_space<vmem>>
    %dma_start3A_639 = tpu.memref_squeeze %dma_start3A_638 : memref<1x128x128xf32, #tpu.memory_space<vmem>> -> memref<128x128xf32, #tpu.memory_space<vmem>>
    %dma_start3A_640 = arith.constant 0 : i32
    %dma_start3A_641 = tpu.memref_slice %arg10[%dma_start3A_634, %dma_start3A_640] : memref<4x128xi32, #tpu.memory_space<vmem>> -> memref<1x128xi32, #tpu.memory_space<vmem>>
    %dma_start3A_642 = tpu.memref_squeeze %dma_start3A_641 : memref<1x128xi32, #tpu.memory_space<vmem>> -> memref<128xi32, #tpu.memory_space<vmem>>
    %dma_start3A_643 = arith.constant 0 : i32
    %dma_start3A_644 = arith.constant 0 : i32
    %dma_start3A_645 = tpu.memref_slice %arg5[%dma_start3A_643, %dma_start3A_644] : memref<262144x128xf32, #tpu.memory_space<hbm>> -> memref<262144x128xf32, #tpu.memory_space<hbm>>
    tpu.enqueue_indirect_dma source(%dma_start3A_645 : memref<262144x128xf32, #tpu.memory_space<hbm>>) target(%dma_start3A_639 : memref<128x128xf32, #tpu.memory_space<vmem>>) offsets(%dma_start3A_642 : memref<128xi32, #tpu.memory_space<vmem>>) semaphore(%arg15 : memref<!tpu.dma_semaphore, #tpu.memory_space<semaphore_mem>>)
    %scan3A = arith.constant 0 : i32
    %scan3A_646 = arith.constant 8 : i32
    %scan3A_647 = arith.addi %scan3A, %scan3A_646 : i32
    %scan3A_648 = arith.constant 1 : i32
    scf.for %scan3A_785 = %scan3A to %scan3A_647 step %scan3A_648  : i32 {
      %add3A_786 = arith.constant 0 : i32
      %add3A_787 = arith.addi %add3A_786, %scan3A_785 : i32
      %mul3A_788 = arith.constant 16 : i32
      %mul3A_789 = arith.muli %scan3A_785, %mul3A_788 : i32
      %add3A_790 = vector.broadcast %mul3A_789 : i32 to vector<16xi32>
      %add3A_791 = arith.addi %add3A_790, %iota3A : vector<16xi32>
      %mul3A_792 = arith.constant 16 : i32
      %mul3A_793 = arith.muli %add3A_787, %mul3A_792 : i32
      %get3A_794 = arith.index_cast %mul3A_793 : i32 to index
      %get3A_795 = tpu.vector_load %arg7[%get3A_794] {strides = array<i32>} : memref<512xi32, #tpu.memory_space<vmem>>, vector<16xi32>,
      %mul3A_796 = arith.constant 16 : i32
      %mul3A_797 = arith.muli %add3A_787, %mul3A_796 : i32
      %get3A_798 = arith.index_cast %mul3A_797 : i32 to index
      %get3A_799 = tpu.vector_load %arg8[%get3A_798] {strides = array<i32>} : memref<512xi32, #tpu.memory_space<vmem>>, vector<16xi32>,
      %shift_right_logical3A = arith.constant 15 : i32
      %shift_right_logical3A_800 = vector.broadcast %shift_right_logical3A : i32 to vector<16xi32>
      %shift_right_logical3A_801 = arith.shrui %get3A_795, %shift_right_logical3A_800 : vector<16xi32>
      %shift_left3A = arith.constant 5 : i32
      %shift_left3A_802 = vector.broadcast %shift_left3A : i32 to vector<16xi32>
      %shift_left3A_803 = arith.shli %shift_right_logical3A_801, %shift_left3A_802 : vector<16xi32>
      %shift_right_logical3A_804 = arith.constant 18 : i32
      %shift_right_logical3A_805 = vector.broadcast %shift_right_logical3A_804 : i32 to vector<16xi32>
      %shift_right_logical3A_806 = arith.shrui %get3A_799, %shift_right_logical3A_805 : vector<16xi32>
      %shift_left3A_807 = arith.constant 5 : i32
      %shift_left3A_808 = vector.broadcast %shift_left3A_807 : i32 to vector<16xi32>
      %shift_left3A_809 = arith.shli %shift_right_logical3A_806, %shift_left3A_808 : vector<16xi32>
      %broadcast_in_dim3A = arith.constant 0.000000e+00 : f32
      %broadcast_in_dim3A_810 = vector.broadcast %broadcast_in_dim3A : f32 to vector<16xf32>
      %add3A_811 = arith.constant 0 : i32
      %add3A_812 = vector.broadcast %add3A_811 : i32 to vector<16xi32>
      %add3A_813 = arith.addi %shift_left3A_803, %add3A_812 : vector<16xi32>
      %gather3A = arith.constant 0 : i32
      %gather3A_814 = arith.constant 0 : i32
      %gather3A_815 = arith.constant 0 : i32
      %gather3A_816 = tpu.memref_slice %arg11[%gather3A, %gather3A_814, %gather3A_815] : memref<2x128x128xf32, #tpu.memory_space<vmem>> -> memref<1x128x128xf32, #tpu.memory_space<vmem>>
      %gather3A_817 = tpu.memref_squeeze %gather3A_816 : memref<1x128x128xf32, #tpu.memory_space<vmem>> -> memref<128x128xf32, #tpu.memory_space<vmem>>
      %gather3A_818 = tpu.vector_load_idx %gather3A_817[%add3A_791, %add3A_813] : memref<128x128xf32, #tpu.memory_space<vmem>>[vector<16xi32>, vector<16xi32>], vector<16xf32>,
      %add3A_819 = arith.constant 0 : i32
      %add3A_820 = vector.broadcast %add3A_819 : i32 to vector<16xi32>
      %add3A_821 = arith.addi %shift_left3A_809, %add3A_820 : vector<16xi32>
      %gather3A_822 = arith.constant 0 : i32
      %gather3A_823 = arith.constant 0 : i32
      %gather3A_824 = arith.constant 0 : i32
      %gather3A_825 = tpu.memref_slice %arg12[%gather3A_822, %gather3A_823, %gather3A_824] : memref<2x128x128xf32, #tpu.memory_space<vmem>> -> memref<1x128x128xf32, #tpu.memory_space<vmem>>
      %gather3A_826 = tpu.memref_squeeze %gather3A_825 : memref<1x128x128xf32, #tpu.memory_space<vmem>> -> memref<128x128xf32, #tpu.memory_space<vmem>>
      %gather3A_827 = tpu.vector_load_idx %gather3A_826[%add3A_791, %add3A_821] : memref<128x128xf32, #tpu.memory_space<vmem>>[vector<16xi32>, vector<16xi32>], vector<16xf32>,
      %mul3A_828 = arith.mulf %gather3A_818, %gather3A_827 : vector<16xf32>
      %add3A_829 = arith.addf %broadcast_in_dim3A_810, %mul3A_828 : vector<16xf32>
      %add3A_830 = arith.constant 1 : i32
      %add3A_831 = vector.broadcast %add3A_830 : i32 to vector<16xi32>
      %add3A_832 = arith.addi %shift_left3A_803, %add3A_831 : vector<16xi32>
      %gather3A_833 = arith.constant 0 : i32
      %gather3A_834 = arith.constant 0 : i32
      %gather3A_835 = arith.constant 0 : i32
      %gather3A_836 = tpu.memref_slice %arg11[%gather3A_833, %gather3A_834, %gather3A_835] : memref<2x128x128xf32, #tpu.memory_space<vmem>> -> memref<1x128x128xf32, #tpu.memory_space<vmem>>
      %gather3A_837 = tpu.memref_squeeze %gather3A_836 : memref<1x128x128xf32, #tpu.memory_space<vmem>> -> memref<128x128xf32, #tpu.memory_space<vmem>>
      %gather3A_838 = tpu.vector_load_idx %gather3A_837[%add3A_791, %add3A_832] : memref<128x128xf32, #tpu.memory_space<vmem>>[vector<16xi32>, vector<16xi32>], vector<16xf32>,
      %add3A_839 = arith.constant 1 : i32
      %add3A_840 = vector.broadcast %add3A_839 : i32 to vector<16xi32>
      %add3A_841 = arith.addi %shift_left3A_809, %add3A_840 : vector<16xi32>
      %gather3A_842 = arith.constant 0 : i32
      %gather3A_843 = arith.constant 0 : i32
      %gather3A_844 = arith.constant 0 : i32
      %gather3A_845 = tpu.memref_slice %arg12[%gather3A_842, %gather3A_843, %gather3A_844] : memref<2x128x128xf32, #tpu.memory_space<vmem>> -> memref<1x128x128xf32, #tpu.memory_space<vmem>>
      %gather3A_846 = tpu.memref_squeeze %gather3A_845 : memref<1x128x128xf32, #tpu.memory_space<vmem>> -> memref<128x128xf32, #tpu.memory_space<vmem>>
      %gather3A_847 = tpu.vector_load_idx %gather3A_846[%add3A_791, %add3A_841] : memref<128x128xf32, #tpu.memory_space<vmem>>[vector<16xi32>, vector<16xi32>], vector<16xf32>,
      %mul3A_848 = arith.mulf %gather3A_838, %gather3A_847 : vector<16xf32>
      %add3A_849 = arith.addf %add3A_829, %mul3A_848 : vector<16xf32>
      %add3A_850 = arith.constant 2 : i32
      %add3A_851 = vector.broadcast %add3A_850 : i32 to vector<16xi32>
      %add3A_852 = arith.addi %shift_left3A_803, %add3A_851 : vector<16xi32>
      %gather3A_853 = arith.constant 0 : i32
      %gather3A_854 = arith.constant 0 : i32
      %gather3A_855 = arith.constant 0 : i32
      %gather3A_856 = tpu.memref_slice %arg11[%gather3A_853, %gather3A_854, %gather3A_855] : memref<2x128x128xf32, #tpu.memory_space<vmem>> -> memref<1x128x128xf32, #tpu.memory_space<vmem>>
      %gather3A_857 = tpu.memref_squeeze %gather3A_856 : memref<1x128x128xf32, #tpu.memory_space<vmem>> -> memref<128x128xf32, #tpu.memory_space<vmem>>
      %gather3A_858 = tpu.vector_load_idx %gather3A_857[%add3A_791, %add3A_852] : memref<128x128xf32, #tpu.memory_space<vmem>>[vector<16xi32>, vector<16xi32>], vector<16xf32>,
      %add3A_859 = arith.constant 2 : i32
      %add3A_860 = vector.broadcast %add3A_859 : i32 to vector<16xi32>
      %add3A_861 = arith.addi %shift_left3A_809, %add3A_860 : vector<16xi32>
      %gather3A_862 = arith.constant 0 : i32
      %gather3A_863 = arith.constant 0 : i32
      %gather3A_864 = arith.constant 0 : i32
      %gather3A_865 = tpu.memref_slice %arg12[%gather3A_862, %gather3A_863, %gather3A_864] : memref<2x128x128xf32, #tpu.memory_space<vmem>> -> memref<1x128x128xf32, #tpu.memory_space<vmem>>
      %gather3A_866 = tpu.memref_squeeze %gather3A_865 : memref<1x128x128xf32, #tpu.memory_space<vmem>> -> memref<128x128xf32, #tpu.memory_space<vmem>>
      %gather3A_867 = tpu.vector_load_idx %gather3A_866[%add3A_791, %add3A_861] : memref<128x128xf32, #tpu.memory_space<vmem>>[vector<16xi32>, vector<16xi32>], vector<16xf32>,
      %mul3A_868 = arith.mulf %gather3A_858, %gather3A_867 : vector<16xf32>
      %add3A_869 = arith.addf %add3A_849, %mul3A_868 : vector<16xf32>
      %add3A_870 = arith.constant 3 : i32
      %add3A_871 = vector.broadcast %add3A_870 : i32 to vector<16xi32>
      %add3A_872 = arith.addi %shift_left3A_803, %add3A_871 : vector<16xi32>
      %gather3A_873 = arith.constant 0 : i32
      %gather3A_874 = arith.constant 0 : i32
      %gather3A_875 = arith.constant 0 : i32
      %gather3A_876 = tpu.memref_slice %arg11[%gather3A_873, %gather3A_874, %gather3A_875] : memref<2x128x128xf32, #tpu.memory_space<vmem>> -> memref<1x128x128xf32, #tpu.memory_space<vmem>>
      %gather3A_877 = tpu.memref_squeeze %gather3A_876 : memref<1x128x128xf32, #tpu.memory_space<vmem>> -> memref<128x128xf32, #tpu.memory_space<vmem>>
      %gather3A_878 = tpu.vector_load_idx %gather3A_877[%add3A_791, %add3A_872] : memref<128x128xf32, #tpu.memory_space<vmem>>[vector<16xi32>, vector<16xi32>], vector<16xf32>,
      %add3A_879 = arith.constant 3 : i32
      %add3A_880 = vector.broadcast %add3A_879 : i32 to vector<16xi32>
      %add3A_881 = arith.addi %shift_left3A_809, %add3A_880 : vector<16xi32>
      %gather3A_882 = arith.constant 0 : i32
      %gather3A_883 = arith.constant 0 : i32
      %gather3A_884 = arith.constant 0 : i32
      %gather3A_885 = tpu.memref_slice %arg12[%gather3A_882, %gather3A_883, %gather3A_884] : memref<2x128x128xf32, #tpu.memory_space<vmem>> -> memref<1x128x128xf32, #tpu.memory_space<vmem>>
      %gather3A_886 = tpu.memref_squeeze %gather3A_885 : memref<1x128x128xf32, #tpu.memory_space<vmem>> -> memref<128x128xf32, #tpu.memory_space<vmem>>
      %gather3A_887 = tpu.vector_load_idx %gather3A_886[%add3A_791, %add3A_881] : memref<128x128xf32, #tpu.memory_space<vmem>>[vector<16xi32>, vector<16xi32>], vector<16xf32>,
      %mul3A_888 = arith.mulf %gather3A_878, %gather3A_887 : vector<16xf32>
      %add3A_889 = arith.addf %add3A_869, %mul3A_888 : vector<16xf32>
      %add3A_890 = arith.constant 4 : i32
      %add3A_891 = vector.broadcast %add3A_890 : i32 to vector<16xi32>
      %add3A_892 = arith.addi %shift_left3A_803, %add3A_891 : vector<16xi32>
      %gather3A_893 = arith.constant 0 : i32
      %gather3A_894 = arith.constant 0 : i32
      %gather3A_895 = arith.constant 0 : i32
      %gather3A_896 = tpu.memref_slice %arg11[%gather3A_893, %gather3A_894, %gather3A_895] : memref<2x128x128xf32, #tpu.memory_space<vmem>> -> memref<1x128x128xf32, #tpu.memory_space<vmem>>
      %gather3A_897 = tpu.memref_squeeze %gather3A_896 : memref<1x128x128xf32, #tpu.memory_space<vmem>> -> memref<128x128xf32, #tpu.memory_space<vmem>>
      %gather3A_898 = tpu.vector_load_idx %gather3A_897[%add3A_791, %add3A_892] : memref<128x128xf32, #tpu.memory_space<vmem>>[vector<16xi32>, vector<16xi32>], vector<16xf32>,
      %add3A_899 = arith.constant 4 : i32
      %add3A_900 = vector.broadcast %add3A_899 : i32 to vector<16xi32>
      %add3A_901 = arith.addi %shift_left3A_809, %add3A_900 : vector<16xi32>
      %gather3A_902 = arith.constant 0 : i32
      %gather3A_903 = arith.constant 0 : i32
      %gather3A_904 = arith.constant 0 : i32
      %gather3A_905 = tpu.memref_slice %arg12[%gather3A_902, %gather3A_903, %gather3A_904] : memref<2x128x128xf32, #tpu.memory_space<vmem>> -> memref<1x128x128xf32, #tpu.memory_space<vmem>>
      %gather3A_906 = tpu.memref_squeeze %gather3A_905 : memref<1x128x128xf32, #tpu.memory_space<vmem>> -> memref<128x128xf32, #tpu.memory_space<vmem>>
      %gather3A_907 = tpu.vector_load_idx %gather3A_906[%add3A_791, %add3A_901] : memref<128x128xf32, #tpu.memory_space<vmem>>[vector<16xi32>, vector<16xi32>], vector<16xf32>,
      %mul3A_908 = arith.mulf %gather3A_898, %gather3A_907 : vector<16xf32>
      %add3A_909 = arith.addf %add3A_889, %mul3A_908 : vector<16xf32>
      %add3A_910 = arith.constant 5 : i32
      %add3A_911 = vector.broadcast %add3A_910 : i32 to vector<16xi32>
      %add3A_912 = arith.addi %shift_left3A_803, %add3A_911 : vector<16xi32>
      %gather3A_913 = arith.constant 0 : i32
      %gather3A_914 = arith.constant 0 : i32
      %gather3A_915 = arith.constant 0 : i32
      %gather3A_916 = tpu.memref_slice %arg11[%gather3A_913, %gather3A_914, %gather3A_915] : memref<2x128x128xf32, #tpu.memory_space<vmem>> -> memref<1x128x128xf32, #tpu.memory_space<vmem>>
      %gather3A_917 = tpu.memref_squeeze %gather3A_916 : memref<1x128x128xf32, #tpu.memory_space<vmem>> -> memref<128x128xf32, #tpu.memory_space<vmem>>
      %gather3A_918 = tpu.vector_load_idx %gather3A_917[%add3A_791, %add3A_912] : memref<128x128xf32, #tpu.memory_space<vmem>>[vector<16xi32>, vector<16xi32>], vector<16xf32>,
      %add3A_919 = arith.constant 5 : i32
      %add3A_920 = vector.broadcast %add3A_919 : i32 to vector<16xi32>
      %add3A_921 = arith.addi %shift_left3A_809, %add3A_920 : vector<16xi32>
      %gather3A_922 = arith.constant 0 : i32
      %gather3A_923 = arith.constant 0 : i32
      %gather3A_924 = arith.constant 0 : i32
      %gather3A_925 = tpu.memref_slice %arg12[%gather3A_922, %gather3A_923, %gather3A_924] : memref<2x128x128xf32, #tpu.memory_space<vmem>> -> memref<1x128x128xf32, #tpu.memory_space<vmem>>
      %gather3A_926 = tpu.memref_squeeze %gather3A_925 : memref<1x128x128xf32, #tpu.memory_space<vmem>> -> memref<128x128xf32, #tpu.memory_space<vmem>>
      %gather3A_927 = tpu.vector_load_idx %gather3A_926[%add3A_791, %add3A_921] : memref<128x128xf32, #tpu.memory_space<vmem>>[vector<16xi32>, vector<16xi32>], vector<16xf32>,
      %mul3A_928 = arith.mulf %gather3A_918, %gather3A_927 : vector<16xf32>
      %add3A_929 = arith.addf %add3A_909, %mul3A_928 : vector<16xf32>
      %add3A_930 = arith.constant 6 : i32
      %add3A_931 = vector.broadcast %add3A_930 : i32 to vector<16xi32>
      %add3A_932 = arith.addi %shift_left3A_803, %add3A_931 : vector<16xi32>
      %gather3A_933 = arith.constant 0 : i32
      %gather3A_934 = arith.constant 0 : i32
      %gather3A_935 = arith.constant 0 : i32
      %gather3A_936 = tpu.memref_slice %arg11[%gather3A_933, %gather3A_934, %gather3A_935] : memref<2x128x128xf32, #tpu.memory_space<vmem>> -> memref<1x128x128xf32, #tpu.memory_space<vmem>>
      %gather3A_937 = tpu.memref_squeeze %gather3A_936 : memref<1x128x128xf32, #tpu.memory_space<vmem>> -> memref<128x128xf32, #tpu.memory_space<vmem>>
      %gather3A_938 = tpu.vector_load_idx %gather3A_937[%add3A_791, %add3A_932] : memref<128x128xf32, #tpu.memory_space<vmem>>[vector<16xi32>, vector<16xi32>], vector<16xf32>,
      %add3A_939 = arith.constant 6 : i32
      %add3A_940 = vector.broadcast %add3A_939 : i32 to vector<16xi32>
      %add3A_941 = arith.addi %shift_left3A_809, %add3A_940 : vector<16xi32>
      %gather3A_942 = arith.constant 0 : i32
      %gather3A_943 = arith.constant 0 : i32
      %gather3A_944 = arith.constant 0 : i32
      %gather3A_945 = tpu.memref_slice %arg12[%gather3A_942, %gather3A_943, %gather3A_944] : memref<2x128x128xf32, #tpu.memory_space<vmem>> -> memref<1x128x128xf32, #tpu.memory_space<vmem>>
      %gather3A_946 = tpu.memref_squeeze %gather3A_945 : memref<1x128x128xf32, #tpu.memory_space<vmem>> -> memref<128x128xf32, #tpu.memory_space<vmem>>
      %gather3A_947 = tpu.vector_load_idx %gather3A_946[%add3A_791, %add3A_941] : memref<128x128xf32, #tpu.memory_space<vmem>>[vector<16xi32>, vector<16xi32>], vector<16xf32>,
      %mul3A_948 = arith.mulf %gather3A_938, %gather3A_947 : vector<16xf32>
      %add3A_949 = arith.addf %add3A_929, %mul3A_948 : vector<16xf32>
      %add3A_950 = arith.constant 7 : i32
      %add3A_951 = vector.broadcast %add3A_950 : i32 to vector<16xi32>
      %add3A_952 = arith.addi %shift_left3A_803, %add3A_951 : vector<16xi32>
      %gather3A_953 = arith.constant 0 : i32
      %gather3A_954 = arith.constant 0 : i32
      %gather3A_955 = arith.constant 0 : i32
      %gather3A_956 = tpu.memref_slice %arg11[%gather3A_953, %gather3A_954, %gather3A_955] : memref<2x128x128xf32, #tpu.memory_space<vmem>> -> memref<1x128x128xf32, #tpu.memory_space<vmem>>
      %gather3A_957 = tpu.memref_squeeze %gather3A_956 : memref<1x128x128xf32, #tpu.memory_space<vmem>> -> memref<128x128xf32, #tpu.memory_space<vmem>>
      %gather3A_958 = tpu.vector_load_idx %gather3A_957[%add3A_791, %add3A_952] : memref<128x128xf32, #tpu.memory_space<vmem>>[vector<16xi32>, vector<16xi32>], vector<16xf32>,
      %add3A_959 = arith.constant 7 : i32
      %add3A_960 = vector.broadcast %add3A_959 : i32 to vector<16xi32>
      %add3A_961 = arith.addi %shift_left3A_809, %add3A_960 : vector<16xi32>
      %gather3A_962 = arith.constant 0 : i32
      %gather3A_963 = arith.constant 0 : i32
      %gather3A_964 = arith.constant 0 : i32
      %gather3A_965 = tpu.memref_slice %arg12[%gather3A_962, %gather3A_963, %gather3A_964] : memref<2x128x128xf32, #tpu.memory_space<vmem>> -> memref<1x128x128xf32, #tpu.memory_space<vmem>>
      %gather3A_966 = tpu.memref_squeeze %gather3A_965 : memref<1x128x128xf32, #tpu.memory_space<vmem>> -> memref<128x128xf32, #tpu.memory_space<vmem>>
      %gather3A_967 = tpu.vector_load_idx %gather3A_966[%add3A_791, %add3A_961] : memref<128x128xf32, #tpu.memory_space<vmem>>[vector<16xi32>, vector<16xi32>], vector<16xf32>,
      %mul3A_968 = arith.mulf %gather3A_958, %gather3A_967 : vector<16xf32>
      %add3A_969 = arith.addf %add3A_949, %mul3A_968 : vector<16xf32>
      %add3A_970 = arith.constant 8 : i32
      %add3A_971 = vector.broadcast %add3A_970 : i32 to vector<16xi32>
      %add3A_972 = arith.addi %shift_left3A_803, %add3A_971 : vector<16xi32>
      %gather3A_973 = arith.constant 0 : i32
      %gather3A_974 = arith.constant 0 : i32
      %gather3A_975 = arith.constant 0 : i32
      %gather3A_976 = tpu.memref_slice %arg11[%gather3A_973, %gather3A_974, %gather3A_975] : memref<2x128x128xf32, #tpu.memory_space<vmem>> -> memref<1x128x128xf32, #tpu.memory_space<vmem>>
      %gather3A_977 = tpu.memref_squeeze %gather3A_976 : memref<1x128x128xf32, #tpu.memory_space<vmem>> -> memref<128x128xf32, #tpu.memory_space<vmem>>
      %gather3A_978 = tpu.vector_load_idx %gather3A_977[%add3A_791, %add3A_972] : memref<128x128xf32, #tpu.memory_space<vmem>>[vector<16xi32>, vector<16xi32>], vector<16xf32>,
      %add3A_979 = arith.constant 8 : i32
      %add3A_980 = vector.broadcast %add3A_979 : i32 to vector<16xi32>
      %add3A_981 = arith.addi %shift_left3A_809, %add3A_980 : vector<16xi32>
      %gather3A_982 = arith.constant 0 : i32
      %gather3A_983 = arith.constant 0 : i32
      %gather3A_984 = arith.constant 0 : i32
      %gather3A_985 = tpu.memref_slice %arg12[%gather3A_982, %gather3A_983, %gather3A_984] : memref<2x128x128xf32, #tpu.memory_space<vmem>> -> memref<1x128x128xf32, #tpu.memory_space<vmem>>
      %gather3A_986 = tpu.memref_squeeze %gather3A_985 : memref<1x128x128xf32, #tpu.memory_space<vmem>> -> memref<128x128xf32, #tpu.memory_space<vmem>>
      %gather3A_987 = tpu.vector_load_idx %gather3A_986[%add3A_791, %add3A_981] : memref<128x128xf32, #tpu.memory_space<vmem>>[vector<16xi32>, vector<16xi32>], vector<16xf32>,
      %mul3A_988 = arith.mulf %gather3A_978, %gather3A_987 : vector<16xf32>
      %add3A_989 = arith.addf %add3A_969, %mul3A_988 : vector<16xf32>
      %add3A_990 = arith.constant 9 : i32
      %add3A_991 = vector.broadcast %add3A_990 : i32 to vector<16xi32>
      %add3A_992 = arith.addi %shift_left3A_803, %add3A_991 : vector<16xi32>
      %gather3A_993 = arith.constant 0 : i32
      %gather3A_994 = arith.constant 0 : i32
      %gather3A_995 = arith.constant 0 : i32
      %gather3A_996 = tpu.memref_slice %arg11[%gather3A_993, %gather3A_994, %gather3A_995] : memref<2x128x128xf32, #tpu.memory_space<vmem>> -> memref<1x128x128xf32, #tpu.memory_space<vmem>>
      %gather3A_997 = tpu.memref_squeeze %gather3A_996 : memref<1x128x128xf32, #tpu.memory_space<vmem>> -> memref<128x128xf32, #tpu.memory_space<vmem>>
      %gather3A_998 = tpu.vector_load_idx %gather3A_997[%add3A_791, %add3A_992] : memref<128x128xf32, #tpu.memory_space<vmem>>[vector<16xi32>, vector<16xi32>], vector<16xf32>,
      %add3A_999 = arith.constant 9 : i32
      %add3A_1000 = vector.broadcast %add3A_999 : i32 to vector<16xi32>
      %add3A_1001 = arith.addi %shift_left3A_809, %add3A_1000 : vector<16xi32>
      %gather3A_1002 = arith.constant 0 : i32
      %gather3A_1003 = arith.constant 0 : i32
      %gather3A_1004 = arith.constant 0 : i32
      %gather3A_1005 = tpu.memref_slice %arg12[%gather3A_1002, %gather3A_1003, %gather3A_1004] : memref<2x128x128xf32, #tpu.memory_space<vmem>> -> memref<1x128x128xf32, #tpu.memory_space<vmem>>
      %gather3A_1006 = tpu.memref_squeeze %gather3A_1005 : memref<1x128x128xf32, #tpu.memory_space<vmem>> -> memref<128x128xf32, #tpu.memory_space<vmem>>
      %gather3A_1007 = tpu.vector_load_idx %gather3A_1006[%add3A_791, %add3A_1001] : memref<128x128xf32, #tpu.memory_space<vmem>>[vector<16xi32>, vector<16xi32>], vector<16xf32>,
      %mul3A_1008 = arith.mulf %gather3A_998, %gather3A_1007 : vector<16xf32>
      %add3A_1009 = arith.addf %add3A_989, %mul3A_1008 : vector<16xf32>
      %add3A_1010 = arith.constant 10 : i32
      %add3A_1011 = vector.broadcast %add3A_1010 : i32 to vector<16xi32>
      %add3A_1012 = arith.addi %shift_left3A_803, %add3A_1011 : vector<16xi32>
      %gather3A_1013 = arith.constant 0 : i32
      %gather3A_1014 = arith.constant 0 : i32
      %gather3A_1015 = arith.constant 0 : i32
      %gather3A_1016 = tpu.memref_slice %arg11[%gather3A_1013, %gather3A_1014, %gather3A_1015] : memref<2x128x128xf32, #tpu.memory_space<vmem>> -> memref<1x128x128xf32, #tpu.memory_space<vmem>>
      %gather3A_1017 = tpu.memref_squeeze %gather3A_1016 : memref<1x128x128xf32, #tpu.memory_space<vmem>> -> memref<128x128xf32, #tpu.memory_space<vmem>>
      %gather3A_1018 = tpu.vector_load_idx %gather3A_1017[%add3A_791, %add3A_1012] : memref<128x128xf32, #tpu.memory_space<vmem>>[vector<16xi32>, vector<16xi32>], vector<16xf32>,
      %add3A_1019 = arith.constant 10 : i32
      %add3A_1020 = vector.broadcast %add3A_1019 : i32 to vector<16xi32>
      %add3A_1021 = arith.addi %shift_left3A_809, %add3A_1020 : vector<16xi32>
      %gather3A_1022 = arith.constant 0 : i32
      %gather3A_1023 = arith.constant 0 : i32
      %gather3A_1024 = arith.constant 0 : i32
      %gather3A_1025 = tpu.memref_slice %arg12[%gather3A_1022, %gather3A_1023, %gather3A_1024] : memref<2x128x128xf32, #tpu.memory_space<vmem>> -> memref<1x128x128xf32, #tpu.memory_space<vmem>>
      %gather3A_1026 = tpu.memref_squeeze %gather3A_1025 : memref<1x128x128xf32, #tpu.memory_space<vmem>> -> memref<128x128xf32, #tpu.memory_space<vmem>>
      %gather3A_1027 = tpu.vector_load_idx %gather3A_1026[%add3A_791, %add3A_1021] : memref<128x128xf32, #tpu.memory_space<vmem>>[vector<16xi32>, vector<16xi32>], vector<16xf32>,
      %mul3A_1028 = arith.mulf %gather3A_1018, %gather3A_1027 : vector<16xf32>
      %add3A_1029 = arith.addf %add3A_1009, %mul3A_1028 : vector<16xf32>
      %add3A_1030 = arith.constant 11 : i32
      %add3A_1031 = vector.broadcast %add3A_1030 : i32 to vector<16xi32>
      %add3A_1032 = arith.addi %shift_left3A_803, %add3A_1031 : vector<16xi32>
      %gather3A_1033 = arith.constant 0 : i32
      %gather3A_1034 = arith.constant 0 : i32
      %gather3A_1035 = arith.constant 0 : i32
      %gather3A_1036 = tpu.memref_slice %arg11[%gather3A_1033, %gather3A_1034, %gather3A_1035] : memref<2x128x128xf32, #tpu.memory_space<vmem>> -> memref<1x128x128xf32, #tpu.memory_space<vmem>>
      %gather3A_1037 = tpu.memref_squeeze %gather3A_1036 : memref<1x128x128xf32, #tpu.memory_space<vmem>> -> memref<128x128xf32, #tpu.memory_space<vmem>>
      %gather3A_1038 = tpu.vector_load_idx %gather3A_1037[%add3A_791, %add3A_1032] : memref<128x128xf32, #tpu.memory_space<vmem>>[vector<16xi32>, vector<16xi32>], vector<16xf32>,
      %add3A_1039 = arith.constant 11 : i32
      %add3A_1040 = vector.broadcast %add3A_1039 : i32 to vector<16xi32>
      %add3A_1041 = arith.addi %shift_left3A_809, %add3A_1040 : vector<16xi32>
      %gather3A_1042 = arith.constant 0 : i32
      %gather3A_1043 = arith.constant 0 : i32
      %gather3A_1044 = arith.constant 0 : i32
      %gather3A_1045 = tpu.memref_slice %arg12[%gather3A_1042, %gather3A_1043, %gather3A_1044] : memref<2x128x128xf32, #tpu.memory_space<vmem>> -> memref<1x128x128xf32, #tpu.memory_space<vmem>>
      %gather3A_1046 = tpu.memref_squeeze %gather3A_1045 : memref<1x128x128xf32, #tpu.memory_space<vmem>> -> memref<128x128xf32, #tpu.memory_space<vmem>>
      %gather3A_1047 = tpu.vector_load_idx %gather3A_1046[%add3A_791, %add3A_1041] : memref<128x128xf32, #tpu.memory_space<vmem>>[vector<16xi32>, vector<16xi32>], vector<16xf32>,
      %mul3A_1048 = arith.mulf %gather3A_1038, %gather3A_1047 : vector<16xf32>
      %add3A_1049 = arith.addf %add3A_1029, %mul3A_1048 : vector<16xf32>
      %add3A_1050 = arith.constant 12 : i32
      %add3A_1051 = vector.broadcast %add3A_1050 : i32 to vector<16xi32>
      %add3A_1052 = arith.addi %shift_left3A_803, %add3A_1051 : vector<16xi32>
      %gather3A_1053 = arith.constant 0 : i32
      %gather3A_1054 = arith.constant 0 : i32
      %gather3A_1055 = arith.constant 0 : i32
      %gather3A_1056 = tpu.memref_slice %arg11[%gather3A_1053, %gather3A_1054, %gather3A_1055] : memref<2x128x128xf32, #tpu.memory_space<vmem>> -> memref<1x128x128xf32, #tpu.memory_space<vmem>>
      %gather3A_1057 = tpu.memref_squeeze %gather3A_1056 : memref<1x128x128xf32, #tpu.memory_space<vmem>> -> memref<128x128xf32, #tpu.memory_space<vmem>>
      %gather3A_1058 = tpu.vector_load_idx %gather3A_1057[%add3A_791, %add3A_1052] : memref<128x128xf32, #tpu.memory_space<vmem>>[vector<16xi32>, vector<16xi32>], vector<16xf32>,
      %add3A_1059 = arith.constant 12 : i32
      %add3A_1060 = vector.broadcast %add3A_1059 : i32 to vector<16xi32>
      %add3A_1061 = arith.addi %shift_left3A_809, %add3A_1060 : vector<16xi32>
      %gather3A_1062 = arith.constant 0 : i32
      %gather3A_1063 = arith.constant 0 : i32
      %gather3A_1064 = arith.constant 0 : i32
      %gather3A_1065 = tpu.memref_slice %arg12[%gather3A_1062, %gather3A_1063, %gather3A_1064] : memref<2x128x128xf32, #tpu.memory_space<vmem>> -> memref<1x128x128xf32, #tpu.memory_space<vmem>>
      %gather3A_1066 = tpu.memref_squeeze %gather3A_1065 : memref<1x128x128xf32, #tpu.memory_space<vmem>> -> memref<128x128xf32, #tpu.memory_space<vmem>>
      %gather3A_1067 = tpu.vector_load_idx %gather3A_1066[%add3A_791, %add3A_1061] : memref<128x128xf32, #tpu.memory_space<vmem>>[vector<16xi32>, vector<16xi32>], vector<16xf32>,
      %mul3A_1068 = arith.mulf %gather3A_1058, %gather3A_1067 : vector<16xf32>
      %add3A_1069 = arith.addf %add3A_1049, %mul3A_1068 : vector<16xf32>
      %add3A_1070 = arith.constant 13 : i32
      %add3A_1071 = vector.broadcast %add3A_1070 : i32 to vector<16xi32>
      %add3A_1072 = arith.addi %shift_left3A_803, %add3A_1071 : vector<16xi32>
      %gather3A_1073 = arith.constant 0 : i32
      %gather3A_1074 = arith.constant 0 : i32
      %gather3A_1075 = arith.constant 0 : i32
      %gather3A_1076 = tpu.memref_slice %arg11[%gather3A_1073, %gather3A_1074, %gather3A_1075] : memref<2x128x128xf32, #tpu.memory_space<vmem>> -> memref<1x128x128xf32, #tpu.memory_space<vmem>>
      %gather3A_1077 = tpu.memref_squeeze %gather3A_1076 : memref<1x128x128xf32, #tpu.memory_space<vmem>> -> memref<128x128xf32, #tpu.memory_space<vmem>>
      %gather3A_1078 = tpu.vector_load_idx %gather3A_1077[%add3A_791, %add3A_1072] : memref<128x128xf32, #tpu.memory_space<vmem>>[vector<16xi32>, vector<16xi32>], vector<16xf32>,
      %add3A_1079 = arith.constant 13 : i32
      %add3A_1080 = vector.broadcast %add3A_1079 : i32 to vector<16xi32>
      %add3A_1081 = arith.addi %shift_left3A_809, %add3A_1080 : vector<16xi32>
      %gather3A_1082 = arith.constant 0 : i32
      %gather3A_1083 = arith.constant 0 : i32
      %gather3A_1084 = arith.constant 0 : i32
      %gather3A_1085 = tpu.memref_slice %arg12[%gather3A_1082, %gather3A_1083, %gather3A_1084] : memref<2x128x128xf32, #tpu.memory_space<vmem>> -> memref<1x128x128xf32, #tpu.memory_space<vmem>>
      %gather3A_1086 = tpu.memref_squeeze %gather3A_1085 : memref<1x128x128xf32, #tpu.memory_space<vmem>> -> memref<128x128xf32, #tpu.memory_space<vmem>>
      %gather3A_1087 = tpu.vector_load_idx %gather3A_1086[%add3A_791, %add3A_1081] : memref<128x128xf32, #tpu.memory_space<vmem>>[vector<16xi32>, vector<16xi32>], vector<16xf32>,
      %mul3A_1088 = arith.mulf %gather3A_1078, %gather3A_1087 : vector<16xf32>
      %add3A_1089 = arith.addf %add3A_1069, %mul3A_1088 : vector<16xf32>
      %add3A_1090 = arith.constant 14 : i32
      %add3A_1091 = vector.broadcast %add3A_1090 : i32 to vector<16xi32>
      %add3A_1092 = arith.addi %shift_left3A_803, %add3A_1091 : vector<16xi32>
      %gather3A_1093 = arith.constant 0 : i32
      %gather3A_1094 = arith.constant 0 : i32
      %gather3A_1095 = arith.constant 0 : i32
      %gather3A_1096 = tpu.memref_slice %arg11[%gather3A_1093, %gather3A_1094, %gather3A_1095] : memref<2x128x128xf32, #tpu.memory_space<vmem>> -> memref<1x128x128xf32, #tpu.memory_space<vmem>>
      %gather3A_1097 = tpu.memref_squeeze %gather3A_1096 : memref<1x128x128xf32, #tpu.memory_space<vmem>> -> memref<128x128xf32, #tpu.memory_space<vmem>>
      %gather3A_1098 = tpu.vector_load_idx %gather3A_1097[%add3A_791, %add3A_1092] : memref<128x128xf32, #tpu.memory_space<vmem>>[vector<16xi32>, vector<16xi32>], vector<16xf32>,
      %add3A_1099 = arith.constant 14 : i32
      %add3A_1100 = vector.broadcast %add3A_1099 : i32 to vector<16xi32>
      %add3A_1101 = arith.addi %shift_left3A_809, %add3A_1100 : vector<16xi32>
      %gather3A_1102 = arith.constant 0 : i32
      %gather3A_1103 = arith.constant 0 : i32
      %gather3A_1104 = arith.constant 0 : i32
      %gather3A_1105 = tpu.memref_slice %arg12[%gather3A_1102, %gather3A_1103, %gather3A_1104] : memref<2x128x128xf32, #tpu.memory_space<vmem>> -> memref<1x128x128xf32, #tpu.memory_space<vmem>>
      %gather3A_1106 = tpu.memref_squeeze %gather3A_1105 : memref<1x128x128xf32, #tpu.memory_space<vmem>> -> memref<128x128xf32, #tpu.memory_space<vmem>>
      %gather3A_1107 = tpu.vector_load_idx %gather3A_1106[%add3A_791, %add3A_1101] : memref<128x128xf32, #tpu.memory_space<vmem>>[vector<16xi32>, vector<16xi32>], vector<16xf32>,
      %mul3A_1108 = arith.mulf %gather3A_1098, %gather3A_1107 : vector<16xf32>
      %add3A_1109 = arith.addf %add3A_1089, %mul3A_1108 : vector<16xf32>
      %add3A_1110 = arith.constant 15 : i32
      %add3A_1111 = vector.broadcast %add3A_1110 : i32 to vector<16xi32>
      %add3A_1112 = arith.addi %shift_left3A_803, %add3A_1111 : vector<16xi32>
      %gather3A_1113 = arith.constant 0 : i32
      %gather3A_1114 = arith.constant 0 : i32
      %gather3A_1115 = arith.constant 0 : i32
      %gather3A_1116 = tpu.memref_slice %arg11[%gather3A_1113, %gather3A_1114, %gather3A_1115] : memref<2x128x128xf32, #tpu.memory_space<vmem>> -> memref<1x128x128xf32, #tpu.memory_space<vmem>>
      %gather3A_1117 = tpu.memref_squeeze %gather3A_1116 : memref<1x128x128xf32, #tpu.memory_space<vmem>> -> memref<128x128xf32, #tpu.memory_space<vmem>>
      %gather3A_1118 = tpu.vector_load_idx %gather3A_1117[%add3A_791, %add3A_1112] : memref<128x128xf32, #tpu.memory_space<vmem>>[vector<16xi32>, vector<16xi32>], vector<16xf32>,
      %add3A_1119 = arith.constant 15 : i32
      %add3A_1120 = vector.broadcast %add3A_1119 : i32 to vector<16xi32>
      %add3A_1121 = arith.addi %shift_left3A_809, %add3A_1120 : vector<16xi32>
      %gather3A_1122 = arith.constant 0 : i32
      %gather3A_1123 = arith.constant 0 : i32
      %gather3A_1124 = arith.constant 0 : i32
      %gather3A_1125 = tpu.memref_slice %arg12[%gather3A_1122, %gather3A_1123, %gather3A_1124] : memref<2x128x128xf32, #tpu.memory_space<vmem>> -> memref<1x128x128xf32, #tpu.memory_space<vmem>>
      %gather3A_1126 = tpu.memref_squeeze %gather3A_1125 : memref<1x128x128xf32, #tpu.memory_space<vmem>> -> memref<128x128xf32, #tpu.memory_space<vmem>>
      %gather3A_1127 = tpu.vector_load_idx %gather3A_1126[%add3A_791, %add3A_1121] : memref<128x128xf32, #tpu.memory_space<vmem>>[vector<16xi32>, vector<16xi32>], vector<16xf32>,
      %mul3A_1128 = arith.mulf %gather3A_1118, %gather3A_1127 : vector<16xf32>
      %add3A_1129 = arith.addf %add3A_1109, %mul3A_1128 : vector<16xf32>
      %add3A_1130 = arith.constant 16 : i32
      %add3A_1131 = vector.broadcast %add3A_1130 : i32 to vector<16xi32>
      %add3A_1132 = arith.addi %shift_left3A_803, %add3A_1131 : vector<16xi32>
      %gather3A_1133 = arith.constant 0 : i32
      %gather3A_1134 = arith.constant 0 : i32
      %gather3A_1135 = arith.constant 0 : i32
      %gather3A_1136 = tpu.memref_slice %arg11[%gather3A_1133, %gather3A_1134, %gather3A_1135] : memref<2x128x128xf32, #tpu.memory_space<vmem>> -> memref<1x128x128xf32, #tpu.memory_space<vmem>>
      %gather3A_1137 = tpu.memref_squeeze %gather3A_1136 : memref<1x128x128xf32, #tpu.memory_space<vmem>> -> memref<128x128xf32, #tpu.memory_space<vmem>>
      %gather3A_1138 = tpu.vector_load_idx %gather3A_1137[%add3A_791, %add3A_1132] : memref<128x128xf32, #tpu.memory_space<vmem>>[vector<16xi32>, vector<16xi32>], vector<16xf32>,
      %add3A_1139 = arith.constant 16 : i32
      %add3A_1140 = vector.broadcast %add3A_1139 : i32 to vector<16xi32>
      %add3A_1141 = arith.addi %shift_left3A_809, %add3A_1140 : vector<16xi32>
      %gather3A_1142 = arith.constant 0 : i32
      %gather3A_1143 = arith.constant 0 : i32
      %gather3A_1144 = arith.constant 0 : i32
      %gather3A_1145 = tpu.memref_slice %arg12[%gather3A_1142, %gather3A_1143, %gather3A_1144] : memref<2x128x128xf32, #tpu.memory_space<vmem>> -> memref<1x128x128xf32, #tpu.memory_space<vmem>>
      %gather3A_1146 = tpu.memref_squeeze %gather3A_1145 : memref<1x128x128xf32, #tpu.memory_space<vmem>> -> memref<128x128xf32, #tpu.memory_space<vmem>>
      %gather3A_1147 = tpu.vector_load_idx %gather3A_1146[%add3A_791, %add3A_1141] : memref<128x128xf32, #tpu.memory_space<vmem>>[vector<16xi32>, vector<16xi32>], vector<16xf32>,
      %mul3A_1148 = arith.mulf %gather3A_1138, %gather3A_1147 : vector<16xf32>
      %add3A_1149 = arith.addf %add3A_1129, %mul3A_1148 : vector<16xf32>
      %add3A_1150 = arith.constant 17 : i32
      %add3A_1151 = vector.broadcast %add3A_1150 : i32 to vector<16xi32>
      %add3A_1152 = arith.addi %shift_left3A_803, %add3A_1151 : vector<16xi32>
      %gather3A_1153 = arith.constant 0 : i32
      %gather3A_1154 = arith.constant 0 : i32
      %gather3A_1155 = arith.constant 0 : i32
      %gather3A_1156 = tpu.memref_slice %arg11[%gather3A_1153, %gather3A_1154, %gather3A_1155] : memref<2x128x128xf32, #tpu.memory_space<vmem>> -> memref<1x128x128xf32, #tpu.memory_space<vmem>>
      %gather3A_1157 = tpu.memref_squeeze %gather3A_1156 : memref<1x128x128xf32, #tpu.memory_space<vmem>> -> memref<128x128xf32, #tpu.memory_space<vmem>>
      %gather3A_1158 = tpu.vector_load_idx %gather3A_1157[%add3A_791, %add3A_1152] : memref<128x128xf32, #tpu.memory_space<vmem>>[vector<16xi32>, vector<16xi32>], vector<16xf32>,
      %add3A_1159 = arith.constant 17 : i32
      %add3A_1160 = vector.broadcast %add3A_1159 : i32 to vector<16xi32>
      %add3A_1161 = arith.addi %shift_left3A_809, %add3A_1160 : vector<16xi32>
      %gather3A_1162 = arith.constant 0 : i32
      %gather3A_1163 = arith.constant 0 : i32
      %gather3A_1164 = arith.constant 0 : i32
      %gather3A_1165 = tpu.memref_slice %arg12[%gather3A_1162, %gather3A_1163, %gather3A_1164] : memref<2x128x128xf32, #tpu.memory_space<vmem>> -> memref<1x128x128xf32, #tpu.memory_space<vmem>>
      %gather3A_1166 = tpu.memref_squeeze %gather3A_1165 : memref<1x128x128xf32, #tpu.memory_space<vmem>> -> memref<128x128xf32, #tpu.memory_space<vmem>>
      %gather3A_1167 = tpu.vector_load_idx %gather3A_1166[%add3A_791, %add3A_1161] : memref<128x128xf32, #tpu.memory_space<vmem>>[vector<16xi32>, vector<16xi32>], vector<16xf32>,
      %mul3A_1168 = arith.mulf %gather3A_1158, %gather3A_1167 : vector<16xf32>
      %add3A_1169 = arith.addf %add3A_1149, %mul3A_1168 : vector<16xf32>
      %add3A_1170 = arith.constant 18 : i32
      %add3A_1171 = vector.broadcast %add3A_1170 : i32 to vector<16xi32>
      %add3A_1172 = arith.addi %shift_left3A_803, %add3A_1171 : vector<16xi32>
      %gather3A_1173 = arith.constant 0 : i32
      %gather3A_1174 = arith.constant 0 : i32
      %gather3A_1175 = arith.constant 0 : i32
      %gather3A_1176 = tpu.memref_slice %arg11[%gather3A_1173, %gather3A_1174, %gather3A_1175] : memref<2x128x128xf32, #tpu.memory_space<vmem>> -> memref<1x128x128xf32, #tpu.memory_space<vmem>>
      %gather3A_1177 = tpu.memref_squeeze %gather3A_1176 : memref<1x128x128xf32, #tpu.memory_space<vmem>> -> memref<128x128xf32, #tpu.memory_space<vmem>>
      %gather3A_1178 = tpu.vector_load_idx %gather3A_1177[%add3A_791, %add3A_1172] : memref<128x128xf32, #tpu.memory_space<vmem>>[vector<16xi32>, vector<16xi32>], vector<16xf32>,
      %add3A_1179 = arith.constant 18 : i32
      %add3A_1180 = vector.broadcast %add3A_1179 : i32 to vector<16xi32>
      %add3A_1181 = arith.addi %shift_left3A_809, %add3A_1180 : vector<16xi32>
      %gather3A_1182 = arith.constant 0 : i32
      %gather3A_1183 = arith.constant 0 : i32
      %gather3A_1184 = arith.constant 0 : i32
      %gather3A_1185 = tpu.memref_slice %arg12[%gather3A_1182, %gather3A_1183, %gather3A_1184] : memref<2x128x128xf32, #tpu.memory_space<vmem>> -> memref<1x128x128xf32, #tpu.memory_space<vmem>>
      %gather3A_1186 = tpu.memref_squeeze %gather3A_1185 : memref<1x128x128xf32, #tpu.memory_space<vmem>> -> memref<128x128xf32, #tpu.memory_space<vmem>>
      %gather3A_1187 = tpu.vector_load_idx %gather3A_1186[%add3A_791, %add3A_1181] : memref<128x128xf32, #tpu.memory_space<vmem>>[vector<16xi32>, vector<16xi32>], vector<16xf32>,
      %mul3A_1188 = arith.mulf %gather3A_1178, %gather3A_1187 : vector<16xf32>
      %add3A_1189 = arith.addf %add3A_1169, %mul3A_1188 : vector<16xf32>
      %add3A_1190 = arith.constant 19 : i32
      %add3A_1191 = vector.broadcast %add3A_1190 : i32 to vector<16xi32>
      %add3A_1192 = arith.addi %shift_left3A_803, %add3A_1191 : vector<16xi32>
      %gather3A_1193 = arith.constant 0 : i32
      %gather3A_1194 = arith.constant 0 : i32
      %gather3A_1195 = arith.constant 0 : i32
      %gather3A_1196 = tpu.memref_slice %arg11[%gather3A_1193, %gather3A_1194, %gather3A_1195] : memref<2x128x128xf32, #tpu.memory_space<vmem>> -> memref<1x128x128xf32, #tpu.memory_space<vmem>>
      %gather3A_1197 = tpu.memref_squeeze %gather3A_1196 : memref<1x128x128xf32, #tpu.memory_space<vmem>> -> memref<128x128xf32, #tpu.memory_space<vmem>>
      %gather3A_1198 = tpu.vector_load_idx %gather3A_1197[%add3A_791, %add3A_1192] : memref<128x128xf32, #tpu.memory_space<vmem>>[vector<16xi32>, vector<16xi32>], vector<16xf32>,
      %add3A_1199 = arith.constant 19 : i32
      %add3A_1200 = vector.broadcast %add3A_1199 : i32 to vector<16xi32>
      %add3A_1201 = arith.addi %shift_left3A_809, %add3A_1200 : vector<16xi32>
      %gather3A_1202 = arith.constant 0 : i32
      %gather3A_1203 = arith.constant 0 : i32
      %gather3A_1204 = arith.constant 0 : i32
      %gather3A_1205 = tpu.memref_slice %arg12[%gather3A_1202, %gather3A_1203, %gather3A_1204] : memref<2x128x128xf32, #tpu.memory_space<vmem>> -> memref<1x128x128xf32, #tpu.memory_space<vmem>>
      %gather3A_1206 = tpu.memref_squeeze %gather3A_1205 : memref<1x128x128xf32, #tpu.memory_space<vmem>> -> memref<128x128xf32, #tpu.memory_space<vmem>>
      %gather3A_1207 = tpu.vector_load_idx %gather3A_1206[%add3A_791, %add3A_1201] : memref<128x128xf32, #tpu.memory_space<vmem>>[vector<16xi32>, vector<16xi32>], vector<16xf32>,
      %mul3A_1208 = arith.mulf %gather3A_1198, %gather3A_1207 : vector<16xf32>
      %add3A_1209 = arith.addf %add3A_1189, %mul3A_1208 : vector<16xf32>
      %add3A_1210 = arith.constant 20 : i32
      %add3A_1211 = vector.broadcast %add3A_1210 : i32 to vector<16xi32>
      %add3A_1212 = arith.addi %shift_left3A_803, %add3A_1211 : vector<16xi32>
      %gather3A_1213 = arith.constant 0 : i32
      %gather3A_1214 = arith.constant 0 : i32
      %gather3A_1215 = arith.constant 0 : i32
      %gather3A_1216 = tpu.memref_slice %arg11[%gather3A_1213, %gather3A_1214, %gather3A_1215] : memref<2x128x128xf32, #tpu.memory_space<vmem>> -> memref<1x128x128xf32, #tpu.memory_space<vmem>>
      %gather3A_1217 = tpu.memref_squeeze %gather3A_1216 : memref<1x128x128xf32, #tpu.memory_space<vmem>> -> memref<128x128xf32, #tpu.memory_space<vmem>>
      %gather3A_1218 = tpu.vector_load_idx %gather3A_1217[%add3A_791, %add3A_1212] : memref<128x128xf32, #tpu.memory_space<vmem>>[vector<16xi32>, vector<16xi32>], vector<16xf32>,
      %add3A_1219 = arith.constant 20 : i32
      %add3A_1220 = vector.broadcast %add3A_1219 : i32 to vector<16xi32>
      %add3A_1221 = arith.addi %shift_left3A_809, %add3A_1220 : vector<16xi32>
      %gather3A_1222 = arith.constant 0 : i32
      %gather3A_1223 = arith.constant 0 : i32
      %gather3A_1224 = arith.constant 0 : i32
      %gather3A_1225 = tpu.memref_slice %arg12[%gather3A_1222, %gather3A_1223, %gather3A_1224] : memref<2x128x128xf32, #tpu.memory_space<vmem>> -> memref<1x128x128xf32, #tpu.memory_space<vmem>>
      %gather3A_1226 = tpu.memref_squeeze %gather3A_1225 : memref<1x128x128xf32, #tpu.memory_space<vmem>> -> memref<128x128xf32, #tpu.memory_space<vmem>>
      %gather3A_1227 = tpu.vector_load_idx %gather3A_1226[%add3A_791, %add3A_1221] : memref<128x128xf32, #tpu.memory_space<vmem>>[vector<16xi32>, vector<16xi32>], vector<16xf32>,
      %mul3A_1228 = arith.mulf %gather3A_1218, %gather3A_1227 : vector<16xf32>
      %add3A_1229 = arith.addf %add3A_1209, %mul3A_1228 : vector<16xf32>
      %add3A_1230 = arith.constant 21 : i32
      %add3A_1231 = vector.broadcast %add3A_1230 : i32 to vector<16xi32>
      %add3A_1232 = arith.addi %shift_left3A_803, %add3A_1231 : vector<16xi32>
      %gather3A_1233 = arith.constant 0 : i32
      %gather3A_1234 = arith.constant 0 : i32
      %gather3A_1235 = arith.constant 0 : i32
      %gather3A_1236 = tpu.memref_slice %arg11[%gather3A_1233, %gather3A_1234, %gather3A_1235] : memref<2x128x128xf32, #tpu.memory_space<vmem>> -> memref<1x128x128xf32, #tpu.memory_space<vmem>>
      %gather3A_1237 = tpu.memref_squeeze %gather3A_1236 : memref<1x128x128xf32, #tpu.memory_space<vmem>> -> memref<128x128xf32, #tpu.memory_space<vmem>>
      %gather3A_1238 = tpu.vector_load_idx %gather3A_1237[%add3A_791, %add3A_1232] : memref<128x128xf32, #tpu.memory_space<vmem>>[vector<16xi32>, vector<16xi32>], vector<16xf32>,
      %add3A_1239 = arith.constant 21 : i32
      %add3A_1240 = vector.broadcast %add3A_1239 : i32 to vector<16xi32>
      %add3A_1241 = arith.addi %shift_left3A_809, %add3A_1240 : vector<16xi32>
      %gather3A_1242 = arith.constant 0 : i32
      %gather3A_1243 = arith.constant 0 : i32
      %gather3A_1244 = arith.constant 0 : i32
      %gather3A_1245 = tpu.memref_slice %arg12[%gather3A_1242, %gather3A_1243, %gather3A_1244] : memref<2x128x128xf32, #tpu.memory_space<vmem>> -> memref<1x128x128xf32, #tpu.memory_space<vmem>>
      %gather3A_1246 = tpu.memref_squeeze %gather3A_1245 : memref<1x128x128xf32, #tpu.memory_space<vmem>> -> memref<128x128xf32, #tpu.memory_space<vmem>>
      %gather3A_1247 = tpu.vector_load_idx %gather3A_1246[%add3A_791, %add3A_1241] : memref<128x128xf32, #tpu.memory_space<vmem>>[vector<16xi32>, vector<16xi32>], vector<16xf32>,
      %mul3A_1248 = arith.mulf %gather3A_1238, %gather3A_1247 : vector<16xf32>
      %add3A_1249 = arith.addf %add3A_1229, %mul3A_1248 : vector<16xf32>
      %add3A_1250 = arith.constant 22 : i32
      %add3A_1251 = vector.broadcast %add3A_1250 : i32 to vector<16xi32>
      %add3A_1252 = arith.addi %shift_left3A_803, %add3A_1251 : vector<16xi32>
      %gather3A_1253 = arith.constant 0 : i32
      %gather3A_1254 = arith.constant 0 : i32
      %gather3A_1255 = arith.constant 0 : i32
      %gather3A_1256 = tpu.memref_slice %arg11[%gather3A_1253, %gather3A_1254, %gather3A_1255] : memref<2x128x128xf32, #tpu.memory_space<vmem>> -> memref<1x128x128xf32, #tpu.memory_space<vmem>>
      %gather3A_1257 = tpu.memref_squeeze %gather3A_1256 : memref<1x128x128xf32, #tpu.memory_space<vmem>> -> memref<128x128xf32, #tpu.memory_space<vmem>>
      %gather3A_1258 = tpu.vector_load_idx %gather3A_1257[%add3A_791, %add3A_1252] : memref<128x128xf32, #tpu.memory_space<vmem>>[vector<16xi32>, vector<16xi32>], vector<16xf32>,
      %add3A_1259 = arith.constant 22 : i32
      %add3A_1260 = vector.broadcast %add3A_1259 : i32 to vector<16xi32>
      %add3A_1261 = arith.addi %shift_left3A_809, %add3A_1260 : vector<16xi32>
      %gather3A_1262 = arith.constant 0 : i32
      %gather3A_1263 = arith.constant 0 : i32
      %gather3A_1264 = arith.constant 0 : i32
      %gather3A_1265 = tpu.memref_slice %arg12[%gather3A_1262, %gather3A_1263, %gather3A_1264] : memref<2x128x128xf32, #tpu.memory_space<vmem>> -> memref<1x128x128xf32, #tpu.memory_space<vmem>>
      %gather3A_1266 = tpu.memref_squeeze %gather3A_1265 : memref<1x128x128xf32, #tpu.memory_space<vmem>> -> memref<128x128xf32, #tpu.memory_space<vmem>>
      %gather3A_1267 = tpu.vector_load_idx %gather3A_1266[%add3A_791, %add3A_1261] : memref<128x128xf32, #tpu.memory_space<vmem>>[vector<16xi32>, vector<16xi32>], vector<16xf32>,
      %mul3A_1268 = arith.mulf %gather3A_1258, %gather3A_1267 : vector<16xf32>
      %add3A_1269 = arith.addf %add3A_1249, %mul3A_1268 : vector<16xf32>
      %add3A_1270 = arith.constant 23 : i32
      %add3A_1271 = vector.broadcast %add3A_1270 : i32 to vector<16xi32>
      %add3A_1272 = arith.addi %shift_left3A_803, %add3A_1271 : vector<16xi32>
      %gather3A_1273 = arith.constant 0 : i32
      %gather3A_1274 = arith.constant 0 : i32
      %gather3A_1275 = arith.constant 0 : i32
      %gather3A_1276 = tpu.memref_slice %arg11[%gather3A_1273, %gather3A_1274, %gather3A_1275] : memref<2x128x128xf32, #tpu.memory_space<vmem>> -> memref<1x128x128xf32, #tpu.memory_space<vmem>>
      %gather3A_1277 = tpu.memref_squeeze %gather3A_1276 : memref<1x128x128xf32, #tpu.memory_space<vmem>> -> memref<128x128xf32, #tpu.memory_space<vmem>>
      %gather3A_1278 = tpu.vector_load_idx %gather3A_1277[%add3A_791, %add3A_1272] : memref<128x128xf32, #tpu.memory_space<vmem>>[vector<16xi32>, vector<16xi32>], vector<16xf32>,
      %add3A_1279 = arith.constant 23 : i32
      %add3A_1280 = vector.broadcast %add3A_1279 : i32 to vector<16xi32>
      %add3A_1281 = arith.addi %shift_left3A_809, %add3A_1280 : vector<16xi32>
      %gather3A_1282 = arith.constant 0 : i32
      %gather3A_1283 = arith.constant 0 : i32
      %gather3A_1284 = arith.constant 0 : i32
      %gather3A_1285 = tpu.memref_slice %arg12[%gather3A_1282, %gather3A_1283, %gather3A_1284] : memref<2x128x128xf32, #tpu.memory_space<vmem>> -> memref<1x128x128xf32, #tpu.memory_space<vmem>>
      %gather3A_1286 = tpu.memref_squeeze %gather3A_1285 : memref<1x128x128xf32, #tpu.memory_space<vmem>> -> memref<128x128xf32, #tpu.memory_space<vmem>>
      %gather3A_1287 = tpu.vector_load_idx %gather3A_1286[%add3A_791, %add3A_1281] : memref<128x128xf32, #tpu.memory_space<vmem>>[vector<16xi32>, vector<16xi32>], vector<16xf32>,
      %mul3A_1288 = arith.mulf %gather3A_1278, %gather3A_1287 : vector<16xf32>
      %add3A_1289 = arith.addf %add3A_1269, %mul3A_1288 : vector<16xf32>
      %add3A_1290 = arith.constant 24 : i32
      %add3A_1291 = vector.broadcast %add3A_1290 : i32 to vector<16xi32>
      %add3A_1292 = arith.addi %shift_left3A_803, %add3A_1291 : vector<16xi32>
      %gather3A_1293 = arith.constant 0 : i32
      %gather3A_1294 = arith.constant 0 : i32
      %gather3A_1295 = arith.constant 0 : i32
      %gather3A_1296 = tpu.memref_slice %arg11[%gather3A_1293, %gather3A_1294, %gather3A_1295] : memref<2x128x128xf32, #tpu.memory_space<vmem>> -> memref<1x128x128xf32, #tpu.memory_space<vmem>>
      %gather3A_1297 = tpu.memref_squeeze %gather3A_1296 : memref<1x128x128xf32, #tpu.memory_space<vmem>> -> memref<128x128xf32, #tpu.memory_space<vmem>>
      %gather3A_1298 = tpu.vector_load_idx %gather3A_1297[%add3A_791, %add3A_1292] : memref<128x128xf32, #tpu.memory_space<vmem>>[vector<16xi32>, vector<16xi32>], vector<16xf32>,
      %add3A_1299 = arith.constant 24 : i32
      %add3A_1300 = vector.broadcast %add3A_1299 : i32 to vector<16xi32>
      %add3A_1301 = arith.addi %shift_left3A_809, %add3A_1300 : vector<16xi32>
      %gather3A_1302 = arith.constant 0 : i32
      %gather3A_1303 = arith.constant 0 : i32
      %gather3A_1304 = arith.constant 0 : i32
      %gather3A_1305 = tpu.memref_slice %arg12[%gather3A_1302, %gather3A_1303, %gather3A_1304] : memref<2x128x128xf32, #tpu.memory_space<vmem>> -> memref<1x128x128xf32, #tpu.memory_space<vmem>>
      %gather3A_1306 = tpu.memref_squeeze %gather3A_1305 : memref<1x128x128xf32, #tpu.memory_space<vmem>> -> memref<128x128xf32, #tpu.memory_space<vmem>>
      %gather3A_1307 = tpu.vector_load_idx %gather3A_1306[%add3A_791, %add3A_1301] : memref<128x128xf32, #tpu.memory_space<vmem>>[vector<16xi32>, vector<16xi32>], vector<16xf32>,
      %mul3A_1308 = arith.mulf %gather3A_1298, %gather3A_1307 : vector<16xf32>
      %add3A_1309 = arith.addf %add3A_1289, %mul3A_1308 : vector<16xf32>
      %add3A_1310 = arith.constant 25 : i32
      %add3A_1311 = vector.broadcast %add3A_1310 : i32 to vector<16xi32>
      %add3A_1312 = arith.addi %shift_left3A_803, %add3A_1311 : vector<16xi32>
      %gather3A_1313 = arith.constant 0 : i32
      %gather3A_1314 = arith.constant 0 : i32
      %gather3A_1315 = arith.constant 0 : i32
      %gather3A_1316 = tpu.memref_slice %arg11[%gather3A_1313, %gather3A_1314, %gather3A_1315] : memref<2x128x128xf32, #tpu.memory_space<vmem>> -> memref<1x128x128xf32, #tpu.memory_space<vmem>>
      %gather3A_1317 = tpu.memref_squeeze %gather3A_1316 : memref<1x128x128xf32, #tpu.memory_space<vmem>> -> memref<128x128xf32, #tpu.memory_space<vmem>>
      %gather3A_1318 = tpu.vector_load_idx %gather3A_1317[%add3A_791, %add3A_1312] : memref<128x128xf32, #tpu.memory_space<vmem>>[vector<16xi32>, vector<16xi32>], vector<16xf32>,
      %add3A_1319 = arith.constant 25 : i32
      %add3A_1320 = vector.broadcast %add3A_1319 : i32 to vector<16xi32>
      %add3A_1321 = arith.addi %shift_left3A_809, %add3A_1320 : vector<16xi32>
      %gather3A_1322 = arith.constant 0 : i32
      %gather3A_1323 = arith.constant 0 : i32
      %gather3A_1324 = arith.constant 0 : i32
      %gather3A_1325 = tpu.memref_slice %arg12[%gather3A_1322, %gather3A_1323, %gather3A_1324] : memref<2x128x128xf32, #tpu.memory_space<vmem>> -> memref<1x128x128xf32, #tpu.memory_space<vmem>>
      %gather3A_1326 = tpu.memref_squeeze %gather3A_1325 : memref<1x128x128xf32, #tpu.memory_space<vmem>> -> memref<128x128xf32, #tpu.memory_space<vmem>>
      %gather3A_1327 = tpu.vector_load_idx %gather3A_1326[%add3A_791, %add3A_1321] : memref<128x128xf32, #tpu.memory_space<vmem>>[vector<16xi32>, vector<16xi32>], vector<16xf32>,
      %mul3A_1328 = arith.mulf %gather3A_1318, %gather3A_1327 : vector<16xf32>
      %add3A_1329 = arith.addf %add3A_1309, %mul3A_1328 : vector<16xf32>
      %add3A_1330 = arith.constant 26 : i32
      %add3A_1331 = vector.broadcast %add3A_1330 : i32 to vector<16xi32>
      %add3A_1332 = arith.addi %shift_left3A_803, %add3A_1331 : vector<16xi32>
      %gather3A_1333 = arith.constant 0 : i32
      %gather3A_1334 = arith.constant 0 : i32
      %gather3A_1335 = arith.constant 0 : i32
      %gather3A_1336 = tpu.memref_slice %arg11[%gather3A_1333, %gather3A_1334, %gather3A_1335] : memref<2x128x128xf32, #tpu.memory_space<vmem>> -> memref<1x128x128xf32, #tpu.memory_space<vmem>>
      %gather3A_1337 = tpu.memref_squeeze %gather3A_1336 : memref<1x128x128xf32, #tpu.memory_space<vmem>> -> memref<128x128xf32, #tpu.memory_space<vmem>>
      %gather3A_1338 = tpu.vector_load_idx %gather3A_1337[%add3A_791, %add3A_1332] : memref<128x128xf32, #tpu.memory_space<vmem>>[vector<16xi32>, vector<16xi32>], vector<16xf32>,
      %add3A_1339 = arith.constant 26 : i32
      %add3A_1340 = vector.broadcast %add3A_1339 : i32 to vector<16xi32>
      %add3A_1341 = arith.addi %shift_left3A_809, %add3A_1340 : vector<16xi32>
      %gather3A_1342 = arith.constant 0 : i32
      %gather3A_1343 = arith.constant 0 : i32
      %gather3A_1344 = arith.constant 0 : i32
      %gather3A_1345 = tpu.memref_slice %arg12[%gather3A_1342, %gather3A_1343, %gather3A_1344] : memref<2x128x128xf32, #tpu.memory_space<vmem>> -> memref<1x128x128xf32, #tpu.memory_space<vmem>>
      %gather3A_1346 = tpu.memref_squeeze %gather3A_1345 : memref<1x128x128xf32, #tpu.memory_space<vmem>> -> memref<128x128xf32, #tpu.memory_space<vmem>>
      %gather3A_1347 = tpu.vector_load_idx %gather3A_1346[%add3A_791, %add3A_1341] : memref<128x128xf32, #tpu.memory_space<vmem>>[vector<16xi32>, vector<16xi32>], vector<16xf32>,
      %mul3A_1348 = arith.mulf %gather3A_1338, %gather3A_1347 : vector<16xf32>
      %add3A_1349 = arith.addf %add3A_1329, %mul3A_1348 : vector<16xf32>
      %add3A_1350 = arith.constant 27 : i32
      %add3A_1351 = vector.broadcast %add3A_1350 : i32 to vector<16xi32>
      %add3A_1352 = arith.addi %shift_left3A_803, %add3A_1351 : vector<16xi32>
      %gather3A_1353 = arith.constant 0 : i32
      %gather3A_1354 = arith.constant 0 : i32
      %gather3A_1355 = arith.constant 0 : i32
      %gather3A_1356 = tpu.memref_slice %arg11[%gather3A_1353, %gather3A_1354, %gather3A_1355] : memref<2x128x128xf32, #tpu.memory_space<vmem>> -> memref<1x128x128xf32, #tpu.memory_space<vmem>>
      %gather3A_1357 = tpu.memref_squeeze %gather3A_1356 : memref<1x128x128xf32, #tpu.memory_space<vmem>> -> memref<128x128xf32, #tpu.memory_space<vmem>>
      %gather3A_1358 = tpu.vector_load_idx %gather3A_1357[%add3A_791, %add3A_1352] : memref<128x128xf32, #tpu.memory_space<vmem>>[vector<16xi32>, vector<16xi32>], vector<16xf32>,
      %add3A_1359 = arith.constant 27 : i32
      %add3A_1360 = vector.broadcast %add3A_1359 : i32 to vector<16xi32>
      %add3A_1361 = arith.addi %shift_left3A_809, %add3A_1360 : vector<16xi32>
      %gather3A_1362 = arith.constant 0 : i32
      %gather3A_1363 = arith.constant 0 : i32
      %gather3A_1364 = arith.constant 0 : i32
      %gather3A_1365 = tpu.memref_slice %arg12[%gather3A_1362, %gather3A_1363, %gather3A_1364] : memref<2x128x128xf32, #tpu.memory_space<vmem>> -> memref<1x128x128xf32, #tpu.memory_space<vmem>>
      %gather3A_1366 = tpu.memref_squeeze %gather3A_1365 : memref<1x128x128xf32, #tpu.memory_space<vmem>> -> memref<128x128xf32, #tpu.memory_space<vmem>>
      %gather3A_1367 = tpu.vector_load_idx %gather3A_1366[%add3A_791, %add3A_1361] : memref<128x128xf32, #tpu.memory_space<vmem>>[vector<16xi32>, vector<16xi32>], vector<16xf32>,
      %mul3A_1368 = arith.mulf %gather3A_1358, %gather3A_1367 : vector<16xf32>
      %add3A_1369 = arith.addf %add3A_1349, %mul3A_1368 : vector<16xf32>
      %add3A_1370 = arith.constant 28 : i32
      %add3A_1371 = vector.broadcast %add3A_1370 : i32 to vector<16xi32>
      %add3A_1372 = arith.addi %shift_left3A_803, %add3A_1371 : vector<16xi32>
      %gather3A_1373 = arith.constant 0 : i32
      %gather3A_1374 = arith.constant 0 : i32
      %gather3A_1375 = arith.constant 0 : i32
      %gather3A_1376 = tpu.memref_slice %arg11[%gather3A_1373, %gather3A_1374, %gather3A_1375] : memref<2x128x128xf32, #tpu.memory_space<vmem>> -> memref<1x128x128xf32, #tpu.memory_space<vmem>>
      %gather3A_1377 = tpu.memref_squeeze %gather3A_1376 : memref<1x128x128xf32, #tpu.memory_space<vmem>> -> memref<128x128xf32, #tpu.memory_space<vmem>>
      %gather3A_1378 = tpu.vector_load_idx %gather3A_1377[%add3A_791, %add3A_1372] : memref<128x128xf32, #tpu.memory_space<vmem>>[vector<16xi32>, vector<16xi32>], vector<16xf32>,
      %add3A_1379 = arith.constant 28 : i32
      %add3A_1380 = vector.broadcast %add3A_1379 : i32 to vector<16xi32>
      %add3A_1381 = arith.addi %shift_left3A_809, %add3A_1380 : vector<16xi32>
      %gather3A_1382 = arith.constant 0 : i32
      %gather3A_1383 = arith.constant 0 : i32
      %gather3A_1384 = arith.constant 0 : i32
      %gather3A_1385 = tpu.memref_slice %arg12[%gather3A_1382, %gather3A_1383, %gather3A_1384] : memref<2x128x128xf32, #tpu.memory_space<vmem>> -> memref<1x128x128xf32, #tpu.memory_space<vmem>>
      %gather3A_1386 = tpu.memref_squeeze %gather3A_1385 : memref<1x128x128xf32, #tpu.memory_space<vmem>> -> memref<128x128xf32, #tpu.memory_space<vmem>>
      %gather3A_1387 = tpu.vector_load_idx %gather3A_1386[%add3A_791, %add3A_1381] : memref<128x128xf32, #tpu.memory_space<vmem>>[vector<16xi32>, vector<16xi32>], vector<16xf32>,
      %mul3A_1388 = arith.mulf %gather3A_1378, %gather3A_1387 : vector<16xf32>
      %add3A_1389 = arith.addf %add3A_1369, %mul3A_1388 : vector<16xf32>
      %add3A_1390 = arith.constant 29 : i32
      %add3A_1391 = vector.broadcast %add3A_1390 : i32 to vector<16xi32>
      %add3A_1392 = arith.addi %shift_left3A_803, %add3A_1391 : vector<16xi32>
      %gather3A_1393 = arith.constant 0 : i32
      %gather3A_1394 = arith.constant 0 : i32
      %gather3A_1395 = arith.constant 0 : i32
      %gather3A_1396 = tpu.memref_slice %arg11[%gather3A_1393, %gather3A_1394, %gather3A_1395] : memref<2x128x128xf32, #tpu.memory_space<vmem>> -> memref<1x128x128xf32, #tpu.memory_space<vmem>>
      %gather3A_1397 = tpu.memref_squeeze %gather3A_1396 : memref<1x128x128xf32, #tpu.memory_space<vmem>> -> memref<128x128xf32, #tpu.memory_space<vmem>>
      %gather3A_1398 = tpu.vector_load_idx %gather3A_1397[%add3A_791, %add3A_1392] : memref<128x128xf32, #tpu.memory_space<vmem>>[vector<16xi32>, vector<16xi32>], vector<16xf32>,
      %add3A_1399 = arith.constant 29 : i32
      %add3A_1400 = vector.broadcast %add3A_1399 : i32 to vector<16xi32>
      %add3A_1401 = arith.addi %shift_left3A_809, %add3A_1400 : vector<16xi32>
      %gather3A_1402 = arith.constant 0 : i32
      %gather3A_1403 = arith.constant 0 : i32
      %gather3A_1404 = arith.constant 0 : i32
      %gather3A_1405 = tpu.memref_slice %arg12[%gather3A_1402, %gather3A_1403, %gather3A_1404] : memref<2x128x128xf32, #tpu.memory_space<vmem>> -> memref<1x128x128xf32, #tpu.memory_space<vmem>>
      %gather3A_1406 = tpu.memref_squeeze %gather3A_1405 : memref<1x128x128xf32, #tpu.memory_space<vmem>> -> memref<128x128xf32, #tpu.memory_space<vmem>>
      %gather3A_1407 = tpu.vector_load_idx %gather3A_1406[%add3A_791, %add3A_1401] : memref<128x128xf32, #tpu.memory_space<vmem>>[vector<16xi32>, vector<16xi32>], vector<16xf32>,
      %mul3A_1408 = arith.mulf %gather3A_1398, %gather3A_1407 : vector<16xf32>
      %add3A_1409 = arith.addf %add3A_1389, %mul3A_1408 : vector<16xf32>
      %add3A_1410 = arith.constant 30 : i32
      %add3A_1411 = vector.broadcast %add3A_1410 : i32 to vector<16xi32>
      %add3A_1412 = arith.addi %shift_left3A_803, %add3A_1411 : vector<16xi32>
      %gather3A_1413 = arith.constant 0 : i32
      %gather3A_1414 = arith.constant 0 : i32
      %gather3A_1415 = arith.constant 0 : i32
      %gather3A_1416 = tpu.memref_slice %arg11[%gather3A_1413, %gather3A_1414, %gather3A_1415] : memref<2x128x128xf32, #tpu.memory_space<vmem>> -> memref<1x128x128xf32, #tpu.memory_space<vmem>>
      %gather3A_1417 = tpu.memref_squeeze %gather3A_1416 : memref<1x128x128xf32, #tpu.memory_space<vmem>> -> memref<128x128xf32, #tpu.memory_space<vmem>>
      %gather3A_1418 = tpu.vector_load_idx %gather3A_1417[%add3A_791, %add3A_1412] : memref<128x128xf32, #tpu.memory_space<vmem>>[vector<16xi32>, vector<16xi32>], vector<16xf32>,
      %add3A_1419 = arith.constant 30 : i32
      %add3A_1420 = vector.broadcast %add3A_1419 : i32 to vector<16xi32>
      %add3A_1421 = arith.addi %shift_left3A_809, %add3A_1420 : vector<16xi32>
      %gather3A_1422 = arith.constant 0 : i32
      %gather3A_1423 = arith.constant 0 : i32
      %gather3A_1424 = arith.constant 0 : i32
      %gather3A_1425 = tpu.memref_slice %arg12[%gather3A_1422, %gather3A_1423, %gather3A_1424] : memref<2x128x128xf32, #tpu.memory_space<vmem>> -> memref<1x128x128xf32, #tpu.memory_space<vmem>>
      %gather3A_1426 = tpu.memref_squeeze %gather3A_1425 : memref<1x128x128xf32, #tpu.memory_space<vmem>> -> memref<128x128xf32, #tpu.memory_space<vmem>>
      %gather3A_1427 = tpu.vector_load_idx %gather3A_1426[%add3A_791, %add3A_1421] : memref<128x128xf32, #tpu.memory_space<vmem>>[vector<16xi32>, vector<16xi32>], vector<16xf32>,
      %mul3A_1428 = arith.mulf %gather3A_1418, %gather3A_1427 : vector<16xf32>
      %add3A_1429 = arith.addf %add3A_1409, %mul3A_1428 : vector<16xf32>
      %add3A_1430 = arith.constant 31 : i32
      %add3A_1431 = vector.broadcast %add3A_1430 : i32 to vector<16xi32>
      %add3A_1432 = arith.addi %shift_left3A_803, %add3A_1431 : vector<16xi32>
      %gather3A_1433 = arith.constant 0 : i32
      %gather3A_1434 = arith.constant 0 : i32
      %gather3A_1435 = arith.constant 0 : i32
      %gather3A_1436 = tpu.memref_slice %arg11[%gather3A_1433, %gather3A_1434, %gather3A_1435] : memref<2x128x128xf32, #tpu.memory_space<vmem>> -> memref<1x128x128xf32, #tpu.memory_space<vmem>>
      %gather3A_1437 = tpu.memref_squeeze %gather3A_1436 : memref<1x128x128xf32, #tpu.memory_space<vmem>> -> memref<128x128xf32, #tpu.memory_space<vmem>>
      %gather3A_1438 = tpu.vector_load_idx %gather3A_1437[%add3A_791, %add3A_1432] : memref<128x128xf32, #tpu.memory_space<vmem>>[vector<16xi32>, vector<16xi32>], vector<16xf32>,
      %add3A_1439 = arith.constant 31 : i32
      %add3A_1440 = vector.broadcast %add3A_1439 : i32 to vector<16xi32>
      %add3A_1441 = arith.addi %shift_left3A_809, %add3A_1440 : vector<16xi32>
      %gather3A_1442 = arith.constant 0 : i32
      %gather3A_1443 = arith.constant 0 : i32
      %gather3A_1444 = arith.constant 0 : i32
      %gather3A_1445 = tpu.memref_slice %arg12[%gather3A_1442, %gather3A_1443, %gather3A_1444] : memref<2x128x128xf32, #tpu.memory_space<vmem>> -> memref<1x128x128xf32, #tpu.memory_space<vmem>>
      %gather3A_1446 = tpu.memref_squeeze %gather3A_1445 : memref<1x128x128xf32, #tpu.memory_space<vmem>> -> memref<128x128xf32, #tpu.memory_space<vmem>>
      %gather3A_1447 = tpu.vector_load_idx %gather3A_1446[%add3A_791, %add3A_1441] : memref<128x128xf32, #tpu.memory_space<vmem>>[vector<16xi32>, vector<16xi32>], vector<16xf32>,
      %mul3A_1448 = arith.mulf %gather3A_1438, %gather3A_1447 : vector<16xf32>
      %add3A_1449 = arith.addf %add3A_1429, %mul3A_1448 : vector<16xf32>
      %mul3A_1450 = arith.constant 16 : i32
      %mul3A_1451 = arith.muli %add3A_787, %mul3A_1450 : i32
      %swap3A_1452 = arith.index_cast %mul3A_1451 : i32 to index
      %swap3A_1453 = tpu.vector_load %arg13[%swap3A_1452] {strides = array<i32>} : memref<512xf32, #tpu.memory_space<vmem>>, vector<16xf32>,
      tpu.vector_store %arg13[%swap3A_1452], %add3A_1449 {strides = array<i32>} : memref<512xf32, #tpu.memory_space<vmem>>, vector<16xf32>,
    }
    %scan3A_649 = arith.constant 8 : i32
    %dma_wait3A_650 = arith.constant 1 : i32
    %dma_wait3A_651 = arith.constant 1 : i32
    %dma_wait3A_652 = arith.constant 0 : i32
    %dma_wait3A_653 = arith.constant 0 : i32
    %dma_wait3A_654 = tpu.memref_slice %arg11[%dma_wait3A_651, %dma_wait3A_652, %dma_wait3A_653] : memref<2x128x128xf32, #tpu.memory_space<vmem>> -> memref<1x128x128xf32, #tpu.memory_space<vmem>>
    %dma_wait3A_655 = tpu.memref_squeeze %dma_wait3A_654 : memref<1x128x128xf32, #tpu.memory_space<vmem>> -> memref<128x128xf32, #tpu.memory_space<vmem>>
    %dma_wait3A_656 = arith.constant 0 : i32
    %dma_wait3A_657 = tpu.memref_slice %arg9[%dma_wait3A_650, %dma_wait3A_656] : memref<4x128xi32, #tpu.memory_space<vmem>> -> memref<1x128xi32, #tpu.memory_space<vmem>>
    %dma_wait3A_658 = tpu.memref_squeeze %dma_wait3A_657 : memref<1x128xi32, #tpu.memory_space<vmem>> -> memref<128xi32, #tpu.memory_space<vmem>>
    %dma_wait3A_659 = arith.constant 0 : i32
    %dma_wait3A_660 = arith.constant 0 : i32
    %dma_wait3A_661 = tpu.memref_slice %arg4[%dma_wait3A_659, %dma_wait3A_660] : memref<32768x128xf32, #tpu.memory_space<hbm>> -> memref<32768x128xf32, #tpu.memory_space<hbm>>
    tpu.wait_indirect_dma semaphore(%arg14 : memref<!tpu.dma_semaphore, #tpu.memory_space<semaphore_mem>>) src(%dma_wait3A_661 : memref<32768x128xf32, #tpu.memory_space<hbm>>) dst(%dma_wait3A_655 : memref<128x128xf32, #tpu.memory_space<vmem>>)
    %dma_wait3A_662 = arith.constant 1 : i32
    %dma_wait3A_663 = arith.constant 1 : i32
    %dma_wait3A_664 = arith.constant 0 : i32
    %dma_wait3A_665 = arith.constant 0 : i32
    %dma_wait3A_666 = tpu.memref_slice %arg12[%dma_wait3A_663, %dma_wait3A_664, %dma_wait3A_665] : memref<2x128x128xf32, #tpu.memory_space<vmem>> -> memref<1x128x128xf32, #tpu.memory_space<vmem>>
    %dma_wait3A_667 = tpu.memref_squeeze %dma_wait3A_666 : memref<1x128x128xf32, #tpu.memory_space<vmem>> -> memref<128x128xf32, #tpu.memory_space<vmem>>
    %dma_wait3A_668 = arith.constant 0 : i32
    %dma_wait3A_669 = tpu.memref_slice %arg10[%dma_wait3A_662, %dma_wait3A_668] : memref<4x128xi32, #tpu.memory_space<vmem>> -> memref<1x128xi32, #tpu.memory_space<vmem>>
    %dma_wait3A_670 = tpu.memref_squeeze %dma_wait3A_669 : memref<1x128xi32, #tpu.memory_space<vmem>> -> memref<128xi32, #tpu.memory_space<vmem>>
    %dma_wait3A_671 = arith.constant 0 : i32
    %dma_wait3A_672 = arith.constant 0 : i32
    %dma_wait3A_673 = tpu.memref_slice %arg5[%dma_wait3A_671, %dma_wait3A_672] : memref<262144x128xf32, #tpu.memory_space<hbm>> -> memref<262144x128xf32, #tpu.memory_space<hbm>>
    tpu.wait_indirect_dma semaphore(%arg15 : memref<!tpu.dma_semaphore, #tpu.memory_space<semaphore_mem>>) src(%dma_wait3A_673 : memref<262144x128xf32, #tpu.memory_space<hbm>>) dst(%dma_wait3A_667 : memref<128x128xf32, #tpu.memory_space<vmem>>)
    %dma_start3A_674 = arith.constant 2 : i32
    %dma_start3A_675 = arith.constant 0 : i32
    %dma_start3A_676 = arith.constant 0 : i32
    %dma_start3A_677 = arith.constant 0 : i32
    %dma_start3A_678 = tpu.memref_slice %arg11[%dma_start3A_675, %dma_start3A_676, %dma_start3A_677] : memref<2x128x128xf32, #tpu.memory_space<vmem>> -> memref<1x128x128xf32, #tpu.memory_space<vmem>>
    %dma_start3A_679 = tpu.memref_squeeze %dma_start3A_678 : memref<1x128x128xf32, #tpu.memory_space<vmem>> -> memref<128x128xf32, #tpu.memory_space<vmem>>
    %dma_start3A_680 = arith.constant 0 : i32
    %dma_start3A_681 = tpu.memref_slice %arg9[%dma_start3A_674, %dma_start3A_680] : memref<4x128xi32, #tpu.memory_space<vmem>> -> memref<1x128xi32, #tpu.memory_space<vmem>>
    %dma_start3A_682 = tpu.memref_squeeze %dma_start3A_681 : memref<1x128xi32, #tpu.memory_space<vmem>> -> memref<128xi32, #tpu.memory_space<vmem>>
    %dma_start3A_683 = arith.constant 0 : i32
    %dma_start3A_684 = arith.constant 0 : i32
    %dma_start3A_685 = tpu.memref_slice %arg4[%dma_start3A_683, %dma_start3A_684] : memref<32768x128xf32, #tpu.memory_space<hbm>> -> memref<32768x128xf32, #tpu.memory_space<hbm>>
    tpu.enqueue_indirect_dma source(%dma_start3A_685 : memref<32768x128xf32, #tpu.memory_space<hbm>>) target(%dma_start3A_679 : memref<128x128xf32, #tpu.memory_space<vmem>>) offsets(%dma_start3A_682 : memref<128xi32, #tpu.memory_space<vmem>>) semaphore(%arg14 : memref<!tpu.dma_semaphore, #tpu.memory_space<semaphore_mem>>)
    %dma_start3A_686 = arith.constant 2 : i32
    %dma_start3A_687 = arith.constant 0 : i32
    %dma_start3A_688 = arith.constant 0 : i32
    %dma_start3A_689 = arith.constant 0 : i32
    %dma_start3A_690 = tpu.memref_slice %arg12[%dma_start3A_687, %dma_start3A_688, %dma_start3A_689] : memref<2x128x128xf32, #tpu.memory_space<vmem>> -> memref<1x128x128xf32, #tpu.memory_space<vmem>>
    %dma_start3A_691 = tpu.memref_squeeze %dma_start3A_690 : memref<1x128x128xf32, #tpu.memory_space<vmem>> -> memref<128x128xf32, #tpu.memory_space<vmem>>
    %dma_start3A_692 = arith.constant 0 : i32
    %dma_start3A_693 = tpu.memref_slice %arg10[%dma_start3A_686, %dma_start3A_692] : memref<4x128xi32, #tpu.memory_space<vmem>> -> memref<1x128xi32, #tpu.memory_space<vmem>>
    %dma_start3A_694 = tpu.memref_squeeze %dma_start3A_693 : memref<1x128xi32, #tpu.memory_space<vmem>> -> memref<128xi32, #tpu.memory_space<vmem>>
    %dma_start3A_695 = arith.constant 0 : i32
    %dma_start3A_696 = arith.constant 0 : i32
    %dma_start3A_697 = tpu.memref_slice %arg5[%dma_start3A_695, %dma_start3A_696] : memref<262144x128xf32, #tpu.memory_space<hbm>> -> memref<262144x128xf32, #tpu.memory_space<hbm>>
    tpu.enqueue_indirect_dma source(%dma_start3A_697 : memref<262144x128xf32, #tpu.memory_space<hbm>>) target(%dma_start3A_691 : memref<128x128xf32, #tpu.memory_space<vmem>>) offsets(%dma_start3A_694 : memref<128xi32, #tpu.memory_space<vmem>>) semaphore(%arg15 : memref<!tpu.dma_semaphore, #tpu.memory_space<semaphore_mem>>)
    %scan3A_698 = arith.constant 0 : i32
    %scan3A_699 = arith.constant 8 : i32
    %scan3A_700 = arith.addi %scan3A_698, %scan3A_699 : i32
    %scan3A_701 = arith.constant 1 : i32
    scf.for %scan3A_785 = %scan3A_698 to %scan3A_700 step %scan3A_701  : i32 {
      %add3A_786 = arith.constant 8 : i32
      %add3A_787 = arith.addi %add3A_786, %scan3A_785 : i32
      %mul3A_788 = arith.constant 16 : i32
      %mul3A_789 = arith.muli %scan3A_785, %mul3A_788 : i32
      %add3A_790 = vector.broadcast %mul3A_789 : i32 to vector<16xi32>
      %add3A_791 = arith.addi %add3A_790, %iota3A : vector<16xi32>
      %mul3A_792 = arith.constant 16 : i32
      %mul3A_793 = arith.muli %add3A_787, %mul3A_792 : i32
      %get3A_794 = arith.index_cast %mul3A_793 : i32 to index
      %get3A_795 = tpu.vector_load %arg7[%get3A_794] {strides = array<i32>} : memref<512xi32, #tpu.memory_space<vmem>>, vector<16xi32>,
      %mul3A_796 = arith.constant 16 : i32
      %mul3A_797 = arith.muli %add3A_787, %mul3A_796 : i32
      %get3A_798 = arith.index_cast %mul3A_797 : i32 to index
      %get3A_799 = tpu.vector_load %arg8[%get3A_798] {strides = array<i32>} : memref<512xi32, #tpu.memory_space<vmem>>, vector<16xi32>,
      %shift_right_logical3A = arith.constant 15 : i32
      %shift_right_logical3A_800 = vector.broadcast %shift_right_logical3A : i32 to vector<16xi32>
      %shift_right_logical3A_801 = arith.shrui %get3A_795, %shift_right_logical3A_800 : vector<16xi32>
      %shift_left3A = arith.constant 5 : i32
      %shift_left3A_802 = vector.broadcast %shift_left3A : i32 to vector<16xi32>
      %shift_left3A_803 = arith.shli %shift_right_logical3A_801, %shift_left3A_802 : vector<16xi32>
      %shift_right_logical3A_804 = arith.constant 18 : i32
      %shift_right_logical3A_805 = vector.broadcast %shift_right_logical3A_804 : i32 to vector<16xi32>
      %shift_right_logical3A_806 = arith.shrui %get3A_799, %shift_right_logical3A_805 : vector<16xi32>
      %shift_left3A_807 = arith.constant 5 : i32
      %shift_left3A_808 = vector.broadcast %shift_left3A_807 : i32 to vector<16xi32>
      %shift_left3A_809 = arith.shli %shift_right_logical3A_806, %shift_left3A_808 : vector<16xi32>
      %broadcast_in_dim3A = arith.constant 0.000000e+00 : f32
      %broadcast_in_dim3A_810 = vector.broadcast %broadcast_in_dim3A : f32 to vector<16xf32>
      %add3A_811 = arith.constant 0 : i32
      %add3A_812 = vector.broadcast %add3A_811 : i32 to vector<16xi32>
      %add3A_813 = arith.addi %shift_left3A_803, %add3A_812 : vector<16xi32>
      %gather3A = arith.constant 1 : i32
      %gather3A_814 = arith.constant 0 : i32
      %gather3A_815 = arith.constant 0 : i32
      %gather3A_816 = tpu.memref_slice %arg11[%gather3A, %gather3A_814, %gather3A_815] : memref<2x128x128xf32, #tpu.memory_space<vmem>> -> memref<1x128x128xf32, #tpu.memory_space<vmem>>
      %gather3A_817 = tpu.memref_squeeze %gather3A_816 : memref<1x128x128xf32, #tpu.memory_space<vmem>> -> memref<128x128xf32, #tpu.memory_space<vmem>>
      %gather3A_818 = tpu.vector_load_idx %gather3A_817[%add3A_791, %add3A_813] : memref<128x128xf32, #tpu.memory_space<vmem>>[vector<16xi32>, vector<16xi32>], vector<16xf32>,
      %add3A_819 = arith.constant 0 : i32
      %add3A_820 = vector.broadcast %add3A_819 : i32 to vector<16xi32>
      %add3A_821 = arith.addi %shift_left3A_809, %add3A_820 : vector<16xi32>
      %gather3A_822 = arith.constant 1 : i32
      %gather3A_823 = arith.constant 0 : i32
      %gather3A_824 = arith.constant 0 : i32
      %gather3A_825 = tpu.memref_slice %arg12[%gather3A_822, %gather3A_823, %gather3A_824] : memref<2x128x128xf32, #tpu.memory_space<vmem>> -> memref<1x128x128xf32, #tpu.memory_space<vmem>>
      %gather3A_826 = tpu.memref_squeeze %gather3A_825 : memref<1x128x128xf32, #tpu.memory_space<vmem>> -> memref<128x128xf32, #tpu.memory_space<vmem>>
      %gather3A_827 = tpu.vector_load_idx %gather3A_826[%add3A_791, %add3A_821] : memref<128x128xf32, #tpu.memory_space<vmem>>[vector<16xi32>, vector<16xi32>], vector<16xf32>,
      %mul3A_828 = arith.mulf %gather3A_818, %gather3A_827 : vector<16xf32>
      %add3A_829 = arith.addf %broadcast_in_dim3A_810, %mul3A_828 : vector<16xf32>
      %add3A_830 = arith.constant 1 : i32
      %add3A_831 = vector.broadcast %add3A_830 : i32 to vector<16xi32>
      %add3A_832 = arith.addi %shift_left3A_803, %add3A_831 : vector<16xi32>
      %gather3A_833 = arith.constant 1 : i32
      %gather3A_834 = arith.constant 0 : i32
      %gather3A_835 = arith.constant 0 : i32
      %gather3A_836 = tpu.memref_slice %arg11[%gather3A_833, %gather3A_834, %gather3A_835] : memref<2x128x128xf32, #tpu.memory_space<vmem>> -> memref<1x128x128xf32, #tpu.memory_space<vmem>>
      %gather3A_837 = tpu.memref_squeeze %gather3A_836 : memref<1x128x128xf32, #tpu.memory_space<vmem>> -> memref<128x128xf32, #tpu.memory_space<vmem>>
      %gather3A_838 = tpu.vector_load_idx %gather3A_837[%add3A_791, %add3A_832] : memref<128x128xf32, #tpu.memory_space<vmem>>[vector<16xi32>, vector<16xi32>], vector<16xf32>,
      %add3A_839 = arith.constant 1 : i32
      %add3A_840 = vector.broadcast %add3A_839 : i32 to vector<16xi32>
      %add3A_841 = arith.addi %shift_left3A_809, %add3A_840 : vector<16xi32>
      %gather3A_842 = arith.constant 1 : i32
      %gather3A_843 = arith.constant 0 : i32
      %gather3A_844 = arith.constant 0 : i32
      %gather3A_845 = tpu.memref_slice %arg12[%gather3A_842, %gather3A_843, %gather3A_844] : memref<2x128x128xf32, #tpu.memory_space<vmem>> -> memref<1x128x128xf32, #tpu.memory_space<vmem>>
      %gather3A_846 = tpu.memref_squeeze %gather3A_845 : memref<1x128x128xf32, #tpu.memory_space<vmem>> -> memref<128x128xf32, #tpu.memory_space<vmem>>
      %gather3A_847 = tpu.vector_load_idx %gather3A_846[%add3A_791, %add3A_841] : memref<128x128xf32, #tpu.memory_space<vmem>>[vector<16xi32>, vector<16xi32>], vector<16xf32>,
      %mul3A_848 = arith.mulf %gather3A_838, %gather3A_847 : vector<16xf32>
      %add3A_849 = arith.addf %add3A_829, %mul3A_848 : vector<16xf32>
      %add3A_850 = arith.constant 2 : i32
      %add3A_851 = vector.broadcast %add3A_850 : i32 to vector<16xi32>
      %add3A_852 = arith.addi %shift_left3A_803, %add3A_851 : vector<16xi32>
      %gather3A_853 = arith.constant 1 : i32
      %gather3A_854 = arith.constant 0 : i32
      %gather3A_855 = arith.constant 0 : i32
      %gather3A_856 = tpu.memref_slice %arg11[%gather3A_853, %gather3A_854, %gather3A_855] : memref<2x128x128xf32, #tpu.memory_space<vmem>> -> memref<1x128x128xf32, #tpu.memory_space<vmem>>
      %gather3A_857 = tpu.memref_squeeze %gather3A_856 : memref<1x128x128xf32, #tpu.memory_space<vmem>> -> memref<128x128xf32, #tpu.memory_space<vmem>>
      %gather3A_858 = tpu.vector_load_idx %gather3A_857[%add3A_791, %add3A_852] : memref<128x128xf32, #tpu.memory_space<vmem>>[vector<16xi32>, vector<16xi32>], vector<16xf32>,
      %add3A_859 = arith.constant 2 : i32
      %add3A_860 = vector.broadcast %add3A_859 : i32 to vector<16xi32>
      %add3A_861 = arith.addi %shift_left3A_809, %add3A_860 : vector<16xi32>
      %gather3A_862 = arith.constant 1 : i32
      %gather3A_863 = arith.constant 0 : i32
      %gather3A_864 = arith.constant 0 : i32
      %gather3A_865 = tpu.memref_slice %arg12[%gather3A_862, %gather3A_863, %gather3A_864] : memref<2x128x128xf32, #tpu.memory_space<vmem>> -> memref<1x128x128xf32, #tpu.memory_space<vmem>>
      %gather3A_866 = tpu.memref_squeeze %gather3A_865 : memref<1x128x128xf32, #tpu.memory_space<vmem>> -> memref<128x128xf32, #tpu.memory_space<vmem>>
      %gather3A_867 = tpu.vector_load_idx %gather3A_866[%add3A_791, %add3A_861] : memref<128x128xf32, #tpu.memory_space<vmem>>[vector<16xi32>, vector<16xi32>], vector<16xf32>,
      %mul3A_868 = arith.mulf %gather3A_858, %gather3A_867 : vector<16xf32>
      %add3A_869 = arith.addf %add3A_849, %mul3A_868 : vector<16xf32>
      %add3A_870 = arith.constant 3 : i32
      %add3A_871 = vector.broadcast %add3A_870 : i32 to vector<16xi32>
      %add3A_872 = arith.addi %shift_left3A_803, %add3A_871 : vector<16xi32>
      %gather3A_873 = arith.constant 1 : i32
      %gather3A_874 = arith.constant 0 : i32
      %gather3A_875 = arith.constant 0 : i32
      %gather3A_876 = tpu.memref_slice %arg11[%gather3A_873, %gather3A_874, %gather3A_875] : memref<2x128x128xf32, #tpu.memory_space<vmem>> -> memref<1x128x128xf32, #tpu.memory_space<vmem>>
      %gather3A_877 = tpu.memref_squeeze %gather3A_876 : memref<1x128x128xf32, #tpu.memory_space<vmem>> -> memref<128x128xf32, #tpu.memory_space<vmem>>
      %gather3A_878 = tpu.vector_load_idx %gather3A_877[%add3A_791, %add3A_872] : memref<128x128xf32, #tpu.memory_space<vmem>>[vector<16xi32>, vector<16xi32>], vector<16xf32>,
      %add3A_879 = arith.constant 3 : i32
      %add3A_880 = vector.broadcast %add3A_879 : i32 to vector<16xi32>
      %add3A_881 = arith.addi %shift_left3A_809, %add3A_880 : vector<16xi32>
      %gather3A_882 = arith.constant 1 : i32
      %gather3A_883 = arith.constant 0 : i32
      %gather3A_884 = arith.constant 0 : i32
      %gather3A_885 = tpu.memref_slice %arg12[%gather3A_882, %gather3A_883, %gather3A_884] : memref<2x128x128xf32, #tpu.memory_space<vmem>> -> memref<1x128x128xf32, #tpu.memory_space<vmem>>
      %gather3A_886 = tpu.memref_squeeze %gather3A_885 : memref<1x128x128xf32, #tpu.memory_space<vmem>> -> memref<128x128xf32, #tpu.memory_space<vmem>>
      %gather3A_887 = tpu.vector_load_idx %gather3A_886[%add3A_791, %add3A_881] : memref<128x128xf32, #tpu.memory_space<vmem>>[vector<16xi32>, vector<16xi32>], vector<16xf32>,
      %mul3A_888 = arith.mulf %gather3A_878, %gather3A_887 : vector<16xf32>
      %add3A_889 = arith.addf %add3A_869, %mul3A_888 : vector<16xf32>
      %add3A_890 = arith.constant 4 : i32
      %add3A_891 = vector.broadcast %add3A_890 : i32 to vector<16xi32>
      %add3A_892 = arith.addi %shift_left3A_803, %add3A_891 : vector<16xi32>
      %gather3A_893 = arith.constant 1 : i32
      %gather3A_894 = arith.constant 0 : i32
      %gather3A_895 = arith.constant 0 : i32
      %gather3A_896 = tpu.memref_slice %arg11[%gather3A_893, %gather3A_894, %gather3A_895] : memref<2x128x128xf32, #tpu.memory_space<vmem>> -> memref<1x128x128xf32, #tpu.memory_space<vmem>>
      %gather3A_897 = tpu.memref_squeeze %gather3A_896 : memref<1x128x128xf32, #tpu.memory_space<vmem>> -> memref<128x128xf32, #tpu.memory_space<vmem>>
      %gather3A_898 = tpu.vector_load_idx %gather3A_897[%add3A_791, %add3A_892] : memref<128x128xf32, #tpu.memory_space<vmem>>[vector<16xi32>, vector<16xi32>], vector<16xf32>,
      %add3A_899 = arith.constant 4 : i32
      %add3A_900 = vector.broadcast %add3A_899 : i32 to vector<16xi32>
      %add3A_901 = arith.addi %shift_left3A_809, %add3A_900 : vector<16xi32>
      %gather3A_902 = arith.constant 1 : i32
      %gather3A_903 = arith.constant 0 : i32
      %gather3A_904 = arith.constant 0 : i32
      %gather3A_905 = tpu.memref_slice %arg12[%gather3A_902, %gather3A_903, %gather3A_904] : memref<2x128x128xf32, #tpu.memory_space<vmem>> -> memref<1x128x128xf32, #tpu.memory_space<vmem>>
      %gather3A_906 = tpu.memref_squeeze %gather3A_905 : memref<1x128x128xf32, #tpu.memory_space<vmem>> -> memref<128x128xf32, #tpu.memory_space<vmem>>
      %gather3A_907 = tpu.vector_load_idx %gather3A_906[%add3A_791, %add3A_901] : memref<128x128xf32, #tpu.memory_space<vmem>>[vector<16xi32>, vector<16xi32>], vector<16xf32>,
      %mul3A_908 = arith.mulf %gather3A_898, %gather3A_907 : vector<16xf32>
      %add3A_909 = arith.addf %add3A_889, %mul3A_908 : vector<16xf32>
      %add3A_910 = arith.constant 5 : i32
      %add3A_911 = vector.broadcast %add3A_910 : i32 to vector<16xi32>
      %add3A_912 = arith.addi %shift_left3A_803, %add3A_911 : vector<16xi32>
      %gather3A_913 = arith.constant 1 : i32
      %gather3A_914 = arith.constant 0 : i32
      %gather3A_915 = arith.constant 0 : i32
      %gather3A_916 = tpu.memref_slice %arg11[%gather3A_913, %gather3A_914, %gather3A_915] : memref<2x128x128xf32, #tpu.memory_space<vmem>> -> memref<1x128x128xf32, #tpu.memory_space<vmem>>
      %gather3A_917 = tpu.memref_squeeze %gather3A_916 : memref<1x128x128xf32, #tpu.memory_space<vmem>> -> memref<128x128xf32, #tpu.memory_space<vmem>>
      %gather3A_918 = tpu.vector_load_idx %gather3A_917[%add3A_791, %add3A_912] : memref<128x128xf32, #tpu.memory_space<vmem>>[vector<16xi32>, vector<16xi32>], vector<16xf32>,
      %add3A_919 = arith.constant 5 : i32
      %add3A_920 = vector.broadcast %add3A_919 : i32 to vector<16xi32>
      %add3A_921 = arith.addi %shift_left3A_809, %add3A_920 : vector<16xi32>
      %gather3A_922 = arith.constant 1 : i32
      %gather3A_923 = arith.constant 0 : i32
      %gather3A_924 = arith.constant 0 : i32
      %gather3A_925 = tpu.memref_slice %arg12[%gather3A_922, %gather3A_923, %gather3A_924] : memref<2x128x128xf32, #tpu.memory_space<vmem>> -> memref<1x128x128xf32, #tpu.memory_space<vmem>>
      %gather3A_926 = tpu.memref_squeeze %gather3A_925 : memref<1x128x128xf32, #tpu.memory_space<vmem>> -> memref<128x128xf32, #tpu.memory_space<vmem>>
      %gather3A_927 = tpu.vector_load_idx %gather3A_926[%add3A_791, %add3A_921] : memref<128x128xf32, #tpu.memory_space<vmem>>[vector<16xi32>, vector<16xi32>], vector<16xf32>,
      %mul3A_928 = arith.mulf %gather3A_918, %gather3A_927 : vector<16xf32>
      %add3A_929 = arith.addf %add3A_909, %mul3A_928 : vector<16xf32>
      %add3A_930 = arith.constant 6 : i32
      %add3A_931 = vector.broadcast %add3A_930 : i32 to vector<16xi32>
      %add3A_932 = arith.addi %shift_left3A_803, %add3A_931 : vector<16xi32>
      %gather3A_933 = arith.constant 1 : i32
      %gather3A_934 = arith.constant 0 : i32
      %gather3A_935 = arith.constant 0 : i32
      %gather3A_936 = tpu.memref_slice %arg11[%gather3A_933, %gather3A_934, %gather3A_935] : memref<2x128x128xf32, #tpu.memory_space<vmem>> -> memref<1x128x128xf32, #tpu.memory_space<vmem>>
      %gather3A_937 = tpu.memref_squeeze %gather3A_936 : memref<1x128x128xf32, #tpu.memory_space<vmem>> -> memref<128x128xf32, #tpu.memory_space<vmem>>
      %gather3A_938 = tpu.vector_load_idx %gather3A_937[%add3A_791, %add3A_932] : memref<128x128xf32, #tpu.memory_space<vmem>>[vector<16xi32>, vector<16xi32>], vector<16xf32>,
      %add3A_939 = arith.constant 6 : i32
      %add3A_940 = vector.broadcast %add3A_939 : i32 to vector<16xi32>
      %add3A_941 = arith.addi %shift_left3A_809, %add3A_940 : vector<16xi32>
      %gather3A_942 = arith.constant 1 : i32
      %gather3A_943 = arith.constant 0 : i32
      %gather3A_944 = arith.constant 0 : i32
      %gather3A_945 = tpu.memref_slice %arg12[%gather3A_942, %gather3A_943, %gather3A_944] : memref<2x128x128xf32, #tpu.memory_space<vmem>> -> memref<1x128x128xf32, #tpu.memory_space<vmem>>
      %gather3A_946 = tpu.memref_squeeze %gather3A_945 : memref<1x128x128xf32, #tpu.memory_space<vmem>> -> memref<128x128xf32, #tpu.memory_space<vmem>>
      %gather3A_947 = tpu.vector_load_idx %gather3A_946[%add3A_791, %add3A_941] : memref<128x128xf32, #tpu.memory_space<vmem>>[vector<16xi32>, vector<16xi32>], vector<16xf32>,
      %mul3A_948 = arith.mulf %gather3A_938, %gather3A_947 : vector<16xf32>
      %add3A_949 = arith.addf %add3A_929, %mul3A_948 : vector<16xf32>
      %add3A_950 = arith.constant 7 : i32
      %add3A_951 = vector.broadcast %add3A_950 : i32 to vector<16xi32>
      %add3A_952 = arith.addi %shift_left3A_803, %add3A_951 : vector<16xi32>
      %gather3A_953 = arith.constant 1 : i32
      %gather3A_954 = arith.constant 0 : i32
      %gather3A_955 = arith.constant 0 : i32
      %gather3A_956 = tpu.memref_slice %arg11[%gather3A_953, %gather3A_954, %gather3A_955] : memref<2x128x128xf32, #tpu.memory_space<vmem>> -> memref<1x128x128xf32, #tpu.memory_space<vmem>>
      %gather3A_957 = tpu.memref_squeeze %gather3A_956 : memref<1x128x128xf32, #tpu.memory_space<vmem>> -> memref<128x128xf32, #tpu.memory_space<vmem>>
      %gather3A_958 = tpu.vector_load_idx %gather3A_957[%add3A_791, %add3A_952] : memref<128x128xf32, #tpu.memory_space<vmem>>[vector<16xi32>, vector<16xi32>], vector<16xf32>,
      %add3A_959 = arith.constant 7 : i32
      %add3A_960 = vector.broadcast %add3A_959 : i32 to vector<16xi32>
      %add3A_961 = arith.addi %shift_left3A_809, %add3A_960 : vector<16xi32>
      %gather3A_962 = arith.constant 1 : i32
      %gather3A_963 = arith.constant 0 : i32
      %gather3A_964 = arith.constant 0 : i32
      %gather3A_965 = tpu.memref_slice %arg12[%gather3A_962, %gather3A_963, %gather3A_964] : memref<2x128x128xf32, #tpu.memory_space<vmem>> -> memref<1x128x128xf32, #tpu.memory_space<vmem>>
      %gather3A_966 = tpu.memref_squeeze %gather3A_965 : memref<1x128x128xf32, #tpu.memory_space<vmem>> -> memref<128x128xf32, #tpu.memory_space<vmem>>
      %gather3A_967 = tpu.vector_load_idx %gather3A_966[%add3A_791, %add3A_961] : memref<128x128xf32, #tpu.memory_space<vmem>>[vector<16xi32>, vector<16xi32>], vector<16xf32>,
      %mul3A_968 = arith.mulf %gather3A_958, %gather3A_967 : vector<16xf32>
      %add3A_969 = arith.addf %add3A_949, %mul3A_968 : vector<16xf32>
      %add3A_970 = arith.constant 8 : i32
      %add3A_971 = vector.broadcast %add3A_970 : i32 to vector<16xi32>
      %add3A_972 = arith.addi %shift_left3A_803, %add3A_971 : vector<16xi32>
      %gather3A_973 = arith.constant 1 : i32
      %gather3A_974 = arith.constant 0 : i32
      %gather3A_975 = arith.constant 0 : i32
      %gather3A_976 = tpu.memref_slice %arg11[%gather3A_973, %gather3A_974, %gather3A_975] : memref<2x128x128xf32, #tpu.memory_space<vmem>> -> memref<1x128x128xf32, #tpu.memory_space<vmem>>
      %gather3A_977 = tpu.memref_squeeze %gather3A_976 : memref<1x128x128xf32, #tpu.memory_space<vmem>> -> memref<128x128xf32, #tpu.memory_space<vmem>>
      %gather3A_978 = tpu.vector_load_idx %gather3A_977[%add3A_791, %add3A_972] : memref<128x128xf32, #tpu.memory_space<vmem>>[vector<16xi32>, vector<16xi32>], vector<16xf32>,
      %add3A_979 = arith.constant 8 : i32
      %add3A_980 = vector.broadcast %add3A_979 : i32 to vector<16xi32>
      %add3A_981 = arith.addi %shift_left3A_809, %add3A_980 : vector<16xi32>
      %gather3A_982 = arith.constant 1 : i32
      %gather3A_983 = arith.constant 0 : i32
      %gather3A_984 = arith.constant 0 : i32
      %gather3A_985 = tpu.memref_slice %arg12[%gather3A_982, %gather3A_983, %gather3A_984] : memref<2x128x128xf32, #tpu.memory_space<vmem>> -> memref<1x128x128xf32, #tpu.memory_space<vmem>>
      %gather3A_986 = tpu.memref_squeeze %gather3A_985 : memref<1x128x128xf32, #tpu.memory_space<vmem>> -> memref<128x128xf32, #tpu.memory_space<vmem>>
      %gather3A_987 = tpu.vector_load_idx %gather3A_986[%add3A_791, %add3A_981] : memref<128x128xf32, #tpu.memory_space<vmem>>[vector<16xi32>, vector<16xi32>], vector<16xf32>,
      %mul3A_988 = arith.mulf %gather3A_978, %gather3A_987 : vector<16xf32>
      %add3A_989 = arith.addf %add3A_969, %mul3A_988 : vector<16xf32>
      %add3A_990 = arith.constant 9 : i32
      %add3A_991 = vector.broadcast %add3A_990 : i32 to vector<16xi32>
      %add3A_992 = arith.addi %shift_left3A_803, %add3A_991 : vector<16xi32>
      %gather3A_993 = arith.constant 1 : i32
      %gather3A_994 = arith.constant 0 : i32
      %gather3A_995 = arith.constant 0 : i32
      %gather3A_996 = tpu.memref_slice %arg11[%gather3A_993, %gather3A_994, %gather3A_995] : memref<2x128x128xf32, #tpu.memory_space<vmem>> -> memref<1x128x128xf32, #tpu.memory_space<vmem>>
      %gather3A_997 = tpu.memref_squeeze %gather3A_996 : memref<1x128x128xf32, #tpu.memory_space<vmem>> -> memref<128x128xf32, #tpu.memory_space<vmem>>
      %gather3A_998 = tpu.vector_load_idx %gather3A_997[%add3A_791, %add3A_992] : memref<128x128xf32, #tpu.memory_space<vmem>>[vector<16xi32>, vector<16xi32>], vector<16xf32>,
      %add3A_999 = arith.constant 9 : i32
      %add3A_1000 = vector.broadcast %add3A_999 : i32 to vector<16xi32>
      %add3A_1001 = arith.addi %shift_left3A_809, %add3A_1000 : vector<16xi32>
      %gather3A_1002 = arith.constant 1 : i32
      %gather3A_1003 = arith.constant 0 : i32
      %gather3A_1004 = arith.constant 0 : i32
      %gather3A_1005 = tpu.memref_slice %arg12[%gather3A_1002, %gather3A_1003, %gather3A_1004] : memref<2x128x128xf32, #tpu.memory_space<vmem>> -> memref<1x128x128xf32, #tpu.memory_space<vmem>>
      %gather3A_1006 = tpu.memref_squeeze %gather3A_1005 : memref<1x128x128xf32, #tpu.memory_space<vmem>> -> memref<128x128xf32, #tpu.memory_space<vmem>>
      %gather3A_1007 = tpu.vector_load_idx %gather3A_1006[%add3A_791, %add3A_1001] : memref<128x128xf32, #tpu.memory_space<vmem>>[vector<16xi32>, vector<16xi32>], vector<16xf32>,
      %mul3A_1008 = arith.mulf %gather3A_998, %gather3A_1007 : vector<16xf32>
      %add3A_1009 = arith.addf %add3A_989, %mul3A_1008 : vector<16xf32>
      %add3A_1010 = arith.constant 10 : i32
      %add3A_1011 = vector.broadcast %add3A_1010 : i32 to vector<16xi32>
      %add3A_1012 = arith.addi %shift_left3A_803, %add3A_1011 : vector<16xi32>
      %gather3A_1013 = arith.constant 1 : i32
      %gather3A_1014 = arith.constant 0 : i32
      %gather3A_1015 = arith.constant 0 : i32
      %gather3A_1016 = tpu.memref_slice %arg11[%gather3A_1013, %gather3A_1014, %gather3A_1015] : memref<2x128x128xf32, #tpu.memory_space<vmem>> -> memref<1x128x128xf32, #tpu.memory_space<vmem>>
      %gather3A_1017 = tpu.memref_squeeze %gather3A_1016 : memref<1x128x128xf32, #tpu.memory_space<vmem>> -> memref<128x128xf32, #tpu.memory_space<vmem>>
      %gather3A_1018 = tpu.vector_load_idx %gather3A_1017[%add3A_791, %add3A_1012] : memref<128x128xf32, #tpu.memory_space<vmem>>[vector<16xi32>, vector<16xi32>], vector<16xf32>,
      %add3A_1019 = arith.constant 10 : i32
      %add3A_1020 = vector.broadcast %add3A_1019 : i32 to vector<16xi32>
      %add3A_1021 = arith.addi %shift_left3A_809, %add3A_1020 : vector<16xi32>
      %gather3A_1022 = arith.constant 1 : i32
      %gather3A_1023 = arith.constant 0 : i32
      %gather3A_1024 = arith.constant 0 : i32
      %gather3A_1025 = tpu.memref_slice %arg12[%gather3A_1022, %gather3A_1023, %gather3A_1024] : memref<2x128x128xf32, #tpu.memory_space<vmem>> -> memref<1x128x128xf32, #tpu.memory_space<vmem>>
      %gather3A_1026 = tpu.memref_squeeze %gather3A_1025 : memref<1x128x128xf32, #tpu.memory_space<vmem>> -> memref<128x128xf32, #tpu.memory_space<vmem>>
      %gather3A_1027 = tpu.vector_load_idx %gather3A_1026[%add3A_791, %add3A_1021] : memref<128x128xf32, #tpu.memory_space<vmem>>[vector<16xi32>, vector<16xi32>], vector<16xf32>,
      %mul3A_1028 = arith.mulf %gather3A_1018, %gather3A_1027 : vector<16xf32>
      %add3A_1029 = arith.addf %add3A_1009, %mul3A_1028 : vector<16xf32>
      %add3A_1030 = arith.constant 11 : i32
      %add3A_1031 = vector.broadcast %add3A_1030 : i32 to vector<16xi32>
      %add3A_1032 = arith.addi %shift_left3A_803, %add3A_1031 : vector<16xi32>
      %gather3A_1033 = arith.constant 1 : i32
      %gather3A_1034 = arith.constant 0 : i32
      %gather3A_1035 = arith.constant 0 : i32
      %gather3A_1036 = tpu.memref_slice %arg11[%gather3A_1033, %gather3A_1034, %gather3A_1035] : memref<2x128x128xf32, #tpu.memory_space<vmem>> -> memref<1x128x128xf32, #tpu.memory_space<vmem>>
      %gather3A_1037 = tpu.memref_squeeze %gather3A_1036 : memref<1x128x128xf32, #tpu.memory_space<vmem>> -> memref<128x128xf32, #tpu.memory_space<vmem>>
      %gather3A_1038 = tpu.vector_load_idx %gather3A_1037[%add3A_791, %add3A_1032] : memref<128x128xf32, #tpu.memory_space<vmem>>[vector<16xi32>, vector<16xi32>], vector<16xf32>,
      %add3A_1039 = arith.constant 11 : i32
      %add3A_1040 = vector.broadcast %add3A_1039 : i32 to vector<16xi32>
      %add3A_1041 = arith.addi %shift_left3A_809, %add3A_1040 : vector<16xi32>
      %gather3A_1042 = arith.constant 1 : i32
      %gather3A_1043 = arith.constant 0 : i32
      %gather3A_1044 = arith.constant 0 : i32
      %gather3A_1045 = tpu.memref_slice %arg12[%gather3A_1042, %gather3A_1043, %gather3A_1044] : memref<2x128x128xf32, #tpu.memory_space<vmem>> -> memref<1x128x128xf32, #tpu.memory_space<vmem>>
      %gather3A_1046 = tpu.memref_squeeze %gather3A_1045 : memref<1x128x128xf32, #tpu.memory_space<vmem>> -> memref<128x128xf32, #tpu.memory_space<vmem>>
      %gather3A_1047 = tpu.vector_load_idx %gather3A_1046[%add3A_791, %add3A_1041] : memref<128x128xf32, #tpu.memory_space<vmem>>[vector<16xi32>, vector<16xi32>], vector<16xf32>,
      %mul3A_1048 = arith.mulf %gather3A_1038, %gather3A_1047 : vector<16xf32>
      %add3A_1049 = arith.addf %add3A_1029, %mul3A_1048 : vector<16xf32>
      %add3A_1050 = arith.constant 12 : i32
      %add3A_1051 = vector.broadcast %add3A_1050 : i32 to vector<16xi32>
      %add3A_1052 = arith.addi %shift_left3A_803, %add3A_1051 : vector<16xi32>
      %gather3A_1053 = arith.constant 1 : i32
      %gather3A_1054 = arith.constant 0 : i32
      %gather3A_1055 = arith.constant 0 : i32
      %gather3A_1056 = tpu.memref_slice %arg11[%gather3A_1053, %gather3A_1054, %gather3A_1055] : memref<2x128x128xf32, #tpu.memory_space<vmem>> -> memref<1x128x128xf32, #tpu.memory_space<vmem>>
      %gather3A_1057 = tpu.memref_squeeze %gather3A_1056 : memref<1x128x128xf32, #tpu.memory_space<vmem>> -> memref<128x128xf32, #tpu.memory_space<vmem>>
      %gather3A_1058 = tpu.vector_load_idx %gather3A_1057[%add3A_791, %add3A_1052] : memref<128x128xf32, #tpu.memory_space<vmem>>[vector<16xi32>, vector<16xi32>], vector<16xf32>,
      %add3A_1059 = arith.constant 12 : i32
      %add3A_1060 = vector.broadcast %add3A_1059 : i32 to vector<16xi32>
      %add3A_1061 = arith.addi %shift_left3A_809, %add3A_1060 : vector<16xi32>
      %gather3A_1062 = arith.constant 1 : i32
      %gather3A_1063 = arith.constant 0 : i32
      %gather3A_1064 = arith.constant 0 : i32
      %gather3A_1065 = tpu.memref_slice %arg12[%gather3A_1062, %gather3A_1063, %gather3A_1064] : memref<2x128x128xf32, #tpu.memory_space<vmem>> -> memref<1x128x128xf32, #tpu.memory_space<vmem>>
      %gather3A_1066 = tpu.memref_squeeze %gather3A_1065 : memref<1x128x128xf32, #tpu.memory_space<vmem>> -> memref<128x128xf32, #tpu.memory_space<vmem>>
      %gather3A_1067 = tpu.vector_load_idx %gather3A_1066[%add3A_791, %add3A_1061] : memref<128x128xf32, #tpu.memory_space<vmem>>[vector<16xi32>, vector<16xi32>], vector<16xf32>,
      %mul3A_1068 = arith.mulf %gather3A_1058, %gather3A_1067 : vector<16xf32>
      %add3A_1069 = arith.addf %add3A_1049, %mul3A_1068 : vector<16xf32>
      %add3A_1070 = arith.constant 13 : i32
      %add3A_1071 = vector.broadcast %add3A_1070 : i32 to vector<16xi32>
      %add3A_1072 = arith.addi %shift_left3A_803, %add3A_1071 : vector<16xi32>
      %gather3A_1073 = arith.constant 1 : i32
      %gather3A_1074 = arith.constant 0 : i32
      %gather3A_1075 = arith.constant 0 : i32
      %gather3A_1076 = tpu.memref_slice %arg11[%gather3A_1073, %gather3A_1074, %gather3A_1075] : memref<2x128x128xf32, #tpu.memory_space<vmem>> -> memref<1x128x128xf32, #tpu.memory_space<vmem>>
      %gather3A_1077 = tpu.memref_squeeze %gather3A_1076 : memref<1x128x128xf32, #tpu.memory_space<vmem>> -> memref<128x128xf32, #tpu.memory_space<vmem>>
      %gather3A_1078 = tpu.vector_load_idx %gather3A_1077[%add3A_791, %add3A_1072] : memref<128x128xf32, #tpu.memory_space<vmem>>[vector<16xi32>, vector<16xi32>], vector<16xf32>,
      %add3A_1079 = arith.constant 13 : i32
      %add3A_1080 = vector.broadcast %add3A_1079 : i32 to vector<16xi32>
      %add3A_1081 = arith.addi %shift_left3A_809, %add3A_1080 : vector<16xi32>
      %gather3A_1082 = arith.constant 1 : i32
      %gather3A_1083 = arith.constant 0 : i32
      %gather3A_1084 = arith.constant 0 : i32
      %gather3A_1085 = tpu.memref_slice %arg12[%gather3A_1082, %gather3A_1083, %gather3A_1084] : memref<2x128x128xf32, #tpu.memory_space<vmem>> -> memref<1x128x128xf32, #tpu.memory_space<vmem>>
      %gather3A_1086 = tpu.memref_squeeze %gather3A_1085 : memref<1x128x128xf32, #tpu.memory_space<vmem>> -> memref<128x128xf32, #tpu.memory_space<vmem>>
      %gather3A_1087 = tpu.vector_load_idx %gather3A_1086[%add3A_791, %add3A_1081] : memref<128x128xf32, #tpu.memory_space<vmem>>[vector<16xi32>, vector<16xi32>], vector<16xf32>,
      %mul3A_1088 = arith.mulf %gather3A_1078, %gather3A_1087 : vector<16xf32>
      %add3A_1089 = arith.addf %add3A_1069, %mul3A_1088 : vector<16xf32>
      %add3A_1090 = arith.constant 14 : i32
      %add3A_1091 = vector.broadcast %add3A_1090 : i32 to vector<16xi32>
      %add3A_1092 = arith.addi %shift_left3A_803, %add3A_1091 : vector<16xi32>
      %gather3A_1093 = arith.constant 1 : i32
      %gather3A_1094 = arith.constant 0 : i32
      %gather3A_1095 = arith.constant 0 : i32
      %gather3A_1096 = tpu.memref_slice %arg11[%gather3A_1093, %gather3A_1094, %gather3A_1095] : memref<2x128x128xf32, #tpu.memory_space<vmem>> -> memref<1x128x128xf32, #tpu.memory_space<vmem>>
      %gather3A_1097 = tpu.memref_squeeze %gather3A_1096 : memref<1x128x128xf32, #tpu.memory_space<vmem>> -> memref<128x128xf32, #tpu.memory_space<vmem>>
      %gather3A_1098 = tpu.vector_load_idx %gather3A_1097[%add3A_791, %add3A_1092] : memref<128x128xf32, #tpu.memory_space<vmem>>[vector<16xi32>, vector<16xi32>], vector<16xf32>,
      %add3A_1099 = arith.constant 14 : i32
      %add3A_1100 = vector.broadcast %add3A_1099 : i32 to vector<16xi32>
      %add3A_1101 = arith.addi %shift_left3A_809, %add3A_1100 : vector<16xi32>
      %gather3A_1102 = arith.constant 1 : i32
      %gather3A_1103 = arith.constant 0 : i32
      %gather3A_1104 = arith.constant 0 : i32
      %gather3A_1105 = tpu.memref_slice %arg12[%gather3A_1102, %gather3A_1103, %gather3A_1104] : memref<2x128x128xf32, #tpu.memory_space<vmem>> -> memref<1x128x128xf32, #tpu.memory_space<vmem>>
      %gather3A_1106 = tpu.memref_squeeze %gather3A_1105 : memref<1x128x128xf32, #tpu.memory_space<vmem>> -> memref<128x128xf32, #tpu.memory_space<vmem>>
      %gather3A_1107 = tpu.vector_load_idx %gather3A_1106[%add3A_791, %add3A_1101] : memref<128x128xf32, #tpu.memory_space<vmem>>[vector<16xi32>, vector<16xi32>], vector<16xf32>,
      %mul3A_1108 = arith.mulf %gather3A_1098, %gather3A_1107 : vector<16xf32>
      %add3A_1109 = arith.addf %add3A_1089, %mul3A_1108 : vector<16xf32>
      %add3A_1110 = arith.constant 15 : i32
      %add3A_1111 = vector.broadcast %add3A_1110 : i32 to vector<16xi32>
      %add3A_1112 = arith.addi %shift_left3A_803, %add3A_1111 : vector<16xi32>
      %gather3A_1113 = arith.constant 1 : i32
      %gather3A_1114 = arith.constant 0 : i32
      %gather3A_1115 = arith.constant 0 : i32
      %gather3A_1116 = tpu.memref_slice %arg11[%gather3A_1113, %gather3A_1114, %gather3A_1115] : memref<2x128x128xf32, #tpu.memory_space<vmem>> -> memref<1x128x128xf32, #tpu.memory_space<vmem>>
      %gather3A_1117 = tpu.memref_squeeze %gather3A_1116 : memref<1x128x128xf32, #tpu.memory_space<vmem>> -> memref<128x128xf32, #tpu.memory_space<vmem>>
      %gather3A_1118 = tpu.vector_load_idx %gather3A_1117[%add3A_791, %add3A_1112] : memref<128x128xf32, #tpu.memory_space<vmem>>[vector<16xi32>, vector<16xi32>], vector<16xf32>,
      %add3A_1119 = arith.constant 15 : i32
      %add3A_1120 = vector.broadcast %add3A_1119 : i32 to vector<16xi32>
      %add3A_1121 = arith.addi %shift_left3A_809, %add3A_1120 : vector<16xi32>
      %gather3A_1122 = arith.constant 1 : i32
      %gather3A_1123 = arith.constant 0 : i32
      %gather3A_1124 = arith.constant 0 : i32
      %gather3A_1125 = tpu.memref_slice %arg12[%gather3A_1122, %gather3A_1123, %gather3A_1124] : memref<2x128x128xf32, #tpu.memory_space<vmem>> -> memref<1x128x128xf32, #tpu.memory_space<vmem>>
      %gather3A_1126 = tpu.memref_squeeze %gather3A_1125 : memref<1x128x128xf32, #tpu.memory_space<vmem>> -> memref<128x128xf32, #tpu.memory_space<vmem>>
      %gather3A_1127 = tpu.vector_load_idx %gather3A_1126[%add3A_791, %add3A_1121] : memref<128x128xf32, #tpu.memory_space<vmem>>[vector<16xi32>, vector<16xi32>], vector<16xf32>,
      %mul3A_1128 = arith.mulf %gather3A_1118, %gather3A_1127 : vector<16xf32>
      %add3A_1129 = arith.addf %add3A_1109, %mul3A_1128 : vector<16xf32>
      %add3A_1130 = arith.constant 16 : i32
      %add3A_1131 = vector.broadcast %add3A_1130 : i32 to vector<16xi32>
      %add3A_1132 = arith.addi %shift_left3A_803, %add3A_1131 : vector<16xi32>
      %gather3A_1133 = arith.constant 1 : i32
      %gather3A_1134 = arith.constant 0 : i32
      %gather3A_1135 = arith.constant 0 : i32
      %gather3A_1136 = tpu.memref_slice %arg11[%gather3A_1133, %gather3A_1134, %gather3A_1135] : memref<2x128x128xf32, #tpu.memory_space<vmem>> -> memref<1x128x128xf32, #tpu.memory_space<vmem>>
      %gather3A_1137 = tpu.memref_squeeze %gather3A_1136 : memref<1x128x128xf32, #tpu.memory_space<vmem>> -> memref<128x128xf32, #tpu.memory_space<vmem>>
      %gather3A_1138 = tpu.vector_load_idx %gather3A_1137[%add3A_791, %add3A_1132] : memref<128x128xf32, #tpu.memory_space<vmem>>[vector<16xi32>, vector<16xi32>], vector<16xf32>,
      %add3A_1139 = arith.constant 16 : i32
      %add3A_1140 = vector.broadcast %add3A_1139 : i32 to vector<16xi32>
      %add3A_1141 = arith.addi %shift_left3A_809, %add3A_1140 : vector<16xi32>
      %gather3A_1142 = arith.constant 1 : i32
      %gather3A_1143 = arith.constant 0 : i32
      %gather3A_1144 = arith.constant 0 : i32
      %gather3A_1145 = tpu.memref_slice %arg12[%gather3A_1142, %gather3A_1143, %gather3A_1144] : memref<2x128x128xf32, #tpu.memory_space<vmem>> -> memref<1x128x128xf32, #tpu.memory_space<vmem>>
      %gather3A_1146 = tpu.memref_squeeze %gather3A_1145 : memref<1x128x128xf32, #tpu.memory_space<vmem>> -> memref<128x128xf32, #tpu.memory_space<vmem>>
      %gather3A_1147 = tpu.vector_load_idx %gather3A_1146[%add3A_791, %add3A_1141] : memref<128x128xf32, #tpu.memory_space<vmem>>[vector<16xi32>, vector<16xi32>], vector<16xf32>,
      %mul3A_1148 = arith.mulf %gather3A_1138, %gather3A_1147 : vector<16xf32>
      %add3A_1149 = arith.addf %add3A_1129, %mul3A_1148 : vector<16xf32>
      %add3A_1150 = arith.constant 17 : i32
      %add3A_1151 = vector.broadcast %add3A_1150 : i32 to vector<16xi32>
      %add3A_1152 = arith.addi %shift_left3A_803, %add3A_1151 : vector<16xi32>
      %gather3A_1153 = arith.constant 1 : i32
      %gather3A_1154 = arith.constant 0 : i32
      %gather3A_1155 = arith.constant 0 : i32
      %gather3A_1156 = tpu.memref_slice %arg11[%gather3A_1153, %gather3A_1154, %gather3A_1155] : memref<2x128x128xf32, #tpu.memory_space<vmem>> -> memref<1x128x128xf32, #tpu.memory_space<vmem>>
      %gather3A_1157 = tpu.memref_squeeze %gather3A_1156 : memref<1x128x128xf32, #tpu.memory_space<vmem>> -> memref<128x128xf32, #tpu.memory_space<vmem>>
      %gather3A_1158 = tpu.vector_load_idx %gather3A_1157[%add3A_791, %add3A_1152] : memref<128x128xf32, #tpu.memory_space<vmem>>[vector<16xi32>, vector<16xi32>], vector<16xf32>,
      %add3A_1159 = arith.constant 17 : i32
      %add3A_1160 = vector.broadcast %add3A_1159 : i32 to vector<16xi32>
      %add3A_1161 = arith.addi %shift_left3A_809, %add3A_1160 : vector<16xi32>
      %gather3A_1162 = arith.constant 1 : i32
      %gather3A_1163 = arith.constant 0 : i32
      %gather3A_1164 = arith.constant 0 : i32
      %gather3A_1165 = tpu.memref_slice %arg12[%gather3A_1162, %gather3A_1163, %gather3A_1164] : memref<2x128x128xf32, #tpu.memory_space<vmem>> -> memref<1x128x128xf32, #tpu.memory_space<vmem>>
      %gather3A_1166 = tpu.memref_squeeze %gather3A_1165 : memref<1x128x128xf32, #tpu.memory_space<vmem>> -> memref<128x128xf32, #tpu.memory_space<vmem>>
      %gather3A_1167 = tpu.vector_load_idx %gather3A_1166[%add3A_791, %add3A_1161] : memref<128x128xf32, #tpu.memory_space<vmem>>[vector<16xi32>, vector<16xi32>], vector<16xf32>,
      %mul3A_1168 = arith.mulf %gather3A_1158, %gather3A_1167 : vector<16xf32>
      %add3A_1169 = arith.addf %add3A_1149, %mul3A_1168 : vector<16xf32>
      %add3A_1170 = arith.constant 18 : i32
      %add3A_1171 = vector.broadcast %add3A_1170 : i32 to vector<16xi32>
      %add3A_1172 = arith.addi %shift_left3A_803, %add3A_1171 : vector<16xi32>
      %gather3A_1173 = arith.constant 1 : i32
      %gather3A_1174 = arith.constant 0 : i32
      %gather3A_1175 = arith.constant 0 : i32
      %gather3A_1176 = tpu.memref_slice %arg11[%gather3A_1173, %gather3A_1174, %gather3A_1175] : memref<2x128x128xf32, #tpu.memory_space<vmem>> -> memref<1x128x128xf32, #tpu.memory_space<vmem>>
      %gather3A_1177 = tpu.memref_squeeze %gather3A_1176 : memref<1x128x128xf32, #tpu.memory_space<vmem>> -> memref<128x128xf32, #tpu.memory_space<vmem>>
      %gather3A_1178 = tpu.vector_load_idx %gather3A_1177[%add3A_791, %add3A_1172] : memref<128x128xf32, #tpu.memory_space<vmem>>[vector<16xi32>, vector<16xi32>], vector<16xf32>,
      %add3A_1179 = arith.constant 18 : i32
      %add3A_1180 = vector.broadcast %add3A_1179 : i32 to vector<16xi32>
      %add3A_1181 = arith.addi %shift_left3A_809, %add3A_1180 : vector<16xi32>
      %gather3A_1182 = arith.constant 1 : i32
      %gather3A_1183 = arith.constant 0 : i32
      %gather3A_1184 = arith.constant 0 : i32
      %gather3A_1185 = tpu.memref_slice %arg12[%gather3A_1182, %gather3A_1183, %gather3A_1184] : memref<2x128x128xf32, #tpu.memory_space<vmem>> -> memref<1x128x128xf32, #tpu.memory_space<vmem>>
      %gather3A_1186 = tpu.memref_squeeze %gather3A_1185 : memref<1x128x128xf32, #tpu.memory_space<vmem>> -> memref<128x128xf32, #tpu.memory_space<vmem>>
      %gather3A_1187 = tpu.vector_load_idx %gather3A_1186[%add3A_791, %add3A_1181] : memref<128x128xf32, #tpu.memory_space<vmem>>[vector<16xi32>, vector<16xi32>], vector<16xf32>,
      %mul3A_1188 = arith.mulf %gather3A_1178, %gather3A_1187 : vector<16xf32>
      %add3A_1189 = arith.addf %add3A_1169, %mul3A_1188 : vector<16xf32>
      %add3A_1190 = arith.constant 19 : i32
      %add3A_1191 = vector.broadcast %add3A_1190 : i32 to vector<16xi32>
      %add3A_1192 = arith.addi %shift_left3A_803, %add3A_1191 : vector<16xi32>
      %gather3A_1193 = arith.constant 1 : i32
      %gather3A_1194 = arith.constant 0 : i32
      %gather3A_1195 = arith.constant 0 : i32
      %gather3A_1196 = tpu.memref_slice %arg11[%gather3A_1193, %gather3A_1194, %gather3A_1195] : memref<2x128x128xf32, #tpu.memory_space<vmem>> -> memref<1x128x128xf32, #tpu.memory_space<vmem>>
      %gather3A_1197 = tpu.memref_squeeze %gather3A_1196 : memref<1x128x128xf32, #tpu.memory_space<vmem>> -> memref<128x128xf32, #tpu.memory_space<vmem>>
      %gather3A_1198 = tpu.vector_load_idx %gather3A_1197[%add3A_791, %add3A_1192] : memref<128x128xf32, #tpu.memory_space<vmem>>[vector<16xi32>, vector<16xi32>], vector<16xf32>,
      %add3A_1199 = arith.constant 19 : i32
      %add3A_1200 = vector.broadcast %add3A_1199 : i32 to vector<16xi32>
      %add3A_1201 = arith.addi %shift_left3A_809, %add3A_1200 : vector<16xi32>
      %gather3A_1202 = arith.constant 1 : i32
      %gather3A_1203 = arith.constant 0 : i32
      %gather3A_1204 = arith.constant 0 : i32
      %gather3A_1205 = tpu.memref_slice %arg12[%gather3A_1202, %gather3A_1203, %gather3A_1204] : memref<2x128x128xf32, #tpu.memory_space<vmem>> -> memref<1x128x128xf32, #tpu.memory_space<vmem>>
      %gather3A_1206 = tpu.memref_squeeze %gather3A_1205 : memref<1x128x128xf32, #tpu.memory_space<vmem>> -> memref<128x128xf32, #tpu.memory_space<vmem>>
      %gather3A_1207 = tpu.vector_load_idx %gather3A_1206[%add3A_791, %add3A_1201] : memref<128x128xf32, #tpu.memory_space<vmem>>[vector<16xi32>, vector<16xi32>], vector<16xf32>,
      %mul3A_1208 = arith.mulf %gather3A_1198, %gather3A_1207 : vector<16xf32>
      %add3A_1209 = arith.addf %add3A_1189, %mul3A_1208 : vector<16xf32>
      %add3A_1210 = arith.constant 20 : i32
      %add3A_1211 = vector.broadcast %add3A_1210 : i32 to vector<16xi32>
      %add3A_1212 = arith.addi %shift_left3A_803, %add3A_1211 : vector<16xi32>
      %gather3A_1213 = arith.constant 1 : i32
      %gather3A_1214 = arith.constant 0 : i32
      %gather3A_1215 = arith.constant 0 : i32
      %gather3A_1216 = tpu.memref_slice %arg11[%gather3A_1213, %gather3A_1214, %gather3A_1215] : memref<2x128x128xf32, #tpu.memory_space<vmem>> -> memref<1x128x128xf32, #tpu.memory_space<vmem>>
      %gather3A_1217 = tpu.memref_squeeze %gather3A_1216 : memref<1x128x128xf32, #tpu.memory_space<vmem>> -> memref<128x128xf32, #tpu.memory_space<vmem>>
      %gather3A_1218 = tpu.vector_load_idx %gather3A_1217[%add3A_791, %add3A_1212] : memref<128x128xf32, #tpu.memory_space<vmem>>[vector<16xi32>, vector<16xi32>], vector<16xf32>,
      %add3A_1219 = arith.constant 20 : i32
      %add3A_1220 = vector.broadcast %add3A_1219 : i32 to vector<16xi32>
      %add3A_1221 = arith.addi %shift_left3A_809, %add3A_1220 : vector<16xi32>
      %gather3A_1222 = arith.constant 1 : i32
      %gather3A_1223 = arith.constant 0 : i32
      %gather3A_1224 = arith.constant 0 : i32
      %gather3A_1225 = tpu.memref_slice %arg12[%gather3A_1222, %gather3A_1223, %gather3A_1224] : memref<2x128x128xf32, #tpu.memory_space<vmem>> -> memref<1x128x128xf32, #tpu.memory_space<vmem>>
      %gather3A_1226 = tpu.memref_squeeze %gather3A_1225 : memref<1x128x128xf32, #tpu.memory_space<vmem>> -> memref<128x128xf32, #tpu.memory_space<vmem>>
      %gather3A_1227 = tpu.vector_load_idx %gather3A_1226[%add3A_791, %add3A_1221] : memref<128x128xf32, #tpu.memory_space<vmem>>[vector<16xi32>, vector<16xi32>], vector<16xf32>,
      %mul3A_1228 = arith.mulf %gather3A_1218, %gather3A_1227 : vector<16xf32>
      %add3A_1229 = arith.addf %add3A_1209, %mul3A_1228 : vector<16xf32>
      %add3A_1230 = arith.constant 21 : i32
      %add3A_1231 = vector.broadcast %add3A_1230 : i32 to vector<16xi32>
      %add3A_1232 = arith.addi %shift_left3A_803, %add3A_1231 : vector<16xi32>
      %gather3A_1233 = arith.constant 1 : i32
      %gather3A_1234 = arith.constant 0 : i32
      %gather3A_1235 = arith.constant 0 : i32
      %gather3A_1236 = tpu.memref_slice %arg11[%gather3A_1233, %gather3A_1234, %gather3A_1235] : memref<2x128x128xf32, #tpu.memory_space<vmem>> -> memref<1x128x128xf32, #tpu.memory_space<vmem>>
      %gather3A_1237 = tpu.memref_squeeze %gather3A_1236 : memref<1x128x128xf32, #tpu.memory_space<vmem>> -> memref<128x128xf32, #tpu.memory_space<vmem>>
      %gather3A_1238 = tpu.vector_load_idx %gather3A_1237[%add3A_791, %add3A_1232] : memref<128x128xf32, #tpu.memory_space<vmem>>[vector<16xi32>, vector<16xi32>], vector<16xf32>,
      %add3A_1239 = arith.constant 21 : i32
      %add3A_1240 = vector.broadcast %add3A_1239 : i32 to vector<16xi32>
      %add3A_1241 = arith.addi %shift_left3A_809, %add3A_1240 : vector<16xi32>
      %gather3A_1242 = arith.constant 1 : i32
      %gather3A_1243 = arith.constant 0 : i32
      %gather3A_1244 = arith.constant 0 : i32
      %gather3A_1245 = tpu.memref_slice %arg12[%gather3A_1242, %gather3A_1243, %gather3A_1244] : memref<2x128x128xf32, #tpu.memory_space<vmem>> -> memref<1x128x128xf32, #tpu.memory_space<vmem>>
      %gather3A_1246 = tpu.memref_squeeze %gather3A_1245 : memref<1x128x128xf32, #tpu.memory_space<vmem>> -> memref<128x128xf32, #tpu.memory_space<vmem>>
      %gather3A_1247 = tpu.vector_load_idx %gather3A_1246[%add3A_791, %add3A_1241] : memref<128x128xf32, #tpu.memory_space<vmem>>[vector<16xi32>, vector<16xi32>], vector<16xf32>,
      %mul3A_1248 = arith.mulf %gather3A_1238, %gather3A_1247 : vector<16xf32>
      %add3A_1249 = arith.addf %add3A_1229, %mul3A_1248 : vector<16xf32>
      %add3A_1250 = arith.constant 22 : i32
      %add3A_1251 = vector.broadcast %add3A_1250 : i32 to vector<16xi32>
      %add3A_1252 = arith.addi %shift_left3A_803, %add3A_1251 : vector<16xi32>
      %gather3A_1253 = arith.constant 1 : i32
      %gather3A_1254 = arith.constant 0 : i32
      %gather3A_1255 = arith.constant 0 : i32
      %gather3A_1256 = tpu.memref_slice %arg11[%gather3A_1253, %gather3A_1254, %gather3A_1255] : memref<2x128x128xf32, #tpu.memory_space<vmem>> -> memref<1x128x128xf32, #tpu.memory_space<vmem>>
      %gather3A_1257 = tpu.memref_squeeze %gather3A_1256 : memref<1x128x128xf32, #tpu.memory_space<vmem>> -> memref<128x128xf32, #tpu.memory_space<vmem>>
      %gather3A_1258 = tpu.vector_load_idx %gather3A_1257[%add3A_791, %add3A_1252] : memref<128x128xf32, #tpu.memory_space<vmem>>[vector<16xi32>, vector<16xi32>], vector<16xf32>,
      %add3A_1259 = arith.constant 22 : i32
      %add3A_1260 = vector.broadcast %add3A_1259 : i32 to vector<16xi32>
      %add3A_1261 = arith.addi %shift_left3A_809, %add3A_1260 : vector<16xi32>
      %gather3A_1262 = arith.constant 1 : i32
      %gather3A_1263 = arith.constant 0 : i32
      %gather3A_1264 = arith.constant 0 : i32
      %gather3A_1265 = tpu.memref_slice %arg12[%gather3A_1262, %gather3A_1263, %gather3A_1264] : memref<2x128x128xf32, #tpu.memory_space<vmem>> -> memref<1x128x128xf32, #tpu.memory_space<vmem>>
      %gather3A_1266 = tpu.memref_squeeze %gather3A_1265 : memref<1x128x128xf32, #tpu.memory_space<vmem>> -> memref<128x128xf32, #tpu.memory_space<vmem>>
      %gather3A_1267 = tpu.vector_load_idx %gather3A_1266[%add3A_791, %add3A_1261] : memref<128x128xf32, #tpu.memory_space<vmem>>[vector<16xi32>, vector<16xi32>], vector<16xf32>,
      %mul3A_1268 = arith.mulf %gather3A_1258, %gather3A_1267 : vector<16xf32>
      %add3A_1269 = arith.addf %add3A_1249, %mul3A_1268 : vector<16xf32>
      %add3A_1270 = arith.constant 23 : i32
      %add3A_1271 = vector.broadcast %add3A_1270 : i32 to vector<16xi32>
      %add3A_1272 = arith.addi %shift_left3A_803, %add3A_1271 : vector<16xi32>
      %gather3A_1273 = arith.constant 1 : i32
      %gather3A_1274 = arith.constant 0 : i32
      %gather3A_1275 = arith.constant 0 : i32
      %gather3A_1276 = tpu.memref_slice %arg11[%gather3A_1273, %gather3A_1274, %gather3A_1275] : memref<2x128x128xf32, #tpu.memory_space<vmem>> -> memref<1x128x128xf32, #tpu.memory_space<vmem>>
      %gather3A_1277 = tpu.memref_squeeze %gather3A_1276 : memref<1x128x128xf32, #tpu.memory_space<vmem>> -> memref<128x128xf32, #tpu.memory_space<vmem>>
      %gather3A_1278 = tpu.vector_load_idx %gather3A_1277[%add3A_791, %add3A_1272] : memref<128x128xf32, #tpu.memory_space<vmem>>[vector<16xi32>, vector<16xi32>], vector<16xf32>,
      %add3A_1279 = arith.constant 23 : i32
      %add3A_1280 = vector.broadcast %add3A_1279 : i32 to vector<16xi32>
      %add3A_1281 = arith.addi %shift_left3A_809, %add3A_1280 : vector<16xi32>
      %gather3A_1282 = arith.constant 1 : i32
      %gather3A_1283 = arith.constant 0 : i32
      %gather3A_1284 = arith.constant 0 : i32
      %gather3A_1285 = tpu.memref_slice %arg12[%gather3A_1282, %gather3A_1283, %gather3A_1284] : memref<2x128x128xf32, #tpu.memory_space<vmem>> -> memref<1x128x128xf32, #tpu.memory_space<vmem>>
      %gather3A_1286 = tpu.memref_squeeze %gather3A_1285 : memref<1x128x128xf32, #tpu.memory_space<vmem>> -> memref<128x128xf32, #tpu.memory_space<vmem>>
      %gather3A_1287 = tpu.vector_load_idx %gather3A_1286[%add3A_791, %add3A_1281] : memref<128x128xf32, #tpu.memory_space<vmem>>[vector<16xi32>, vector<16xi32>], vector<16xf32>,
      %mul3A_1288 = arith.mulf %gather3A_1278, %gather3A_1287 : vector<16xf32>
      %add3A_1289 = arith.addf %add3A_1269, %mul3A_1288 : vector<16xf32>
      %add3A_1290 = arith.constant 24 : i32
      %add3A_1291 = vector.broadcast %add3A_1290 : i32 to vector<16xi32>
      %add3A_1292 = arith.addi %shift_left3A_803, %add3A_1291 : vector<16xi32>
      %gather3A_1293 = arith.constant 1 : i32
      %gather3A_1294 = arith.constant 0 : i32
      %gather3A_1295 = arith.constant 0 : i32
      %gather3A_1296 = tpu.memref_slice %arg11[%gather3A_1293, %gather3A_1294, %gather3A_1295] : memref<2x128x128xf32, #tpu.memory_space<vmem>> -> memref<1x128x128xf32, #tpu.memory_space<vmem>>
      %gather3A_1297 = tpu.memref_squeeze %gather3A_1296 : memref<1x128x128xf32, #tpu.memory_space<vmem>> -> memref<128x128xf32, #tpu.memory_space<vmem>>
      %gather3A_1298 = tpu.vector_load_idx %gather3A_1297[%add3A_791, %add3A_1292] : memref<128x128xf32, #tpu.memory_space<vmem>>[vector<16xi32>, vector<16xi32>], vector<16xf32>,
      %add3A_1299 = arith.constant 24 : i32
      %add3A_1300 = vector.broadcast %add3A_1299 : i32 to vector<16xi32>
      %add3A_1301 = arith.addi %shift_left3A_809, %add3A_1300 : vector<16xi32>
      %gather3A_1302 = arith.constant 1 : i32
      %gather3A_1303 = arith.constant 0 : i32
      %gather3A_1304 = arith.constant 0 : i32
      %gather3A_1305 = tpu.memref_slice %arg12[%gather3A_1302, %gather3A_1303, %gather3A_1304] : memref<2x128x128xf32, #tpu.memory_space<vmem>> -> memref<1x128x128xf32, #tpu.memory_space<vmem>>
      %gather3A_1306 = tpu.memref_squeeze %gather3A_1305 : memref<1x128x128xf32, #tpu.memory_space<vmem>> -> memref<128x128xf32, #tpu.memory_space<vmem>>
      %gather3A_1307 = tpu.vector_load_idx %gather3A_1306[%add3A_791, %add3A_1301] : memref<128x128xf32, #tpu.memory_space<vmem>>[vector<16xi32>, vector<16xi32>], vector<16xf32>,
      %mul3A_1308 = arith.mulf %gather3A_1298, %gather3A_1307 : vector<16xf32>
      %add3A_1309 = arith.addf %add3A_1289, %mul3A_1308 : vector<16xf32>
      %add3A_1310 = arith.constant 25 : i32
      %add3A_1311 = vector.broadcast %add3A_1310 : i32 to vector<16xi32>
      %add3A_1312 = arith.addi %shift_left3A_803, %add3A_1311 : vector<16xi32>
      %gather3A_1313 = arith.constant 1 : i32
      %gather3A_1314 = arith.constant 0 : i32
      %gather3A_1315 = arith.constant 0 : i32
      %gather3A_1316 = tpu.memref_slice %arg11[%gather3A_1313, %gather3A_1314, %gather3A_1315] : memref<2x128x128xf32, #tpu.memory_space<vmem>> -> memref<1x128x128xf32, #tpu.memory_space<vmem>>
      %gather3A_1317 = tpu.memref_squeeze %gather3A_1316 : memref<1x128x128xf32, #tpu.memory_space<vmem>> -> memref<128x128xf32, #tpu.memory_space<vmem>>
      %gather3A_1318 = tpu.vector_load_idx %gather3A_1317[%add3A_791, %add3A_1312] : memref<128x128xf32, #tpu.memory_space<vmem>>[vector<16xi32>, vector<16xi32>], vector<16xf32>,
      %add3A_1319 = arith.constant 25 : i32
      %add3A_1320 = vector.broadcast %add3A_1319 : i32 to vector<16xi32>
      %add3A_1321 = arith.addi %shift_left3A_809, %add3A_1320 : vector<16xi32>
      %gather3A_1322 = arith.constant 1 : i32
      %gather3A_1323 = arith.constant 0 : i32
      %gather3A_1324 = arith.constant 0 : i32
      %gather3A_1325 = tpu.memref_slice %arg12[%gather3A_1322, %gather3A_1323, %gather3A_1324] : memref<2x128x128xf32, #tpu.memory_space<vmem>> -> memref<1x128x128xf32, #tpu.memory_space<vmem>>
      %gather3A_1326 = tpu.memref_squeeze %gather3A_1325 : memref<1x128x128xf32, #tpu.memory_space<vmem>> -> memref<128x128xf32, #tpu.memory_space<vmem>>
      %gather3A_1327 = tpu.vector_load_idx %gather3A_1326[%add3A_791, %add3A_1321] : memref<128x128xf32, #tpu.memory_space<vmem>>[vector<16xi32>, vector<16xi32>], vector<16xf32>,
      %mul3A_1328 = arith.mulf %gather3A_1318, %gather3A_1327 : vector<16xf32>
      %add3A_1329 = arith.addf %add3A_1309, %mul3A_1328 : vector<16xf32>
      %add3A_1330 = arith.constant 26 : i32
      %add3A_1331 = vector.broadcast %add3A_1330 : i32 to vector<16xi32>
      %add3A_1332 = arith.addi %shift_left3A_803, %add3A_1331 : vector<16xi32>
      %gather3A_1333 = arith.constant 1 : i32
      %gather3A_1334 = arith.constant 0 : i32
      %gather3A_1335 = arith.constant 0 : i32
      %gather3A_1336 = tpu.memref_slice %arg11[%gather3A_1333, %gather3A_1334, %gather3A_1335] : memref<2x128x128xf32, #tpu.memory_space<vmem>> -> memref<1x128x128xf32, #tpu.memory_space<vmem>>
      %gather3A_1337 = tpu.memref_squeeze %gather3A_1336 : memref<1x128x128xf32, #tpu.memory_space<vmem>> -> memref<128x128xf32, #tpu.memory_space<vmem>>
      %gather3A_1338 = tpu.vector_load_idx %gather3A_1337[%add3A_791, %add3A_1332] : memref<128x128xf32, #tpu.memory_space<vmem>>[vector<16xi32>, vector<16xi32>], vector<16xf32>,
      %add3A_1339 = arith.constant 26 : i32
      %add3A_1340 = vector.broadcast %add3A_1339 : i32 to vector<16xi32>
      %add3A_1341 = arith.addi %shift_left3A_809, %add3A_1340 : vector<16xi32>
      %gather3A_1342 = arith.constant 1 : i32
      %gather3A_1343 = arith.constant 0 : i32
      %gather3A_1344 = arith.constant 0 : i32
      %gather3A_1345 = tpu.memref_slice %arg12[%gather3A_1342, %gather3A_1343, %gather3A_1344] : memref<2x128x128xf32, #tpu.memory_space<vmem>> -> memref<1x128x128xf32, #tpu.memory_space<vmem>>
      %gather3A_1346 = tpu.memref_squeeze %gather3A_1345 : memref<1x128x128xf32, #tpu.memory_space<vmem>> -> memref<128x128xf32, #tpu.memory_space<vmem>>
      %gather3A_1347 = tpu.vector_load_idx %gather3A_1346[%add3A_791, %add3A_1341] : memref<128x128xf32, #tpu.memory_space<vmem>>[vector<16xi32>, vector<16xi32>], vector<16xf32>,
      %mul3A_1348 = arith.mulf %gather3A_1338, %gather3A_1347 : vector<16xf32>
      %add3A_1349 = arith.addf %add3A_1329, %mul3A_1348 : vector<16xf32>
      %add3A_1350 = arith.constant 27 : i32
      %add3A_1351 = vector.broadcast %add3A_1350 : i32 to vector<16xi32>
      %add3A_1352 = arith.addi %shift_left3A_803, %add3A_1351 : vector<16xi32>
      %gather3A_1353 = arith.constant 1 : i32
      %gather3A_1354 = arith.constant 0 : i32
      %gather3A_1355 = arith.constant 0 : i32
      %gather3A_1356 = tpu.memref_slice %arg11[%gather3A_1353, %gather3A_1354, %gather3A_1355] : memref<2x128x128xf32, #tpu.memory_space<vmem>> -> memref<1x128x128xf32, #tpu.memory_space<vmem>>
      %gather3A_1357 = tpu.memref_squeeze %gather3A_1356 : memref<1x128x128xf32, #tpu.memory_space<vmem>> -> memref<128x128xf32, #tpu.memory_space<vmem>>
      %gather3A_1358 = tpu.vector_load_idx %gather3A_1357[%add3A_791, %add3A_1352] : memref<128x128xf32, #tpu.memory_space<vmem>>[vector<16xi32>, vector<16xi32>], vector<16xf32>,
      %add3A_1359 = arith.constant 27 : i32
      %add3A_1360 = vector.broadcast %add3A_1359 : i32 to vector<16xi32>
      %add3A_1361 = arith.addi %shift_left3A_809, %add3A_1360 : vector<16xi32>
      %gather3A_1362 = arith.constant 1 : i32
      %gather3A_1363 = arith.constant 0 : i32
      %gather3A_1364 = arith.constant 0 : i32
      %gather3A_1365 = tpu.memref_slice %arg12[%gather3A_1362, %gather3A_1363, %gather3A_1364] : memref<2x128x128xf32, #tpu.memory_space<vmem>> -> memref<1x128x128xf32, #tpu.memory_space<vmem>>
      %gather3A_1366 = tpu.memref_squeeze %gather3A_1365 : memref<1x128x128xf32, #tpu.memory_space<vmem>> -> memref<128x128xf32, #tpu.memory_space<vmem>>
      %gather3A_1367 = tpu.vector_load_idx %gather3A_1366[%add3A_791, %add3A_1361] : memref<128x128xf32, #tpu.memory_space<vmem>>[vector<16xi32>, vector<16xi32>], vector<16xf32>,
      %mul3A_1368 = arith.mulf %gather3A_1358, %gather3A_1367 : vector<16xf32>
      %add3A_1369 = arith.addf %add3A_1349, %mul3A_1368 : vector<16xf32>
      %add3A_1370 = arith.constant 28 : i32
      %add3A_1371 = vector.broadcast %add3A_1370 : i32 to vector<16xi32>
      %add3A_1372 = arith.addi %shift_left3A_803, %add3A_1371 : vector<16xi32>
      %gather3A_1373 = arith.constant 1 : i32
      %gather3A_1374 = arith.constant 0 : i32
      %gather3A_1375 = arith.constant 0 : i32
      %gather3A_1376 = tpu.memref_slice %arg11[%gather3A_1373, %gather3A_1374, %gather3A_1375] : memref<2x128x128xf32, #tpu.memory_space<vmem>> -> memref<1x128x128xf32, #tpu.memory_space<vmem>>
      %gather3A_1377 = tpu.memref_squeeze %gather3A_1376 : memref<1x128x128xf32, #tpu.memory_space<vmem>> -> memref<128x128xf32, #tpu.memory_space<vmem>>
      %gather3A_1378 = tpu.vector_load_idx %gather3A_1377[%add3A_791, %add3A_1372] : memref<128x128xf32, #tpu.memory_space<vmem>>[vector<16xi32>, vector<16xi32>], vector<16xf32>,
      %add3A_1379 = arith.constant 28 : i32
      %add3A_1380 = vector.broadcast %add3A_1379 : i32 to vector<16xi32>
      %add3A_1381 = arith.addi %shift_left3A_809, %add3A_1380 : vector<16xi32>
      %gather3A_1382 = arith.constant 1 : i32
      %gather3A_1383 = arith.constant 0 : i32
      %gather3A_1384 = arith.constant 0 : i32
      %gather3A_1385 = tpu.memref_slice %arg12[%gather3A_1382, %gather3A_1383, %gather3A_1384] : memref<2x128x128xf32, #tpu.memory_space<vmem>> -> memref<1x128x128xf32, #tpu.memory_space<vmem>>
      %gather3A_1386 = tpu.memref_squeeze %gather3A_1385 : memref<1x128x128xf32, #tpu.memory_space<vmem>> -> memref<128x128xf32, #tpu.memory_space<vmem>>
      %gather3A_1387 = tpu.vector_load_idx %gather3A_1386[%add3A_791, %add3A_1381] : memref<128x128xf32, #tpu.memory_space<vmem>>[vector<16xi32>, vector<16xi32>], vector<16xf32>,
      %mul3A_1388 = arith.mulf %gather3A_1378, %gather3A_1387 : vector<16xf32>
      %add3A_1389 = arith.addf %add3A_1369, %mul3A_1388 : vector<16xf32>
      %add3A_1390 = arith.constant 29 : i32
      %add3A_1391 = vector.broadcast %add3A_1390 : i32 to vector<16xi32>
      %add3A_1392 = arith.addi %shift_left3A_803, %add3A_1391 : vector<16xi32>
      %gather3A_1393 = arith.constant 1 : i32
      %gather3A_1394 = arith.constant 0 : i32
      %gather3A_1395 = arith.constant 0 : i32
      %gather3A_1396 = tpu.memref_slice %arg11[%gather3A_1393, %gather3A_1394, %gather3A_1395] : memref<2x128x128xf32, #tpu.memory_space<vmem>> -> memref<1x128x128xf32, #tpu.memory_space<vmem>>
      %gather3A_1397 = tpu.memref_squeeze %gather3A_1396 : memref<1x128x128xf32, #tpu.memory_space<vmem>> -> memref<128x128xf32, #tpu.memory_space<vmem>>
      %gather3A_1398 = tpu.vector_load_idx %gather3A_1397[%add3A_791, %add3A_1392] : memref<128x128xf32, #tpu.memory_space<vmem>>[vector<16xi32>, vector<16xi32>], vector<16xf32>,
      %add3A_1399 = arith.constant 29 : i32
      %add3A_1400 = vector.broadcast %add3A_1399 : i32 to vector<16xi32>
      %add3A_1401 = arith.addi %shift_left3A_809, %add3A_1400 : vector<16xi32>
      %gather3A_1402 = arith.constant 1 : i32
      %gather3A_1403 = arith.constant 0 : i32
      %gather3A_1404 = arith.constant 0 : i32
      %gather3A_1405 = tpu.memref_slice %arg12[%gather3A_1402, %gather3A_1403, %gather3A_1404] : memref<2x128x128xf32, #tpu.memory_space<vmem>> -> memref<1x128x128xf32, #tpu.memory_space<vmem>>
      %gather3A_1406 = tpu.memref_squeeze %gather3A_1405 : memref<1x128x128xf32, #tpu.memory_space<vmem>> -> memref<128x128xf32, #tpu.memory_space<vmem>>
      %gather3A_1407 = tpu.vector_load_idx %gather3A_1406[%add3A_791, %add3A_1401] : memref<128x128xf32, #tpu.memory_space<vmem>>[vector<16xi32>, vector<16xi32>], vector<16xf32>,
      %mul3A_1408 = arith.mulf %gather3A_1398, %gather3A_1407 : vector<16xf32>
      %add3A_1409 = arith.addf %add3A_1389, %mul3A_1408 : vector<16xf32>
      %add3A_1410 = arith.constant 30 : i32
      %add3A_1411 = vector.broadcast %add3A_1410 : i32 to vector<16xi32>
      %add3A_1412 = arith.addi %shift_left3A_803, %add3A_1411 : vector<16xi32>
      %gather3A_1413 = arith.constant 1 : i32
      %gather3A_1414 = arith.constant 0 : i32
      %gather3A_1415 = arith.constant 0 : i32
      %gather3A_1416 = tpu.memref_slice %arg11[%gather3A_1413, %gather3A_1414, %gather3A_1415] : memref<2x128x128xf32, #tpu.memory_space<vmem>> -> memref<1x128x128xf32, #tpu.memory_space<vmem>>
      %gather3A_1417 = tpu.memref_squeeze %gather3A_1416 : memref<1x128x128xf32, #tpu.memory_space<vmem>> -> memref<128x128xf32, #tpu.memory_space<vmem>>
      %gather3A_1418 = tpu.vector_load_idx %gather3A_1417[%add3A_791, %add3A_1412] : memref<128x128xf32, #tpu.memory_space<vmem>>[vector<16xi32>, vector<16xi32>], vector<16xf32>,
      %add3A_1419 = arith.constant 30 : i32
      %add3A_1420 = vector.broadcast %add3A_1419 : i32 to vector<16xi32>
      %add3A_1421 = arith.addi %shift_left3A_809, %add3A_1420 : vector<16xi32>
      %gather3A_1422 = arith.constant 1 : i32
      %gather3A_1423 = arith.constant 0 : i32
      %gather3A_1424 = arith.constant 0 : i32
      %gather3A_1425 = tpu.memref_slice %arg12[%gather3A_1422, %gather3A_1423, %gather3A_1424] : memref<2x128x128xf32, #tpu.memory_space<vmem>> -> memref<1x128x128xf32, #tpu.memory_space<vmem>>
      %gather3A_1426 = tpu.memref_squeeze %gather3A_1425 : memref<1x128x128xf32, #tpu.memory_space<vmem>> -> memref<128x128xf32, #tpu.memory_space<vmem>>
      %gather3A_1427 = tpu.vector_load_idx %gather3A_1426[%add3A_791, %add3A_1421] : memref<128x128xf32, #tpu.memory_space<vmem>>[vector<16xi32>, vector<16xi32>], vector<16xf32>,
      %mul3A_1428 = arith.mulf %gather3A_1418, %gather3A_1427 : vector<16xf32>
      %add3A_1429 = arith.addf %add3A_1409, %mul3A_1428 : vector<16xf32>
      %add3A_1430 = arith.constant 31 : i32
      %add3A_1431 = vector.broadcast %add3A_1430 : i32 to vector<16xi32>
      %add3A_1432 = arith.addi %shift_left3A_803, %add3A_1431 : vector<16xi32>
      %gather3A_1433 = arith.constant 1 : i32
      %gather3A_1434 = arith.constant 0 : i32
      %gather3A_1435 = arith.constant 0 : i32
      %gather3A_1436 = tpu.memref_slice %arg11[%gather3A_1433, %gather3A_1434, %gather3A_1435] : memref<2x128x128xf32, #tpu.memory_space<vmem>> -> memref<1x128x128xf32, #tpu.memory_space<vmem>>
      %gather3A_1437 = tpu.memref_squeeze %gather3A_1436 : memref<1x128x128xf32, #tpu.memory_space<vmem>> -> memref<128x128xf32, #tpu.memory_space<vmem>>
      %gather3A_1438 = tpu.vector_load_idx %gather3A_1437[%add3A_791, %add3A_1432] : memref<128x128xf32, #tpu.memory_space<vmem>>[vector<16xi32>, vector<16xi32>], vector<16xf32>,
      %add3A_1439 = arith.constant 31 : i32
      %add3A_1440 = vector.broadcast %add3A_1439 : i32 to vector<16xi32>
      %add3A_1441 = arith.addi %shift_left3A_809, %add3A_1440 : vector<16xi32>
      %gather3A_1442 = arith.constant 1 : i32
      %gather3A_1443 = arith.constant 0 : i32
      %gather3A_1444 = arith.constant 0 : i32
      %gather3A_1445 = tpu.memref_slice %arg12[%gather3A_1442, %gather3A_1443, %gather3A_1444] : memref<2x128x128xf32, #tpu.memory_space<vmem>> -> memref<1x128x128xf32, #tpu.memory_space<vmem>>
      %gather3A_1446 = tpu.memref_squeeze %gather3A_1445 : memref<1x128x128xf32, #tpu.memory_space<vmem>> -> memref<128x128xf32, #tpu.memory_space<vmem>>
      %gather3A_1447 = tpu.vector_load_idx %gather3A_1446[%add3A_791, %add3A_1441] : memref<128x128xf32, #tpu.memory_space<vmem>>[vector<16xi32>, vector<16xi32>], vector<16xf32>,
      %mul3A_1448 = arith.mulf %gather3A_1438, %gather3A_1447 : vector<16xf32>
      %add3A_1449 = arith.addf %add3A_1429, %mul3A_1448 : vector<16xf32>
      %mul3A_1450 = arith.constant 16 : i32
      %mul3A_1451 = arith.muli %add3A_787, %mul3A_1450 : i32
      %swap3A_1452 = arith.index_cast %mul3A_1451 : i32 to index
      %swap3A_1453 = tpu.vector_load %arg13[%swap3A_1452] {strides = array<i32>} : memref<512xf32, #tpu.memory_space<vmem>>, vector<16xf32>,
      tpu.vector_store %arg13[%swap3A_1452], %add3A_1449 {strides = array<i32>} : memref<512xf32, #tpu.memory_space<vmem>>, vector<16xf32>,
    }
    %scan3A_702 = arith.constant 8 : i32
    %dma_wait3A_703 = arith.constant 2 : i32
    %dma_wait3A_704 = arith.constant 0 : i32
    %dma_wait3A_705 = arith.constant 0 : i32
    %dma_wait3A_706 = arith.constant 0 : i32
    %dma_wait3A_707 = tpu.memref_slice %arg11[%dma_wait3A_704, %dma_wait3A_705, %dma_wait3A_706] : memref<2x128x128xf32, #tpu.memory_space<vmem>> -> memref<1x128x128xf32, #tpu.memory_space<vmem>>
    %dma_wait3A_708 = tpu.memref_squeeze %dma_wait3A_707 : memref<1x128x128xf32, #tpu.memory_space<vmem>> -> memref<128x128xf32, #tpu.memory_space<vmem>>
    %dma_wait3A_709 = arith.constant 0 : i32
    %dma_wait3A_710 = tpu.memref_slice %arg9[%dma_wait3A_703, %dma_wait3A_709] : memref<4x128xi32, #tpu.memory_space<vmem>> -> memref<1x128xi32, #tpu.memory_space<vmem>>
    %dma_wait3A_711 = tpu.memref_squeeze %dma_wait3A_710 : memref<1x128xi32, #tpu.memory_space<vmem>> -> memref<128xi32, #tpu.memory_space<vmem>>
    %dma_wait3A_712 = arith.constant 0 : i32
    %dma_wait3A_713 = arith.constant 0 : i32
    %dma_wait3A_714 = tpu.memref_slice %arg4[%dma_wait3A_712, %dma_wait3A_713] : memref<32768x128xf32, #tpu.memory_space<hbm>> -> memref<32768x128xf32, #tpu.memory_space<hbm>>
    tpu.wait_indirect_dma semaphore(%arg14 : memref<!tpu.dma_semaphore, #tpu.memory_space<semaphore_mem>>) src(%dma_wait3A_714 : memref<32768x128xf32, #tpu.memory_space<hbm>>) dst(%dma_wait3A_708 : memref<128x128xf32, #tpu.memory_space<vmem>>)
    %dma_wait3A_715 = arith.constant 2 : i32
    %dma_wait3A_716 = arith.constant 0 : i32
    %dma_wait3A_717 = arith.constant 0 : i32
    %dma_wait3A_718 = arith.constant 0 : i32
    %dma_wait3A_719 = tpu.memref_slice %arg12[%dma_wait3A_716, %dma_wait3A_717, %dma_wait3A_718] : memref<2x128x128xf32, #tpu.memory_space<vmem>> -> memref<1x128x128xf32, #tpu.memory_space<vmem>>
    %dma_wait3A_720 = tpu.memref_squeeze %dma_wait3A_719 : memref<1x128x128xf32, #tpu.memory_space<vmem>> -> memref<128x128xf32, #tpu.memory_space<vmem>>
    %dma_wait3A_721 = arith.constant 0 : i32
    %dma_wait3A_722 = tpu.memref_slice %arg10[%dma_wait3A_715, %dma_wait3A_721] : memref<4x128xi32, #tpu.memory_space<vmem>> -> memref<1x128xi32, #tpu.memory_space<vmem>>
    %dma_wait3A_723 = tpu.memref_squeeze %dma_wait3A_722 : memref<1x128xi32, #tpu.memory_space<vmem>> -> memref<128xi32, #tpu.memory_space<vmem>>
    %dma_wait3A_724 = arith.constant 0 : i32
    %dma_wait3A_725 = arith.constant 0 : i32
    %dma_wait3A_726 = tpu.memref_slice %arg5[%dma_wait3A_724, %dma_wait3A_725] : memref<262144x128xf32, #tpu.memory_space<hbm>> -> memref<262144x128xf32, #tpu.memory_space<hbm>>
    tpu.wait_indirect_dma semaphore(%arg15 : memref<!tpu.dma_semaphore, #tpu.memory_space<semaphore_mem>>) src(%dma_wait3A_726 : memref<262144x128xf32, #tpu.memory_space<hbm>>) dst(%dma_wait3A_720 : memref<128x128xf32, #tpu.memory_space<vmem>>)
    %dma_start3A_727 = arith.constant 3 : i32
    %dma_start3A_728 = arith.constant 1 : i32
    %dma_start3A_729 = arith.constant 0 : i32
    %dma_start3A_730 = arith.constant 0 : i32
    %dma_start3A_731 = tpu.memref_slice %arg11[%dma_start3A_728, %dma_start3A_729, %dma_start3A_730] : memref<2x128x128xf32, #tpu.memory_space<vmem>> -> memref<1x128x128xf32, #tpu.memory_space<vmem>>
    %dma_start3A_732 = tpu.memref_squeeze %dma_start3A_731 : memref<1x128x128xf32, #tpu.memory_space<vmem>> -> memref<128x128xf32, #tpu.memory_space<vmem>>
    %dma_start3A_733 = arith.constant 0 : i32
    %dma_start3A_734 = tpu.memref_slice %arg9[%dma_start3A_727, %dma_start3A_733] : memref<4x128xi32, #tpu.memory_space<vmem>> -> memref<1x128xi32, #tpu.memory_space<vmem>>
    %dma_start3A_735 = tpu.memref_squeeze %dma_start3A_734 : memref<1x128xi32, #tpu.memory_space<vmem>> -> memref<128xi32, #tpu.memory_space<vmem>>
    %dma_start3A_736 = arith.constant 0 : i32
    %dma_start3A_737 = arith.constant 0 : i32
    %dma_start3A_738 = tpu.memref_slice %arg4[%dma_start3A_736, %dma_start3A_737] : memref<32768x128xf32, #tpu.memory_space<hbm>> -> memref<32768x128xf32, #tpu.memory_space<hbm>>
    tpu.enqueue_indirect_dma source(%dma_start3A_738 : memref<32768x128xf32, #tpu.memory_space<hbm>>) target(%dma_start3A_732 : memref<128x128xf32, #tpu.memory_space<vmem>>) offsets(%dma_start3A_735 : memref<128xi32, #tpu.memory_space<vmem>>) semaphore(%arg14 : memref<!tpu.dma_semaphore, #tpu.memory_space<semaphore_mem>>)
    %dma_start3A_739 = arith.constant 3 : i32
    %dma_start3A_740 = arith.constant 1 : i32
    %dma_start3A_741 = arith.constant 0 : i32
    %dma_start3A_742 = arith.constant 0 : i32
    %dma_start3A_743 = tpu.memref_slice %arg12[%dma_start3A_740, %dma_start3A_741, %dma_start3A_742] : memref<2x128x128xf32, #tpu.memory_space<vmem>> -> memref<1x128x128xf32, #tpu.memory_space<vmem>>
    %dma_start3A_744 = tpu.memref_squeeze %dma_start3A_743 : memref<1x128x128xf32, #tpu.memory_space<vmem>> -> memref<128x128xf32, #tpu.memory_space<vmem>>
    %dma_start3A_745 = arith.constant 0 : i32
    %dma_start3A_746 = tpu.memref_slice %arg10[%dma_start3A_739, %dma_start3A_745] : memref<4x128xi32, #tpu.memory_space<vmem>> -> memref<1x128xi32, #tpu.memory_space<vmem>>
    %dma_start3A_747 = tpu.memref_squeeze %dma_start3A_746 : memref<1x128xi32, #tpu.memory_space<vmem>> -> memref<128xi32, #tpu.memory_space<vmem>>
    %dma_start3A_748 = arith.constant 0 : i32
    %dma_start3A_749 = arith.constant 0 : i32
    %dma_start3A_750 = tpu.memref_slice %arg5[%dma_start3A_748, %dma_start3A_749] : memref<262144x128xf32, #tpu.memory_space<hbm>> -> memref<262144x128xf32, #tpu.memory_space<hbm>>
    tpu.enqueue_indirect_dma source(%dma_start3A_750 : memref<262144x128xf32, #tpu.memory_space<hbm>>) target(%dma_start3A_744 : memref<128x128xf32, #tpu.memory_space<vmem>>) offsets(%dma_start3A_747 : memref<128xi32, #tpu.memory_space<vmem>>) semaphore(%arg15 : memref<!tpu.dma_semaphore, #tpu.memory_space<semaphore_mem>>)
    %scan3A_751 = arith.constant 0 : i32
    %scan3A_752 = arith.constant 8 : i32
    %scan3A_753 = arith.addi %scan3A_751, %scan3A_752 : i32
    %scan3A_754 = arith.constant 1 : i32
    scf.for %scan3A_785 = %scan3A_751 to %scan3A_753 step %scan3A_754  : i32 {
      %add3A_786 = arith.constant 16 : i32
      %add3A_787 = arith.addi %add3A_786, %scan3A_785 : i32
      %mul3A_788 = arith.constant 16 : i32
      %mul3A_789 = arith.muli %scan3A_785, %mul3A_788 : i32
      %add3A_790 = vector.broadcast %mul3A_789 : i32 to vector<16xi32>
      %add3A_791 = arith.addi %add3A_790, %iota3A : vector<16xi32>
      %mul3A_792 = arith.constant 16 : i32
      %mul3A_793 = arith.muli %add3A_787, %mul3A_792 : i32
      %get3A_794 = arith.index_cast %mul3A_793 : i32 to index
      %get3A_795 = tpu.vector_load %arg7[%get3A_794] {strides = array<i32>} : memref<512xi32, #tpu.memory_space<vmem>>, vector<16xi32>,
      %mul3A_796 = arith.constant 16 : i32
      %mul3A_797 = arith.muli %add3A_787, %mul3A_796 : i32
      %get3A_798 = arith.index_cast %mul3A_797 : i32 to index
      %get3A_799 = tpu.vector_load %arg8[%get3A_798] {strides = array<i32>} : memref<512xi32, #tpu.memory_space<vmem>>, vector<16xi32>,
      %shift_right_logical3A = arith.constant 15 : i32
      %shift_right_logical3A_800 = vector.broadcast %shift_right_logical3A : i32 to vector<16xi32>
      %shift_right_logical3A_801 = arith.shrui %get3A_795, %shift_right_logical3A_800 : vector<16xi32>
      %shift_left3A = arith.constant 5 : i32
      %shift_left3A_802 = vector.broadcast %shift_left3A : i32 to vector<16xi32>
      %shift_left3A_803 = arith.shli %shift_right_logical3A_801, %shift_left3A_802 : vector<16xi32>
      %shift_right_logical3A_804 = arith.constant 18 : i32
      %shift_right_logical3A_805 = vector.broadcast %shift_right_logical3A_804 : i32 to vector<16xi32>
      %shift_right_logical3A_806 = arith.shrui %get3A_799, %shift_right_logical3A_805 : vector<16xi32>
      %shift_left3A_807 = arith.constant 5 : i32
      %shift_left3A_808 = vector.broadcast %shift_left3A_807 : i32 to vector<16xi32>
      %shift_left3A_809 = arith.shli %shift_right_logical3A_806, %shift_left3A_808 : vector<16xi32>
      %broadcast_in_dim3A = arith.constant 0.000000e+00 : f32
      %broadcast_in_dim3A_810 = vector.broadcast %broadcast_in_dim3A : f32 to vector<16xf32>
      %add3A_811 = arith.constant 0 : i32
      %add3A_812 = vector.broadcast %add3A_811 : i32 to vector<16xi32>
      %add3A_813 = arith.addi %shift_left3A_803, %add3A_812 : vector<16xi32>
      %gather3A = arith.constant 0 : i32
      %gather3A_814 = arith.constant 0 : i32
      %gather3A_815 = arith.constant 0 : i32
      %gather3A_816 = tpu.memref_slice %arg11[%gather3A, %gather3A_814, %gather3A_815] : memref<2x128x128xf32, #tpu.memory_space<vmem>> -> memref<1x128x128xf32, #tpu.memory_space<vmem>>
      %gather3A_817 = tpu.memref_squeeze %gather3A_816 : memref<1x128x128xf32, #tpu.memory_space<vmem>> -> memref<128x128xf32, #tpu.memory_space<vmem>>
      %gather3A_818 = tpu.vector_load_idx %gather3A_817[%add3A_791, %add3A_813] : memref<128x128xf32, #tpu.memory_space<vmem>>[vector<16xi32>, vector<16xi32>], vector<16xf32>,
      %add3A_819 = arith.constant 0 : i32
      %add3A_820 = vector.broadcast %add3A_819 : i32 to vector<16xi32>
      %add3A_821 = arith.addi %shift_left3A_809, %add3A_820 : vector<16xi32>
      %gather3A_822 = arith.constant 0 : i32
      %gather3A_823 = arith.constant 0 : i32
      %gather3A_824 = arith.constant 0 : i32
      %gather3A_825 = tpu.memref_slice %arg12[%gather3A_822, %gather3A_823, %gather3A_824] : memref<2x128x128xf32, #tpu.memory_space<vmem>> -> memref<1x128x128xf32, #tpu.memory_space<vmem>>
      %gather3A_826 = tpu.memref_squeeze %gather3A_825 : memref<1x128x128xf32, #tpu.memory_space<vmem>> -> memref<128x128xf32, #tpu.memory_space<vmem>>
      %gather3A_827 = tpu.vector_load_idx %gather3A_826[%add3A_791, %add3A_821] : memref<128x128xf32, #tpu.memory_space<vmem>>[vector<16xi32>, vector<16xi32>], vector<16xf32>,
      %mul3A_828 = arith.mulf %gather3A_818, %gather3A_827 : vector<16xf32>
      %add3A_829 = arith.addf %broadcast_in_dim3A_810, %mul3A_828 : vector<16xf32>
      %add3A_830 = arith.constant 1 : i32
      %add3A_831 = vector.broadcast %add3A_830 : i32 to vector<16xi32>
      %add3A_832 = arith.addi %shift_left3A_803, %add3A_831 : vector<16xi32>
      %gather3A_833 = arith.constant 0 : i32
      %gather3A_834 = arith.constant 0 : i32
      %gather3A_835 = arith.constant 0 : i32
      %gather3A_836 = tpu.memref_slice %arg11[%gather3A_833, %gather3A_834, %gather3A_835] : memref<2x128x128xf32, #tpu.memory_space<vmem>> -> memref<1x128x128xf32, #tpu.memory_space<vmem>>
      %gather3A_837 = tpu.memref_squeeze %gather3A_836 : memref<1x128x128xf32, #tpu.memory_space<vmem>> -> memref<128x128xf32, #tpu.memory_space<vmem>>
      %gather3A_838 = tpu.vector_load_idx %gather3A_837[%add3A_791, %add3A_832] : memref<128x128xf32, #tpu.memory_space<vmem>>[vector<16xi32>, vector<16xi32>], vector<16xf32>,
      %add3A_839 = arith.constant 1 : i32
      %add3A_840 = vector.broadcast %add3A_839 : i32 to vector<16xi32>
      %add3A_841 = arith.addi %shift_left3A_809, %add3A_840 : vector<16xi32>
      %gather3A_842 = arith.constant 0 : i32
      %gather3A_843 = arith.constant 0 : i32
      %gather3A_844 = arith.constant 0 : i32
      %gather3A_845 = tpu.memref_slice %arg12[%gather3A_842, %gather3A_843, %gather3A_844] : memref<2x128x128xf32, #tpu.memory_space<vmem>> -> memref<1x128x128xf32, #tpu.memory_space<vmem>>
      %gather3A_846 = tpu.memref_squeeze %gather3A_845 : memref<1x128x128xf32, #tpu.memory_space<vmem>> -> memref<128x128xf32, #tpu.memory_space<vmem>>
      %gather3A_847 = tpu.vector_load_idx %gather3A_846[%add3A_791, %add3A_841] : memref<128x128xf32, #tpu.memory_space<vmem>>[vector<16xi32>, vector<16xi32>], vector<16xf32>,
      %mul3A_848 = arith.mulf %gather3A_838, %gather3A_847 : vector<16xf32>
      %add3A_849 = arith.addf %add3A_829, %mul3A_848 : vector<16xf32>
      %add3A_850 = arith.constant 2 : i32
      %add3A_851 = vector.broadcast %add3A_850 : i32 to vector<16xi32>
      %add3A_852 = arith.addi %shift_left3A_803, %add3A_851 : vector<16xi32>
      %gather3A_853 = arith.constant 0 : i32
      %gather3A_854 = arith.constant 0 : i32
      %gather3A_855 = arith.constant 0 : i32
      %gather3A_856 = tpu.memref_slice %arg11[%gather3A_853, %gather3A_854, %gather3A_855] : memref<2x128x128xf32, #tpu.memory_space<vmem>> -> memref<1x128x128xf32, #tpu.memory_space<vmem>>
      %gather3A_857 = tpu.memref_squeeze %gather3A_856 : memref<1x128x128xf32, #tpu.memory_space<vmem>> -> memref<128x128xf32, #tpu.memory_space<vmem>>
      %gather3A_858 = tpu.vector_load_idx %gather3A_857[%add3A_791, %add3A_852] : memref<128x128xf32, #tpu.memory_space<vmem>>[vector<16xi32>, vector<16xi32>], vector<16xf32>,
      %add3A_859 = arith.constant 2 : i32
      %add3A_860 = vector.broadcast %add3A_859 : i32 to vector<16xi32>
      %add3A_861 = arith.addi %shift_left3A_809, %add3A_860 : vector<16xi32>
      %gather3A_862 = arith.constant 0 : i32
      %gather3A_863 = arith.constant 0 : i32
      %gather3A_864 = arith.constant 0 : i32
      %gather3A_865 = tpu.memref_slice %arg12[%gather3A_862, %gather3A_863, %gather3A_864] : memref<2x128x128xf32, #tpu.memory_space<vmem>> -> memref<1x128x128xf32, #tpu.memory_space<vmem>>
      %gather3A_866 = tpu.memref_squeeze %gather3A_865 : memref<1x128x128xf32, #tpu.memory_space<vmem>> -> memref<128x128xf32, #tpu.memory_space<vmem>>
      %gather3A_867 = tpu.vector_load_idx %gather3A_866[%add3A_791, %add3A_861] : memref<128x128xf32, #tpu.memory_space<vmem>>[vector<16xi32>, vector<16xi32>], vector<16xf32>,
      %mul3A_868 = arith.mulf %gather3A_858, %gather3A_867 : vector<16xf32>
      %add3A_869 = arith.addf %add3A_849, %mul3A_868 : vector<16xf32>
      %add3A_870 = arith.constant 3 : i32
      %add3A_871 = vector.broadcast %add3A_870 : i32 to vector<16xi32>
      %add3A_872 = arith.addi %shift_left3A_803, %add3A_871 : vector<16xi32>
      %gather3A_873 = arith.constant 0 : i32
      %gather3A_874 = arith.constant 0 : i32
      %gather3A_875 = arith.constant 0 : i32
      %gather3A_876 = tpu.memref_slice %arg11[%gather3A_873, %gather3A_874, %gather3A_875] : memref<2x128x128xf32, #tpu.memory_space<vmem>> -> memref<1x128x128xf32, #tpu.memory_space<vmem>>
      %gather3A_877 = tpu.memref_squeeze %gather3A_876 : memref<1x128x128xf32, #tpu.memory_space<vmem>> -> memref<128x128xf32, #tpu.memory_space<vmem>>
      %gather3A_878 = tpu.vector_load_idx %gather3A_877[%add3A_791, %add3A_872] : memref<128x128xf32, #tpu.memory_space<vmem>>[vector<16xi32>, vector<16xi32>], vector<16xf32>,
      %add3A_879 = arith.constant 3 : i32
      %add3A_880 = vector.broadcast %add3A_879 : i32 to vector<16xi32>
      %add3A_881 = arith.addi %shift_left3A_809, %add3A_880 : vector<16xi32>
      %gather3A_882 = arith.constant 0 : i32
      %gather3A_883 = arith.constant 0 : i32
      %gather3A_884 = arith.constant 0 : i32
      %gather3A_885 = tpu.memref_slice %arg12[%gather3A_882, %gather3A_883, %gather3A_884] : memref<2x128x128xf32, #tpu.memory_space<vmem>> -> memref<1x128x128xf32, #tpu.memory_space<vmem>>
      %gather3A_886 = tpu.memref_squeeze %gather3A_885 : memref<1x128x128xf32, #tpu.memory_space<vmem>> -> memref<128x128xf32, #tpu.memory_space<vmem>>
      %gather3A_887 = tpu.vector_load_idx %gather3A_886[%add3A_791, %add3A_881] : memref<128x128xf32, #tpu.memory_space<vmem>>[vector<16xi32>, vector<16xi32>], vector<16xf32>,
      %mul3A_888 = arith.mulf %gather3A_878, %gather3A_887 : vector<16xf32>
      %add3A_889 = arith.addf %add3A_869, %mul3A_888 : vector<16xf32>
      %add3A_890 = arith.constant 4 : i32
      %add3A_891 = vector.broadcast %add3A_890 : i32 to vector<16xi32>
      %add3A_892 = arith.addi %shift_left3A_803, %add3A_891 : vector<16xi32>
      %gather3A_893 = arith.constant 0 : i32
      %gather3A_894 = arith.constant 0 : i32
      %gather3A_895 = arith.constant 0 : i32
      %gather3A_896 = tpu.memref_slice %arg11[%gather3A_893, %gather3A_894, %gather3A_895] : memref<2x128x128xf32, #tpu.memory_space<vmem>> -> memref<1x128x128xf32, #tpu.memory_space<vmem>>
      %gather3A_897 = tpu.memref_squeeze %gather3A_896 : memref<1x128x128xf32, #tpu.memory_space<vmem>> -> memref<128x128xf32, #tpu.memory_space<vmem>>
      %gather3A_898 = tpu.vector_load_idx %gather3A_897[%add3A_791, %add3A_892] : memref<128x128xf32, #tpu.memory_space<vmem>>[vector<16xi32>, vector<16xi32>], vector<16xf32>,
      %add3A_899 = arith.constant 4 : i32
      %add3A_900 = vector.broadcast %add3A_899 : i32 to vector<16xi32>
      %add3A_901 = arith.addi %shift_left3A_809, %add3A_900 : vector<16xi32>
      %gather3A_902 = arith.constant 0 : i32
      %gather3A_903 = arith.constant 0 : i32
      %gather3A_904 = arith.constant 0 : i32
      %gather3A_905 = tpu.memref_slice %arg12[%gather3A_902, %gather3A_903, %gather3A_904] : memref<2x128x128xf32, #tpu.memory_space<vmem>> -> memref<1x128x128xf32, #tpu.memory_space<vmem>>
      %gather3A_906 = tpu.memref_squeeze %gather3A_905 : memref<1x128x128xf32, #tpu.memory_space<vmem>> -> memref<128x128xf32, #tpu.memory_space<vmem>>
      %gather3A_907 = tpu.vector_load_idx %gather3A_906[%add3A_791, %add3A_901] : memref<128x128xf32, #tpu.memory_space<vmem>>[vector<16xi32>, vector<16xi32>], vector<16xf32>,
      %mul3A_908 = arith.mulf %gather3A_898, %gather3A_907 : vector<16xf32>
      %add3A_909 = arith.addf %add3A_889, %mul3A_908 : vector<16xf32>
      %add3A_910 = arith.constant 5 : i32
      %add3A_911 = vector.broadcast %add3A_910 : i32 to vector<16xi32>
      %add3A_912 = arith.addi %shift_left3A_803, %add3A_911 : vector<16xi32>
      %gather3A_913 = arith.constant 0 : i32
      %gather3A_914 = arith.constant 0 : i32
      %gather3A_915 = arith.constant 0 : i32
      %gather3A_916 = tpu.memref_slice %arg11[%gather3A_913, %gather3A_914, %gather3A_915] : memref<2x128x128xf32, #tpu.memory_space<vmem>> -> memref<1x128x128xf32, #tpu.memory_space<vmem>>
      %gather3A_917 = tpu.memref_squeeze %gather3A_916 : memref<1x128x128xf32, #tpu.memory_space<vmem>> -> memref<128x128xf32, #tpu.memory_space<vmem>>
      %gather3A_918 = tpu.vector_load_idx %gather3A_917[%add3A_791, %add3A_912] : memref<128x128xf32, #tpu.memory_space<vmem>>[vector<16xi32>, vector<16xi32>], vector<16xf32>,
      %add3A_919 = arith.constant 5 : i32
      %add3A_920 = vector.broadcast %add3A_919 : i32 to vector<16xi32>
      %add3A_921 = arith.addi %shift_left3A_809, %add3A_920 : vector<16xi32>
      %gather3A_922 = arith.constant 0 : i32
      %gather3A_923 = arith.constant 0 : i32
      %gather3A_924 = arith.constant 0 : i32
      %gather3A_925 = tpu.memref_slice %arg12[%gather3A_922, %gather3A_923, %gather3A_924] : memref<2x128x128xf32, #tpu.memory_space<vmem>> -> memref<1x128x128xf32, #tpu.memory_space<vmem>>
      %gather3A_926 = tpu.memref_squeeze %gather3A_925 : memref<1x128x128xf32, #tpu.memory_space<vmem>> -> memref<128x128xf32, #tpu.memory_space<vmem>>
      %gather3A_927 = tpu.vector_load_idx %gather3A_926[%add3A_791, %add3A_921] : memref<128x128xf32, #tpu.memory_space<vmem>>[vector<16xi32>, vector<16xi32>], vector<16xf32>,
      %mul3A_928 = arith.mulf %gather3A_918, %gather3A_927 : vector<16xf32>
      %add3A_929 = arith.addf %add3A_909, %mul3A_928 : vector<16xf32>
      %add3A_930 = arith.constant 6 : i32
      %add3A_931 = vector.broadcast %add3A_930 : i32 to vector<16xi32>
      %add3A_932 = arith.addi %shift_left3A_803, %add3A_931 : vector<16xi32>
      %gather3A_933 = arith.constant 0 : i32
      %gather3A_934 = arith.constant 0 : i32
      %gather3A_935 = arith.constant 0 : i32
      %gather3A_936 = tpu.memref_slice %arg11[%gather3A_933, %gather3A_934, %gather3A_935] : memref<2x128x128xf32, #tpu.memory_space<vmem>> -> memref<1x128x128xf32, #tpu.memory_space<vmem>>
      %gather3A_937 = tpu.memref_squeeze %gather3A_936 : memref<1x128x128xf32, #tpu.memory_space<vmem>> -> memref<128x128xf32, #tpu.memory_space<vmem>>
      %gather3A_938 = tpu.vector_load_idx %gather3A_937[%add3A_791, %add3A_932] : memref<128x128xf32, #tpu.memory_space<vmem>>[vector<16xi32>, vector<16xi32>], vector<16xf32>,
      %add3A_939 = arith.constant 6 : i32
      %add3A_940 = vector.broadcast %add3A_939 : i32 to vector<16xi32>
      %add3A_941 = arith.addi %shift_left3A_809, %add3A_940 : vector<16xi32>
      %gather3A_942 = arith.constant 0 : i32
      %gather3A_943 = arith.constant 0 : i32
      %gather3A_944 = arith.constant 0 : i32
      %gather3A_945 = tpu.memref_slice %arg12[%gather3A_942, %gather3A_943, %gather3A_944] : memref<2x128x128xf32, #tpu.memory_space<vmem>> -> memref<1x128x128xf32, #tpu.memory_space<vmem>>
      %gather3A_946 = tpu.memref_squeeze %gather3A_945 : memref<1x128x128xf32, #tpu.memory_space<vmem>> -> memref<128x128xf32, #tpu.memory_space<vmem>>
      %gather3A_947 = tpu.vector_load_idx %gather3A_946[%add3A_791, %add3A_941] : memref<128x128xf32, #tpu.memory_space<vmem>>[vector<16xi32>, vector<16xi32>], vector<16xf32>,
      %mul3A_948 = arith.mulf %gather3A_938, %gather3A_947 : vector<16xf32>
      %add3A_949 = arith.addf %add3A_929, %mul3A_948 : vector<16xf32>
      %add3A_950 = arith.constant 7 : i32
      %add3A_951 = vector.broadcast %add3A_950 : i32 to vector<16xi32>
      %add3A_952 = arith.addi %shift_left3A_803, %add3A_951 : vector<16xi32>
      %gather3A_953 = arith.constant 0 : i32
      %gather3A_954 = arith.constant 0 : i32
      %gather3A_955 = arith.constant 0 : i32
      %gather3A_956 = tpu.memref_slice %arg11[%gather3A_953, %gather3A_954, %gather3A_955] : memref<2x128x128xf32, #tpu.memory_space<vmem>> -> memref<1x128x128xf32, #tpu.memory_space<vmem>>
      %gather3A_957 = tpu.memref_squeeze %gather3A_956 : memref<1x128x128xf32, #tpu.memory_space<vmem>> -> memref<128x128xf32, #tpu.memory_space<vmem>>
      %gather3A_958 = tpu.vector_load_idx %gather3A_957[%add3A_791, %add3A_952] : memref<128x128xf32, #tpu.memory_space<vmem>>[vector<16xi32>, vector<16xi32>], vector<16xf32>,
      %add3A_959 = arith.constant 7 : i32
      %add3A_960 = vector.broadcast %add3A_959 : i32 to vector<16xi32>
      %add3A_961 = arith.addi %shift_left3A_809, %add3A_960 : vector<16xi32>
      %gather3A_962 = arith.constant 0 : i32
      %gather3A_963 = arith.constant 0 : i32
      %gather3A_964 = arith.constant 0 : i32
      %gather3A_965 = tpu.memref_slice %arg12[%gather3A_962, %gather3A_963, %gather3A_964] : memref<2x128x128xf32, #tpu.memory_space<vmem>> -> memref<1x128x128xf32, #tpu.memory_space<vmem>>
      %gather3A_966 = tpu.memref_squeeze %gather3A_965 : memref<1x128x128xf32, #tpu.memory_space<vmem>> -> memref<128x128xf32, #tpu.memory_space<vmem>>
      %gather3A_967 = tpu.vector_load_idx %gather3A_966[%add3A_791, %add3A_961] : memref<128x128xf32, #tpu.memory_space<vmem>>[vector<16xi32>, vector<16xi32>], vector<16xf32>,
      %mul3A_968 = arith.mulf %gather3A_958, %gather3A_967 : vector<16xf32>
      %add3A_969 = arith.addf %add3A_949, %mul3A_968 : vector<16xf32>
      %add3A_970 = arith.constant 8 : i32
      %add3A_971 = vector.broadcast %add3A_970 : i32 to vector<16xi32>
      %add3A_972 = arith.addi %shift_left3A_803, %add3A_971 : vector<16xi32>
      %gather3A_973 = arith.constant 0 : i32
      %gather3A_974 = arith.constant 0 : i32
      %gather3A_975 = arith.constant 0 : i32
      %gather3A_976 = tpu.memref_slice %arg11[%gather3A_973, %gather3A_974, %gather3A_975] : memref<2x128x128xf32, #tpu.memory_space<vmem>> -> memref<1x128x128xf32, #tpu.memory_space<vmem>>
      %gather3A_977 = tpu.memref_squeeze %gather3A_976 : memref<1x128x128xf32, #tpu.memory_space<vmem>> -> memref<128x128xf32, #tpu.memory_space<vmem>>
      %gather3A_978 = tpu.vector_load_idx %gather3A_977[%add3A_791, %add3A_972] : memref<128x128xf32, #tpu.memory_space<vmem>>[vector<16xi32>, vector<16xi32>], vector<16xf32>,
      %add3A_979 = arith.constant 8 : i32
      %add3A_980 = vector.broadcast %add3A_979 : i32 to vector<16xi32>
      %add3A_981 = arith.addi %shift_left3A_809, %add3A_980 : vector<16xi32>
      %gather3A_982 = arith.constant 0 : i32
      %gather3A_983 = arith.constant 0 : i32
      %gather3A_984 = arith.constant 0 : i32
      %gather3A_985 = tpu.memref_slice %arg12[%gather3A_982, %gather3A_983, %gather3A_984] : memref<2x128x128xf32, #tpu.memory_space<vmem>> -> memref<1x128x128xf32, #tpu.memory_space<vmem>>
      %gather3A_986 = tpu.memref_squeeze %gather3A_985 : memref<1x128x128xf32, #tpu.memory_space<vmem>> -> memref<128x128xf32, #tpu.memory_space<vmem>>
      %gather3A_987 = tpu.vector_load_idx %gather3A_986[%add3A_791, %add3A_981] : memref<128x128xf32, #tpu.memory_space<vmem>>[vector<16xi32>, vector<16xi32>], vector<16xf32>,
      %mul3A_988 = arith.mulf %gather3A_978, %gather3A_987 : vector<16xf32>
      %add3A_989 = arith.addf %add3A_969, %mul3A_988 : vector<16xf32>
      %add3A_990 = arith.constant 9 : i32
      %add3A_991 = vector.broadcast %add3A_990 : i32 to vector<16xi32>
      %add3A_992 = arith.addi %shift_left3A_803, %add3A_991 : vector<16xi32>
      %gather3A_993 = arith.constant 0 : i32
      %gather3A_994 = arith.constant 0 : i32
      %gather3A_995 = arith.constant 0 : i32
      %gather3A_996 = tpu.memref_slice %arg11[%gather3A_993, %gather3A_994, %gather3A_995] : memref<2x128x128xf32, #tpu.memory_space<vmem>> -> memref<1x128x128xf32, #tpu.memory_space<vmem>>
      %gather3A_997 = tpu.memref_squeeze %gather3A_996 : memref<1x128x128xf32, #tpu.memory_space<vmem>> -> memref<128x128xf32, #tpu.memory_space<vmem>>
      %gather3A_998 = tpu.vector_load_idx %gather3A_997[%add3A_791, %add3A_992] : memref<128x128xf32, #tpu.memory_space<vmem>>[vector<16xi32>, vector<16xi32>], vector<16xf32>,
      %add3A_999 = arith.constant 9 : i32
      %add3A_1000 = vector.broadcast %add3A_999 : i32 to vector<16xi32>
      %add3A_1001 = arith.addi %shift_left3A_809, %add3A_1000 : vector<16xi32>
      %gather3A_1002 = arith.constant 0 : i32
      %gather3A_1003 = arith.constant 0 : i32
      %gather3A_1004 = arith.constant 0 : i32
      %gather3A_1005 = tpu.memref_slice %arg12[%gather3A_1002, %gather3A_1003, %gather3A_1004] : memref<2x128x128xf32, #tpu.memory_space<vmem>> -> memref<1x128x128xf32, #tpu.memory_space<vmem>>
      %gather3A_1006 = tpu.memref_squeeze %gather3A_1005 : memref<1x128x128xf32, #tpu.memory_space<vmem>> -> memref<128x128xf32, #tpu.memory_space<vmem>>
      %gather3A_1007 = tpu.vector_load_idx %gather3A_1006[%add3A_791, %add3A_1001] : memref<128x128xf32, #tpu.memory_space<vmem>>[vector<16xi32>, vector<16xi32>], vector<16xf32>,
      %mul3A_1008 = arith.mulf %gather3A_998, %gather3A_1007 : vector<16xf32>
      %add3A_1009 = arith.addf %add3A_989, %mul3A_1008 : vector<16xf32>
      %add3A_1010 = arith.constant 10 : i32
      %add3A_1011 = vector.broadcast %add3A_1010 : i32 to vector<16xi32>
      %add3A_1012 = arith.addi %shift_left3A_803, %add3A_1011 : vector<16xi32>
      %gather3A_1013 = arith.constant 0 : i32
      %gather3A_1014 = arith.constant 0 : i32
      %gather3A_1015 = arith.constant 0 : i32
      %gather3A_1016 = tpu.memref_slice %arg11[%gather3A_1013, %gather3A_1014, %gather3A_1015] : memref<2x128x128xf32, #tpu.memory_space<vmem>> -> memref<1x128x128xf32, #tpu.memory_space<vmem>>
      %gather3A_1017 = tpu.memref_squeeze %gather3A_1016 : memref<1x128x128xf32, #tpu.memory_space<vmem>> -> memref<128x128xf32, #tpu.memory_space<vmem>>
      %gather3A_1018 = tpu.vector_load_idx %gather3A_1017[%add3A_791, %add3A_1012] : memref<128x128xf32, #tpu.memory_space<vmem>>[vector<16xi32>, vector<16xi32>], vector<16xf32>,
      %add3A_1019 = arith.constant 10 : i32
      %add3A_1020 = vector.broadcast %add3A_1019 : i32 to vector<16xi32>
      %add3A_1021 = arith.addi %shift_left3A_809, %add3A_1020 : vector<16xi32>
      %gather3A_1022 = arith.constant 0 : i32
      %gather3A_1023 = arith.constant 0 : i32
      %gather3A_1024 = arith.constant 0 : i32
      %gather3A_1025 = tpu.memref_slice %arg12[%gather3A_1022, %gather3A_1023, %gather3A_1024] : memref<2x128x128xf32, #tpu.memory_space<vmem>> -> memref<1x128x128xf32, #tpu.memory_space<vmem>>
      %gather3A_1026 = tpu.memref_squeeze %gather3A_1025 : memref<1x128x128xf32, #tpu.memory_space<vmem>> -> memref<128x128xf32, #tpu.memory_space<vmem>>
      %gather3A_1027 = tpu.vector_load_idx %gather3A_1026[%add3A_791, %add3A_1021] : memref<128x128xf32, #tpu.memory_space<vmem>>[vector<16xi32>, vector<16xi32>], vector<16xf32>,
      %mul3A_1028 = arith.mulf %gather3A_1018, %gather3A_1027 : vector<16xf32>
      %add3A_1029 = arith.addf %add3A_1009, %mul3A_1028 : vector<16xf32>
      %add3A_1030 = arith.constant 11 : i32
      %add3A_1031 = vector.broadcast %add3A_1030 : i32 to vector<16xi32>
      %add3A_1032 = arith.addi %shift_left3A_803, %add3A_1031 : vector<16xi32>
      %gather3A_1033 = arith.constant 0 : i32
      %gather3A_1034 = arith.constant 0 : i32
      %gather3A_1035 = arith.constant 0 : i32
      %gather3A_1036 = tpu.memref_slice %arg11[%gather3A_1033, %gather3A_1034, %gather3A_1035] : memref<2x128x128xf32, #tpu.memory_space<vmem>> -> memref<1x128x128xf32, #tpu.memory_space<vmem>>
      %gather3A_1037 = tpu.memref_squeeze %gather3A_1036 : memref<1x128x128xf32, #tpu.memory_space<vmem>> -> memref<128x128xf32, #tpu.memory_space<vmem>>
      %gather3A_1038 = tpu.vector_load_idx %gather3A_1037[%add3A_791, %add3A_1032] : memref<128x128xf32, #tpu.memory_space<vmem>>[vector<16xi32>, vector<16xi32>], vector<16xf32>,
      %add3A_1039 = arith.constant 11 : i32
      %add3A_1040 = vector.broadcast %add3A_1039 : i32 to vector<16xi32>
      %add3A_1041 = arith.addi %shift_left3A_809, %add3A_1040 : vector<16xi32>
      %gather3A_1042 = arith.constant 0 : i32
      %gather3A_1043 = arith.constant 0 : i32
      %gather3A_1044 = arith.constant 0 : i32
      %gather3A_1045 = tpu.memref_slice %arg12[%gather3A_1042, %gather3A_1043, %gather3A_1044] : memref<2x128x128xf32, #tpu.memory_space<vmem>> -> memref<1x128x128xf32, #tpu.memory_space<vmem>>
      %gather3A_1046 = tpu.memref_squeeze %gather3A_1045 : memref<1x128x128xf32, #tpu.memory_space<vmem>> -> memref<128x128xf32, #tpu.memory_space<vmem>>
      %gather3A_1047 = tpu.vector_load_idx %gather3A_1046[%add3A_791, %add3A_1041] : memref<128x128xf32, #tpu.memory_space<vmem>>[vector<16xi32>, vector<16xi32>], vector<16xf32>,
      %mul3A_1048 = arith.mulf %gather3A_1038, %gather3A_1047 : vector<16xf32>
      %add3A_1049 = arith.addf %add3A_1029, %mul3A_1048 : vector<16xf32>
      %add3A_1050 = arith.constant 12 : i32
      %add3A_1051 = vector.broadcast %add3A_1050 : i32 to vector<16xi32>
      %add3A_1052 = arith.addi %shift_left3A_803, %add3A_1051 : vector<16xi32>
      %gather3A_1053 = arith.constant 0 : i32
      %gather3A_1054 = arith.constant 0 : i32
      %gather3A_1055 = arith.constant 0 : i32
      %gather3A_1056 = tpu.memref_slice %arg11[%gather3A_1053, %gather3A_1054, %gather3A_1055] : memref<2x128x128xf32, #tpu.memory_space<vmem>> -> memref<1x128x128xf32, #tpu.memory_space<vmem>>
      %gather3A_1057 = tpu.memref_squeeze %gather3A_1056 : memref<1x128x128xf32, #tpu.memory_space<vmem>> -> memref<128x128xf32, #tpu.memory_space<vmem>>
      %gather3A_1058 = tpu.vector_load_idx %gather3A_1057[%add3A_791, %add3A_1052] : memref<128x128xf32, #tpu.memory_space<vmem>>[vector<16xi32>, vector<16xi32>], vector<16xf32>,
      %add3A_1059 = arith.constant 12 : i32
      %add3A_1060 = vector.broadcast %add3A_1059 : i32 to vector<16xi32>
      %add3A_1061 = arith.addi %shift_left3A_809, %add3A_1060 : vector<16xi32>
      %gather3A_1062 = arith.constant 0 : i32
      %gather3A_1063 = arith.constant 0 : i32
      %gather3A_1064 = arith.constant 0 : i32
      %gather3A_1065 = tpu.memref_slice %arg12[%gather3A_1062, %gather3A_1063, %gather3A_1064] : memref<2x128x128xf32, #tpu.memory_space<vmem>> -> memref<1x128x128xf32, #tpu.memory_space<vmem>>
      %gather3A_1066 = tpu.memref_squeeze %gather3A_1065 : memref<1x128x128xf32, #tpu.memory_space<vmem>> -> memref<128x128xf32, #tpu.memory_space<vmem>>
      %gather3A_1067 = tpu.vector_load_idx %gather3A_1066[%add3A_791, %add3A_1061] : memref<128x128xf32, #tpu.memory_space<vmem>>[vector<16xi32>, vector<16xi32>], vector<16xf32>,
      %mul3A_1068 = arith.mulf %gather3A_1058, %gather3A_1067 : vector<16xf32>
      %add3A_1069 = arith.addf %add3A_1049, %mul3A_1068 : vector<16xf32>
      %add3A_1070 = arith.constant 13 : i32
      %add3A_1071 = vector.broadcast %add3A_1070 : i32 to vector<16xi32>
      %add3A_1072 = arith.addi %shift_left3A_803, %add3A_1071 : vector<16xi32>
      %gather3A_1073 = arith.constant 0 : i32
      %gather3A_1074 = arith.constant 0 : i32
      %gather3A_1075 = arith.constant 0 : i32
      %gather3A_1076 = tpu.memref_slice %arg11[%gather3A_1073, %gather3A_1074, %gather3A_1075] : memref<2x128x128xf32, #tpu.memory_space<vmem>> -> memref<1x128x128xf32, #tpu.memory_space<vmem>>
      %gather3A_1077 = tpu.memref_squeeze %gather3A_1076 : memref<1x128x128xf32, #tpu.memory_space<vmem>> -> memref<128x128xf32, #tpu.memory_space<vmem>>
      %gather3A_1078 = tpu.vector_load_idx %gather3A_1077[%add3A_791, %add3A_1072] : memref<128x128xf32, #tpu.memory_space<vmem>>[vector<16xi32>, vector<16xi32>], vector<16xf32>,
      %add3A_1079 = arith.constant 13 : i32
      %add3A_1080 = vector.broadcast %add3A_1079 : i32 to vector<16xi32>
      %add3A_1081 = arith.addi %shift_left3A_809, %add3A_1080 : vector<16xi32>
      %gather3A_1082 = arith.constant 0 : i32
      %gather3A_1083 = arith.constant 0 : i32
      %gather3A_1084 = arith.constant 0 : i32
      %gather3A_1085 = tpu.memref_slice %arg12[%gather3A_1082, %gather3A_1083, %gather3A_1084] : memref<2x128x128xf32, #tpu.memory_space<vmem>> -> memref<1x128x128xf32, #tpu.memory_space<vmem>>
      %gather3A_1086 = tpu.memref_squeeze %gather3A_1085 : memref<1x128x128xf32, #tpu.memory_space<vmem>> -> memref<128x128xf32, #tpu.memory_space<vmem>>
      %gather3A_1087 = tpu.vector_load_idx %gather3A_1086[%add3A_791, %add3A_1081] : memref<128x128xf32, #tpu.memory_space<vmem>>[vector<16xi32>, vector<16xi32>], vector<16xf32>,
      %mul3A_1088 = arith.mulf %gather3A_1078, %gather3A_1087 : vector<16xf32>
      %add3A_1089 = arith.addf %add3A_1069, %mul3A_1088 : vector<16xf32>
      %add3A_1090 = arith.constant 14 : i32
      %add3A_1091 = vector.broadcast %add3A_1090 : i32 to vector<16xi32>
      %add3A_1092 = arith.addi %shift_left3A_803, %add3A_1091 : vector<16xi32>
      %gather3A_1093 = arith.constant 0 : i32
      %gather3A_1094 = arith.constant 0 : i32
      %gather3A_1095 = arith.constant 0 : i32
      %gather3A_1096 = tpu.memref_slice %arg11[%gather3A_1093, %gather3A_1094, %gather3A_1095] : memref<2x128x128xf32, #tpu.memory_space<vmem>> -> memref<1x128x128xf32, #tpu.memory_space<vmem>>
      %gather3A_1097 = tpu.memref_squeeze %gather3A_1096 : memref<1x128x128xf32, #tpu.memory_space<vmem>> -> memref<128x128xf32, #tpu.memory_space<vmem>>
      %gather3A_1098 = tpu.vector_load_idx %gather3A_1097[%add3A_791, %add3A_1092] : memref<128x128xf32, #tpu.memory_space<vmem>>[vector<16xi32>, vector<16xi32>], vector<16xf32>,
      %add3A_1099 = arith.constant 14 : i32
      %add3A_1100 = vector.broadcast %add3A_1099 : i32 to vector<16xi32>
      %add3A_1101 = arith.addi %shift_left3A_809, %add3A_1100 : vector<16xi32>
      %gather3A_1102 = arith.constant 0 : i32
      %gather3A_1103 = arith.constant 0 : i32
      %gather3A_1104 = arith.constant 0 : i32
      %gather3A_1105 = tpu.memref_slice %arg12[%gather3A_1102, %gather3A_1103, %gather3A_1104] : memref<2x128x128xf32, #tpu.memory_space<vmem>> -> memref<1x128x128xf32, #tpu.memory_space<vmem>>
      %gather3A_1106 = tpu.memref_squeeze %gather3A_1105 : memref<1x128x128xf32, #tpu.memory_space<vmem>> -> memref<128x128xf32, #tpu.memory_space<vmem>>
      %gather3A_1107 = tpu.vector_load_idx %gather3A_1106[%add3A_791, %add3A_1101] : memref<128x128xf32, #tpu.memory_space<vmem>>[vector<16xi32>, vector<16xi32>], vector<16xf32>,
      %mul3A_1108 = arith.mulf %gather3A_1098, %gather3A_1107 : vector<16xf32>
      %add3A_1109 = arith.addf %add3A_1089, %mul3A_1108 : vector<16xf32>
      %add3A_1110 = arith.constant 15 : i32
      %add3A_1111 = vector.broadcast %add3A_1110 : i32 to vector<16xi32>
      %add3A_1112 = arith.addi %shift_left3A_803, %add3A_1111 : vector<16xi32>
      %gather3A_1113 = arith.constant 0 : i32
      %gather3A_1114 = arith.constant 0 : i32
      %gather3A_1115 = arith.constant 0 : i32
      %gather3A_1116 = tpu.memref_slice %arg11[%gather3A_1113, %gather3A_1114, %gather3A_1115] : memref<2x128x128xf32, #tpu.memory_space<vmem>> -> memref<1x128x128xf32, #tpu.memory_space<vmem>>
      %gather3A_1117 = tpu.memref_squeeze %gather3A_1116 : memref<1x128x128xf32, #tpu.memory_space<vmem>> -> memref<128x128xf32, #tpu.memory_space<vmem>>
      %gather3A_1118 = tpu.vector_load_idx %gather3A_1117[%add3A_791, %add3A_1112] : memref<128x128xf32, #tpu.memory_space<vmem>>[vector<16xi32>, vector<16xi32>], vector<16xf32>,
      %add3A_1119 = arith.constant 15 : i32
      %add3A_1120 = vector.broadcast %add3A_1119 : i32 to vector<16xi32>
      %add3A_1121 = arith.addi %shift_left3A_809, %add3A_1120 : vector<16xi32>
      %gather3A_1122 = arith.constant 0 : i32
      %gather3A_1123 = arith.constant 0 : i32
      %gather3A_1124 = arith.constant 0 : i32
      %gather3A_1125 = tpu.memref_slice %arg12[%gather3A_1122, %gather3A_1123, %gather3A_1124] : memref<2x128x128xf32, #tpu.memory_space<vmem>> -> memref<1x128x128xf32, #tpu.memory_space<vmem>>
      %gather3A_1126 = tpu.memref_squeeze %gather3A_1125 : memref<1x128x128xf32, #tpu.memory_space<vmem>> -> memref<128x128xf32, #tpu.memory_space<vmem>>
      %gather3A_1127 = tpu.vector_load_idx %gather3A_1126[%add3A_791, %add3A_1121] : memref<128x128xf32, #tpu.memory_space<vmem>>[vector<16xi32>, vector<16xi32>], vector<16xf32>,
      %mul3A_1128 = arith.mulf %gather3A_1118, %gather3A_1127 : vector<16xf32>
      %add3A_1129 = arith.addf %add3A_1109, %mul3A_1128 : vector<16xf32>
      %add3A_1130 = arith.constant 16 : i32
      %add3A_1131 = vector.broadcast %add3A_1130 : i32 to vector<16xi32>
      %add3A_1132 = arith.addi %shift_left3A_803, %add3A_1131 : vector<16xi32>
      %gather3A_1133 = arith.constant 0 : i32
      %gather3A_1134 = arith.constant 0 : i32
      %gather3A_1135 = arith.constant 0 : i32
      %gather3A_1136 = tpu.memref_slice %arg11[%gather3A_1133, %gather3A_1134, %gather3A_1135] : memref<2x128x128xf32, #tpu.memory_space<vmem>> -> memref<1x128x128xf32, #tpu.memory_space<vmem>>
      %gather3A_1137 = tpu.memref_squeeze %gather3A_1136 : memref<1x128x128xf32, #tpu.memory_space<vmem>> -> memref<128x128xf32, #tpu.memory_space<vmem>>
      %gather3A_1138 = tpu.vector_load_idx %gather3A_1137[%add3A_791, %add3A_1132] : memref<128x128xf32, #tpu.memory_space<vmem>>[vector<16xi32>, vector<16xi32>], vector<16xf32>,
      %add3A_1139 = arith.constant 16 : i32
      %add3A_1140 = vector.broadcast %add3A_1139 : i32 to vector<16xi32>
      %add3A_1141 = arith.addi %shift_left3A_809, %add3A_1140 : vector<16xi32>
      %gather3A_1142 = arith.constant 0 : i32
      %gather3A_1143 = arith.constant 0 : i32
      %gather3A_1144 = arith.constant 0 : i32
      %gather3A_1145 = tpu.memref_slice %arg12[%gather3A_1142, %gather3A_1143, %gather3A_1144] : memref<2x128x128xf32, #tpu.memory_space<vmem>> -> memref<1x128x128xf32, #tpu.memory_space<vmem>>
      %gather3A_1146 = tpu.memref_squeeze %gather3A_1145 : memref<1x128x128xf32, #tpu.memory_space<vmem>> -> memref<128x128xf32, #tpu.memory_space<vmem>>
      %gather3A_1147 = tpu.vector_load_idx %gather3A_1146[%add3A_791, %add3A_1141] : memref<128x128xf32, #tpu.memory_space<vmem>>[vector<16xi32>, vector<16xi32>], vector<16xf32>,
      %mul3A_1148 = arith.mulf %gather3A_1138, %gather3A_1147 : vector<16xf32>
      %add3A_1149 = arith.addf %add3A_1129, %mul3A_1148 : vector<16xf32>
      %add3A_1150 = arith.constant 17 : i32
      %add3A_1151 = vector.broadcast %add3A_1150 : i32 to vector<16xi32>
      %add3A_1152 = arith.addi %shift_left3A_803, %add3A_1151 : vector<16xi32>
      %gather3A_1153 = arith.constant 0 : i32
      %gather3A_1154 = arith.constant 0 : i32
      %gather3A_1155 = arith.constant 0 : i32
      %gather3A_1156 = tpu.memref_slice %arg11[%gather3A_1153, %gather3A_1154, %gather3A_1155] : memref<2x128x128xf32, #tpu.memory_space<vmem>> -> memref<1x128x128xf32, #tpu.memory_space<vmem>>
      %gather3A_1157 = tpu.memref_squeeze %gather3A_1156 : memref<1x128x128xf32, #tpu.memory_space<vmem>> -> memref<128x128xf32, #tpu.memory_space<vmem>>
      %gather3A_1158 = tpu.vector_load_idx %gather3A_1157[%add3A_791, %add3A_1152] : memref<128x128xf32, #tpu.memory_space<vmem>>[vector<16xi32>, vector<16xi32>], vector<16xf32>,
      %add3A_1159 = arith.constant 17 : i32
      %add3A_1160 = vector.broadcast %add3A_1159 : i32 to vector<16xi32>
      %add3A_1161 = arith.addi %shift_left3A_809, %add3A_1160 : vector<16xi32>
      %gather3A_1162 = arith.constant 0 : i32
      %gather3A_1163 = arith.constant 0 : i32
      %gather3A_1164 = arith.constant 0 : i32
      %gather3A_1165 = tpu.memref_slice %arg12[%gather3A_1162, %gather3A_1163, %gather3A_1164] : memref<2x128x128xf32, #tpu.memory_space<vmem>> -> memref<1x128x128xf32, #tpu.memory_space<vmem>>
      %gather3A_1166 = tpu.memref_squeeze %gather3A_1165 : memref<1x128x128xf32, #tpu.memory_space<vmem>> -> memref<128x128xf32, #tpu.memory_space<vmem>>
      %gather3A_1167 = tpu.vector_load_idx %gather3A_1166[%add3A_791, %add3A_1161] : memref<128x128xf32, #tpu.memory_space<vmem>>[vector<16xi32>, vector<16xi32>], vector<16xf32>,
      %mul3A_1168 = arith.mulf %gather3A_1158, %gather3A_1167 : vector<16xf32>
      %add3A_1169 = arith.addf %add3A_1149, %mul3A_1168 : vector<16xf32>
      %add3A_1170 = arith.constant 18 : i32
      %add3A_1171 = vector.broadcast %add3A_1170 : i32 to vector<16xi32>
      %add3A_1172 = arith.addi %shift_left3A_803, %add3A_1171 : vector<16xi32>
      %gather3A_1173 = arith.constant 0 : i32
      %gather3A_1174 = arith.constant 0 : i32
      %gather3A_1175 = arith.constant 0 : i32
      %gather3A_1176 = tpu.memref_slice %arg11[%gather3A_1173, %gather3A_1174, %gather3A_1175] : memref<2x128x128xf32, #tpu.memory_space<vmem>> -> memref<1x128x128xf32, #tpu.memory_space<vmem>>
      %gather3A_1177 = tpu.memref_squeeze %gather3A_1176 : memref<1x128x128xf32, #tpu.memory_space<vmem>> -> memref<128x128xf32, #tpu.memory_space<vmem>>
      %gather3A_1178 = tpu.vector_load_idx %gather3A_1177[%add3A_791, %add3A_1172] : memref<128x128xf32, #tpu.memory_space<vmem>>[vector<16xi32>, vector<16xi32>], vector<16xf32>,
      %add3A_1179 = arith.constant 18 : i32
      %add3A_1180 = vector.broadcast %add3A_1179 : i32 to vector<16xi32>
      %add3A_1181 = arith.addi %shift_left3A_809, %add3A_1180 : vector<16xi32>
      %gather3A_1182 = arith.constant 0 : i32
      %gather3A_1183 = arith.constant 0 : i32
      %gather3A_1184 = arith.constant 0 : i32
      %gather3A_1185 = tpu.memref_slice %arg12[%gather3A_1182, %gather3A_1183, %gather3A_1184] : memref<2x128x128xf32, #tpu.memory_space<vmem>> -> memref<1x128x128xf32, #tpu.memory_space<vmem>>
      %gather3A_1186 = tpu.memref_squeeze %gather3A_1185 : memref<1x128x128xf32, #tpu.memory_space<vmem>> -> memref<128x128xf32, #tpu.memory_space<vmem>>
      %gather3A_1187 = tpu.vector_load_idx %gather3A_1186[%add3A_791, %add3A_1181] : memref<128x128xf32, #tpu.memory_space<vmem>>[vector<16xi32>, vector<16xi32>], vector<16xf32>,
      %mul3A_1188 = arith.mulf %gather3A_1178, %gather3A_1187 : vector<16xf32>
      %add3A_1189 = arith.addf %add3A_1169, %mul3A_1188 : vector<16xf32>
      %add3A_1190 = arith.constant 19 : i32
      %add3A_1191 = vector.broadcast %add3A_1190 : i32 to vector<16xi32>
      %add3A_1192 = arith.addi %shift_left3A_803, %add3A_1191 : vector<16xi32>
      %gather3A_1193 = arith.constant 0 : i32
      %gather3A_1194 = arith.constant 0 : i32
      %gather3A_1195 = arith.constant 0 : i32
      %gather3A_1196 = tpu.memref_slice %arg11[%gather3A_1193, %gather3A_1194, %gather3A_1195] : memref<2x128x128xf32, #tpu.memory_space<vmem>> -> memref<1x128x128xf32, #tpu.memory_space<vmem>>
      %gather3A_1197 = tpu.memref_squeeze %gather3A_1196 : memref<1x128x128xf32, #tpu.memory_space<vmem>> -> memref<128x128xf32, #tpu.memory_space<vmem>>
      %gather3A_1198 = tpu.vector_load_idx %gather3A_1197[%add3A_791, %add3A_1192] : memref<128x128xf32, #tpu.memory_space<vmem>>[vector<16xi32>, vector<16xi32>], vector<16xf32>,
      %add3A_1199 = arith.constant 19 : i32
      %add3A_1200 = vector.broadcast %add3A_1199 : i32 to vector<16xi32>
      %add3A_1201 = arith.addi %shift_left3A_809, %add3A_1200 : vector<16xi32>
      %gather3A_1202 = arith.constant 0 : i32
      %gather3A_1203 = arith.constant 0 : i32
      %gather3A_1204 = arith.constant 0 : i32
      %gather3A_1205 = tpu.memref_slice %arg12[%gather3A_1202, %gather3A_1203, %gather3A_1204] : memref<2x128x128xf32, #tpu.memory_space<vmem>> -> memref<1x128x128xf32, #tpu.memory_space<vmem>>
      %gather3A_1206 = tpu.memref_squeeze %gather3A_1205 : memref<1x128x128xf32, #tpu.memory_space<vmem>> -> memref<128x128xf32, #tpu.memory_space<vmem>>
      %gather3A_1207 = tpu.vector_load_idx %gather3A_1206[%add3A_791, %add3A_1201] : memref<128x128xf32, #tpu.memory_space<vmem>>[vector<16xi32>, vector<16xi32>], vector<16xf32>,
      %mul3A_1208 = arith.mulf %gather3A_1198, %gather3A_1207 : vector<16xf32>
      %add3A_1209 = arith.addf %add3A_1189, %mul3A_1208 : vector<16xf32>
      %add3A_1210 = arith.constant 20 : i32
      %add3A_1211 = vector.broadcast %add3A_1210 : i32 to vector<16xi32>
      %add3A_1212 = arith.addi %shift_left3A_803, %add3A_1211 : vector<16xi32>
      %gather3A_1213 = arith.constant 0 : i32
      %gather3A_1214 = arith.constant 0 : i32
      %gather3A_1215 = arith.constant 0 : i32
      %gather3A_1216 = tpu.memref_slice %arg11[%gather3A_1213, %gather3A_1214, %gather3A_1215] : memref<2x128x128xf32, #tpu.memory_space<vmem>> -> memref<1x128x128xf32, #tpu.memory_space<vmem>>
      %gather3A_1217 = tpu.memref_squeeze %gather3A_1216 : memref<1x128x128xf32, #tpu.memory_space<vmem>> -> memref<128x128xf32, #tpu.memory_space<vmem>>
      %gather3A_1218 = tpu.vector_load_idx %gather3A_1217[%add3A_791, %add3A_1212] : memref<128x128xf32, #tpu.memory_space<vmem>>[vector<16xi32>, vector<16xi32>], vector<16xf32>,
      %add3A_1219 = arith.constant 20 : i32
      %add3A_1220 = vector.broadcast %add3A_1219 : i32 to vector<16xi32>
      %add3A_1221 = arith.addi %shift_left3A_809, %add3A_1220 : vector<16xi32>
      %gather3A_1222 = arith.constant 0 : i32
      %gather3A_1223 = arith.constant 0 : i32
      %gather3A_1224 = arith.constant 0 : i32
      %gather3A_1225 = tpu.memref_slice %arg12[%gather3A_1222, %gather3A_1223, %gather3A_1224] : memref<2x128x128xf32, #tpu.memory_space<vmem>> -> memref<1x128x128xf32, #tpu.memory_space<vmem>>
      %gather3A_1226 = tpu.memref_squeeze %gather3A_1225 : memref<1x128x128xf32, #tpu.memory_space<vmem>> -> memref<128x128xf32, #tpu.memory_space<vmem>>
      %gather3A_1227 = tpu.vector_load_idx %gather3A_1226[%add3A_791, %add3A_1221] : memref<128x128xf32, #tpu.memory_space<vmem>>[vector<16xi32>, vector<16xi32>], vector<16xf32>,
      %mul3A_1228 = arith.mulf %gather3A_1218, %gather3A_1227 : vector<16xf32>
      %add3A_1229 = arith.addf %add3A_1209, %mul3A_1228 : vector<16xf32>
      %add3A_1230 = arith.constant 21 : i32
      %add3A_1231 = vector.broadcast %add3A_1230 : i32 to vector<16xi32>
      %add3A_1232 = arith.addi %shift_left3A_803, %add3A_1231 : vector<16xi32>
      %gather3A_1233 = arith.constant 0 : i32
      %gather3A_1234 = arith.constant 0 : i32
      %gather3A_1235 = arith.constant 0 : i32
      %gather3A_1236 = tpu.memref_slice %arg11[%gather3A_1233, %gather3A_1234, %gather3A_1235] : memref<2x128x128xf32, #tpu.memory_space<vmem>> -> memref<1x128x128xf32, #tpu.memory_space<vmem>>
      %gather3A_1237 = tpu.memref_squeeze %gather3A_1236 : memref<1x128x128xf32, #tpu.memory_space<vmem>> -> memref<128x128xf32, #tpu.memory_space<vmem>>
      %gather3A_1238 = tpu.vector_load_idx %gather3A_1237[%add3A_791, %add3A_1232] : memref<128x128xf32, #tpu.memory_space<vmem>>[vector<16xi32>, vector<16xi32>], vector<16xf32>,
      %add3A_1239 = arith.constant 21 : i32
      %add3A_1240 = vector.broadcast %add3A_1239 : i32 to vector<16xi32>
      %add3A_1241 = arith.addi %shift_left3A_809, %add3A_1240 : vector<16xi32>
      %gather3A_1242 = arith.constant 0 : i32
      %gather3A_1243 = arith.constant 0 : i32
      %gather3A_1244 = arith.constant 0 : i32
      %gather3A_1245 = tpu.memref_slice %arg12[%gather3A_1242, %gather3A_1243, %gather3A_1244] : memref<2x128x128xf32, #tpu.memory_space<vmem>> -> memref<1x128x128xf32, #tpu.memory_space<vmem>>
      %gather3A_1246 = tpu.memref_squeeze %gather3A_1245 : memref<1x128x128xf32, #tpu.memory_space<vmem>> -> memref<128x128xf32, #tpu.memory_space<vmem>>
      %gather3A_1247 = tpu.vector_load_idx %gather3A_1246[%add3A_791, %add3A_1241] : memref<128x128xf32, #tpu.memory_space<vmem>>[vector<16xi32>, vector<16xi32>], vector<16xf32>,
      %mul3A_1248 = arith.mulf %gather3A_1238, %gather3A_1247 : vector<16xf32>
      %add3A_1249 = arith.addf %add3A_1229, %mul3A_1248 : vector<16xf32>
      %add3A_1250 = arith.constant 22 : i32
      %add3A_1251 = vector.broadcast %add3A_1250 : i32 to vector<16xi32>
      %add3A_1252 = arith.addi %shift_left3A_803, %add3A_1251 : vector<16xi32>
      %gather3A_1253 = arith.constant 0 : i32
      %gather3A_1254 = arith.constant 0 : i32
      %gather3A_1255 = arith.constant 0 : i32
      %gather3A_1256 = tpu.memref_slice %arg11[%gather3A_1253, %gather3A_1254, %gather3A_1255] : memref<2x128x128xf32, #tpu.memory_space<vmem>> -> memref<1x128x128xf32, #tpu.memory_space<vmem>>
      %gather3A_1257 = tpu.memref_squeeze %gather3A_1256 : memref<1x128x128xf32, #tpu.memory_space<vmem>> -> memref<128x128xf32, #tpu.memory_space<vmem>>
      %gather3A_1258 = tpu.vector_load_idx %gather3A_1257[%add3A_791, %add3A_1252] : memref<128x128xf32, #tpu.memory_space<vmem>>[vector<16xi32>, vector<16xi32>], vector<16xf32>,
      %add3A_1259 = arith.constant 22 : i32
      %add3A_1260 = vector.broadcast %add3A_1259 : i32 to vector<16xi32>
      %add3A_1261 = arith.addi %shift_left3A_809, %add3A_1260 : vector<16xi32>
      %gather3A_1262 = arith.constant 0 : i32
      %gather3A_1263 = arith.constant 0 : i32
      %gather3A_1264 = arith.constant 0 : i32
      %gather3A_1265 = tpu.memref_slice %arg12[%gather3A_1262, %gather3A_1263, %gather3A_1264] : memref<2x128x128xf32, #tpu.memory_space<vmem>> -> memref<1x128x128xf32, #tpu.memory_space<vmem>>
      %gather3A_1266 = tpu.memref_squeeze %gather3A_1265 : memref<1x128x128xf32, #tpu.memory_space<vmem>> -> memref<128x128xf32, #tpu.memory_space<vmem>>
      %gather3A_1267 = tpu.vector_load_idx %gather3A_1266[%add3A_791, %add3A_1261] : memref<128x128xf32, #tpu.memory_space<vmem>>[vector<16xi32>, vector<16xi32>], vector<16xf32>,
      %mul3A_1268 = arith.mulf %gather3A_1258, %gather3A_1267 : vector<16xf32>
      %add3A_1269 = arith.addf %add3A_1249, %mul3A_1268 : vector<16xf32>
      %add3A_1270 = arith.constant 23 : i32
      %add3A_1271 = vector.broadcast %add3A_1270 : i32 to vector<16xi32>
      %add3A_1272 = arith.addi %shift_left3A_803, %add3A_1271 : vector<16xi32>
      %gather3A_1273 = arith.constant 0 : i32
      %gather3A_1274 = arith.constant 0 : i32
      %gather3A_1275 = arith.constant 0 : i32
      %gather3A_1276 = tpu.memref_slice %arg11[%gather3A_1273, %gather3A_1274, %gather3A_1275] : memref<2x128x128xf32, #tpu.memory_space<vmem>> -> memref<1x128x128xf32, #tpu.memory_space<vmem>>
      %gather3A_1277 = tpu.memref_squeeze %gather3A_1276 : memref<1x128x128xf32, #tpu.memory_space<vmem>> -> memref<128x128xf32, #tpu.memory_space<vmem>>
      %gather3A_1278 = tpu.vector_load_idx %gather3A_1277[%add3A_791, %add3A_1272] : memref<128x128xf32, #tpu.memory_space<vmem>>[vector<16xi32>, vector<16xi32>], vector<16xf32>,
      %add3A_1279 = arith.constant 23 : i32
      %add3A_1280 = vector.broadcast %add3A_1279 : i32 to vector<16xi32>
      %add3A_1281 = arith.addi %shift_left3A_809, %add3A_1280 : vector<16xi32>
      %gather3A_1282 = arith.constant 0 : i32
      %gather3A_1283 = arith.constant 0 : i32
      %gather3A_1284 = arith.constant 0 : i32
      %gather3A_1285 = tpu.memref_slice %arg12[%gather3A_1282, %gather3A_1283, %gather3A_1284] : memref<2x128x128xf32, #tpu.memory_space<vmem>> -> memref<1x128x128xf32, #tpu.memory_space<vmem>>
      %gather3A_1286 = tpu.memref_squeeze %gather3A_1285 : memref<1x128x128xf32, #tpu.memory_space<vmem>> -> memref<128x128xf32, #tpu.memory_space<vmem>>
      %gather3A_1287 = tpu.vector_load_idx %gather3A_1286[%add3A_791, %add3A_1281] : memref<128x128xf32, #tpu.memory_space<vmem>>[vector<16xi32>, vector<16xi32>], vector<16xf32>,
      %mul3A_1288 = arith.mulf %gather3A_1278, %gather3A_1287 : vector<16xf32>
      %add3A_1289 = arith.addf %add3A_1269, %mul3A_1288 : vector<16xf32>
      %add3A_1290 = arith.constant 24 : i32
      %add3A_1291 = vector.broadcast %add3A_1290 : i32 to vector<16xi32>
      %add3A_1292 = arith.addi %shift_left3A_803, %add3A_1291 : vector<16xi32>
      %gather3A_1293 = arith.constant 0 : i32
      %gather3A_1294 = arith.constant 0 : i32
      %gather3A_1295 = arith.constant 0 : i32
      %gather3A_1296 = tpu.memref_slice %arg11[%gather3A_1293, %gather3A_1294, %gather3A_1295] : memref<2x128x128xf32, #tpu.memory_space<vmem>> -> memref<1x128x128xf32, #tpu.memory_space<vmem>>
      %gather3A_1297 = tpu.memref_squeeze %gather3A_1296 : memref<1x128x128xf32, #tpu.memory_space<vmem>> -> memref<128x128xf32, #tpu.memory_space<vmem>>
      %gather3A_1298 = tpu.vector_load_idx %gather3A_1297[%add3A_791, %add3A_1292] : memref<128x128xf32, #tpu.memory_space<vmem>>[vector<16xi32>, vector<16xi32>], vector<16xf32>,
      %add3A_1299 = arith.constant 24 : i32
      %add3A_1300 = vector.broadcast %add3A_1299 : i32 to vector<16xi32>
      %add3A_1301 = arith.addi %shift_left3A_809, %add3A_1300 : vector<16xi32>
      %gather3A_1302 = arith.constant 0 : i32
      %gather3A_1303 = arith.constant 0 : i32
      %gather3A_1304 = arith.constant 0 : i32
      %gather3A_1305 = tpu.memref_slice %arg12[%gather3A_1302, %gather3A_1303, %gather3A_1304] : memref<2x128x128xf32, #tpu.memory_space<vmem>> -> memref<1x128x128xf32, #tpu.memory_space<vmem>>
      %gather3A_1306 = tpu.memref_squeeze %gather3A_1305 : memref<1x128x128xf32, #tpu.memory_space<vmem>> -> memref<128x128xf32, #tpu.memory_space<vmem>>
      %gather3A_1307 = tpu.vector_load_idx %gather3A_1306[%add3A_791, %add3A_1301] : memref<128x128xf32, #tpu.memory_space<vmem>>[vector<16xi32>, vector<16xi32>], vector<16xf32>,
      %mul3A_1308 = arith.mulf %gather3A_1298, %gather3A_1307 : vector<16xf32>
      %add3A_1309 = arith.addf %add3A_1289, %mul3A_1308 : vector<16xf32>
      %add3A_1310 = arith.constant 25 : i32
      %add3A_1311 = vector.broadcast %add3A_1310 : i32 to vector<16xi32>
      %add3A_1312 = arith.addi %shift_left3A_803, %add3A_1311 : vector<16xi32>
      %gather3A_1313 = arith.constant 0 : i32
      %gather3A_1314 = arith.constant 0 : i32
      %gather3A_1315 = arith.constant 0 : i32
      %gather3A_1316 = tpu.memref_slice %arg11[%gather3A_1313, %gather3A_1314, %gather3A_1315] : memref<2x128x128xf32, #tpu.memory_space<vmem>> -> memref<1x128x128xf32, #tpu.memory_space<vmem>>
      %gather3A_1317 = tpu.memref_squeeze %gather3A_1316 : memref<1x128x128xf32, #tpu.memory_space<vmem>> -> memref<128x128xf32, #tpu.memory_space<vmem>>
      %gather3A_1318 = tpu.vector_load_idx %gather3A_1317[%add3A_791, %add3A_1312] : memref<128x128xf32, #tpu.memory_space<vmem>>[vector<16xi32>, vector<16xi32>], vector<16xf32>,
      %add3A_1319 = arith.constant 25 : i32
      %add3A_1320 = vector.broadcast %add3A_1319 : i32 to vector<16xi32>
      %add3A_1321 = arith.addi %shift_left3A_809, %add3A_1320 : vector<16xi32>
      %gather3A_1322 = arith.constant 0 : i32
      %gather3A_1323 = arith.constant 0 : i32
      %gather3A_1324 = arith.constant 0 : i32
      %gather3A_1325 = tpu.memref_slice %arg12[%gather3A_1322, %gather3A_1323, %gather3A_1324] : memref<2x128x128xf32, #tpu.memory_space<vmem>> -> memref<1x128x128xf32, #tpu.memory_space<vmem>>
      %gather3A_1326 = tpu.memref_squeeze %gather3A_1325 : memref<1x128x128xf32, #tpu.memory_space<vmem>> -> memref<128x128xf32, #tpu.memory_space<vmem>>
      %gather3A_1327 = tpu.vector_load_idx %gather3A_1326[%add3A_791, %add3A_1321] : memref<128x128xf32, #tpu.memory_space<vmem>>[vector<16xi32>, vector<16xi32>], vector<16xf32>,
      %mul3A_1328 = arith.mulf %gather3A_1318, %gather3A_1327 : vector<16xf32>
      %add3A_1329 = arith.addf %add3A_1309, %mul3A_1328 : vector<16xf32>
      %add3A_1330 = arith.constant 26 : i32
      %add3A_1331 = vector.broadcast %add3A_1330 : i32 to vector<16xi32>
      %add3A_1332 = arith.addi %shift_left3A_803, %add3A_1331 : vector<16xi32>
      %gather3A_1333 = arith.constant 0 : i32
      %gather3A_1334 = arith.constant 0 : i32
      %gather3A_1335 = arith.constant 0 : i32
      %gather3A_1336 = tpu.memref_slice %arg11[%gather3A_1333, %gather3A_1334, %gather3A_1335] : memref<2x128x128xf32, #tpu.memory_space<vmem>> -> memref<1x128x128xf32, #tpu.memory_space<vmem>>
      %gather3A_1337 = tpu.memref_squeeze %gather3A_1336 : memref<1x128x128xf32, #tpu.memory_space<vmem>> -> memref<128x128xf32, #tpu.memory_space<vmem>>
      %gather3A_1338 = tpu.vector_load_idx %gather3A_1337[%add3A_791, %add3A_1332] : memref<128x128xf32, #tpu.memory_space<vmem>>[vector<16xi32>, vector<16xi32>], vector<16xf32>,
      %add3A_1339 = arith.constant 26 : i32
      %add3A_1340 = vector.broadcast %add3A_1339 : i32 to vector<16xi32>
      %add3A_1341 = arith.addi %shift_left3A_809, %add3A_1340 : vector<16xi32>
      %gather3A_1342 = arith.constant 0 : i32
      %gather3A_1343 = arith.constant 0 : i32
      %gather3A_1344 = arith.constant 0 : i32
      %gather3A_1345 = tpu.memref_slice %arg12[%gather3A_1342, %gather3A_1343, %gather3A_1344] : memref<2x128x128xf32, #tpu.memory_space<vmem>> -> memref<1x128x128xf32, #tpu.memory_space<vmem>>
      %gather3A_1346 = tpu.memref_squeeze %gather3A_1345 : memref<1x128x128xf32, #tpu.memory_space<vmem>> -> memref<128x128xf32, #tpu.memory_space<vmem>>
      %gather3A_1347 = tpu.vector_load_idx %gather3A_1346[%add3A_791, %add3A_1341] : memref<128x128xf32, #tpu.memory_space<vmem>>[vector<16xi32>, vector<16xi32>], vector<16xf32>,
      %mul3A_1348 = arith.mulf %gather3A_1338, %gather3A_1347 : vector<16xf32>
      %add3A_1349 = arith.addf %add3A_1329, %mul3A_1348 : vector<16xf32>
      %add3A_1350 = arith.constant 27 : i32
      %add3A_1351 = vector.broadcast %add3A_1350 : i32 to vector<16xi32>
      %add3A_1352 = arith.addi %shift_left3A_803, %add3A_1351 : vector<16xi32>
      %gather3A_1353 = arith.constant 0 : i32
      %gather3A_1354 = arith.constant 0 : i32
      %gather3A_1355 = arith.constant 0 : i32
      %gather3A_1356 = tpu.memref_slice %arg11[%gather3A_1353, %gather3A_1354, %gather3A_1355] : memref<2x128x128xf32, #tpu.memory_space<vmem>> -> memref<1x128x128xf32, #tpu.memory_space<vmem>>
      %gather3A_1357 = tpu.memref_squeeze %gather3A_1356 : memref<1x128x128xf32, #tpu.memory_space<vmem>> -> memref<128x128xf32, #tpu.memory_space<vmem>>
      %gather3A_1358 = tpu.vector_load_idx %gather3A_1357[%add3A_791, %add3A_1352] : memref<128x128xf32, #tpu.memory_space<vmem>>[vector<16xi32>, vector<16xi32>], vector<16xf32>,
      %add3A_1359 = arith.constant 27 : i32
      %add3A_1360 = vector.broadcast %add3A_1359 : i32 to vector<16xi32>
      %add3A_1361 = arith.addi %shift_left3A_809, %add3A_1360 : vector<16xi32>
      %gather3A_1362 = arith.constant 0 : i32
      %gather3A_1363 = arith.constant 0 : i32
      %gather3A_1364 = arith.constant 0 : i32
      %gather3A_1365 = tpu.memref_slice %arg12[%gather3A_1362, %gather3A_1363, %gather3A_1364] : memref<2x128x128xf32, #tpu.memory_space<vmem>> -> memref<1x128x128xf32, #tpu.memory_space<vmem>>
      %gather3A_1366 = tpu.memref_squeeze %gather3A_1365 : memref<1x128x128xf32, #tpu.memory_space<vmem>> -> memref<128x128xf32, #tpu.memory_space<vmem>>
      %gather3A_1367 = tpu.vector_load_idx %gather3A_1366[%add3A_791, %add3A_1361] : memref<128x128xf32, #tpu.memory_space<vmem>>[vector<16xi32>, vector<16xi32>], vector<16xf32>,
      %mul3A_1368 = arith.mulf %gather3A_1358, %gather3A_1367 : vector<16xf32>
      %add3A_1369 = arith.addf %add3A_1349, %mul3A_1368 : vector<16xf32>
      %add3A_1370 = arith.constant 28 : i32
      %add3A_1371 = vector.broadcast %add3A_1370 : i32 to vector<16xi32>
      %add3A_1372 = arith.addi %shift_left3A_803, %add3A_1371 : vector<16xi32>
      %gather3A_1373 = arith.constant 0 : i32
      %gather3A_1374 = arith.constant 0 : i32
      %gather3A_1375 = arith.constant 0 : i32
      %gather3A_1376 = tpu.memref_slice %arg11[%gather3A_1373, %gather3A_1374, %gather3A_1375] : memref<2x128x128xf32, #tpu.memory_space<vmem>> -> memref<1x128x128xf32, #tpu.memory_space<vmem>>
      %gather3A_1377 = tpu.memref_squeeze %gather3A_1376 : memref<1x128x128xf32, #tpu.memory_space<vmem>> -> memref<128x128xf32, #tpu.memory_space<vmem>>
      %gather3A_1378 = tpu.vector_load_idx %gather3A_1377[%add3A_791, %add3A_1372] : memref<128x128xf32, #tpu.memory_space<vmem>>[vector<16xi32>, vector<16xi32>], vector<16xf32>,
      %add3A_1379 = arith.constant 28 : i32
      %add3A_1380 = vector.broadcast %add3A_1379 : i32 to vector<16xi32>
      %add3A_1381 = arith.addi %shift_left3A_809, %add3A_1380 : vector<16xi32>
      %gather3A_1382 = arith.constant 0 : i32
      %gather3A_1383 = arith.constant 0 : i32
      %gather3A_1384 = arith.constant 0 : i32
      %gather3A_1385 = tpu.memref_slice %arg12[%gather3A_1382, %gather3A_1383, %gather3A_1384] : memref<2x128x128xf32, #tpu.memory_space<vmem>> -> memref<1x128x128xf32, #tpu.memory_space<vmem>>
      %gather3A_1386 = tpu.memref_squeeze %gather3A_1385 : memref<1x128x128xf32, #tpu.memory_space<vmem>> -> memref<128x128xf32, #tpu.memory_space<vmem>>
      %gather3A_1387 = tpu.vector_load_idx %gather3A_1386[%add3A_791, %add3A_1381] : memref<128x128xf32, #tpu.memory_space<vmem>>[vector<16xi32>, vector<16xi32>], vector<16xf32>,
      %mul3A_1388 = arith.mulf %gather3A_1378, %gather3A_1387 : vector<16xf32>
      %add3A_1389 = arith.addf %add3A_1369, %mul3A_1388 : vector<16xf32>
      %add3A_1390 = arith.constant 29 : i32
      %add3A_1391 = vector.broadcast %add3A_1390 : i32 to vector<16xi32>
      %add3A_1392 = arith.addi %shift_left3A_803, %add3A_1391 : vector<16xi32>
      %gather3A_1393 = arith.constant 0 : i32
      %gather3A_1394 = arith.constant 0 : i32
      %gather3A_1395 = arith.constant 0 : i32
      %gather3A_1396 = tpu.memref_slice %arg11[%gather3A_1393, %gather3A_1394, %gather3A_1395] : memref<2x128x128xf32, #tpu.memory_space<vmem>> -> memref<1x128x128xf32, #tpu.memory_space<vmem>>
      %gather3A_1397 = tpu.memref_squeeze %gather3A_1396 : memref<1x128x128xf32, #tpu.memory_space<vmem>> -> memref<128x128xf32, #tpu.memory_space<vmem>>
      %gather3A_1398 = tpu.vector_load_idx %gather3A_1397[%add3A_791, %add3A_1392] : memref<128x128xf32, #tpu.memory_space<vmem>>[vector<16xi32>, vector<16xi32>], vector<16xf32>,
      %add3A_1399 = arith.constant 29 : i32
      %add3A_1400 = vector.broadcast %add3A_1399 : i32 to vector<16xi32>
      %add3A_1401 = arith.addi %shift_left3A_809, %add3A_1400 : vector<16xi32>
      %gather3A_1402 = arith.constant 0 : i32
      %gather3A_1403 = arith.constant 0 : i32
      %gather3A_1404 = arith.constant 0 : i32
      %gather3A_1405 = tpu.memref_slice %arg12[%gather3A_1402, %gather3A_1403, %gather3A_1404] : memref<2x128x128xf32, #tpu.memory_space<vmem>> -> memref<1x128x128xf32, #tpu.memory_space<vmem>>
      %gather3A_1406 = tpu.memref_squeeze %gather3A_1405 : memref<1x128x128xf32, #tpu.memory_space<vmem>> -> memref<128x128xf32, #tpu.memory_space<vmem>>
      %gather3A_1407 = tpu.vector_load_idx %gather3A_1406[%add3A_791, %add3A_1401] : memref<128x128xf32, #tpu.memory_space<vmem>>[vector<16xi32>, vector<16xi32>], vector<16xf32>,
      %mul3A_1408 = arith.mulf %gather3A_1398, %gather3A_1407 : vector<16xf32>
      %add3A_1409 = arith.addf %add3A_1389, %mul3A_1408 : vector<16xf32>
      %add3A_1410 = arith.constant 30 : i32
      %add3A_1411 = vector.broadcast %add3A_1410 : i32 to vector<16xi32>
      %add3A_1412 = arith.addi %shift_left3A_803, %add3A_1411 : vector<16xi32>
      %gather3A_1413 = arith.constant 0 : i32
      %gather3A_1414 = arith.constant 0 : i32
      %gather3A_1415 = arith.constant 0 : i32
      %gather3A_1416 = tpu.memref_slice %arg11[%gather3A_1413, %gather3A_1414, %gather3A_1415] : memref<2x128x128xf32, #tpu.memory_space<vmem>> -> memref<1x128x128xf32, #tpu.memory_space<vmem>>
      %gather3A_1417 = tpu.memref_squeeze %gather3A_1416 : memref<1x128x128xf32, #tpu.memory_space<vmem>> -> memref<128x128xf32, #tpu.memory_space<vmem>>
      %gather3A_1418 = tpu.vector_load_idx %gather3A_1417[%add3A_791, %add3A_1412] : memref<128x128xf32, #tpu.memory_space<vmem>>[vector<16xi32>, vector<16xi32>], vector<16xf32>,
      %add3A_1419 = arith.constant 30 : i32
      %add3A_1420 = vector.broadcast %add3A_1419 : i32 to vector<16xi32>
      %add3A_1421 = arith.addi %shift_left3A_809, %add3A_1420 : vector<16xi32>
      %gather3A_1422 = arith.constant 0 : i32
      %gather3A_1423 = arith.constant 0 : i32
      %gather3A_1424 = arith.constant 0 : i32
      %gather3A_1425 = tpu.memref_slice %arg12[%gather3A_1422, %gather3A_1423, %gather3A_1424] : memref<2x128x128xf32, #tpu.memory_space<vmem>> -> memref<1x128x128xf32, #tpu.memory_space<vmem>>
      %gather3A_1426 = tpu.memref_squeeze %gather3A_1425 : memref<1x128x128xf32, #tpu.memory_space<vmem>> -> memref<128x128xf32, #tpu.memory_space<vmem>>
      %gather3A_1427 = tpu.vector_load_idx %gather3A_1426[%add3A_791, %add3A_1421] : memref<128x128xf32, #tpu.memory_space<vmem>>[vector<16xi32>, vector<16xi32>], vector<16xf32>,
      %mul3A_1428 = arith.mulf %gather3A_1418, %gather3A_1427 : vector<16xf32>
      %add3A_1429 = arith.addf %add3A_1409, %mul3A_1428 : vector<16xf32>
      %add3A_1430 = arith.constant 31 : i32
      %add3A_1431 = vector.broadcast %add3A_1430 : i32 to vector<16xi32>
      %add3A_1432 = arith.addi %shift_left3A_803, %add3A_1431 : vector<16xi32>
      %gather3A_1433 = arith.constant 0 : i32
      %gather3A_1434 = arith.constant 0 : i32
      %gather3A_1435 = arith.constant 0 : i32
      %gather3A_1436 = tpu.memref_slice %arg11[%gather3A_1433, %gather3A_1434, %gather3A_1435] : memref<2x128x128xf32, #tpu.memory_space<vmem>> -> memref<1x128x128xf32, #tpu.memory_space<vmem>>
      %gather3A_1437 = tpu.memref_squeeze %gather3A_1436 : memref<1x128x128xf32, #tpu.memory_space<vmem>> -> memref<128x128xf32, #tpu.memory_space<vmem>>
      %gather3A_1438 = tpu.vector_load_idx %gather3A_1437[%add3A_791, %add3A_1432] : memref<128x128xf32, #tpu.memory_space<vmem>>[vector<16xi32>, vector<16xi32>], vector<16xf32>,
      %add3A_1439 = arith.constant 31 : i32
      %add3A_1440 = vector.broadcast %add3A_1439 : i32 to vector<16xi32>
      %add3A_1441 = arith.addi %shift_left3A_809, %add3A_1440 : vector<16xi32>
      %gather3A_1442 = arith.constant 0 : i32
      %gather3A_1443 = arith.constant 0 : i32
      %gather3A_1444 = arith.constant 0 : i32
      %gather3A_1445 = tpu.memref_slice %arg12[%gather3A_1442, %gather3A_1443, %gather3A_1444] : memref<2x128x128xf32, #tpu.memory_space<vmem>> -> memref<1x128x128xf32, #tpu.memory_space<vmem>>
      %gather3A_1446 = tpu.memref_squeeze %gather3A_1445 : memref<1x128x128xf32, #tpu.memory_space<vmem>> -> memref<128x128xf32, #tpu.memory_space<vmem>>
      %gather3A_1447 = tpu.vector_load_idx %gather3A_1446[%add3A_791, %add3A_1441] : memref<128x128xf32, #tpu.memory_space<vmem>>[vector<16xi32>, vector<16xi32>], vector<16xf32>,
      %mul3A_1448 = arith.mulf %gather3A_1438, %gather3A_1447 : vector<16xf32>
      %add3A_1449 = arith.addf %add3A_1429, %mul3A_1448 : vector<16xf32>
      %mul3A_1450 = arith.constant 16 : i32
      %mul3A_1451 = arith.muli %add3A_787, %mul3A_1450 : i32
      %swap3A_1452 = arith.index_cast %mul3A_1451 : i32 to index
      %swap3A_1453 = tpu.vector_load %arg13[%swap3A_1452] {strides = array<i32>} : memref<512xf32, #tpu.memory_space<vmem>>, vector<16xf32>,
      tpu.vector_store %arg13[%swap3A_1452], %add3A_1449 {strides = array<i32>} : memref<512xf32, #tpu.memory_space<vmem>>, vector<16xf32>,
    }
    %scan3A_755 = arith.constant 8 : i32
    %dma_wait3A_756 = arith.constant 3 : i32
    %dma_wait3A_757 = arith.constant 1 : i32
    %dma_wait3A_758 = arith.constant 0 : i32
    %dma_wait3A_759 = arith.constant 0 : i32
    %dma_wait3A_760 = tpu.memref_slice %arg11[%dma_wait3A_757, %dma_wait3A_758, %dma_wait3A_759] : memref<2x128x128xf32, #tpu.memory_space<vmem>> -> memref<1x128x128xf32, #tpu.memory_space<vmem>>
    %dma_wait3A_761 = tpu.memref_squeeze %dma_wait3A_760 : memref<1x128x128xf32, #tpu.memory_space<vmem>> -> memref<128x128xf32, #tpu.memory_space<vmem>>
    %dma_wait3A_762 = arith.constant 0 : i32
    %dma_wait3A_763 = tpu.memref_slice %arg9[%dma_wait3A_756, %dma_wait3A_762] : memref<4x128xi32, #tpu.memory_space<vmem>> -> memref<1x128xi32, #tpu.memory_space<vmem>>
    %dma_wait3A_764 = tpu.memref_squeeze %dma_wait3A_763 : memref<1x128xi32, #tpu.memory_space<vmem>> -> memref<128xi32, #tpu.memory_space<vmem>>
    %dma_wait3A_765 = arith.constant 0 : i32
    %dma_wait3A_766 = arith.constant 0 : i32
    %dma_wait3A_767 = tpu.memref_slice %arg4[%dma_wait3A_765, %dma_wait3A_766] : memref<32768x128xf32, #tpu.memory_space<hbm>> -> memref<32768x128xf32, #tpu.memory_space<hbm>>
    tpu.wait_indirect_dma semaphore(%arg14 : memref<!tpu.dma_semaphore, #tpu.memory_space<semaphore_mem>>) src(%dma_wait3A_767 : memref<32768x128xf32, #tpu.memory_space<hbm>>) dst(%dma_wait3A_761 : memref<128x128xf32, #tpu.memory_space<vmem>>)
    %dma_wait3A_768 = arith.constant 3 : i32
    %dma_wait3A_769 = arith.constant 1 : i32
    %dma_wait3A_770 = arith.constant 0 : i32
    %dma_wait3A_771 = arith.constant 0 : i32
    %dma_wait3A_772 = tpu.memref_slice %arg12[%dma_wait3A_769, %dma_wait3A_770, %dma_wait3A_771] : memref<2x128x128xf32, #tpu.memory_space<vmem>> -> memref<1x128x128xf32, #tpu.memory_space<vmem>>
    %dma_wait3A_773 = tpu.memref_squeeze %dma_wait3A_772 : memref<1x128x128xf32, #tpu.memory_space<vmem>> -> memref<128x128xf32, #tpu.memory_space<vmem>>
    %dma_wait3A_774 = arith.constant 0 : i32
    %dma_wait3A_775 = tpu.memref_slice %arg10[%dma_wait3A_768, %dma_wait3A_774] : memref<4x128xi32, #tpu.memory_space<vmem>> -> memref<1x128xi32, #tpu.memory_space<vmem>>
    %dma_wait3A_776 = tpu.memref_squeeze %dma_wait3A_775 : memref<1x128xi32, #tpu.memory_space<vmem>> -> memref<128xi32, #tpu.memory_space<vmem>>
    %dma_wait3A_777 = arith.constant 0 : i32
    %dma_wait3A_778 = arith.constant 0 : i32
    %dma_wait3A_779 = tpu.memref_slice %arg5[%dma_wait3A_777, %dma_wait3A_778] : memref<262144x128xf32, #tpu.memory_space<hbm>> -> memref<262144x128xf32, #tpu.memory_space<hbm>>
    tpu.wait_indirect_dma semaphore(%arg15 : memref<!tpu.dma_semaphore, #tpu.memory_space<semaphore_mem>>) src(%dma_wait3A_779 : memref<262144x128xf32, #tpu.memory_space<hbm>>) dst(%dma_wait3A_773 : memref<128x128xf32, #tpu.memory_space<vmem>>)
    %scan3A_780 = arith.constant 0 : i32
    %scan3A_781 = arith.constant 8 : i32
    %scan3A_782 = arith.addi %scan3A_780, %scan3A_781 : i32
    %scan3A_783 = arith.constant 1 : i32
    scf.for %scan3A_785 = %scan3A_780 to %scan3A_782 step %scan3A_783  : i32 {
      %add3A_786 = arith.constant 24 : i32
      %add3A_787 = arith.addi %add3A_786, %scan3A_785 : i32
      %mul3A_788 = arith.constant 16 : i32
      %mul3A_789 = arith.muli %scan3A_785, %mul3A_788 : i32
      %add3A_790 = vector.broadcast %mul3A_789 : i32 to vector<16xi32>
      %add3A_791 = arith.addi %add3A_790, %iota3A : vector<16xi32>
      %mul3A_792 = arith.constant 16 : i32
      %mul3A_793 = arith.muli %add3A_787, %mul3A_792 : i32
      %get3A_794 = arith.index_cast %mul3A_793 : i32 to index
      %get3A_795 = tpu.vector_load %arg7[%get3A_794] {strides = array<i32>} : memref<512xi32, #tpu.memory_space<vmem>>, vector<16xi32>,
      %mul3A_796 = arith.constant 16 : i32
      %mul3A_797 = arith.muli %add3A_787, %mul3A_796 : i32
      %get3A_798 = arith.index_cast %mul3A_797 : i32 to index
      %get3A_799 = tpu.vector_load %arg8[%get3A_798] {strides = array<i32>} : memref<512xi32, #tpu.memory_space<vmem>>, vector<16xi32>,
      %shift_right_logical3A = arith.constant 15 : i32
      %shift_right_logical3A_800 = vector.broadcast %shift_right_logical3A : i32 to vector<16xi32>
      %shift_right_logical3A_801 = arith.shrui %get3A_795, %shift_right_logical3A_800 : vector<16xi32>
      %shift_left3A = arith.constant 5 : i32
      %shift_left3A_802 = vector.broadcast %shift_left3A : i32 to vector<16xi32>
      %shift_left3A_803 = arith.shli %shift_right_logical3A_801, %shift_left3A_802 : vector<16xi32>
      %shift_right_logical3A_804 = arith.constant 18 : i32
      %shift_right_logical3A_805 = vector.broadcast %shift_right_logical3A_804 : i32 to vector<16xi32>
      %shift_right_logical3A_806 = arith.shrui %get3A_799, %shift_right_logical3A_805 : vector<16xi32>
      %shift_left3A_807 = arith.constant 5 : i32
      %shift_left3A_808 = vector.broadcast %shift_left3A_807 : i32 to vector<16xi32>
      %shift_left3A_809 = arith.shli %shift_right_logical3A_806, %shift_left3A_808 : vector<16xi32>
      %broadcast_in_dim3A = arith.constant 0.000000e+00 : f32
      %broadcast_in_dim3A_810 = vector.broadcast %broadcast_in_dim3A : f32 to vector<16xf32>
      %add3A_811 = arith.constant 0 : i32
      %add3A_812 = vector.broadcast %add3A_811 : i32 to vector<16xi32>
      %add3A_813 = arith.addi %shift_left3A_803, %add3A_812 : vector<16xi32>
      %gather3A = arith.constant 1 : i32
      %gather3A_814 = arith.constant 0 : i32
      %gather3A_815 = arith.constant 0 : i32
      %gather3A_816 = tpu.memref_slice %arg11[%gather3A, %gather3A_814, %gather3A_815] : memref<2x128x128xf32, #tpu.memory_space<vmem>> -> memref<1x128x128xf32, #tpu.memory_space<vmem>>
      %gather3A_817 = tpu.memref_squeeze %gather3A_816 : memref<1x128x128xf32, #tpu.memory_space<vmem>> -> memref<128x128xf32, #tpu.memory_space<vmem>>
      %gather3A_818 = tpu.vector_load_idx %gather3A_817[%add3A_791, %add3A_813] : memref<128x128xf32, #tpu.memory_space<vmem>>[vector<16xi32>, vector<16xi32>], vector<16xf32>,
      %add3A_819 = arith.constant 0 : i32
      %add3A_820 = vector.broadcast %add3A_819 : i32 to vector<16xi32>
      %add3A_821 = arith.addi %shift_left3A_809, %add3A_820 : vector<16xi32>
      %gather3A_822 = arith.constant 1 : i32
      %gather3A_823 = arith.constant 0 : i32
      %gather3A_824 = arith.constant 0 : i32
      %gather3A_825 = tpu.memref_slice %arg12[%gather3A_822, %gather3A_823, %gather3A_824] : memref<2x128x128xf32, #tpu.memory_space<vmem>> -> memref<1x128x128xf32, #tpu.memory_space<vmem>>
      %gather3A_826 = tpu.memref_squeeze %gather3A_825 : memref<1x128x128xf32, #tpu.memory_space<vmem>> -> memref<128x128xf32, #tpu.memory_space<vmem>>
      %gather3A_827 = tpu.vector_load_idx %gather3A_826[%add3A_791, %add3A_821] : memref<128x128xf32, #tpu.memory_space<vmem>>[vector<16xi32>, vector<16xi32>], vector<16xf32>,
      %mul3A_828 = arith.mulf %gather3A_818, %gather3A_827 : vector<16xf32>
      %add3A_829 = arith.addf %broadcast_in_dim3A_810, %mul3A_828 : vector<16xf32>
      %add3A_830 = arith.constant 1 : i32
      %add3A_831 = vector.broadcast %add3A_830 : i32 to vector<16xi32>
      %add3A_832 = arith.addi %shift_left3A_803, %add3A_831 : vector<16xi32>
      %gather3A_833 = arith.constant 1 : i32
      %gather3A_834 = arith.constant 0 : i32
      %gather3A_835 = arith.constant 0 : i32
      %gather3A_836 = tpu.memref_slice %arg11[%gather3A_833, %gather3A_834, %gather3A_835] : memref<2x128x128xf32, #tpu.memory_space<vmem>> -> memref<1x128x128xf32, #tpu.memory_space<vmem>>
      %gather3A_837 = tpu.memref_squeeze %gather3A_836 : memref<1x128x128xf32, #tpu.memory_space<vmem>> -> memref<128x128xf32, #tpu.memory_space<vmem>>
      %gather3A_838 = tpu.vector_load_idx %gather3A_837[%add3A_791, %add3A_832] : memref<128x128xf32, #tpu.memory_space<vmem>>[vector<16xi32>, vector<16xi32>], vector<16xf32>,
      %add3A_839 = arith.constant 1 : i32
      %add3A_840 = vector.broadcast %add3A_839 : i32 to vector<16xi32>
      %add3A_841 = arith.addi %shift_left3A_809, %add3A_840 : vector<16xi32>
      %gather3A_842 = arith.constant 1 : i32
      %gather3A_843 = arith.constant 0 : i32
      %gather3A_844 = arith.constant 0 : i32
      %gather3A_845 = tpu.memref_slice %arg12[%gather3A_842, %gather3A_843, %gather3A_844] : memref<2x128x128xf32, #tpu.memory_space<vmem>> -> memref<1x128x128xf32, #tpu.memory_space<vmem>>
      %gather3A_846 = tpu.memref_squeeze %gather3A_845 : memref<1x128x128xf32, #tpu.memory_space<vmem>> -> memref<128x128xf32, #tpu.memory_space<vmem>>
      %gather3A_847 = tpu.vector_load_idx %gather3A_846[%add3A_791, %add3A_841] : memref<128x128xf32, #tpu.memory_space<vmem>>[vector<16xi32>, vector<16xi32>], vector<16xf32>,
      %mul3A_848 = arith.mulf %gather3A_838, %gather3A_847 : vector<16xf32>
      %add3A_849 = arith.addf %add3A_829, %mul3A_848 : vector<16xf32>
      %add3A_850 = arith.constant 2 : i32
      %add3A_851 = vector.broadcast %add3A_850 : i32 to vector<16xi32>
      %add3A_852 = arith.addi %shift_left3A_803, %add3A_851 : vector<16xi32>
      %gather3A_853 = arith.constant 1 : i32
      %gather3A_854 = arith.constant 0 : i32
      %gather3A_855 = arith.constant 0 : i32
      %gather3A_856 = tpu.memref_slice %arg11[%gather3A_853, %gather3A_854, %gather3A_855] : memref<2x128x128xf32, #tpu.memory_space<vmem>> -> memref<1x128x128xf32, #tpu.memory_space<vmem>>
      %gather3A_857 = tpu.memref_squeeze %gather3A_856 : memref<1x128x128xf32, #tpu.memory_space<vmem>> -> memref<128x128xf32, #tpu.memory_space<vmem>>
      %gather3A_858 = tpu.vector_load_idx %gather3A_857[%add3A_791, %add3A_852] : memref<128x128xf32, #tpu.memory_space<vmem>>[vector<16xi32>, vector<16xi32>], vector<16xf32>,
      %add3A_859 = arith.constant 2 : i32
      %add3A_860 = vector.broadcast %add3A_859 : i32 to vector<16xi32>
      %add3A_861 = arith.addi %shift_left3A_809, %add3A_860 : vector<16xi32>
      %gather3A_862 = arith.constant 1 : i32
      %gather3A_863 = arith.constant 0 : i32
      %gather3A_864 = arith.constant 0 : i32
      %gather3A_865 = tpu.memref_slice %arg12[%gather3A_862, %gather3A_863, %gather3A_864] : memref<2x128x128xf32, #tpu.memory_space<vmem>> -> memref<1x128x128xf32, #tpu.memory_space<vmem>>
      %gather3A_866 = tpu.memref_squeeze %gather3A_865 : memref<1x128x128xf32, #tpu.memory_space<vmem>> -> memref<128x128xf32, #tpu.memory_space<vmem>>
      %gather3A_867 = tpu.vector_load_idx %gather3A_866[%add3A_791, %add3A_861] : memref<128x128xf32, #tpu.memory_space<vmem>>[vector<16xi32>, vector<16xi32>], vector<16xf32>,
      %mul3A_868 = arith.mulf %gather3A_858, %gather3A_867 : vector<16xf32>
      %add3A_869 = arith.addf %add3A_849, %mul3A_868 : vector<16xf32>
      %add3A_870 = arith.constant 3 : i32
      %add3A_871 = vector.broadcast %add3A_870 : i32 to vector<16xi32>
      %add3A_872 = arith.addi %shift_left3A_803, %add3A_871 : vector<16xi32>
      %gather3A_873 = arith.constant 1 : i32
      %gather3A_874 = arith.constant 0 : i32
      %gather3A_875 = arith.constant 0 : i32
      %gather3A_876 = tpu.memref_slice %arg11[%gather3A_873, %gather3A_874, %gather3A_875] : memref<2x128x128xf32, #tpu.memory_space<vmem>> -> memref<1x128x128xf32, #tpu.memory_space<vmem>>
      %gather3A_877 = tpu.memref_squeeze %gather3A_876 : memref<1x128x128xf32, #tpu.memory_space<vmem>> -> memref<128x128xf32, #tpu.memory_space<vmem>>
      %gather3A_878 = tpu.vector_load_idx %gather3A_877[%add3A_791, %add3A_872] : memref<128x128xf32, #tpu.memory_space<vmem>>[vector<16xi32>, vector<16xi32>], vector<16xf32>,
      %add3A_879 = arith.constant 3 : i32
      %add3A_880 = vector.broadcast %add3A_879 : i32 to vector<16xi32>
      %add3A_881 = arith.addi %shift_left3A_809, %add3A_880 : vector<16xi32>
      %gather3A_882 = arith.constant 1 : i32
      %gather3A_883 = arith.constant 0 : i32
      %gather3A_884 = arith.constant 0 : i32
      %gather3A_885 = tpu.memref_slice %arg12[%gather3A_882, %gather3A_883, %gather3A_884] : memref<2x128x128xf32, #tpu.memory_space<vmem>> -> memref<1x128x128xf32, #tpu.memory_space<vmem>>
      %gather3A_886 = tpu.memref_squeeze %gather3A_885 : memref<1x128x128xf32, #tpu.memory_space<vmem>> -> memref<128x128xf32, #tpu.memory_space<vmem>>
      %gather3A_887 = tpu.vector_load_idx %gather3A_886[%add3A_791, %add3A_881] : memref<128x128xf32, #tpu.memory_space<vmem>>[vector<16xi32>, vector<16xi32>], vector<16xf32>,
      %mul3A_888 = arith.mulf %gather3A_878, %gather3A_887 : vector<16xf32>
      %add3A_889 = arith.addf %add3A_869, %mul3A_888 : vector<16xf32>
      %add3A_890 = arith.constant 4 : i32
      %add3A_891 = vector.broadcast %add3A_890 : i32 to vector<16xi32>
      %add3A_892 = arith.addi %shift_left3A_803, %add3A_891 : vector<16xi32>
      %gather3A_893 = arith.constant 1 : i32
      %gather3A_894 = arith.constant 0 : i32
      %gather3A_895 = arith.constant 0 : i32
      %gather3A_896 = tpu.memref_slice %arg11[%gather3A_893, %gather3A_894, %gather3A_895] : memref<2x128x128xf32, #tpu.memory_space<vmem>> -> memref<1x128x128xf32, #tpu.memory_space<vmem>>
      %gather3A_897 = tpu.memref_squeeze %gather3A_896 : memref<1x128x128xf32, #tpu.memory_space<vmem>> -> memref<128x128xf32, #tpu.memory_space<vmem>>
      %gather3A_898 = tpu.vector_load_idx %gather3A_897[%add3A_791, %add3A_892] : memref<128x128xf32, #tpu.memory_space<vmem>>[vector<16xi32>, vector<16xi32>], vector<16xf32>,
      %add3A_899 = arith.constant 4 : i32
      %add3A_900 = vector.broadcast %add3A_899 : i32 to vector<16xi32>
      %add3A_901 = arith.addi %shift_left3A_809, %add3A_900 : vector<16xi32>
      %gather3A_902 = arith.constant 1 : i32
      %gather3A_903 = arith.constant 0 : i32
      %gather3A_904 = arith.constant 0 : i32
      %gather3A_905 = tpu.memref_slice %arg12[%gather3A_902, %gather3A_903, %gather3A_904] : memref<2x128x128xf32, #tpu.memory_space<vmem>> -> memref<1x128x128xf32, #tpu.memory_space<vmem>>
      %gather3A_906 = tpu.memref_squeeze %gather3A_905 : memref<1x128x128xf32, #tpu.memory_space<vmem>> -> memref<128x128xf32, #tpu.memory_space<vmem>>
      %gather3A_907 = tpu.vector_load_idx %gather3A_906[%add3A_791, %add3A_901] : memref<128x128xf32, #tpu.memory_space<vmem>>[vector<16xi32>, vector<16xi32>], vector<16xf32>,
      %mul3A_908 = arith.mulf %gather3A_898, %gather3A_907 : vector<16xf32>
      %add3A_909 = arith.addf %add3A_889, %mul3A_908 : vector<16xf32>
      %add3A_910 = arith.constant 5 : i32
      %add3A_911 = vector.broadcast %add3A_910 : i32 to vector<16xi32>
      %add3A_912 = arith.addi %shift_left3A_803, %add3A_911 : vector<16xi32>
      %gather3A_913 = arith.constant 1 : i32
      %gather3A_914 = arith.constant 0 : i32
      %gather3A_915 = arith.constant 0 : i32
      %gather3A_916 = tpu.memref_slice %arg11[%gather3A_913, %gather3A_914, %gather3A_915] : memref<2x128x128xf32, #tpu.memory_space<vmem>> -> memref<1x128x128xf32, #tpu.memory_space<vmem>>
      %gather3A_917 = tpu.memref_squeeze %gather3A_916 : memref<1x128x128xf32, #tpu.memory_space<vmem>> -> memref<128x128xf32, #tpu.memory_space<vmem>>
      %gather3A_918 = tpu.vector_load_idx %gather3A_917[%add3A_791, %add3A_912] : memref<128x128xf32, #tpu.memory_space<vmem>>[vector<16xi32>, vector<16xi32>], vector<16xf32>,
      %add3A_919 = arith.constant 5 : i32
      %add3A_920 = vector.broadcast %add3A_919 : i32 to vector<16xi32>
      %add3A_921 = arith.addi %shift_left3A_809, %add3A_920 : vector<16xi32>
      %gather3A_922 = arith.constant 1 : i32
      %gather3A_923 = arith.constant 0 : i32
      %gather3A_924 = arith.constant 0 : i32
      %gather3A_925 = tpu.memref_slice %arg12[%gather3A_922, %gather3A_923, %gather3A_924] : memref<2x128x128xf32, #tpu.memory_space<vmem>> -> memref<1x128x128xf32, #tpu.memory_space<vmem>>
      %gather3A_926 = tpu.memref_squeeze %gather3A_925 : memref<1x128x128xf32, #tpu.memory_space<vmem>> -> memref<128x128xf32, #tpu.memory_space<vmem>>
      %gather3A_927 = tpu.vector_load_idx %gather3A_926[%add3A_791, %add3A_921] : memref<128x128xf32, #tpu.memory_space<vmem>>[vector<16xi32>, vector<16xi32>], vector<16xf32>,
      %mul3A_928 = arith.mulf %gather3A_918, %gather3A_927 : vector<16xf32>
      %add3A_929 = arith.addf %add3A_909, %mul3A_928 : vector<16xf32>
      %add3A_930 = arith.constant 6 : i32
      %add3A_931 = vector.broadcast %add3A_930 : i32 to vector<16xi32>
      %add3A_932 = arith.addi %shift_left3A_803, %add3A_931 : vector<16xi32>
      %gather3A_933 = arith.constant 1 : i32
      %gather3A_934 = arith.constant 0 : i32
      %gather3A_935 = arith.constant 0 : i32
      %gather3A_936 = tpu.memref_slice %arg11[%gather3A_933, %gather3A_934, %gather3A_935] : memref<2x128x128xf32, #tpu.memory_space<vmem>> -> memref<1x128x128xf32, #tpu.memory_space<vmem>>
      %gather3A_937 = tpu.memref_squeeze %gather3A_936 : memref<1x128x128xf32, #tpu.memory_space<vmem>> -> memref<128x128xf32, #tpu.memory_space<vmem>>
      %gather3A_938 = tpu.vector_load_idx %gather3A_937[%add3A_791, %add3A_932] : memref<128x128xf32, #tpu.memory_space<vmem>>[vector<16xi32>, vector<16xi32>], vector<16xf32>,
      %add3A_939 = arith.constant 6 : i32
      %add3A_940 = vector.broadcast %add3A_939 : i32 to vector<16xi32>
      %add3A_941 = arith.addi %shift_left3A_809, %add3A_940 : vector<16xi32>
      %gather3A_942 = arith.constant 1 : i32
      %gather3A_943 = arith.constant 0 : i32
      %gather3A_944 = arith.constant 0 : i32
      %gather3A_945 = tpu.memref_slice %arg12[%gather3A_942, %gather3A_943, %gather3A_944] : memref<2x128x128xf32, #tpu.memory_space<vmem>> -> memref<1x128x128xf32, #tpu.memory_space<vmem>>
      %gather3A_946 = tpu.memref_squeeze %gather3A_945 : memref<1x128x128xf32, #tpu.memory_space<vmem>> -> memref<128x128xf32, #tpu.memory_space<vmem>>
      %gather3A_947 = tpu.vector_load_idx %gather3A_946[%add3A_791, %add3A_941] : memref<128x128xf32, #tpu.memory_space<vmem>>[vector<16xi32>, vector<16xi32>], vector<16xf32>,
      %mul3A_948 = arith.mulf %gather3A_938, %gather3A_947 : vector<16xf32>
      %add3A_949 = arith.addf %add3A_929, %mul3A_948 : vector<16xf32>
      %add3A_950 = arith.constant 7 : i32
      %add3A_951 = vector.broadcast %add3A_950 : i32 to vector<16xi32>
      %add3A_952 = arith.addi %shift_left3A_803, %add3A_951 : vector<16xi32>
      %gather3A_953 = arith.constant 1 : i32
      %gather3A_954 = arith.constant 0 : i32
      %gather3A_955 = arith.constant 0 : i32
      %gather3A_956 = tpu.memref_slice %arg11[%gather3A_953, %gather3A_954, %gather3A_955] : memref<2x128x128xf32, #tpu.memory_space<vmem>> -> memref<1x128x128xf32, #tpu.memory_space<vmem>>
      %gather3A_957 = tpu.memref_squeeze %gather3A_956 : memref<1x128x128xf32, #tpu.memory_space<vmem>> -> memref<128x128xf32, #tpu.memory_space<vmem>>
      %gather3A_958 = tpu.vector_load_idx %gather3A_957[%add3A_791, %add3A_952] : memref<128x128xf32, #tpu.memory_space<vmem>>[vector<16xi32>, vector<16xi32>], vector<16xf32>,
      %add3A_959 = arith.constant 7 : i32
      %add3A_960 = vector.broadcast %add3A_959 : i32 to vector<16xi32>
      %add3A_961 = arith.addi %shift_left3A_809, %add3A_960 : vector<16xi32>
      %gather3A_962 = arith.constant 1 : i32
      %gather3A_963 = arith.constant 0 : i32
      %gather3A_964 = arith.constant 0 : i32
      %gather3A_965 = tpu.memref_slice %arg12[%gather3A_962, %gather3A_963, %gather3A_964] : memref<2x128x128xf32, #tpu.memory_space<vmem>> -> memref<1x128x128xf32, #tpu.memory_space<vmem>>
      %gather3A_966 = tpu.memref_squeeze %gather3A_965 : memref<1x128x128xf32, #tpu.memory_space<vmem>> -> memref<128x128xf32, #tpu.memory_space<vmem>>
      %gather3A_967 = tpu.vector_load_idx %gather3A_966[%add3A_791, %add3A_961] : memref<128x128xf32, #tpu.memory_space<vmem>>[vector<16xi32>, vector<16xi32>], vector<16xf32>,
      %mul3A_968 = arith.mulf %gather3A_958, %gather3A_967 : vector<16xf32>
      %add3A_969 = arith.addf %add3A_949, %mul3A_968 : vector<16xf32>
      %add3A_970 = arith.constant 8 : i32
      %add3A_971 = vector.broadcast %add3A_970 : i32 to vector<16xi32>
      %add3A_972 = arith.addi %shift_left3A_803, %add3A_971 : vector<16xi32>
      %gather3A_973 = arith.constant 1 : i32
      %gather3A_974 = arith.constant 0 : i32
      %gather3A_975 = arith.constant 0 : i32
      %gather3A_976 = tpu.memref_slice %arg11[%gather3A_973, %gather3A_974, %gather3A_975] : memref<2x128x128xf32, #tpu.memory_space<vmem>> -> memref<1x128x128xf32, #tpu.memory_space<vmem>>
      %gather3A_977 = tpu.memref_squeeze %gather3A_976 : memref<1x128x128xf32, #tpu.memory_space<vmem>> -> memref<128x128xf32, #tpu.memory_space<vmem>>
      %gather3A_978 = tpu.vector_load_idx %gather3A_977[%add3A_791, %add3A_972] : memref<128x128xf32, #tpu.memory_space<vmem>>[vector<16xi32>, vector<16xi32>], vector<16xf32>,
      %add3A_979 = arith.constant 8 : i32
      %add3A_980 = vector.broadcast %add3A_979 : i32 to vector<16xi32>
      %add3A_981 = arith.addi %shift_left3A_809, %add3A_980 : vector<16xi32>
      %gather3A_982 = arith.constant 1 : i32
      %gather3A_983 = arith.constant 0 : i32
      %gather3A_984 = arith.constant 0 : i32
      %gather3A_985 = tpu.memref_slice %arg12[%gather3A_982, %gather3A_983, %gather3A_984] : memref<2x128x128xf32, #tpu.memory_space<vmem>> -> memref<1x128x128xf32, #tpu.memory_space<vmem>>
      %gather3A_986 = tpu.memref_squeeze %gather3A_985 : memref<1x128x128xf32, #tpu.memory_space<vmem>> -> memref<128x128xf32, #tpu.memory_space<vmem>>
      %gather3A_987 = tpu.vector_load_idx %gather3A_986[%add3A_791, %add3A_981] : memref<128x128xf32, #tpu.memory_space<vmem>>[vector<16xi32>, vector<16xi32>], vector<16xf32>,
      %mul3A_988 = arith.mulf %gather3A_978, %gather3A_987 : vector<16xf32>
      %add3A_989 = arith.addf %add3A_969, %mul3A_988 : vector<16xf32>
      %add3A_990 = arith.constant 9 : i32
      %add3A_991 = vector.broadcast %add3A_990 : i32 to vector<16xi32>
      %add3A_992 = arith.addi %shift_left3A_803, %add3A_991 : vector<16xi32>
      %gather3A_993 = arith.constant 1 : i32
      %gather3A_994 = arith.constant 0 : i32
      %gather3A_995 = arith.constant 0 : i32
      %gather3A_996 = tpu.memref_slice %arg11[%gather3A_993, %gather3A_994, %gather3A_995] : memref<2x128x128xf32, #tpu.memory_space<vmem>> -> memref<1x128x128xf32, #tpu.memory_space<vmem>>
      %gather3A_997 = tpu.memref_squeeze %gather3A_996 : memref<1x128x128xf32, #tpu.memory_space<vmem>> -> memref<128x128xf32, #tpu.memory_space<vmem>>
      %gather3A_998 = tpu.vector_load_idx %gather3A_997[%add3A_791, %add3A_992] : memref<128x128xf32, #tpu.memory_space<vmem>>[vector<16xi32>, vector<16xi32>], vector<16xf32>,
      %add3A_999 = arith.constant 9 : i32
      %add3A_1000 = vector.broadcast %add3A_999 : i32 to vector<16xi32>
      %add3A_1001 = arith.addi %shift_left3A_809, %add3A_1000 : vector<16xi32>
      %gather3A_1002 = arith.constant 1 : i32
      %gather3A_1003 = arith.constant 0 : i32
      %gather3A_1004 = arith.constant 0 : i32
      %gather3A_1005 = tpu.memref_slice %arg12[%gather3A_1002, %gather3A_1003, %gather3A_1004] : memref<2x128x128xf32, #tpu.memory_space<vmem>> -> memref<1x128x128xf32, #tpu.memory_space<vmem>>
      %gather3A_1006 = tpu.memref_squeeze %gather3A_1005 : memref<1x128x128xf32, #tpu.memory_space<vmem>> -> memref<128x128xf32, #tpu.memory_space<vmem>>
      %gather3A_1007 = tpu.vector_load_idx %gather3A_1006[%add3A_791, %add3A_1001] : memref<128x128xf32, #tpu.memory_space<vmem>>[vector<16xi32>, vector<16xi32>], vector<16xf32>,
      %mul3A_1008 = arith.mulf %gather3A_998, %gather3A_1007 : vector<16xf32>
      %add3A_1009 = arith.addf %add3A_989, %mul3A_1008 : vector<16xf32>
      %add3A_1010 = arith.constant 10 : i32
      %add3A_1011 = vector.broadcast %add3A_1010 : i32 to vector<16xi32>
      %add3A_1012 = arith.addi %shift_left3A_803, %add3A_1011 : vector<16xi32>
      %gather3A_1013 = arith.constant 1 : i32
      %gather3A_1014 = arith.constant 0 : i32
      %gather3A_1015 = arith.constant 0 : i32
      %gather3A_1016 = tpu.memref_slice %arg11[%gather3A_1013, %gather3A_1014, %gather3A_1015] : memref<2x128x128xf32, #tpu.memory_space<vmem>> -> memref<1x128x128xf32, #tpu.memory_space<vmem>>
      %gather3A_1017 = tpu.memref_squeeze %gather3A_1016 : memref<1x128x128xf32, #tpu.memory_space<vmem>> -> memref<128x128xf32, #tpu.memory_space<vmem>>
      %gather3A_1018 = tpu.vector_load_idx %gather3A_1017[%add3A_791, %add3A_1012] : memref<128x128xf32, #tpu.memory_space<vmem>>[vector<16xi32>, vector<16xi32>], vector<16xf32>,
      %add3A_1019 = arith.constant 10 : i32
      %add3A_1020 = vector.broadcast %add3A_1019 : i32 to vector<16xi32>
      %add3A_1021 = arith.addi %shift_left3A_809, %add3A_1020 : vector<16xi32>
      %gather3A_1022 = arith.constant 1 : i32
      %gather3A_1023 = arith.constant 0 : i32
      %gather3A_1024 = arith.constant 0 : i32
      %gather3A_1025 = tpu.memref_slice %arg12[%gather3A_1022, %gather3A_1023, %gather3A_1024] : memref<2x128x128xf32, #tpu.memory_space<vmem>> -> memref<1x128x128xf32, #tpu.memory_space<vmem>>
      %gather3A_1026 = tpu.memref_squeeze %gather3A_1025 : memref<1x128x128xf32, #tpu.memory_space<vmem>> -> memref<128x128xf32, #tpu.memory_space<vmem>>
      %gather3A_1027 = tpu.vector_load_idx %gather3A_1026[%add3A_791, %add3A_1021] : memref<128x128xf32, #tpu.memory_space<vmem>>[vector<16xi32>, vector<16xi32>], vector<16xf32>,
      %mul3A_1028 = arith.mulf %gather3A_1018, %gather3A_1027 : vector<16xf32>
      %add3A_1029 = arith.addf %add3A_1009, %mul3A_1028 : vector<16xf32>
      %add3A_1030 = arith.constant 11 : i32
      %add3A_1031 = vector.broadcast %add3A_1030 : i32 to vector<16xi32>
      %add3A_1032 = arith.addi %shift_left3A_803, %add3A_1031 : vector<16xi32>
      %gather3A_1033 = arith.constant 1 : i32
      %gather3A_1034 = arith.constant 0 : i32
      %gather3A_1035 = arith.constant 0 : i32
      %gather3A_1036 = tpu.memref_slice %arg11[%gather3A_1033, %gather3A_1034, %gather3A_1035] : memref<2x128x128xf32, #tpu.memory_space<vmem>> -> memref<1x128x128xf32, #tpu.memory_space<vmem>>
      %gather3A_1037 = tpu.memref_squeeze %gather3A_1036 : memref<1x128x128xf32, #tpu.memory_space<vmem>> -> memref<128x128xf32, #tpu.memory_space<vmem>>
      %gather3A_1038 = tpu.vector_load_idx %gather3A_1037[%add3A_791, %add3A_1032] : memref<128x128xf32, #tpu.memory_space<vmem>>[vector<16xi32>, vector<16xi32>], vector<16xf32>,
      %add3A_1039 = arith.constant 11 : i32
      %add3A_1040 = vector.broadcast %add3A_1039 : i32 to vector<16xi32>
      %add3A_1041 = arith.addi %shift_left3A_809, %add3A_1040 : vector<16xi32>
      %gather3A_1042 = arith.constant 1 : i32
      %gather3A_1043 = arith.constant 0 : i32
      %gather3A_1044 = arith.constant 0 : i32
      %gather3A_1045 = tpu.memref_slice %arg12[%gather3A_1042, %gather3A_1043, %gather3A_1044] : memref<2x128x128xf32, #tpu.memory_space<vmem>> -> memref<1x128x128xf32, #tpu.memory_space<vmem>>
      %gather3A_1046 = tpu.memref_squeeze %gather3A_1045 : memref<1x128x128xf32, #tpu.memory_space<vmem>> -> memref<128x128xf32, #tpu.memory_space<vmem>>
      %gather3A_1047 = tpu.vector_load_idx %gather3A_1046[%add3A_791, %add3A_1041] : memref<128x128xf32, #tpu.memory_space<vmem>>[vector<16xi32>, vector<16xi32>], vector<16xf32>,
      %mul3A_1048 = arith.mulf %gather3A_1038, %gather3A_1047 : vector<16xf32>
      %add3A_1049 = arith.addf %add3A_1029, %mul3A_1048 : vector<16xf32>
      %add3A_1050 = arith.constant 12 : i32
      %add3A_1051 = vector.broadcast %add3A_1050 : i32 to vector<16xi32>
      %add3A_1052 = arith.addi %shift_left3A_803, %add3A_1051 : vector<16xi32>
      %gather3A_1053 = arith.constant 1 : i32
      %gather3A_1054 = arith.constant 0 : i32
      %gather3A_1055 = arith.constant 0 : i32
      %gather3A_1056 = tpu.memref_slice %arg11[%gather3A_1053, %gather3A_1054, %gather3A_1055] : memref<2x128x128xf32, #tpu.memory_space<vmem>> -> memref<1x128x128xf32, #tpu.memory_space<vmem>>
      %gather3A_1057 = tpu.memref_squeeze %gather3A_1056 : memref<1x128x128xf32, #tpu.memory_space<vmem>> -> memref<128x128xf32, #tpu.memory_space<vmem>>
      %gather3A_1058 = tpu.vector_load_idx %gather3A_1057[%add3A_791, %add3A_1052] : memref<128x128xf32, #tpu.memory_space<vmem>>[vector<16xi32>, vector<16xi32>], vector<16xf32>,
      %add3A_1059 = arith.constant 12 : i32
      %add3A_1060 = vector.broadcast %add3A_1059 : i32 to vector<16xi32>
      %add3A_1061 = arith.addi %shift_left3A_809, %add3A_1060 : vector<16xi32>
      %gather3A_1062 = arith.constant 1 : i32
      %gather3A_1063 = arith.constant 0 : i32
      %gather3A_1064 = arith.constant 0 : i32
      %gather3A_1065 = tpu.memref_slice %arg12[%gather3A_1062, %gather3A_1063, %gather3A_1064] : memref<2x128x128xf32, #tpu.memory_space<vmem>> -> memref<1x128x128xf32, #tpu.memory_space<vmem>>
      %gather3A_1066 = tpu.memref_squeeze %gather3A_1065 : memref<1x128x128xf32, #tpu.memory_space<vmem>> -> memref<128x128xf32, #tpu.memory_space<vmem>>
      %gather3A_1067 = tpu.vector_load_idx %gather3A_1066[%add3A_791, %add3A_1061] : memref<128x128xf32, #tpu.memory_space<vmem>>[vector<16xi32>, vector<16xi32>], vector<16xf32>,
      %mul3A_1068 = arith.mulf %gather3A_1058, %gather3A_1067 : vector<16xf32>
      %add3A_1069 = arith.addf %add3A_1049, %mul3A_1068 : vector<16xf32>
      %add3A_1070 = arith.constant 13 : i32
      %add3A_1071 = vector.broadcast %add3A_1070 : i32 to vector<16xi32>
      %add3A_1072 = arith.addi %shift_left3A_803, %add3A_1071 : vector<16xi32>
      %gather3A_1073 = arith.constant 1 : i32
      %gather3A_1074 = arith.constant 0 : i32
      %gather3A_1075 = arith.constant 0 : i32
      %gather3A_1076 = tpu.memref_slice %arg11[%gather3A_1073, %gather3A_1074, %gather3A_1075] : memref<2x128x128xf32, #tpu.memory_space<vmem>> -> memref<1x128x128xf32, #tpu.memory_space<vmem>>
      %gather3A_1077 = tpu.memref_squeeze %gather3A_1076 : memref<1x128x128xf32, #tpu.memory_space<vmem>> -> memref<128x128xf32, #tpu.memory_space<vmem>>
      %gather3A_1078 = tpu.vector_load_idx %gather3A_1077[%add3A_791, %add3A_1072] : memref<128x128xf32, #tpu.memory_space<vmem>>[vector<16xi32>, vector<16xi32>], vector<16xf32>,
      %add3A_1079 = arith.constant 13 : i32
      %add3A_1080 = vector.broadcast %add3A_1079 : i32 to vector<16xi32>
      %add3A_1081 = arith.addi %shift_left3A_809, %add3A_1080 : vector<16xi32>
      %gather3A_1082 = arith.constant 1 : i32
      %gather3A_1083 = arith.constant 0 : i32
      %gather3A_1084 = arith.constant 0 : i32
      %gather3A_1085 = tpu.memref_slice %arg12[%gather3A_1082, %gather3A_1083, %gather3A_1084] : memref<2x128x128xf32, #tpu.memory_space<vmem>> -> memref<1x128x128xf32, #tpu.memory_space<vmem>>
      %gather3A_1086 = tpu.memref_squeeze %gather3A_1085 : memref<1x128x128xf32, #tpu.memory_space<vmem>> -> memref<128x128xf32, #tpu.memory_space<vmem>>
      %gather3A_1087 = tpu.vector_load_idx %gather3A_1086[%add3A_791, %add3A_1081] : memref<128x128xf32, #tpu.memory_space<vmem>>[vector<16xi32>, vector<16xi32>], vector<16xf32>,
      %mul3A_1088 = arith.mulf %gather3A_1078, %gather3A_1087 : vector<16xf32>
      %add3A_1089 = arith.addf %add3A_1069, %mul3A_1088 : vector<16xf32>
      %add3A_1090 = arith.constant 14 : i32
      %add3A_1091 = vector.broadcast %add3A_1090 : i32 to vector<16xi32>
      %add3A_1092 = arith.addi %shift_left3A_803, %add3A_1091 : vector<16xi32>
      %gather3A_1093 = arith.constant 1 : i32
      %gather3A_1094 = arith.constant 0 : i32
      %gather3A_1095 = arith.constant 0 : i32
      %gather3A_1096 = tpu.memref_slice %arg11[%gather3A_1093, %gather3A_1094, %gather3A_1095] : memref<2x128x128xf32, #tpu.memory_space<vmem>> -> memref<1x128x128xf32, #tpu.memory_space<vmem>>
      %gather3A_1097 = tpu.memref_squeeze %gather3A_1096 : memref<1x128x128xf32, #tpu.memory_space<vmem>> -> memref<128x128xf32, #tpu.memory_space<vmem>>
      %gather3A_1098 = tpu.vector_load_idx %gather3A_1097[%add3A_791, %add3A_1092] : memref<128x128xf32, #tpu.memory_space<vmem>>[vector<16xi32>, vector<16xi32>], vector<16xf32>,
      %add3A_1099 = arith.constant 14 : i32
      %add3A_1100 = vector.broadcast %add3A_1099 : i32 to vector<16xi32>
      %add3A_1101 = arith.addi %shift_left3A_809, %add3A_1100 : vector<16xi32>
      %gather3A_1102 = arith.constant 1 : i32
      %gather3A_1103 = arith.constant 0 : i32
      %gather3A_1104 = arith.constant 0 : i32
      %gather3A_1105 = tpu.memref_slice %arg12[%gather3A_1102, %gather3A_1103, %gather3A_1104] : memref<2x128x128xf32, #tpu.memory_space<vmem>> -> memref<1x128x128xf32, #tpu.memory_space<vmem>>
      %gather3A_1106 = tpu.memref_squeeze %gather3A_1105 : memref<1x128x128xf32, #tpu.memory_space<vmem>> -> memref<128x128xf32, #tpu.memory_space<vmem>>
      %gather3A_1107 = tpu.vector_load_idx %gather3A_1106[%add3A_791, %add3A_1101] : memref<128x128xf32, #tpu.memory_space<vmem>>[vector<16xi32>, vector<16xi32>], vector<16xf32>,
      %mul3A_1108 = arith.mulf %gather3A_1098, %gather3A_1107 : vector<16xf32>
      %add3A_1109 = arith.addf %add3A_1089, %mul3A_1108 : vector<16xf32>
      %add3A_1110 = arith.constant 15 : i32
      %add3A_1111 = vector.broadcast %add3A_1110 : i32 to vector<16xi32>
      %add3A_1112 = arith.addi %shift_left3A_803, %add3A_1111 : vector<16xi32>
      %gather3A_1113 = arith.constant 1 : i32
      %gather3A_1114 = arith.constant 0 : i32
      %gather3A_1115 = arith.constant 0 : i32
      %gather3A_1116 = tpu.memref_slice %arg11[%gather3A_1113, %gather3A_1114, %gather3A_1115] : memref<2x128x128xf32, #tpu.memory_space<vmem>> -> memref<1x128x128xf32, #tpu.memory_space<vmem>>
      %gather3A_1117 = tpu.memref_squeeze %gather3A_1116 : memref<1x128x128xf32, #tpu.memory_space<vmem>> -> memref<128x128xf32, #tpu.memory_space<vmem>>
      %gather3A_1118 = tpu.vector_load_idx %gather3A_1117[%add3A_791, %add3A_1112] : memref<128x128xf32, #tpu.memory_space<vmem>>[vector<16xi32>, vector<16xi32>], vector<16xf32>,
      %add3A_1119 = arith.constant 15 : i32
      %add3A_1120 = vector.broadcast %add3A_1119 : i32 to vector<16xi32>
      %add3A_1121 = arith.addi %shift_left3A_809, %add3A_1120 : vector<16xi32>
      %gather3A_1122 = arith.constant 1 : i32
      %gather3A_1123 = arith.constant 0 : i32
      %gather3A_1124 = arith.constant 0 : i32
      %gather3A_1125 = tpu.memref_slice %arg12[%gather3A_1122, %gather3A_1123, %gather3A_1124] : memref<2x128x128xf32, #tpu.memory_space<vmem>> -> memref<1x128x128xf32, #tpu.memory_space<vmem>>
      %gather3A_1126 = tpu.memref_squeeze %gather3A_1125 : memref<1x128x128xf32, #tpu.memory_space<vmem>> -> memref<128x128xf32, #tpu.memory_space<vmem>>
      %gather3A_1127 = tpu.vector_load_idx %gather3A_1126[%add3A_791, %add3A_1121] : memref<128x128xf32, #tpu.memory_space<vmem>>[vector<16xi32>, vector<16xi32>], vector<16xf32>,
      %mul3A_1128 = arith.mulf %gather3A_1118, %gather3A_1127 : vector<16xf32>
      %add3A_1129 = arith.addf %add3A_1109, %mul3A_1128 : vector<16xf32>
      %add3A_1130 = arith.constant 16 : i32
      %add3A_1131 = vector.broadcast %add3A_1130 : i32 to vector<16xi32>
      %add3A_1132 = arith.addi %shift_left3A_803, %add3A_1131 : vector<16xi32>
      %gather3A_1133 = arith.constant 1 : i32
      %gather3A_1134 = arith.constant 0 : i32
      %gather3A_1135 = arith.constant 0 : i32
      %gather3A_1136 = tpu.memref_slice %arg11[%gather3A_1133, %gather3A_1134, %gather3A_1135] : memref<2x128x128xf32, #tpu.memory_space<vmem>> -> memref<1x128x128xf32, #tpu.memory_space<vmem>>
      %gather3A_1137 = tpu.memref_squeeze %gather3A_1136 : memref<1x128x128xf32, #tpu.memory_space<vmem>> -> memref<128x128xf32, #tpu.memory_space<vmem>>
      %gather3A_1138 = tpu.vector_load_idx %gather3A_1137[%add3A_791, %add3A_1132] : memref<128x128xf32, #tpu.memory_space<vmem>>[vector<16xi32>, vector<16xi32>], vector<16xf32>,
      %add3A_1139 = arith.constant 16 : i32
      %add3A_1140 = vector.broadcast %add3A_1139 : i32 to vector<16xi32>
      %add3A_1141 = arith.addi %shift_left3A_809, %add3A_1140 : vector<16xi32>
      %gather3A_1142 = arith.constant 1 : i32
      %gather3A_1143 = arith.constant 0 : i32
      %gather3A_1144 = arith.constant 0 : i32
      %gather3A_1145 = tpu.memref_slice %arg12[%gather3A_1142, %gather3A_1143, %gather3A_1144] : memref<2x128x128xf32, #tpu.memory_space<vmem>> -> memref<1x128x128xf32, #tpu.memory_space<vmem>>
      %gather3A_1146 = tpu.memref_squeeze %gather3A_1145 : memref<1x128x128xf32, #tpu.memory_space<vmem>> -> memref<128x128xf32, #tpu.memory_space<vmem>>
      %gather3A_1147 = tpu.vector_load_idx %gather3A_1146[%add3A_791, %add3A_1141] : memref<128x128xf32, #tpu.memory_space<vmem>>[vector<16xi32>, vector<16xi32>], vector<16xf32>,
      %mul3A_1148 = arith.mulf %gather3A_1138, %gather3A_1147 : vector<16xf32>
      %add3A_1149 = arith.addf %add3A_1129, %mul3A_1148 : vector<16xf32>
      %add3A_1150 = arith.constant 17 : i32
      %add3A_1151 = vector.broadcast %add3A_1150 : i32 to vector<16xi32>
      %add3A_1152 = arith.addi %shift_left3A_803, %add3A_1151 : vector<16xi32>
      %gather3A_1153 = arith.constant 1 : i32
      %gather3A_1154 = arith.constant 0 : i32
      %gather3A_1155 = arith.constant 0 : i32
      %gather3A_1156 = tpu.memref_slice %arg11[%gather3A_1153, %gather3A_1154, %gather3A_1155] : memref<2x128x128xf32, #tpu.memory_space<vmem>> -> memref<1x128x128xf32, #tpu.memory_space<vmem>>
      %gather3A_1157 = tpu.memref_squeeze %gather3A_1156 : memref<1x128x128xf32, #tpu.memory_space<vmem>> -> memref<128x128xf32, #tpu.memory_space<vmem>>
      %gather3A_1158 = tpu.vector_load_idx %gather3A_1157[%add3A_791, %add3A_1152] : memref<128x128xf32, #tpu.memory_space<vmem>>[vector<16xi32>, vector<16xi32>], vector<16xf32>,
      %add3A_1159 = arith.constant 17 : i32
      %add3A_1160 = vector.broadcast %add3A_1159 : i32 to vector<16xi32>
      %add3A_1161 = arith.addi %shift_left3A_809, %add3A_1160 : vector<16xi32>
      %gather3A_1162 = arith.constant 1 : i32
      %gather3A_1163 = arith.constant 0 : i32
      %gather3A_1164 = arith.constant 0 : i32
      %gather3A_1165 = tpu.memref_slice %arg12[%gather3A_1162, %gather3A_1163, %gather3A_1164] : memref<2x128x128xf32, #tpu.memory_space<vmem>> -> memref<1x128x128xf32, #tpu.memory_space<vmem>>
      %gather3A_1166 = tpu.memref_squeeze %gather3A_1165 : memref<1x128x128xf32, #tpu.memory_space<vmem>> -> memref<128x128xf32, #tpu.memory_space<vmem>>
      %gather3A_1167 = tpu.vector_load_idx %gather3A_1166[%add3A_791, %add3A_1161] : memref<128x128xf32, #tpu.memory_space<vmem>>[vector<16xi32>, vector<16xi32>], vector<16xf32>,
      %mul3A_1168 = arith.mulf %gather3A_1158, %gather3A_1167 : vector<16xf32>
      %add3A_1169 = arith.addf %add3A_1149, %mul3A_1168 : vector<16xf32>
      %add3A_1170 = arith.constant 18 : i32
      %add3A_1171 = vector.broadcast %add3A_1170 : i32 to vector<16xi32>
      %add3A_1172 = arith.addi %shift_left3A_803, %add3A_1171 : vector<16xi32>
      %gather3A_1173 = arith.constant 1 : i32
      %gather3A_1174 = arith.constant 0 : i32
      %gather3A_1175 = arith.constant 0 : i32
      %gather3A_1176 = tpu.memref_slice %arg11[%gather3A_1173, %gather3A_1174, %gather3A_1175] : memref<2x128x128xf32, #tpu.memory_space<vmem>> -> memref<1x128x128xf32, #tpu.memory_space<vmem>>
      %gather3A_1177 = tpu.memref_squeeze %gather3A_1176 : memref<1x128x128xf32, #tpu.memory_space<vmem>> -> memref<128x128xf32, #tpu.memory_space<vmem>>
      %gather3A_1178 = tpu.vector_load_idx %gather3A_1177[%add3A_791, %add3A_1172] : memref<128x128xf32, #tpu.memory_space<vmem>>[vector<16xi32>, vector<16xi32>], vector<16xf32>,
      %add3A_1179 = arith.constant 18 : i32
      %add3A_1180 = vector.broadcast %add3A_1179 : i32 to vector<16xi32>
      %add3A_1181 = arith.addi %shift_left3A_809, %add3A_1180 : vector<16xi32>
      %gather3A_1182 = arith.constant 1 : i32
      %gather3A_1183 = arith.constant 0 : i32
      %gather3A_1184 = arith.constant 0 : i32
      %gather3A_1185 = tpu.memref_slice %arg12[%gather3A_1182, %gather3A_1183, %gather3A_1184] : memref<2x128x128xf32, #tpu.memory_space<vmem>> -> memref<1x128x128xf32, #tpu.memory_space<vmem>>
      %gather3A_1186 = tpu.memref_squeeze %gather3A_1185 : memref<1x128x128xf32, #tpu.memory_space<vmem>> -> memref<128x128xf32, #tpu.memory_space<vmem>>
      %gather3A_1187 = tpu.vector_load_idx %gather3A_1186[%add3A_791, %add3A_1181] : memref<128x128xf32, #tpu.memory_space<vmem>>[vector<16xi32>, vector<16xi32>], vector<16xf32>,
      %mul3A_1188 = arith.mulf %gather3A_1178, %gather3A_1187 : vector<16xf32>
      %add3A_1189 = arith.addf %add3A_1169, %mul3A_1188 : vector<16xf32>
      %add3A_1190 = arith.constant 19 : i32
      %add3A_1191 = vector.broadcast %add3A_1190 : i32 to vector<16xi32>
      %add3A_1192 = arith.addi %shift_left3A_803, %add3A_1191 : vector<16xi32>
      %gather3A_1193 = arith.constant 1 : i32
      %gather3A_1194 = arith.constant 0 : i32
      %gather3A_1195 = arith.constant 0 : i32
      %gather3A_1196 = tpu.memref_slice %arg11[%gather3A_1193, %gather3A_1194, %gather3A_1195] : memref<2x128x128xf32, #tpu.memory_space<vmem>> -> memref<1x128x128xf32, #tpu.memory_space<vmem>>
      %gather3A_1197 = tpu.memref_squeeze %gather3A_1196 : memref<1x128x128xf32, #tpu.memory_space<vmem>> -> memref<128x128xf32, #tpu.memory_space<vmem>>
      %gather3A_1198 = tpu.vector_load_idx %gather3A_1197[%add3A_791, %add3A_1192] : memref<128x128xf32, #tpu.memory_space<vmem>>[vector<16xi32>, vector<16xi32>], vector<16xf32>,
      %add3A_1199 = arith.constant 19 : i32
      %add3A_1200 = vector.broadcast %add3A_1199 : i32 to vector<16xi32>
      %add3A_1201 = arith.addi %shift_left3A_809, %add3A_1200 : vector<16xi32>
      %gather3A_1202 = arith.constant 1 : i32
      %gather3A_1203 = arith.constant 0 : i32
      %gather3A_1204 = arith.constant 0 : i32
      %gather3A_1205 = tpu.memref_slice %arg12[%gather3A_1202, %gather3A_1203, %gather3A_1204] : memref<2x128x128xf32, #tpu.memory_space<vmem>> -> memref<1x128x128xf32, #tpu.memory_space<vmem>>
      %gather3A_1206 = tpu.memref_squeeze %gather3A_1205 : memref<1x128x128xf32, #tpu.memory_space<vmem>> -> memref<128x128xf32, #tpu.memory_space<vmem>>
      %gather3A_1207 = tpu.vector_load_idx %gather3A_1206[%add3A_791, %add3A_1201] : memref<128x128xf32, #tpu.memory_space<vmem>>[vector<16xi32>, vector<16xi32>], vector<16xf32>,
      %mul3A_1208 = arith.mulf %gather3A_1198, %gather3A_1207 : vector<16xf32>
      %add3A_1209 = arith.addf %add3A_1189, %mul3A_1208 : vector<16xf32>
      %add3A_1210 = arith.constant 20 : i32
      %add3A_1211 = vector.broadcast %add3A_1210 : i32 to vector<16xi32>
      %add3A_1212 = arith.addi %shift_left3A_803, %add3A_1211 : vector<16xi32>
      %gather3A_1213 = arith.constant 1 : i32
      %gather3A_1214 = arith.constant 0 : i32
      %gather3A_1215 = arith.constant 0 : i32
      %gather3A_1216 = tpu.memref_slice %arg11[%gather3A_1213, %gather3A_1214, %gather3A_1215] : memref<2x128x128xf32, #tpu.memory_space<vmem>> -> memref<1x128x128xf32, #tpu.memory_space<vmem>>
      %gather3A_1217 = tpu.memref_squeeze %gather3A_1216 : memref<1x128x128xf32, #tpu.memory_space<vmem>> -> memref<128x128xf32, #tpu.memory_space<vmem>>
      %gather3A_1218 = tpu.vector_load_idx %gather3A_1217[%add3A_791, %add3A_1212] : memref<128x128xf32, #tpu.memory_space<vmem>>[vector<16xi32>, vector<16xi32>], vector<16xf32>,
      %add3A_1219 = arith.constant 20 : i32
      %add3A_1220 = vector.broadcast %add3A_1219 : i32 to vector<16xi32>
      %add3A_1221 = arith.addi %shift_left3A_809, %add3A_1220 : vector<16xi32>
      %gather3A_1222 = arith.constant 1 : i32
      %gather3A_1223 = arith.constant 0 : i32
      %gather3A_1224 = arith.constant 0 : i32
      %gather3A_1225 = tpu.memref_slice %arg12[%gather3A_1222, %gather3A_1223, %gather3A_1224] : memref<2x128x128xf32, #tpu.memory_space<vmem>> -> memref<1x128x128xf32, #tpu.memory_space<vmem>>
      %gather3A_1226 = tpu.memref_squeeze %gather3A_1225 : memref<1x128x128xf32, #tpu.memory_space<vmem>> -> memref<128x128xf32, #tpu.memory_space<vmem>>
      %gather3A_1227 = tpu.vector_load_idx %gather3A_1226[%add3A_791, %add3A_1221] : memref<128x128xf32, #tpu.memory_space<vmem>>[vector<16xi32>, vector<16xi32>], vector<16xf32>,
      %mul3A_1228 = arith.mulf %gather3A_1218, %gather3A_1227 : vector<16xf32>
      %add3A_1229 = arith.addf %add3A_1209, %mul3A_1228 : vector<16xf32>
      %add3A_1230 = arith.constant 21 : i32
      %add3A_1231 = vector.broadcast %add3A_1230 : i32 to vector<16xi32>
      %add3A_1232 = arith.addi %shift_left3A_803, %add3A_1231 : vector<16xi32>
      %gather3A_1233 = arith.constant 1 : i32
      %gather3A_1234 = arith.constant 0 : i32
      %gather3A_1235 = arith.constant 0 : i32
      %gather3A_1236 = tpu.memref_slice %arg11[%gather3A_1233, %gather3A_1234, %gather3A_1235] : memref<2x128x128xf32, #tpu.memory_space<vmem>> -> memref<1x128x128xf32, #tpu.memory_space<vmem>>
      %gather3A_1237 = tpu.memref_squeeze %gather3A_1236 : memref<1x128x128xf32, #tpu.memory_space<vmem>> -> memref<128x128xf32, #tpu.memory_space<vmem>>
      %gather3A_1238 = tpu.vector_load_idx %gather3A_1237[%add3A_791, %add3A_1232] : memref<128x128xf32, #tpu.memory_space<vmem>>[vector<16xi32>, vector<16xi32>], vector<16xf32>,
      %add3A_1239 = arith.constant 21 : i32
      %add3A_1240 = vector.broadcast %add3A_1239 : i32 to vector<16xi32>
      %add3A_1241 = arith.addi %shift_left3A_809, %add3A_1240 : vector<16xi32>
      %gather3A_1242 = arith.constant 1 : i32
      %gather3A_1243 = arith.constant 0 : i32
      %gather3A_1244 = arith.constant 0 : i32
      %gather3A_1245 = tpu.memref_slice %arg12[%gather3A_1242, %gather3A_1243, %gather3A_1244] : memref<2x128x128xf32, #tpu.memory_space<vmem>> -> memref<1x128x128xf32, #tpu.memory_space<vmem>>
      %gather3A_1246 = tpu.memref_squeeze %gather3A_1245 : memref<1x128x128xf32, #tpu.memory_space<vmem>> -> memref<128x128xf32, #tpu.memory_space<vmem>>
      %gather3A_1247 = tpu.vector_load_idx %gather3A_1246[%add3A_791, %add3A_1241] : memref<128x128xf32, #tpu.memory_space<vmem>>[vector<16xi32>, vector<16xi32>], vector<16xf32>,
      %mul3A_1248 = arith.mulf %gather3A_1238, %gather3A_1247 : vector<16xf32>
      %add3A_1249 = arith.addf %add3A_1229, %mul3A_1248 : vector<16xf32>
      %add3A_1250 = arith.constant 22 : i32
      %add3A_1251 = vector.broadcast %add3A_1250 : i32 to vector<16xi32>
      %add3A_1252 = arith.addi %shift_left3A_803, %add3A_1251 : vector<16xi32>
      %gather3A_1253 = arith.constant 1 : i32
      %gather3A_1254 = arith.constant 0 : i32
      %gather3A_1255 = arith.constant 0 : i32
      %gather3A_1256 = tpu.memref_slice %arg11[%gather3A_1253, %gather3A_1254, %gather3A_1255] : memref<2x128x128xf32, #tpu.memory_space<vmem>> -> memref<1x128x128xf32, #tpu.memory_space<vmem>>
      %gather3A_1257 = tpu.memref_squeeze %gather3A_1256 : memref<1x128x128xf32, #tpu.memory_space<vmem>> -> memref<128x128xf32, #tpu.memory_space<vmem>>
      %gather3A_1258 = tpu.vector_load_idx %gather3A_1257[%add3A_791, %add3A_1252] : memref<128x128xf32, #tpu.memory_space<vmem>>[vector<16xi32>, vector<16xi32>], vector<16xf32>,
      %add3A_1259 = arith.constant 22 : i32
      %add3A_1260 = vector.broadcast %add3A_1259 : i32 to vector<16xi32>
      %add3A_1261 = arith.addi %shift_left3A_809, %add3A_1260 : vector<16xi32>
      %gather3A_1262 = arith.constant 1 : i32
      %gather3A_1263 = arith.constant 0 : i32
      %gather3A_1264 = arith.constant 0 : i32
      %gather3A_1265 = tpu.memref_slice %arg12[%gather3A_1262, %gather3A_1263, %gather3A_1264] : memref<2x128x128xf32, #tpu.memory_space<vmem>> -> memref<1x128x128xf32, #tpu.memory_space<vmem>>
      %gather3A_1266 = tpu.memref_squeeze %gather3A_1265 : memref<1x128x128xf32, #tpu.memory_space<vmem>> -> memref<128x128xf32, #tpu.memory_space<vmem>>
      %gather3A_1267 = tpu.vector_load_idx %gather3A_1266[%add3A_791, %add3A_1261] : memref<128x128xf32, #tpu.memory_space<vmem>>[vector<16xi32>, vector<16xi32>], vector<16xf32>,
      %mul3A_1268 = arith.mulf %gather3A_1258, %gather3A_1267 : vector<16xf32>
      %add3A_1269 = arith.addf %add3A_1249, %mul3A_1268 : vector<16xf32>
      %add3A_1270 = arith.constant 23 : i32
      %add3A_1271 = vector.broadcast %add3A_1270 : i32 to vector<16xi32>
      %add3A_1272 = arith.addi %shift_left3A_803, %add3A_1271 : vector<16xi32>
      %gather3A_1273 = arith.constant 1 : i32
      %gather3A_1274 = arith.constant 0 : i32
      %gather3A_1275 = arith.constant 0 : i32
      %gather3A_1276 = tpu.memref_slice %arg11[%gather3A_1273, %gather3A_1274, %gather3A_1275] : memref<2x128x128xf32, #tpu.memory_space<vmem>> -> memref<1x128x128xf32, #tpu.memory_space<vmem>>
      %gather3A_1277 = tpu.memref_squeeze %gather3A_1276 : memref<1x128x128xf32, #tpu.memory_space<vmem>> -> memref<128x128xf32, #tpu.memory_space<vmem>>
      %gather3A_1278 = tpu.vector_load_idx %gather3A_1277[%add3A_791, %add3A_1272] : memref<128x128xf32, #tpu.memory_space<vmem>>[vector<16xi32>, vector<16xi32>], vector<16xf32>,
      %add3A_1279 = arith.constant 23 : i32
      %add3A_1280 = vector.broadcast %add3A_1279 : i32 to vector<16xi32>
      %add3A_1281 = arith.addi %shift_left3A_809, %add3A_1280 : vector<16xi32>
      %gather3A_1282 = arith.constant 1 : i32
      %gather3A_1283 = arith.constant 0 : i32
      %gather3A_1284 = arith.constant 0 : i32
      %gather3A_1285 = tpu.memref_slice %arg12[%gather3A_1282, %gather3A_1283, %gather3A_1284] : memref<2x128x128xf32, #tpu.memory_space<vmem>> -> memref<1x128x128xf32, #tpu.memory_space<vmem>>
      %gather3A_1286 = tpu.memref_squeeze %gather3A_1285 : memref<1x128x128xf32, #tpu.memory_space<vmem>> -> memref<128x128xf32, #tpu.memory_space<vmem>>
      %gather3A_1287 = tpu.vector_load_idx %gather3A_1286[%add3A_791, %add3A_1281] : memref<128x128xf32, #tpu.memory_space<vmem>>[vector<16xi32>, vector<16xi32>], vector<16xf32>,
      %mul3A_1288 = arith.mulf %gather3A_1278, %gather3A_1287 : vector<16xf32>
      %add3A_1289 = arith.addf %add3A_1269, %mul3A_1288 : vector<16xf32>
      %add3A_1290 = arith.constant 24 : i32
      %add3A_1291 = vector.broadcast %add3A_1290 : i32 to vector<16xi32>
      %add3A_1292 = arith.addi %shift_left3A_803, %add3A_1291 : vector<16xi32>
      %gather3A_1293 = arith.constant 1 : i32
      %gather3A_1294 = arith.constant 0 : i32
      %gather3A_1295 = arith.constant 0 : i32
      %gather3A_1296 = tpu.memref_slice %arg11[%gather3A_1293, %gather3A_1294, %gather3A_1295] : memref<2x128x128xf32, #tpu.memory_space<vmem>> -> memref<1x128x128xf32, #tpu.memory_space<vmem>>
      %gather3A_1297 = tpu.memref_squeeze %gather3A_1296 : memref<1x128x128xf32, #tpu.memory_space<vmem>> -> memref<128x128xf32, #tpu.memory_space<vmem>>
      %gather3A_1298 = tpu.vector_load_idx %gather3A_1297[%add3A_791, %add3A_1292] : memref<128x128xf32, #tpu.memory_space<vmem>>[vector<16xi32>, vector<16xi32>], vector<16xf32>,
      %add3A_1299 = arith.constant 24 : i32
      %add3A_1300 = vector.broadcast %add3A_1299 : i32 to vector<16xi32>
      %add3A_1301 = arith.addi %shift_left3A_809, %add3A_1300 : vector<16xi32>
      %gather3A_1302 = arith.constant 1 : i32
      %gather3A_1303 = arith.constant 0 : i32
      %gather3A_1304 = arith.constant 0 : i32
      %gather3A_1305 = tpu.memref_slice %arg12[%gather3A_1302, %gather3A_1303, %gather3A_1304] : memref<2x128x128xf32, #tpu.memory_space<vmem>> -> memref<1x128x128xf32, #tpu.memory_space<vmem>>
      %gather3A_1306 = tpu.memref_squeeze %gather3A_1305 : memref<1x128x128xf32, #tpu.memory_space<vmem>> -> memref<128x128xf32, #tpu.memory_space<vmem>>
      %gather3A_1307 = tpu.vector_load_idx %gather3A_1306[%add3A_791, %add3A_1301] : memref<128x128xf32, #tpu.memory_space<vmem>>[vector<16xi32>, vector<16xi32>], vector<16xf32>,
      %mul3A_1308 = arith.mulf %gather3A_1298, %gather3A_1307 : vector<16xf32>
      %add3A_1309 = arith.addf %add3A_1289, %mul3A_1308 : vector<16xf32>
      %add3A_1310 = arith.constant 25 : i32
      %add3A_1311 = vector.broadcast %add3A_1310 : i32 to vector<16xi32>
      %add3A_1312 = arith.addi %shift_left3A_803, %add3A_1311 : vector<16xi32>
      %gather3A_1313 = arith.constant 1 : i32
      %gather3A_1314 = arith.constant 0 : i32
      %gather3A_1315 = arith.constant 0 : i32
      %gather3A_1316 = tpu.memref_slice %arg11[%gather3A_1313, %gather3A_1314, %gather3A_1315] : memref<2x128x128xf32, #tpu.memory_space<vmem>> -> memref<1x128x128xf32, #tpu.memory_space<vmem>>
      %gather3A_1317 = tpu.memref_squeeze %gather3A_1316 : memref<1x128x128xf32, #tpu.memory_space<vmem>> -> memref<128x128xf32, #tpu.memory_space<vmem>>
      %gather3A_1318 = tpu.vector_load_idx %gather3A_1317[%add3A_791, %add3A_1312] : memref<128x128xf32, #tpu.memory_space<vmem>>[vector<16xi32>, vector<16xi32>], vector<16xf32>,
      %add3A_1319 = arith.constant 25 : i32
      %add3A_1320 = vector.broadcast %add3A_1319 : i32 to vector<16xi32>
      %add3A_1321 = arith.addi %shift_left3A_809, %add3A_1320 : vector<16xi32>
      %gather3A_1322 = arith.constant 1 : i32
      %gather3A_1323 = arith.constant 0 : i32
      %gather3A_1324 = arith.constant 0 : i32
      %gather3A_1325 = tpu.memref_slice %arg12[%gather3A_1322, %gather3A_1323, %gather3A_1324] : memref<2x128x128xf32, #tpu.memory_space<vmem>> -> memref<1x128x128xf32, #tpu.memory_space<vmem>>
      %gather3A_1326 = tpu.memref_squeeze %gather3A_1325 : memref<1x128x128xf32, #tpu.memory_space<vmem>> -> memref<128x128xf32, #tpu.memory_space<vmem>>
      %gather3A_1327 = tpu.vector_load_idx %gather3A_1326[%add3A_791, %add3A_1321] : memref<128x128xf32, #tpu.memory_space<vmem>>[vector<16xi32>, vector<16xi32>], vector<16xf32>,
      %mul3A_1328 = arith.mulf %gather3A_1318, %gather3A_1327 : vector<16xf32>
      %add3A_1329 = arith.addf %add3A_1309, %mul3A_1328 : vector<16xf32>
      %add3A_1330 = arith.constant 26 : i32
      %add3A_1331 = vector.broadcast %add3A_1330 : i32 to vector<16xi32>
      %add3A_1332 = arith.addi %shift_left3A_803, %add3A_1331 : vector<16xi32>
      %gather3A_1333 = arith.constant 1 : i32
      %gather3A_1334 = arith.constant 0 : i32
      %gather3A_1335 = arith.constant 0 : i32
      %gather3A_1336 = tpu.memref_slice %arg11[%gather3A_1333, %gather3A_1334, %gather3A_1335] : memref<2x128x128xf32, #tpu.memory_space<vmem>> -> memref<1x128x128xf32, #tpu.memory_space<vmem>>
      %gather3A_1337 = tpu.memref_squeeze %gather3A_1336 : memref<1x128x128xf32, #tpu.memory_space<vmem>> -> memref<128x128xf32, #tpu.memory_space<vmem>>
      %gather3A_1338 = tpu.vector_load_idx %gather3A_1337[%add3A_791, %add3A_1332] : memref<128x128xf32, #tpu.memory_space<vmem>>[vector<16xi32>, vector<16xi32>], vector<16xf32>,
      %add3A_1339 = arith.constant 26 : i32
      %add3A_1340 = vector.broadcast %add3A_1339 : i32 to vector<16xi32>
      %add3A_1341 = arith.addi %shift_left3A_809, %add3A_1340 : vector<16xi32>
      %gather3A_1342 = arith.constant 1 : i32
      %gather3A_1343 = arith.constant 0 : i32
      %gather3A_1344 = arith.constant 0 : i32
      %gather3A_1345 = tpu.memref_slice %arg12[%gather3A_1342, %gather3A_1343, %gather3A_1344] : memref<2x128x128xf32, #tpu.memory_space<vmem>> -> memref<1x128x128xf32, #tpu.memory_space<vmem>>
      %gather3A_1346 = tpu.memref_squeeze %gather3A_1345 : memref<1x128x128xf32, #tpu.memory_space<vmem>> -> memref<128x128xf32, #tpu.memory_space<vmem>>
      %gather3A_1347 = tpu.vector_load_idx %gather3A_1346[%add3A_791, %add3A_1341] : memref<128x128xf32, #tpu.memory_space<vmem>>[vector<16xi32>, vector<16xi32>], vector<16xf32>,
      %mul3A_1348 = arith.mulf %gather3A_1338, %gather3A_1347 : vector<16xf32>
      %add3A_1349 = arith.addf %add3A_1329, %mul3A_1348 : vector<16xf32>
      %add3A_1350 = arith.constant 27 : i32
      %add3A_1351 = vector.broadcast %add3A_1350 : i32 to vector<16xi32>
      %add3A_1352 = arith.addi %shift_left3A_803, %add3A_1351 : vector<16xi32>
      %gather3A_1353 = arith.constant 1 : i32
      %gather3A_1354 = arith.constant 0 : i32
      %gather3A_1355 = arith.constant 0 : i32
      %gather3A_1356 = tpu.memref_slice %arg11[%gather3A_1353, %gather3A_1354, %gather3A_1355] : memref<2x128x128xf32, #tpu.memory_space<vmem>> -> memref<1x128x128xf32, #tpu.memory_space<vmem>>
      %gather3A_1357 = tpu.memref_squeeze %gather3A_1356 : memref<1x128x128xf32, #tpu.memory_space<vmem>> -> memref<128x128xf32, #tpu.memory_space<vmem>>
      %gather3A_1358 = tpu.vector_load_idx %gather3A_1357[%add3A_791, %add3A_1352] : memref<128x128xf32, #tpu.memory_space<vmem>>[vector<16xi32>, vector<16xi32>], vector<16xf32>,
      %add3A_1359 = arith.constant 27 : i32
      %add3A_1360 = vector.broadcast %add3A_1359 : i32 to vector<16xi32>
      %add3A_1361 = arith.addi %shift_left3A_809, %add3A_1360 : vector<16xi32>
      %gather3A_1362 = arith.constant 1 : i32
      %gather3A_1363 = arith.constant 0 : i32
      %gather3A_1364 = arith.constant 0 : i32
      %gather3A_1365 = tpu.memref_slice %arg12[%gather3A_1362, %gather3A_1363, %gather3A_1364] : memref<2x128x128xf32, #tpu.memory_space<vmem>> -> memref<1x128x128xf32, #tpu.memory_space<vmem>>
      %gather3A_1366 = tpu.memref_squeeze %gather3A_1365 : memref<1x128x128xf32, #tpu.memory_space<vmem>> -> memref<128x128xf32, #tpu.memory_space<vmem>>
      %gather3A_1367 = tpu.vector_load_idx %gather3A_1366[%add3A_791, %add3A_1361] : memref<128x128xf32, #tpu.memory_space<vmem>>[vector<16xi32>, vector<16xi32>], vector<16xf32>,
      %mul3A_1368 = arith.mulf %gather3A_1358, %gather3A_1367 : vector<16xf32>
      %add3A_1369 = arith.addf %add3A_1349, %mul3A_1368 : vector<16xf32>
      %add3A_1370 = arith.constant 28 : i32
      %add3A_1371 = vector.broadcast %add3A_1370 : i32 to vector<16xi32>
      %add3A_1372 = arith.addi %shift_left3A_803, %add3A_1371 : vector<16xi32>
      %gather3A_1373 = arith.constant 1 : i32
      %gather3A_1374 = arith.constant 0 : i32
      %gather3A_1375 = arith.constant 0 : i32
      %gather3A_1376 = tpu.memref_slice %arg11[%gather3A_1373, %gather3A_1374, %gather3A_1375] : memref<2x128x128xf32, #tpu.memory_space<vmem>> -> memref<1x128x128xf32, #tpu.memory_space<vmem>>
      %gather3A_1377 = tpu.memref_squeeze %gather3A_1376 : memref<1x128x128xf32, #tpu.memory_space<vmem>> -> memref<128x128xf32, #tpu.memory_space<vmem>>
      %gather3A_1378 = tpu.vector_load_idx %gather3A_1377[%add3A_791, %add3A_1372] : memref<128x128xf32, #tpu.memory_space<vmem>>[vector<16xi32>, vector<16xi32>], vector<16xf32>,
      %add3A_1379 = arith.constant 28 : i32
      %add3A_1380 = vector.broadcast %add3A_1379 : i32 to vector<16xi32>
      %add3A_1381 = arith.addi %shift_left3A_809, %add3A_1380 : vector<16xi32>
      %gather3A_1382 = arith.constant 1 : i32
      %gather3A_1383 = arith.constant 0 : i32
      %gather3A_1384 = arith.constant 0 : i32
      %gather3A_1385 = tpu.memref_slice %arg12[%gather3A_1382, %gather3A_1383, %gather3A_1384] : memref<2x128x128xf32, #tpu.memory_space<vmem>> -> memref<1x128x128xf32, #tpu.memory_space<vmem>>
      %gather3A_1386 = tpu.memref_squeeze %gather3A_1385 : memref<1x128x128xf32, #tpu.memory_space<vmem>> -> memref<128x128xf32, #tpu.memory_space<vmem>>
      %gather3A_1387 = tpu.vector_load_idx %gather3A_1386[%add3A_791, %add3A_1381] : memref<128x128xf32, #tpu.memory_space<vmem>>[vector<16xi32>, vector<16xi32>], vector<16xf32>,
      %mul3A_1388 = arith.mulf %gather3A_1378, %gather3A_1387 : vector<16xf32>
      %add3A_1389 = arith.addf %add3A_1369, %mul3A_1388 : vector<16xf32>
      %add3A_1390 = arith.constant 29 : i32
      %add3A_1391 = vector.broadcast %add3A_1390 : i32 to vector<16xi32>
      %add3A_1392 = arith.addi %shift_left3A_803, %add3A_1391 : vector<16xi32>
      %gather3A_1393 = arith.constant 1 : i32
      %gather3A_1394 = arith.constant 0 : i32
      %gather3A_1395 = arith.constant 0 : i32
      %gather3A_1396 = tpu.memref_slice %arg11[%gather3A_1393, %gather3A_1394, %gather3A_1395] : memref<2x128x128xf32, #tpu.memory_space<vmem>> -> memref<1x128x128xf32, #tpu.memory_space<vmem>>
      %gather3A_1397 = tpu.memref_squeeze %gather3A_1396 : memref<1x128x128xf32, #tpu.memory_space<vmem>> -> memref<128x128xf32, #tpu.memory_space<vmem>>
      %gather3A_1398 = tpu.vector_load_idx %gather3A_1397[%add3A_791, %add3A_1392] : memref<128x128xf32, #tpu.memory_space<vmem>>[vector<16xi32>, vector<16xi32>], vector<16xf32>,
      %add3A_1399 = arith.constant 29 : i32
      %add3A_1400 = vector.broadcast %add3A_1399 : i32 to vector<16xi32>
      %add3A_1401 = arith.addi %shift_left3A_809, %add3A_1400 : vector<16xi32>
      %gather3A_1402 = arith.constant 1 : i32
      %gather3A_1403 = arith.constant 0 : i32
      %gather3A_1404 = arith.constant 0 : i32
      %gather3A_1405 = tpu.memref_slice %arg12[%gather3A_1402, %gather3A_1403, %gather3A_1404] : memref<2x128x128xf32, #tpu.memory_space<vmem>> -> memref<1x128x128xf32, #tpu.memory_space<vmem>>
      %gather3A_1406 = tpu.memref_squeeze %gather3A_1405 : memref<1x128x128xf32, #tpu.memory_space<vmem>> -> memref<128x128xf32, #tpu.memory_space<vmem>>
      %gather3A_1407 = tpu.vector_load_idx %gather3A_1406[%add3A_791, %add3A_1401] : memref<128x128xf32, #tpu.memory_space<vmem>>[vector<16xi32>, vector<16xi32>], vector<16xf32>,
      %mul3A_1408 = arith.mulf %gather3A_1398, %gather3A_1407 : vector<16xf32>
      %add3A_1409 = arith.addf %add3A_1389, %mul3A_1408 : vector<16xf32>
      %add3A_1410 = arith.constant 30 : i32
      %add3A_1411 = vector.broadcast %add3A_1410 : i32 to vector<16xi32>
      %add3A_1412 = arith.addi %shift_left3A_803, %add3A_1411 : vector<16xi32>
      %gather3A_1413 = arith.constant 1 : i32
      %gather3A_1414 = arith.constant 0 : i32
      %gather3A_1415 = arith.constant 0 : i32
      %gather3A_1416 = tpu.memref_slice %arg11[%gather3A_1413, %gather3A_1414, %gather3A_1415] : memref<2x128x128xf32, #tpu.memory_space<vmem>> -> memref<1x128x128xf32, #tpu.memory_space<vmem>>
      %gather3A_1417 = tpu.memref_squeeze %gather3A_1416 : memref<1x128x128xf32, #tpu.memory_space<vmem>> -> memref<128x128xf32, #tpu.memory_space<vmem>>
      %gather3A_1418 = tpu.vector_load_idx %gather3A_1417[%add3A_791, %add3A_1412] : memref<128x128xf32, #tpu.memory_space<vmem>>[vector<16xi32>, vector<16xi32>], vector<16xf32>,
      %add3A_1419 = arith.constant 30 : i32
      %add3A_1420 = vector.broadcast %add3A_1419 : i32 to vector<16xi32>
      %add3A_1421 = arith.addi %shift_left3A_809, %add3A_1420 : vector<16xi32>
      %gather3A_1422 = arith.constant 1 : i32
      %gather3A_1423 = arith.constant 0 : i32
      %gather3A_1424 = arith.constant 0 : i32
      %gather3A_1425 = tpu.memref_slice %arg12[%gather3A_1422, %gather3A_1423, %gather3A_1424] : memref<2x128x128xf32, #tpu.memory_space<vmem>> -> memref<1x128x128xf32, #tpu.memory_space<vmem>>
      %gather3A_1426 = tpu.memref_squeeze %gather3A_1425 : memref<1x128x128xf32, #tpu.memory_space<vmem>> -> memref<128x128xf32, #tpu.memory_space<vmem>>
      %gather3A_1427 = tpu.vector_load_idx %gather3A_1426[%add3A_791, %add3A_1421] : memref<128x128xf32, #tpu.memory_space<vmem>>[vector<16xi32>, vector<16xi32>], vector<16xf32>,
      %mul3A_1428 = arith.mulf %gather3A_1418, %gather3A_1427 : vector<16xf32>
      %add3A_1429 = arith.addf %add3A_1409, %mul3A_1428 : vector<16xf32>
      %add3A_1430 = arith.constant 31 : i32
      %add3A_1431 = vector.broadcast %add3A_1430 : i32 to vector<16xi32>
      %add3A_1432 = arith.addi %shift_left3A_803, %add3A_1431 : vector<16xi32>
      %gather3A_1433 = arith.constant 1 : i32
      %gather3A_1434 = arith.constant 0 : i32
      %gather3A_1435 = arith.constant 0 : i32
      %gather3A_1436 = tpu.memref_slice %arg11[%gather3A_1433, %gather3A_1434, %gather3A_1435] : memref<2x128x128xf32, #tpu.memory_space<vmem>> -> memref<1x128x128xf32, #tpu.memory_space<vmem>>
      %gather3A_1437 = tpu.memref_squeeze %gather3A_1436 : memref<1x128x128xf32, #tpu.memory_space<vmem>> -> memref<128x128xf32, #tpu.memory_space<vmem>>
      %gather3A_1438 = tpu.vector_load_idx %gather3A_1437[%add3A_791, %add3A_1432] : memref<128x128xf32, #tpu.memory_space<vmem>>[vector<16xi32>, vector<16xi32>], vector<16xf32>,
      %add3A_1439 = arith.constant 31 : i32
      %add3A_1440 = vector.broadcast %add3A_1439 : i32 to vector<16xi32>
      %add3A_1441 = arith.addi %shift_left3A_809, %add3A_1440 : vector<16xi32>
      %gather3A_1442 = arith.constant 1 : i32
      %gather3A_1443 = arith.constant 0 : i32
      %gather3A_1444 = arith.constant 0 : i32
      %gather3A_1445 = tpu.memref_slice %arg12[%gather3A_1442, %gather3A_1443, %gather3A_1444] : memref<2x128x128xf32, #tpu.memory_space<vmem>> -> memref<1x128x128xf32, #tpu.memory_space<vmem>>
      %gather3A_1446 = tpu.memref_squeeze %gather3A_1445 : memref<1x128x128xf32, #tpu.memory_space<vmem>> -> memref<128x128xf32, #tpu.memory_space<vmem>>
      %gather3A_1447 = tpu.vector_load_idx %gather3A_1446[%add3A_791, %add3A_1441] : memref<128x128xf32, #tpu.memory_space<vmem>>[vector<16xi32>, vector<16xi32>], vector<16xf32>,
      %mul3A_1448 = arith.mulf %gather3A_1438, %gather3A_1447 : vector<16xf32>
      %add3A_1449 = arith.addf %add3A_1429, %mul3A_1448 : vector<16xf32>
      %mul3A_1450 = arith.constant 16 : i32
      %mul3A_1451 = arith.muli %add3A_787, %mul3A_1450 : i32
      %swap3A_1452 = arith.index_cast %mul3A_1451 : i32 to index
      %swap3A_1453 = tpu.vector_load %arg13[%swap3A_1452] {strides = array<i32>} : memref<512xf32, #tpu.memory_space<vmem>>, vector<16xf32>,
      tpu.vector_store %arg13[%swap3A_1452], %add3A_1449 {strides = array<i32>} : memref<512xf32, #tpu.memory_space<vmem>>, vector<16xf32>,
    }
    %scan3A_784 = arith.constant 8 : i32
    "tpu.region"() ({
      %run_scoped3A = tpu.sem_alloc : memref<!tpu.dma_semaphore, #tpu.memory_space<semaphore_mem>>
      %dma_start3A_785 = tpu.memref_slice %arg6[%mul3A_2] : memref<16384xf32, #tpu.memory_space<hbm>> -> memref<512xf32, #tpu.memory_space<hbm>>
      %dma_start3A_786 = tpu.memref_slice %arg6[%mul3A_2] : memref<16384xf32, #tpu.memory_space<hbm>> -> memref<512xf32, #tpu.memory_space<hbm>>
      tpu.enqueue_dma source(%arg13 : memref<512xf32, #tpu.memory_space<vmem>>) target(%dma_start3A_786 : memref<512xf32, #tpu.memory_space<hbm>>) target_semaphore(%run_scoped3A : memref<!tpu.dma_semaphore, #tpu.memory_space<semaphore_mem>>)
      %dma_wait3A_787 = tpu.memref_slice %arg6[%mul3A_2] : memref<16384xf32, #tpu.memory_space<hbm>> -> memref<512xf32, #tpu.memory_space<hbm>>
      %dma_wait3A_788 = tpu.memref_slice %arg6[%mul3A_2] : memref<16384xf32, #tpu.memory_space<hbm>> -> memref<512xf32, #tpu.memory_space<hbm>>
      tpu.wait_dma2 semaphore(%run_scoped3A : memref<!tpu.dma_semaphore, #tpu.memory_space<semaphore_mem>>) src(%arg13 : memref<512xf32, #tpu.memory_space<vmem>>) dst(%dma_wait3A_788 : memref<512xf32, #tpu.memory_space<hbm>>)
      tpu.yield
    }) : () -> ()
    return
  }
}

module attributes {stable_mosaic.version = 14 : i64} {
  func.func @_pack_body(%arg0: i32, %arg1: memref<32x8192xf32, #tpu.memory_space<vmem>>, %arg2: memref<32x8192xf32, #tpu.memory_space<vmem>>, %arg3: memref<32x8192xf32, #tpu.memory_space<vmem>>, %arg4: memref<32x8192xf32, #tpu.memory_space<vmem>>, %arg5: memref<8192x128xf32, #tpu.memory_space<vmem>>) attributes {dimension_semantics = [#tpu.dimension_semantics<arbitrary>], iteration_bounds = array<i64: 32>, scalar_prefetch = 0 : i64, scratch_operands = 0 : i64, tpu.core_type = #tpu.core_type<tc>, window_params = [{transform_indices = @transform_0, window_bounds = array<i64: 32, 8192>}, {transform_indices = @transform_1, window_bounds = array<i64: 32, 8192>}, {transform_indices = @transform_2, window_bounds = array<i64: 32, 8192>}, {transform_indices = @transform_3, window_bounds = array<i64: 32, 8192>}, {transform_indices = @transform_4, window_bounds = array<i64: 8192, 128>}]} {
    %get3A = arith.constant 0 : index
    %get3A_0 = arith.constant 0 : index
    %get3A_1 = vector.load %arg1[%get3A, %get3A_0] : memref<32x8192xf32, #tpu.memory_space<vmem>>, vector<32x8192xf32>
    %get3A_2 = arith.constant 0 : index
    %get3A_3 = arith.constant 0 : index
    %get3A_4 = vector.load %arg2[%get3A_2, %get3A_3] : memref<32x8192xf32, #tpu.memory_space<vmem>>, vector<32x8192xf32>
    %get3A_5 = arith.constant 0 : index
    %get3A_6 = arith.constant 0 : index
    %get3A_7 = vector.load %arg3[%get3A_5, %get3A_6] : memref<32x8192xf32, #tpu.memory_space<vmem>>, vector<32x8192xf32>
    %get3A_8 = arith.constant 0 : index
    %get3A_9 = arith.constant 0 : index
    %get3A_10 = vector.load %arg4[%get3A_8, %get3A_9] : memref<32x8192xf32, #tpu.memory_space<vmem>>, vector<32x8192xf32>
    %concatenate3A = tpu.concatenate %get3A_1, %get3A_4, %get3A_7, %get3A_10 in 0 : vector<32x8192xf32>, vector<32x8192xf32>, vector<32x8192xf32>, vector<32x8192xf32> -> vector<128x8192xf32>
    %convert_element_type3A = arith.truncf %concatenate3A : vector<128x8192xf32> to vector<128x8192xbf16>
    %convert_element_type3A_11 = arith.extf %convert_element_type3A : vector<128x8192xbf16> to vector<128x8192xf32>
    %sub3A = arith.subf %concatenate3A, %convert_element_type3A_11 : vector<128x8192xf32>
    %iota3A = tpu.iota {dimensions = array<i32: 0>} : vector<128x128xi32>
    %iota3A_12 = tpu.iota {dimensions = array<i32: 1>} : vector<128x128xi32>
    %add3A = arith.constant 0 : i32
    %add3A_13 = vector.broadcast %add3A : i32 to vector<128x128xi32>
    %add3A_14 = arith.addi %iota3A, %add3A_13 : vector<128x128xi32>
    %eq3A = arith.cmpi eq, %add3A_14, %iota3A_12 : vector<128x128xi32>
    %convert_element_type3A_15 = arith.extui %eq3A : vector<128x128xi1> to vector<128x128xi32>
    %convert_element_type3A_16 = arith.sitofp %convert_element_type3A_15 : vector<128x128xi32> to vector<128x128xf32>
    %dot_general3A = arith.constant dense<0.000000e+00> : vector<8192x128xf32>
    %dot_general3A_17 = tpu.matmul %convert_element_type3A_11, %convert_element_type3A_16, %dot_general3A {dimension_numbers = #tpu.dot_dimension_numbers<[0], [0], [1], [1], [0, 1, 1, 1], [], []>, transpose_lhs_hint = false} : vector<128x8192xf32>, vector<128x128xf32>, vector<8192x128xf32> -> vector<8192x128xf32>
    %dot_general3A_18 = arith.constant dense<0.000000e+00> : vector<8192x128xf32>
    %dot_general3A_19 = tpu.matmul %sub3A, %convert_element_type3A_16, %dot_general3A_18 {dimension_numbers = #tpu.dot_dimension_numbers<[0], [0], [1], [1], [0, 1, 1, 1], [], []>, transpose_lhs_hint = false} : vector<128x8192xf32>, vector<128x128xf32>, vector<8192x128xf32> -> vector<8192x128xf32>
    %add3A_20 = arith.addf %dot_general3A_17, %dot_general3A_19 : vector<8192x128xf32>
    %swap3A = arith.constant 0 : index
    %swap3A_21 = arith.constant 0 : index
    %swap3A_22 = vector.load %arg5[%swap3A, %swap3A_21] : memref<8192x128xf32, #tpu.memory_space<vmem>>, vector<8192x128xf32>
    tpu.vector_store %arg5[%swap3A, %swap3A_21], %add3A_20 {strides = array<i32>} : memref<8192x128xf32, #tpu.memory_space<vmem>>, vector<8192x128xf32>,
    return
  }
  func.func @transform_0(%arg0: i32) -> (i32, i32) {
    %add3A = arith.constant 0 : i32
    %add3A_0 = arith.addi %add3A, %arg0 : i32
    %min3A = arith.constant 122 : i32
    %min3A_1 = arith.minsi %add3A_0, %min3A : i32
    %c0_i32 = arith.constant 0 : i32
    %c0_i32_2 = arith.constant 0 : i32
    return %c0_i32, %min3A_1 : i32, i32
  }
  func.func @transform_1(%arg0: i32) -> (i32, i32) {
    %add3A = arith.constant 32 : i32
    %add3A_0 = arith.addi %add3A, %arg0 : i32
    %min3A = arith.constant 122 : i32
    %min3A_1 = arith.minsi %add3A_0, %min3A : i32
    %c0_i32 = arith.constant 0 : i32
    %c0_i32_2 = arith.constant 0 : i32
    return %c0_i32, %min3A_1 : i32, i32
  }
  func.func @transform_2(%arg0: i32) -> (i32, i32) {
    %add3A = arith.constant 64 : i32
    %add3A_0 = arith.addi %add3A, %arg0 : i32
    %min3A = arith.constant 122 : i32
    %min3A_1 = arith.minsi %add3A_0, %min3A : i32
    %c0_i32 = arith.constant 0 : i32
    %c0_i32_2 = arith.constant 0 : i32
    return %c0_i32, %min3A_1 : i32, i32
  }
  func.func @transform_3(%arg0: i32) -> (i32, i32) {
    %add3A = arith.constant 96 : i32
    %add3A_0 = arith.addi %add3A, %arg0 : i32
    %min3A = arith.constant 122 : i32
    %min3A_1 = arith.minsi %add3A_0, %min3A : i32
    %c0_i32 = arith.constant 0 : i32
    %c0_i32_2 = arith.constant 0 : i32
    return %c0_i32, %min3A_1 : i32, i32
  }
  func.func @transform_4(%arg0: i32) -> (i32, i32) {
    %c0_i32 = arith.constant 0 : i32
    %c0_i32_0 = arith.constant 0 : i32
    return %arg0, %c0_i32 : i32, i32
  }
}

module attributes {stable_mosaic.version = 14 : i64} {
  func.func @_pack_body(%arg0: i32, %arg1: memref<32x8192xf32, #tpu.memory_space<vmem>>, %arg2: memref<32x8192xf32, #tpu.memory_space<vmem>>, %arg3: memref<32x8192xf32, #tpu.memory_space<vmem>>, %arg4: memref<32x8192xf32, #tpu.memory_space<vmem>>, %arg5: memref<8192x128xf32, #tpu.memory_space<vmem>>) attributes {dimension_semantics = [#tpu.dimension_semantics<arbitrary>], iteration_bounds = array<i64: 4>, scalar_prefetch = 0 : i64, scratch_operands = 0 : i64, tpu.core_type = #tpu.core_type<tc>, window_params = [{transform_indices = @transform_0, window_bounds = array<i64: 32, 8192>}, {transform_indices = @transform_1, window_bounds = array<i64: 32, 8192>}, {transform_indices = @transform_2, window_bounds = array<i64: 32, 8192>}, {transform_indices = @transform_3, window_bounds = array<i64: 32, 8192>}, {transform_indices = @transform_4, window_bounds = array<i64: 8192, 128>}]} {
    %get3A = arith.constant 0 : index
    %get3A_0 = arith.constant 0 : index
    %get3A_1 = vector.load %arg1[%get3A, %get3A_0] : memref<32x8192xf32, #tpu.memory_space<vmem>>, vector<32x8192xf32>
    %get3A_2 = arith.constant 0 : index
    %get3A_3 = arith.constant 0 : index
    %get3A_4 = vector.load %arg2[%get3A_2, %get3A_3] : memref<32x8192xf32, #tpu.memory_space<vmem>>, vector<32x8192xf32>
    %get3A_5 = arith.constant 0 : index
    %get3A_6 = arith.constant 0 : index
    %get3A_7 = vector.load %arg3[%get3A_5, %get3A_6] : memref<32x8192xf32, #tpu.memory_space<vmem>>, vector<32x8192xf32>
    %get3A_8 = arith.constant 0 : index
    %get3A_9 = arith.constant 0 : index
    %get3A_10 = vector.load %arg4[%get3A_8, %get3A_9] : memref<32x8192xf32, #tpu.memory_space<vmem>>, vector<32x8192xf32>
    %concatenate3A = tpu.concatenate %get3A_1, %get3A_4, %get3A_7, %get3A_10 in 0 : vector<32x8192xf32>, vector<32x8192xf32>, vector<32x8192xf32>, vector<32x8192xf32> -> vector<128x8192xf32>
    %convert_element_type3A = arith.truncf %concatenate3A : vector<128x8192xf32> to vector<128x8192xbf16>
    %convert_element_type3A_11 = arith.extf %convert_element_type3A : vector<128x8192xbf16> to vector<128x8192xf32>
    %sub3A = arith.subf %concatenate3A, %convert_element_type3A_11 : vector<128x8192xf32>
    %iota3A = tpu.iota {dimensions = array<i32: 0>} : vector<128x128xi32>
    %iota3A_12 = tpu.iota {dimensions = array<i32: 1>} : vector<128x128xi32>
    %add3A = arith.constant 0 : i32
    %add3A_13 = vector.broadcast %add3A : i32 to vector<128x128xi32>
    %add3A_14 = arith.addi %iota3A, %add3A_13 : vector<128x128xi32>
    %eq3A = arith.cmpi eq, %add3A_14, %iota3A_12 : vector<128x128xi32>
    %convert_element_type3A_15 = arith.extui %eq3A : vector<128x128xi1> to vector<128x128xi32>
    %convert_element_type3A_16 = arith.sitofp %convert_element_type3A_15 : vector<128x128xi32> to vector<128x128xf32>
    %dot_general3A = arith.constant dense<0.000000e+00> : vector<8192x128xf32>
    %dot_general3A_17 = tpu.matmul %convert_element_type3A_11, %convert_element_type3A_16, %dot_general3A {dimension_numbers = #tpu.dot_dimension_numbers<[0], [0], [1], [1], [0, 1, 1, 1], [], []>, transpose_lhs_hint = false} : vector<128x8192xf32>, vector<128x128xf32>, vector<8192x128xf32> -> vector<8192x128xf32>
    %dot_general3A_18 = arith.constant dense<0.000000e+00> : vector<8192x128xf32>
    %dot_general3A_19 = tpu.matmul %sub3A, %convert_element_type3A_16, %dot_general3A_18 {dimension_numbers = #tpu.dot_dimension_numbers<[0], [0], [1], [1], [0, 1, 1, 1], [], []>, transpose_lhs_hint = false} : vector<128x8192xf32>, vector<128x128xf32>, vector<8192x128xf32> -> vector<8192x128xf32>
    %add3A_20 = arith.addf %dot_general3A_17, %dot_general3A_19 : vector<8192x128xf32>
    %swap3A = arith.constant 0 : index
    %swap3A_21 = arith.constant 0 : index
    %swap3A_22 = vector.load %arg5[%swap3A, %swap3A_21] : memref<8192x128xf32, #tpu.memory_space<vmem>>, vector<8192x128xf32>
    tpu.vector_store %arg5[%swap3A, %swap3A_21], %add3A_20 {strides = array<i32>} : memref<8192x128xf32, #tpu.memory_space<vmem>>, vector<8192x128xf32>,
    return
  }
  func.func @transform_0(%arg0: i32) -> (i32, i32) {
    %add3A = arith.constant 0 : i32
    %add3A_0 = arith.addi %add3A, %arg0 : i32
    %min3A = arith.constant 12 : i32
    %min3A_1 = arith.minsi %add3A_0, %min3A : i32
    %c0_i32 = arith.constant 0 : i32
    %c0_i32_2 = arith.constant 0 : i32
    return %c0_i32, %min3A_1 : i32, i32
  }
  func.func @transform_1(%arg0: i32) -> (i32, i32) {
    %add3A = arith.constant 4 : i32
    %add3A_0 = arith.addi %add3A, %arg0 : i32
    %min3A = arith.constant 12 : i32
    %min3A_1 = arith.minsi %add3A_0, %min3A : i32
    %c0_i32 = arith.constant 0 : i32
    %c0_i32_2 = arith.constant 0 : i32
    return %c0_i32, %min3A_1 : i32, i32
  }
  func.func @transform_2(%arg0: i32) -> (i32, i32) {
    %add3A = arith.constant 8 : i32
    %add3A_0 = arith.addi %add3A, %arg0 : i32
    %min3A = arith.constant 12 : i32
    %min3A_1 = arith.minsi %add3A_0, %min3A : i32
    %c0_i32 = arith.constant 0 : i32
    %c0_i32_2 = arith.constant 0 : i32
    return %c0_i32, %min3A_1 : i32, i32
  }
  func.func @transform_3(%arg0: i32) -> (i32, i32) {
    %add3A = arith.constant 12 : i32
    %add3A_0 = arith.addi %add3A, %arg0 : i32
    %min3A = arith.constant 12 : i32
    %min3A_1 = arith.minsi %add3A_0, %min3A : i32
    %c0_i32 = arith.constant 0 : i32
    %c0_i32_2 = arith.constant 0 : i32
    return %c0_i32, %min3A_1 : i32, i32
  }
  func.func @transform_4(%arg0: i32) -> (i32, i32) {
    %c0_i32 = arith.constant 0 : i32
    %c0_i32_0 = arith.constant 0 : i32
    return %arg0, %c0_i32 : i32, i32
  }
}

</mosaic_0001>

<sc_bundles>
// kernel: kernel.5.cloned.1.call-start
scs
__scs_entry_jumppad:
0x0: {  	(pc) =	sbr.rel $0x88, $3  }
0x1: {  	(tag) =	ssettag $0x0;
	lr =	simm.s32 $0x1  }
0x2: {  	[smem:$0x3F9D] =	sst lr;
	_ =	strace $0xD0000000  }
0x3: {  	_ = 	snop  }
0x4: {  	_ = 	snop  }
0x5: {  	_ = 	snop  }
0x6: {  	_ = 	snop  }
0x7: {  	_ = 	snop  }
__scs_overlays_trampoline_lowered:
0x8: {  	[smem:$0x3FAC] =	sst s0  }
0x9: {  	[smem:$0x3FAD] =	sst s1  }
0xa: {  	[smem:$0x3FAE] =	sst s2  }
0xb: {  	[smem:$0x3FAF] =	sst s3  }
0xc: {  	[smem:$0x3FB0] =	sst s4  }
0xd: {  	[smem:$0x3FB1] =	sst s5  }
0xe: {  	[smem:$0x3FB2] =	sst s6  }
0xf: {  	[smem:$0x3FB3] =	sst s7  }
0x10: {  	[smem:$0x3FB4] =	sst s8  }
0x11: {  	[smem:$0x3FB5] =	sst s9;
	s0 =	simm.s32 @!p0 $0x0  }
0x12: {  	s1 =	sld [smem:$0x3F9B];
	s0 =	simm.s32 @p0 $0x1  }
0x13: {  	[smem:$0x3FB6] =	sst s0;
	s0 =	simm.s32 @!p1 $0x0  }
0x14: {  	s2 =	sld [smem:$0x3F9A];
	s0 =	simm.s32 @p1 $0x1  }
0x15: {  	[smem:$0x3FB7] =	sst s0;
	s0 =	simm.s32 @!p2 $0x0  }
0x16: {  	s3 =	sld [smem:$0x3FDB];
	s0 =	simm.s32 @p2 $0x1  }
0x17: {  	s4 =	simm.s32 $0x1BF5;
	[smem:$0x3FB9] =	sst s0  }
0x18: {  	s0 =	sld [smem:$0x3F9C];
	_ =	swait.ge [sflag:s4], $0x0  }
0x19: {  	s7 =	sld [smem:$0x3F9D]  }
0x1a: {  	s8 =	sadd.s32 $0xFFFFE003, lr  }
0x1b: {  	s9 =	sadd.s32 $0xFFFFFEF7, lr;
	s5 =	simm.s32 $0xFFFFFFFF;
	p2 =	slt.u32 s8, $0xFFFFF086  }
0x1c: {  	p1 =	slt.u32 s9, $0xF7A;
	s5 =	simm.s32 @!p2 $0x0  }
0x1d: {  	s5 =	simm.s32 @p1 $0x1;
	p0 =	seq.s32 s7, s2  }
0x1e: {  	s7 =	smul.u32 @!p0 $0xF7A, s2;
	p2 =	seq.s32 @!p0 s5, $0x0  }
0x1f: {  	s9 =	smul.u32 $0xF7A, s1;
	s8 =	simm.s32 @!p0 $0x1BF5;
	p2 =	por !p2, p0  }
0x20: {  	[sflag:s8] =	ssyncset.s32 @!p0 $0xFFFFF086;
	s6 =	sadd.s32 @!p0 s3, s7;
	s7 =	simm.s32 @!p0 $0x108  }
0x21: {  	s3 =	sadd.s32 s3, s9;
	s6 =	sadd.s32 @!p0 $0x88, s6;
	s7 =	simm.s32 @p2 $0x1082  }
0x22: {  	[simem:s7], [sflag:s8] =	dma.local @!p0 [hbm:s6], $0xF7A  }
0x23: {  	s9 =	sor.u32 $0xD0000000, s2;
	s6 =	simm.s32 $0x108;
	_ =	swait.ge @!p0 [sflag:s8], $0x0  }
0x24: {  	s3 =	sadd.s32 $0x88, s3;
	s6 =	simm.s32 @!p1 $0x1082;
	[sflag:s4] =	ssyncset.s32 $0xFFFFF086  }
0x25: {  	[simem:s6], [sflag:s4] =	dma.local [hbm:s3], $0xF7A  }
0x26: {  	[smem:$0x3F9D] =	sst s1;
	(tag) =	ssettag s2;
	_ =	strace s9  }
0x27: {  	s1 =	sld [smem:$0x3FAD]  }
0x28: {  	s2 =	sld [smem:$0x3FAE]  }
0x29: {  	s4 =	sld [smem:$0x3FB0]  }
0x2a: {  	p0 =	seq.s32 s5, $0x0;
	s5 =	sld [smem:$0x3FB1]  }
0x2b: {  	s6 =	sld [smem:$0x3FB2]  }
0x2c: {  	s7 =	sld [smem:$0x3FB3]  }
0x2d: {  	s3 =	simm.s32 $0x108;
	s8 =	sld [smem:$0x3FB4]  }
0x2e: {  	s3 =	simm.s32 @!p0 $0x1082;
	s9 =	sld [smem:$0x3FB5]  }
0x2f: {  	lr =	sadd.s32 s0, s3;
	s0 =	sld [smem:$0x3FAC]  }
0x30: {  	s3 =	sld [smem:$0x3FAF]  }
0x31: {  	[smem:$0x3FB8] =	sst s10  }
0x32: {  	s10 =	sld [smem:$0x3FB6];
	_ =	sdelay $0x3  }
0x33: {  	p0 =	seq.s32 s10, $0x1;
	s10 =	sld [smem:$0x3FB8];
	_ =	sdelay $0x3  }
0x34: {  	[smem:$0x3FB8] =	sst s10  }
0x35: {  	s10 =	sld [smem:$0x3FB7];
	_ =	sdelay $0x3  }
0x36: {  	p1 =	seq.s32 s10, $0x1;
	s10 =	sld [smem:$0x3FB8];
	_ =	sdelay $0x3  }
0x37: {  	[smem:$0x3FB8] =	sst s10  }
0x38: {  	s10 =	sld [smem:$0x3FB9]  }
0x39: {  	_ = 	snop;
	(pc) =	sbr.ind lr, $3  }
0x3a: {  	_ = 	snop  }
0x3b: {  	_ = 	snop  }
0x3c: {  	p2 =	seq.s32 s10, $0x1;
	s10 =	sld [smem:$0x3FB8]  }
0x3d: {  	_ =	shalt  }
0x3e: {  	_ =	shalt  }
0x3f: {  	_ =	shalt  }
0x40: {  	_ =	shalt  }
0x41: {  	_ =	shalt  }
0x42: {  	_ =	shalt  }
0x43: {  	_ =	shalt  }
0x44: {  	_ =	shalt  }
0x45: {  	_ =	shalt  }
0x46: {  	_ =	shalt  }
0x47: {  	_ =	shalt  }
0x48: {  	_ =	shalt  }
0x49: {  	_ =	shalt  }
0x4a: {  	_ =	shalt  }
0x4b: {  	_ =	shalt  }
0x4c: {  	_ =	shalt  }
0x4d: {  	_ =	shalt  }
0x4e: {  	_ =	shalt  }
0x4f: {  	_ =	shalt  }
0x50: {  	_ =	shalt  }
0x51: {  	_ =	shalt  }
0x52: {  	_ =	shalt  }
0x53: {  	_ =	shalt  }
0x54: {  	_ =	shalt  }
0x55: {  	_ =	shalt  }
0x56: {  	_ =	shalt  }
0x57: {  	_ =	shalt  }
0x58: {  	_ =	shalt  }
0x59: {  	_ =	shalt  }
0x5a: {  	_ =	shalt  }
0x5b: {  	_ =	shalt  }
0x5c: {  	_ =	shalt  }
0x5d: {  	_ =	shalt  }
0x5e: {  	_ =	shalt  }
0x5f: {  	_ =	shalt  }
0x60: {  	_ =	shalt  }
0x61: {  	_ =	shalt  }
0x62: {  	_ =	shalt  }
0x63: {  	_ =	shalt  }
0x64: {  	_ =	shalt  }
0x65: {  	_ =	shalt  }
0x66: {  	_ =	shalt  }
0x67: {  	_ =	shalt  }
0x68: {  	_ =	shalt  }
0x69: {  	_ =	shalt  }
0x6a: {  	_ =	shalt  }
0x6b: {  	_ =	shalt  }
0x6c: {  	_ =	shalt  }
0x6d: {  	_ =	shalt  }
0x6e: {  	_ =	shalt  }
0x6f: {  	_ =	shalt  }
0x70: {  	_ =	shalt  }
0x71: {  	_ =	shalt  }
0x72: {  	_ =	shalt  }
0x73: {  	_ =	shalt  }
0x74: {  	_ =	shalt  }
0x75: {  	_ =	shalt  }
0x76: {  	_ =	shalt  }
0x77: {  	_ =	shalt  }
0x78: {  	_ =	shalt  }
0x79: {  	_ =	shalt  }
0x7a: {  	_ =	shalt  }
0x7b: {  	_ =	shalt  }
0x7c: {  	_ =	shalt  }
0x7d: {  	_ =	shalt  }
0x7e: {  	_ =	shalt  }
0x7f: {  	_ =	shalt  }
0x80: {  	_ =	shalt  }
0x81: {  	_ =	shalt  }
0x82: {  	_ =	shalt  }
0x83: {  	_ =	shalt  }
0x84: {  	_ =	shalt  }
0x85: {  	_ =	shalt  }
0x86: {  	_ =	shalt  }
0x87: {  	_ =	shalt  }
.Lfunc_end0:
.L_simem_size_0:
called_computation_lowered:
.L_overlay_start_0:
0x88: {  	s2 =	sld [smem:$0x3FD9]  }
0x89: {  	s3 =	sld [smem:$0x3FFE];
	_ =	sdelay $0x1  }
0x8a: {  	s1 =	srdreg.scid  }
0x8b: {  	s0 =	sand.u32 $0x1, s1  }
0x8c: {  	s17 =	sshll.u32 s0, $0xA;
	s2 =	sadd.s32 s3, s2  }
0x8d: {  	s2 =	sadd.s32 s2, s17  }
0x8e: {  	[smem:$0x3FC4] =	sst s2  }
0x8f: {  	_ = 	snop  }
0x90: {  	s2 =	sld [smem:$0x3FC9]  }
0x91: {  	s18 =	sld [smem:$0x3FC8]  }
0x92: {  	s4 =	sld [smem:$0x3FD0];
	(tm) =	ssettm $0x1  }
0x93: {  	s5 =	sld [smem:$0x3FFB];
	_ =	sdelay $0x3  }
0x94: {  	_ =	strace s5  }
0x95: {  	s5 =	sld [smem:$0x3FFC];
	_ =	sdelay $0x3  }
0x96: {  	_ =	strace s5  }
0x97: {  	s5 =	sld [smem:$0x3FFD];
	_ =	sdelay $0x3  }
0x98: {  	_ =	strace s5  }
0x99: {  	_ =	strace $0x8FFFFFFF  }
0x9a: {  	s19 =	sld [smem:$0x3FDB];
	_ =	sdelay $0x1  }
0x9b: {  	s6 =	simm.s32 $_scs_section_size  }
0x9c: {  	s7 =	simm.s32 $_size__tile_overlayer_lowered;
	s8 =	simm.s32 $_tile_overlayer_lowered  }
0x9d: {  	s22 =	simm.s32 $0x1BFF;
	s21 =	sshll.u32 s8, $0x1;
	s5 =	sadd.s32 s6, s19  }
0x9e: {  	s9 =	simm.s32 $0x0;
	s20 =	sshll.u32 s7, $0x1;
	s7 =	sadd.s32 s21, s5  }
0x9f: {  	[timem:s9], [sflag:s22] =	dma.local [hbm:s7], s20  }
0xa0: {  	_ =	swait.ge [sflag:s22], s20  }
0xa1: {  	s6 =	ssub.s32 $0x0, s20;
	[sflag:s22] =	ssyncset.done $0x0  }
0xa2: {  	[sflag:s22] =	ssyncadd.s32 s6;
	_ =	sdelay $0x1  }
0xa3: {  	s23 =	simm.s32 $0x1B8B  }
0xa4: {  	_ =	swait.ge [sflag:s23], $0x1  }
0xa5: {  	[sflag:s23] =	ssyncset.done $0x0  }
0xa6: {  	s25 =	simm.s32 $0x1B8E;
	s24 =	sld [smem:$0x3FFE];
	[sflag:s23] =	ssyncadd.s32 $0xFFFFFFFF  }
0xa7: {  	s26 =	simm.s32 $execute0_lowered;
	[smem:$0x3FD2] =	sst s25  }
0xa8: {  	s7 =	sshll.u32 s26, $0x1;
	_ =	strace $0x80000046;
	[dreg:$0x1] =	wrdreg $0xFFFFFFFF  }
0xa9: {  	s28 =	simm.s32 $_size_execute0_lowered;
	s5 =	sadd.s32 s5, s7;
	[dreg:$0x0] =	wrdreg $0x0  }
0xaa: {  	s7 =	sshll.u32 s28, $0x1;
	[dreg:$0x2] =	wrdreg s5  }
0xab: {  	[dreg:$0x3] =	wrdreg s7  }
0xac: {  	[dreg:$0x4] =	wrdreg $0xC0  }
0xad: {  	_ =	task [dreg:s9], $0x5FFFF  }
0xae: {  	[dreg:$0x1] =	wrdreg $0xFFFFFFFF  }
0xaf: {  	[dreg:$0x0] =	wrdreg $0x60  }
0xb0: {  	[dreg:$0x2] =	wrdreg s2  }
0xb1: {  	[dreg:$0x3] =	wrdreg s18  }
0xb2: {  	[dreg:$0x4] =	wrdreg s24  }
0xb3: {  	[dreg:$0x5] =	wrdreg s4  }
0xb4: {  	[dreg:$0x6] =	wrdreg $0x9  }
0xb5: {  	_ =	task.clear_ibuf [dreg:s9], $0x7FFFF;
	_ =	strace $0x90000046  }
0xb6: {  	s29 =	simm.s32 $0x9;
	_ =	strace $0x80000048  }
0xb7: {  	_ =	swait.ge [sflag:s29], $0x1  }
0xb8: {  	[sflag:s29] =	ssyncadd.s32 $0xFFFFFFFF  }
0xb9: {  	_ =	strace $0x90000048  }
0xba: {  	_ =	sfence  }
0xbb: {  	s30 =	sld [smem:$0x0];
	_ =	sdelay $0x2  }
0xbc: {  	s31 =	sshll.u32 s1, $0xD;
	s1 =	sshrl.u32 s1, $0x2  }
0xbd: {  	s3 =	sand.u32 $0x4000, s31;
	s1 =	sadd.s32 s1, s30  }
0xbe: {  	s0 =	sor.u32 s3, s0;
	s1 =	sshll.u32 s1, $0x11  }
0xbf: {  	s0 =	sor.u32 s1, s0  }
0xc0: {  	s0 =	sadd.s32 $0x8F2B, s0  }
0xc1: {  	[sflag:s0] =	ssyncadd.remote.s32 $0x1  }
0xc2: {  	_ =	sfence.sel $0xFFFF  }
0xc3: {  	[dreg:$0x0] =	wrdreg $0xFFFFFFFF;
	(pc) =	sbr.abs _section_cstart, $3  }
0xc4: {  	[dreg:$0x1] =	wrdreg $0xFFFFFFFF  }
0xc5: {  	_ =	task.clear_ibuf [dreg:s9], $0x2FFFF;
	_ =	strace $0x9FFFFFFF  }
0xc6: {  	(tm) =	ssettm $0x7FFFFFFF  }
0xc7: {  	_ =	shalt  }
tec
execute0_lowered:
.L_overlay_start_1:
0x0: {  	(tag) =	ssettag $0x1  }
0x1: {  	s0 =	rddreg [dreg:$0x0]  }
0x2: {  	s6 =	rddreg [dreg:$0x1]  }
0x3: {  	s4 =	rddreg [dreg:$0x2]  }
0x4: {  	s7 =	rddreg [dreg:$0x3]  }
0x5: {  	s2 =	simm.s32 $0x0;
	s3 =	srdreg.scid;
	s1 =	stileid.u32  }
0x6: {  	s11 =	simm.s32 $0x400;
	s12 =	simm.s32 $0x800;
	s13 =	simm.s32 $0x600  }
0x7: {  	s14 =	simm.s32 $0x8800;
	s15 =	simm.s32 $0x1;
	s16 =	simm.s32 $0x2  }
0x8: {  	s17 =	simm.s32 $0x480;
	s18 =	simm.s32 $0x4800;
	s19 =	simm.s32 $0x680  }
0x9: {  	s20 =	simm.s32 $0xC800;
	s21 =	simm.s32 $0x500;
	s22 =	simm.s32 $0x700  }
0xa: {  	s23 =	simm.s32 $0x580;
	s24 =	simm.s32 $0x780;
	s25 =	simm.s32 $0x10800  }
0xb: {  	s26 =	simm.s32 $0x0;
	[smem:$0x7FF] =	sst s2;
	s3 =	sand.u32 $0x1, s3  }
0xc: {  	s8 =	sshll.u32 s1, $0x7;
	_ =	strace $0x80000047;
	s5 =	ssub.s32 $0x2, s3  }
0xd: {  	s9 =	sshll.u32 s3, $0x6;
	s3 =	sadd.s32 $0x600, s4;
	s4 =	sadd.s32 $0x80600, s4  }
0xe: {  	s10 =	sshrl.u32 s5, $0x1;
	s8 =	sor.u32 s9, s8;
	s9 =	simm.s32 $0x3  }
0xf: {  	v0 =	vlaneseq.u32;
	s31 =	ssub.s32 s5, s10;
	s5 =	sadd.s32 s0, s8;
	s6 =	sadd.s32 s6, s8  }
0x10: {  	v0 =	vmul.u32 $0x80, v0;
	s7 =	sadd.s32 s7, s8;
	s10 =	simm.s32 $0x80;
	s8 =	smax.u32 s31, $0x1  }
.LBB2_1:
0x11: {  	[tilespmem:s2], [sflag:$0x3] =	stream.linear.gather [hbm4b:s5+s2], $0x200, $0x38;
	[tilespmem:$0x10A00] =	vst v63  }
0x12: {  	_ =	swait.ge [sflag:s9], $0x200  }
0x13: {  	[sflag:s9] =	ssyncset.done $0x0  }
0x14: {  	s0 =	simm.s32 $0x200;
	[sflag:s9] =	ssyncadd.s32 $0xFFFFFE00  }
0x15: {  	[tilespmem:s0], [sflag:$0x3] =	stream.linear.gather [hbm4b:s6+s2], $0x200, $0x38;
	[tilespmem:$0x10A00] =	vst v63  }
0x16: {  	_ =	swait.ge [sflag:s9], $0x200  }
0x17: {  	[sflag:s9] =	ssyncset.done $0x0  }
0x18: {  	[sflag:s9] =	ssyncadd.s32 $0xFFFFFE00  }
0x19: {  	v1 =	vld [tilespmem:$0x0]  }
0x1a: {  	v2 =	vld [tilespmem:$0x200]  }
0x1b: {  	v3 =	vld [tilespmem:$0x10]  }
0x1c: {  	v4 =	vld [tilespmem:$0x210]  }
0x1d: {  	v5 =	vld [tilespmem:$0x20]  }
0x1e: {  	v6 =	vld [tilespmem:$0x220];
	v1 =	vand.u32 $0x7FFF, v1  }
0x1f: {  	[tilespmem:$0x400] =	vst v1;
	v1 =	vand.u32 $0x3FFFF, v2;
	v2 =	vld [tilespmem:$0x30]  }
0x20: {  	[tilespmem:$0x600] =	vst v1;
	v1 =	vand.u32 $0x7FFF, v3;
	v3 =	vld [tilespmem:$0x230]  }
0x21: {  	v9 =	vld [tilespmem:$0x40];
	[tilespmem:$0x410] =	vst v1;
	v1 =	vand.u32 $0x3FFFF, v4  }
0x22: {  	v10 =	vld [tilespmem:$0x240];
	[tilespmem:$0x610] =	vst v1;
	v1 =	vand.u32 $0x7FFF, v5  }
0x23: {  	v11 =	vld [tilespmem:$0x50];
	[tilespmem:$0x420] =	vst v1;
	v1 =	vand.u32 $0x3FFFF, v6  }
0x24: {  	[tilespmem:$0x620] =	vst v1;
	v1 =	vand.u32 $0x7FFF, v2;
	v2 =	vld [tilespmem:$0x250]  }
0x25: {  	[tilespmem:$0x430] =	vst v1;
	v1 =	vand.u32 $0x3FFFF, v3;
	v3 =	vld [tilespmem:$0x60]  }
0x26: {  	v12 =	vld [tilespmem:$0x260];
	[tilespmem:$0x630] =	vst v1;
	v1 =	vand.u32 $0x7FFF, v9  }
0x27: {  	v13 =	vld [tilespmem:$0x70];
	[tilespmem:$0x440] =	vst v1;
	v1 =	vand.u32 $0x3FFFF, v10  }
0x28: {  	v14 =	vld [tilespmem:$0x270];
	[tilespmem:$0x640] =	vst v1;
	v1 =	vand.u32 $0x7FFF, v11  }
0x29: {  	[tilespmem:$0x450] =	vst v1;
	v1 =	vand.u32 $0x3FFFF, v2;
	v2 =	vld [tilespmem:$0x80]  }
0x2a: {  	[tilespmem:$0x650] =	vst v1;
	v1 =	vand.u32 $0x7FFF, v3;
	v3 =	vld [tilespmem:$0x280]  }
0x2b: {  	v15 =	vld [tilespmem:$0x90];
	[tilespmem:$0x460] =	vst v1;
	v1 =	vand.u32 $0x3FFFF, v12  }
0x2c: {  	v16 =	vld [tilespmem:$0x290];
	[tilespmem:$0x660] =	vst v1;
	v1 =	vand.u32 $0x7FFF, v13  }
0x2d: {  	v17 =	vld [tilespmem:$0xA0];
	[tilespmem:$0x470] =	vst v1;
	v1 =	vand.u32 $0x3FFFF, v14  }
0x2e: {  	[tilespmem:$0x670] =	vst v1;
	v1 =	vand.u32 $0x7FFF, v2;
	v2 =	vld [tilespmem:$0x2A0]  }
0x2f: {  	[tilespmem:$0x480] =	vst v1;
	v1 =	vand.u32 $0x3FFFF, v3;
	v3 =	vld [tilespmem:$0xB0]  }
0x30: {  	v18 =	vld [tilespmem:$0x2B0];
	[tilespmem:$0x680] =	vst v1;
	v1 =	vand.u32 $0x7FFF, v15  }
0x31: {  	v19 =	vld [tilespmem:$0xC0];
	[tilespmem:$0x490] =	vst v1;
	v1 =	vand.u32 $0x3FFFF, v16  }
0x32: {  	v20 =	vld [tilespmem:$0x2C0];
	[tilespmem:$0x690] =	vst v1;
	v1 =	vand.u32 $0x7FFF, v17  }
0x33: {  	[tilespmem:$0x4A0] =	vst v1;
	v1 =	vand.u32 $0x3FFFF, v2;
	v2 =	vld [tilespmem:$0xD0]  }
0x34: {  	[tilespmem:$0x6A0] =	vst v1;
	v1 =	vand.u32 $0x7FFF, v3;
	v3 =	vld [tilespmem:$0x2D0]  }
0x35: {  	v21 =	vld [tilespmem:$0xE0];
	[tilespmem:$0x4B0] =	vst v1;
	v1 =	vand.u32 $0x3FFFF, v18  }
0x36: {  	v22 =	vld [tilespmem:$0x2E0];
	[tilespmem:$0x6B0] =	vst v1;
	v1 =	vand.u32 $0x7FFF, v19  }
0x37: {  	v23 =	vld [tilespmem:$0xF0];
	[tilespmem:$0x4C0] =	vst v1;
	v1 =	vand.u32 $0x3FFFF, v20  }
0x38: {  	[tilespmem:$0x6C0] =	vst v1;
	v1 =	vand.u32 $0x7FFF, v2;
	v2 =	vld [tilespmem:$0x2F0]  }
0x39: {  	[tilespmem:$0x4D0] =	vst v1;
	v1 =	vand.u32 $0x3FFFF, v3;
	v3 =	vld [tilespmem:$0x100]  }
0x3a: {  	v24 =	vld [tilespmem:$0x300];
	[tilespmem:$0x6D0] =	vst v1;
	v1 =	vand.u32 $0x7FFF, v21  }
0x3b: {  	v25 =	vld [tilespmem:$0x110];
	[tilespmem:$0x4E0] =	vst v1;
	v1 =	vand.u32 $0x3FFFF, v22  }
0x3c: {  	v26 =	vld [tilespmem:$0x310];
	[tilespmem:$0x6E0] =	vst v1;
	v1 =	vand.u32 $0x7FFF, v23  }
0x3d: {  	[tilespmem:$0x4F0] =	vst v1;
	v1 =	vand.u32 $0x3FFFF, v2;
	v2 =	vld [tilespmem:$0x120]  }
0x3e: {  	[tilespmem:$0x6F0] =	vst v1;
	v1 =	vand.u32 $0x7FFF, v3;
	v3 =	vld [tilespmem:$0x320]  }
0x3f: {  	v27 =	vld [tilespmem:$0x130];
	[tilespmem:$0x500] =	vst v1;
	v1 =	vand.u32 $0x3FFFF, v24  }
0x40: {  	v28 =	vld [tilespmem:$0x330];
	[tilespmem:$0x700] =	vst v1;
	v1 =	vand.u32 $0x7FFF, v25  }
0x41: {  	v29 =	vld [tilespmem:$0x140];
	[tilespmem:$0x510] =	vst v1;
	v1 =	vand.u32 $0x3FFFF, v26  }
0x42: {  	[tilespmem:$0x710] =	vst v1;
	v1 =	vand.u32 $0x7FFF, v2;
	v2 =	vld [tilespmem:$0x340]  }
0x43: {  	[tilespmem:$0x520] =	vst v1;
	v1 =	vand.u32 $0x3FFFF, v3;
	v3 =	vld [tilespmem:$0x150]  }
0x44: {  	v30 =	vld [tilespmem:$0x350];
	[tilespmem:$0x720] =	vst v1;
	v1 =	vand.u32 $0x7FFF, v27  }
0x45: {  	v31 =	vld [tilespmem:$0x160];
	[tilespmem:$0x530] =	vst v1;
	v1 =	vand.u32 $0x3FFFF, v28  }
0x46: {  	v32 =	vld [tilespmem:$0x360];
	[tilespmem:$0x730] =	vst v1;
	v1 =	vand.u32 $0x7FFF, v29  }
0x47: {  	[tilespmem:$0x540] =	vst v1;
	v1 =	vand.u32 $0x3FFFF, v2;
	v2 =	vld [tilespmem:$0x170]  }
0x48: {  	[tilespmem:$0x740] =	vst v1;
	v1 =	vand.u32 $0x7FFF, v3;
	v3 =	vld [tilespmem:$0x370]  }
0x49: {  	v33 =	vld [tilespmem:$0x180];
	[tilespmem:$0x550] =	vst v1;
	v1 =	vand.u32 $0x3FFFF, v30  }
0x4a: {  	v34 =	vld [tilespmem:$0x380];
	[tilespmem:$0x750] =	vst v1;
	v1 =	vand.u32 $0x7FFF, v31  }
0x4b: {  	v35 =	vld [tilespmem:$0x190];
	[tilespmem:$0x560] =	vst v1;
	v1 =	vand.u32 $0x3FFFF, v32  }
0x4c: {  	[tilespmem:$0x760] =	vst v1;
	v1 =	vand.u32 $0x7FFF, v2;
	v2 =	vld [tilespmem:$0x390]  }
0x4d: {  	[tilespmem:$0x570] =	vst v1;
	v1 =	vand.u32 $0x3FFFF, v3;
	v3 =	vld [tilespmem:$0x1A0]  }
0x4e: {  	v36 =	vld [tilespmem:$0x3A0];
	[tilespmem:$0x770] =	vst v1;
	v1 =	vand.u32 $0x7FFF, v33  }
0x4f: {  	v37 =	vld [tilespmem:$0x1B0];
	[tilespmem:$0x580] =	vst v1;
	v1 =	vand.u32 $0x3FFFF, v34  }
0x50: {  	v38 =	vld [tilespmem:$0x3B0];
	[tilespmem:$0x780] =	vst v1;
	v1 =	vand.u32 $0x7FFF, v35  }
0x51: {  	[tilespmem:$0x590] =	vst v1;
	v1 =	vand.u32 $0x3FFFF, v2;
	v2 =	vld [tilespmem:$0x1C0]  }
0x52: {  	[tilespmem:$0x790] =	vst v1;
	v1 =	vand.u32 $0x7FFF, v3;
	v3 =	vld [tilespmem:$0x3C0]  }
0x53: {  	v39 =	vld [tilespmem:$0x1D0];
	[tilespmem:$0x5A0] =	vst v1;
	v1 =	vand.u32 $0x3FFFF, v36  }
0x54: {  	v40 =	vld [tilespmem:$0x3D0];
	[tilespmem:$0x7A0] =	vst v1;
	v1 =	vand.u32 $0x7FFF, v37  }
0x55: {  	v41 =	vld [tilespmem:$0x1E0];
	[tilespmem:$0x5B0] =	vst v1;
	v1 =	vand.u32 $0x3FFFF, v38  }
0x56: {  	[tilespmem:$0x7B0] =	vst v1;
	v1 =	vand.u32 $0x7FFF, v2;
	v2 =	vld [tilespmem:$0x3E0]  }
0x57: {  	[tilespmem:$0x5C0] =	vst v1;
	v1 =	vand.u32 $0x3FFFF, v3;
	v3 =	vld [tilespmem:$0x1F0]  }
0x58: {  	v42 =	vld [tilespmem:$0x3F0];
	[tilespmem:$0x7C0] =	vst v1;
	v1 =	vand.u32 $0x7FFF, v39  }
0x59: {  	[tilespmem:$0x5D0] =	vst v1;
	v1 =	vand.u32 $0x3FFFF, v40  }
0x5a: {  	[tilespmem:$0x7D0] =	vst v1;
	v1 =	vand.u32 $0x7FFF, v41  }
0x5b: {  	[tilespmem:$0x5E0] =	vst v1;
	v1 =	vand.u32 $0x3FFFF, v2  }
0x5c: {  	[tilespmem:$0x7E0] =	vst v1;
	v1 =	vand.u32 $0x7FFF, v3  }
0x5d: {  	[tilespmem:$0x5F0] =	vst v1;
	v1 =	vand.u32 $0x3FFFF, v42  }
0x5e: {  	[tilespmem:$0x7F0] =	vst v1  }
0x5f: {  	[tilespmem:s12], [sflag:$0x1] =	stream.indirect.gather [hbm4b:s3+s10], $0x80, s11, s10, $0xb8;
	[tilespmem:$0x10A00] =	vst v63  }
0x60: {  	_ = 	snop  }
0x61: {  	[tilespmem:s14], [sflag:$0x2] =	stream.indirect.gather [hbm4b:s4+s10], $0x80, s13, s10, $0xb8;
	[tilespmem:$0x10A00] =	vst v63  }
0x62: {  	_ =	swait.ge [sflag:s15], $0x4000  }
0x63: {  	[sflag:s15] =	ssyncset.done $0x0  }
0x64: {  	[sflag:s15] =	ssyncadd.s32 $0xFFFFC000  }
0x65: {  	_ =	swait.ge [sflag:s16], $0x4000  }
0x66: {  	[sflag:s16] =	ssyncset.done $0x0  }
0x67: {  	[sflag:s16] =	ssyncadd.s32 $0xFFFFC000  }
0x68: {  	[tilespmem:s18], [sflag:$0x1] =	stream.indirect.gather [hbm4b:s3+s10], $0x80, s17, s10, $0xb8;
	[tilespmem:$0x10A00] =	vst v63  }
0x69: {  	_ = 	snop  }
0x6a: {  	[tilespmem:s20], [sflag:$0x2] =	stream.indirect.gather [hbm4b:s4+s10], $0x80, s19, s10, $0xb8;
	[tilespmem:$0x10A00] =	vst v63  }
0x6b: {  	v1 =	vld [tilespmem:s2+$0x0]  }
0x6c: {  	v2 =	vld [tilespmem:s0+$0x0];
	_ =	sdelay $0x2  }
0x6d: {  	v3 =	vmov s2  }
0x6e: {  	v3 =	vshll.u32 v3, $0x7;
	v1 =	vshrl.u32 v1, $0xA  }
0x6f: {  	v3 =	vor.u32 v0, v3;
	v2 =	vshrl.u32 v2, $0xD;
	v43 =	vand.u32 $0x3FFF80, v1  }
0x70: {  	v1 =	vand.u32 $0x60, v1;
	v44 =	vand.u32 $0x7FF80, v2;
	v4 =	vadd.s32 v3, v43  }
0x71: {  	v2 =	vand.u32 $0x60, v2;
	v3 =	vadd.s32 v3, v44;
	v1 =	vor.u32 v1, v4  }
0x72: {  	v2 =	vor.u32 v2, v3  }
0x73: {  	v3 =	vor.u32 $0x1, v1  }
0x74: {  	v45 =	vor.u32 $0x1, v2  }
0x75: {  	v46 =	vor.u32 $0x2, v1  }
0x76: {  	v7 =	vor.u32 $0x2, v2;
	v47 =	vld.idx.msk [tilespmem:v1+s12+$0x0], $0xffff  }
0x77: {  	v9 =	vor.u32 $0x3, v1;
	v8 =	vld.idx.msk [tilespmem:v2+s14+$0x0], $0xffff  }
0x78: {  	v10 =	vor.u32 $0x3, v2;
	v3 =	vld.idx.msk [tilespmem:v3+s12+$0x0], $0xffff  }
0x79: {  	v11 =	vor.u32 $0x4, v1;
	v4 =	vld.idx.msk [tilespmem:v45+s14+$0x0], $0xffff  }
0x7a: {  	v12 =	vor.u32 $0x4, v2;
	v5 =	vld.idx.msk [tilespmem:v46+s12+$0x0], $0xffff  }
0x7b: {  	v13 =	vor.u32 $0x5, v1;
	v7 =	vld.idx.msk [tilespmem:v7+s14+$0x0], $0xffff  }
0x7c: {  	v14 =	vor.u32 $0x5, v2;
	v9 =	vld.idx.msk [tilespmem:v9+s12+$0x0], $0xffff;
	v6 =	vmul.f32 v8, v47  }
0x7d: {  	v49 =	vor.u32 $0x6, v1;
	v48 =	vld.idx.msk [tilespmem:v10+s14+$0x0], $0xffff  }
0x7e: {  	v15 =	vor.u32 $0x6, v2;
	v11 =	vld.idx.msk [tilespmem:v11+s12+$0x0], $0xffff;
	v3 =	vmul.f32 v4, v3;
	v6 =	vadd.f32 $0.0e+00, v6  }
0x7f: {  	v51 =	vor.u32 $0x7, v1;
	v50 =	vld.idx.msk [tilespmem:v12+s14+$0x0], $0xffff  }
0x80: {  	v16 =	vor.u32 $0x7, v2;
	v13 =	vld.idx.msk [tilespmem:v13+s12+$0x0], $0xffff;
	v5 =	vmul.f32 v7, v5;
	v3 =	vadd.f32 v3, v6  }
0x81: {  	v54 =	vor.u32 $0x8, v2;
	v52 =	vld.idx.msk [tilespmem:v14+s14+$0x0], $0xffff  }
0x82: {  	v53 =	vor.u32 $0x8, v1;
	v10 =	vld.idx.msk [tilespmem:v49+s12+$0x0], $0xffff;
	v55 =	vmul.f32 v48, v9;
	v3 =	vadd.f32 v5, v3  }
0x83: {  	v58 =	vor.u32 $0x9, v2;
	v56 =	vld.idx.msk [tilespmem:v15+s14+$0x0], $0xffff  }
0x84: {  	v57 =	vor.u32 $0x9, v1;
	v12 =	vld.idx.msk [tilespmem:v51+s12+$0x0], $0xffff;
	v4 =	vmul.f32 v50, v11;
	v3 =	vadd.f32 v55, v3  }
0x85: {  	v61 =	vor.u32 $0xA, v2;
	v59 =	vld.idx.msk [tilespmem:v16+s14+$0x0], $0xffff  }
0x86: {  	v60 =	vor.u32 $0xA, v1;
	v63 =	vld.idx.msk [tilespmem:v54+s14+$0x0], $0xffff;
	v62 =	vmul.f32 v52, v13;
	v3 =	vadd.f32 v4, v3  }
0x87: {  	v20 =	vor.u32 $0xB, v2;
	v7 =	vld.idx.msk [tilespmem:v53+s12+$0x0], $0xffff  }
0x88: {  	v19 =	vor.u32 $0xB, v1;
	v22 =	vld.idx.msk [tilespmem:v58+s14+$0x0], $0xffff;
	v21 =	vmul.f32 v56, v10;
	v3 =	vadd.f32 v62, v3  }
0x89: {  	v24 =	vor.u32 $0xC, v2;
	v9 =	vld.idx.msk [tilespmem:v57+s12+$0x0], $0xffff  }
0x8a: {  	v23 =	vor.u32 $0xC, v1;
	v26 =	vld.idx.msk [tilespmem:v61+s14+$0x0], $0xffff;
	v25 =	vmul.f32 v59, v12;
	v3 =	vadd.f32 v21, v3  }
0x8b: {  	v28 =	vor.u32 $0xD, v2;
	v11 =	vld.idx.msk [tilespmem:v60+s12+$0x0], $0xffff  }
0x8c: {  	v27 =	vor.u32 $0xD, v1;
	v30 =	vld.idx.msk [tilespmem:v20+s14+$0x0], $0xffff;
	v29 =	vmul.f32 v63, v7;
	v3 =	vadd.f32 v25, v3  }
0x8d: {  	v32 =	vor.u32 $0xE, v2;
	v13 =	vld.idx.msk [tilespmem:v19+s12+$0x0], $0xffff  }
0x8e: {  	v31 =	vor.u32 $0xE, v1;
	v34 =	vld.idx.msk [tilespmem:v24+s14+$0x0], $0xffff;
	v33 =	vmul.f32 v22, v9;
	v3 =	vadd.f32 v29, v3  }
0x8f: {  	v36 =	vor.u32 $0xF, v2;
	v10 =	vld.idx.msk [tilespmem:v23+s12+$0x0], $0xffff  }
0x90: {  	v35 =	vor.u32 $0xF, v1;
	v38 =	vld.idx.msk [tilespmem:v28+s14+$0x0], $0xffff;
	v37 =	vmul.f32 v26, v11;
	v3 =	vadd.f32 v33, v3  }
0x91: {  	v40 =	vor.u32 $0x10, v2;
	v12 =	vld.idx.msk [tilespmem:v27+s12+$0x0], $0xffff  }
0x92: {  	v39 =	vor.u32 $0x10, v1;
	v42 =	vld.idx.msk [tilespmem:v32+s14+$0x0], $0xffff;
	v41 =	vmul.f32 v30, v13;
	v3 =	vadd.f32 v37, v3  }
0x93: {  	v44 =	vor.u32 $0x11, v2;
	v7 =	vld.idx.msk [tilespmem:v31+s12+$0x0], $0xffff  }
0x94: {  	v43 =	vor.u32 $0x11, v1;
	v46 =	vld.idx.msk [tilespmem:v36+s14+$0x0], $0xffff;
	v45 =	vmul.f32 v34, v10;
	v3 =	vadd.f32 v41, v3  }
0x95: {  	v47 =	vor.u32 $0x12, v1;
	v9 =	vld.idx.msk [tilespmem:v35+s12+$0x0], $0xffff  }
0x96: {  	v48 =	vor.u32 $0x12, v2;
	v50 =	vld.idx.msk [tilespmem:v40+s14+$0x0], $0xffff;
	v49 =	vmul.f32 v38, v12;
	v3 =	vadd.f32 v45, v3  }
0x97: {  	v51 =	vor.u32 $0x13, v1;
	v11 =	vld.idx.msk [tilespmem:v39+s12+$0x0], $0xffff  }
0x98: {  	v54 =	vld.idx.msk [tilespmem:v44+s14+$0x0], $0xffff;
	v52 =	vor.u32 $0x13, v2;
	v53 =	vmul.f32 v42, v7;
	v3 =	vadd.f32 v49, v3  }
0x99: {  	v56 =	vor.u32 $0x14, v2;
	v13 =	vld.idx.msk [tilespmem:v43+s12+$0x0], $0xffff  }
0x9a: {  	v10 =	vld.idx.msk [tilespmem:v47+s12+$0x0], $0xffff;
	v55 =	vor.u32 $0x14, v1;
	v57 =	vmul.f32 v46, v9;
	v3 =	vadd.f32 v53, v3  }
0x9b: {  	v60 =	vor.u32 $0x15, v2;
	v58 =	vld.idx.msk [tilespmem:v48+s14+$0x0], $0xffff  }
0x9c: {  	v59 =	vor.u32 $0x15, v1;
	v12 =	vld.idx.msk [tilespmem:v51+s12+$0x0], $0xffff;
	v61 =	vmul.f32 v50, v11;
	v3 =	vadd.f32 v57, v3  }
0x9d: {  	v20 =	vor.u32 $0x16, v2;
	v62 =	vld.idx.msk [tilespmem:v52+s14+$0x0], $0xffff  }
0x9e: {  	v63 =	vor.u32 $0x16, v1;
	v22 =	vld.idx.msk [tilespmem:v56+s14+$0x0], $0xffff;
	v21 =	vmul.f32 v54, v13;
	v3 =	vadd.f32 v61, v3  }
0x9f: {  	v24 =	vor.u32 $0x17, v2;
	v7 =	vld.idx.msk [tilespmem:v55+s12+$0x0], $0xffff  }
0xa0: {  	v23 =	vor.u32 $0x17, v1;
	v26 =	vld.idx.msk [tilespmem:v60+s14+$0x0], $0xffff;
	v25 =	vmul.f32 v58, v10;
	v3 =	vadd.f32 v21, v3  }
0xa1: {  	v28 =	vor.u32 $0x18, v2;
	v9 =	vld.idx.msk [tilespmem:v59+s12+$0x0], $0xffff  }
0xa2: {  	v27 =	vor.u32 $0x18, v1;
	v30 =	vld.idx.msk [tilespmem:v20+s14+$0x0], $0xffff;
	v29 =	vmul.f32 v62, v12;
	v3 =	vadd.f32 v25, v3  }
0xa3: {  	v32 =	vor.u32 $0x19, v2;
	v11 =	vld.idx.msk [tilespmem:v63+s12+$0x0], $0xffff  }
0xa4: {  	v31 =	vor.u32 $0x19, v1;
	v34 =	vld.idx.msk [tilespmem:v24+s14+$0x0], $0xffff;
	v33 =	vmul.f32 v22, v7;
	v3 =	vadd.f32 v29, v3  }
0xa5: {  	v36 =	vor.u32 $0x1A, v2;
	v13 =	vld.idx.msk [tilespmem:v23+s12+$0x0], $0xffff  }
0xa6: {  	v35 =	vor.u32 $0x1A, v1;
	v38 =	vld.idx.msk [tilespmem:v28+s14+$0x0], $0xffff;
	v37 =	vmul.f32 v26, v9;
	v3 =	vadd.f32 v33, v3  }
0xa7: {  	v40 =	vor.u32 $0x1B, v2;
	v10 =	vld.idx.msk [tilespmem:v27+s12+$0x0], $0xffff  }
0xa8: {  	v39 =	vor.u32 $0x1B, v1;
	v42 =	vld.idx.msk [tilespmem:v32+s14+$0x0], $0xffff;
	v41 =	vmul.f32 v30, v11;
	v3 =	vadd.f32 v37, v3  }
0xa9: {  	v44 =	vor.u32 $0x1C, v2;
	v12 =	vld.idx.msk [tilespmem:v31+s12+$0x0], $0xffff  }
0xaa: {  	v43 =	vor.u32 $0x1C, v1;
	v46 =	vld.idx.msk [tilespmem:v36+s14+$0x0], $0xffff;
	v45 =	vmul.f32 v34, v13;
	v3 =	vadd.f32 v41, v3  }
0xab: {  	v47 =	vor.u32 $0x1D, v1;
	v7 =	vld.idx.msk [tilespmem:v35+s12+$0x0], $0xffff  }
0xac: {  	v48 =	vor.u32 $0x1D, v2;
	v50 =	vld.idx.msk [tilespmem:v40+s14+$0x0], $0xffff;
	v49 =	vmul.f32 v38, v10;
	v3 =	vadd.f32 v45, v3  }
0xad: {  	v51 =	vor.u32 $0x1E, v1;
	v9 =	vld.idx.msk [tilespmem:v39+s12+$0x0], $0xffff  }
0xae: {  	v52 =	vor.u32 $0x1E, v2;
	v54 =	vld.idx.msk [tilespmem:v44+s14+$0x0], $0xffff;
	v53 =	vmul.f32 v42, v12;
	v3 =	vadd.f32 v49, v3  }
0xaf: {  	v1 =	vor.u32 $0x1F, v1;
	v11 =	vld.idx.msk [tilespmem:v43+s12+$0x0], $0xffff  }
0xb0: {  	v2 =	vor.u32 $0x1F, v2;
	v55 =	vld.idx.msk [tilespmem:v47+s12+$0x0], $0xffff;
	v56 =	vmul.f32 v46, v7;
	v3 =	vadd.f32 v53, v3  }
0xb1: {  	v57 =	vld.idx.msk [tilespmem:v48+s14+$0x0], $0xffff  }
0xb2: {  	v58 =	vld.idx.msk [tilespmem:v51+s12+$0x0], $0xffff;
	v59 =	vmul.f32 v50, v9;
	v3 =	vadd.f32 v56, v3  }
0xb3: {  	v60 =	vld.idx.msk [tilespmem:v52+s14+$0x0], $0xffff  }
0xb4: {  	v1 =	vld.idx.msk [tilespmem:v1+s12+$0x0], $0xffff;
	v61 =	vmul.f32 v54, v11;
	v3 =	vadd.f32 v59, v3  }
0xb5: {  	v2 =	vld.idx.msk [tilespmem:v2+s14+$0x0], $0xffff  }
0xb6: {  	v62 =	vmul.f32 v57, v55;
	v3 =	vadd.f32 v61, v3;
	_ =	sdelay $0x1  }
0xb7: {  	v63 =	vmul.f32 v60, v58;
	v3 =	vadd.f32 v62, v3;
	_ =	sdelay $0x1  }
0xb8: {  	v1 =	vmul.f32 v2, v1;
	v3 =	vadd.f32 v63, v3;
	_ =	sdelay $0x1  }
0xb9: {  	v1 =	vadd.f32 v1, v3;
	_ =	sdelay $0x1  }
0xba: {  	s29 =	simm.s32 $0x10;
	[tilespmem:s25+$0x0] =	vst v1  }
0xbb: {  	s30 =	simm.s32 $0x210;
	v1 =	vld [tilespmem:s29+$0x0]  }
0xbc: {  	s31 =	simm.s32 $0x20;
	s28 =	simm.s32 $0x10800;
	s0 =	simm.s32 $0x10;
	v2 =	vld [tilespmem:s30+$0x0]  }
.LBB2_2:
0xbd: {  	p0 =	sne.s32 s31, $0x70;
	_ =	sdelay $0x1  }
0xbe: {  	v3 =	vmov s29;
	s29 =	smov.u32 s31  }
0xbf: {  	v3 =	vshll.u32 v3, $0x7;
	v1 =	vshrl.u32 v1, $0xA  }
0xc0: {  	v3 =	vor.u32 v0, v3;
	v2 =	vshrl.u32 v2, $0xD;
	v4 =	vand.u32 $0x3FFF80, v1  }
0xc1: {  	v1 =	vand.u32 $0x60, v1;
	v4 =	vadd.s32 v3, v4;
	v5 =	vand.u32 $0x7FF80, v2  }
0xc2: {  	v2 =	vand.u32 $0x60, v2;
	v1 =	vor.u32 v1, v4;
	v3 =	vadd.s32 v3, v5  }
0xc3: {  	v2 =	vor.u32 v2, v3  }
0xc4: {  	v3 =	vor.u32 $0x1, v1  }
0xc5: {  	v4 =	vor.u32 $0x1, v2  }
0xc6: {  	v5 =	vor.u32 $0x2, v1  }
0xc7: {  	v7 =	vor.u32 $0x2, v2;
	v6 =	vld.idx.msk [tilespmem:v1+s12+$0x0], $0xffff  }
0xc8: {  	v9 =	vor.u32 $0x3, v1;
	v8 =	vld.idx.msk [tilespmem:v2+s14+$0x0], $0xffff  }
0xc9: {  	v10 =	vor.u32 $0x3, v2;
	v3 =	vld.idx.msk [tilespmem:v3+s12+$0x0], $0xffff  }
0xca: {  	v11 =	vor.u32 $0x4, v1;
	v4 =	vld.idx.msk [tilespmem:v4+s14+$0x0], $0xffff  }
0xcb: {  	v12 =	vor.u32 $0x4, v2;
	v5 =	vld.idx.msk [tilespmem:v5+s12+$0x0], $0xffff  }
0xcc: {  	v13 =	vor.u32 $0x5, v1;
	v7 =	vld.idx.msk [tilespmem:v7+s14+$0x0], $0xffff  }
0xcd: {  	v14 =	vor.u32 $0x5, v2;
	v9 =	vld.idx.msk [tilespmem:v9+s12+$0x0], $0xffff  }
0xce: {  	v6 =	vmul.f32 v8, v6;
	v8 =	vld.idx.msk [tilespmem:v10+s14+$0x0], $0xffff;
	v10 =	vor.u32 $0x6, v1  }
0xcf: {  	v15 =	vor.u32 $0x6, v2;
	v11 =	vld.idx.msk [tilespmem:v11+s12+$0x0], $0xffff  }
0xd0: {  	v6 =	vadd.f32 $0.0e+00, v6;
	v3 =	vmul.f32 v4, v3;
	v4 =	vld.idx.msk [tilespmem:v12+s14+$0x0], $0xffff;
	v12 =	vor.u32 $0x7, v1  }
0xd1: {  	v16 =	vor.u32 $0x7, v2;
	v13 =	vld.idx.msk [tilespmem:v13+s12+$0x0], $0xffff  }
0xd2: {  	v3 =	vadd.f32 v3, v6;
	v5 =	vmul.f32 v7, v5;
	v7 =	vor.u32 $0x8, v1;
	v6 =	vld.idx.msk [tilespmem:v14+s14+$0x0], $0xffff  }
0xd3: {  	v14 =	vor.u32 $0x8, v2;
	v10 =	vld.idx.msk [tilespmem:v10+s12+$0x0], $0xffff  }
0xd4: {  	v3 =	vadd.f32 v5, v3;
	v5 =	vmul.f32 v8, v9;
	v9 =	vor.u32 $0x9, v1;
	v8 =	vld.idx.msk [tilespmem:v15+s14+$0x0], $0xffff  }
0xd5: {  	v15 =	vor.u32 $0x9, v2;
	v12 =	vld.idx.msk [tilespmem:v12+s12+$0x0], $0xffff  }
0xd6: {  	v3 =	vadd.f32 v5, v3;
	v4 =	vmul.f32 v4, v11;
	v11 =	vor.u32 $0xA, v1;
	v5 =	vld.idx.msk [tilespmem:v16+s14+$0x0], $0xffff  }
0xd7: {  	v16 =	vor.u32 $0xA, v2;
	v7 =	vld.idx.msk [tilespmem:v7+s12+$0x0], $0xffff  }
0xd8: {  	v3 =	vadd.f32 v4, v3;
	v4 =	vmul.f32 v6, v13;
	v13 =	vor.u32 $0xB, v1;
	v6 =	vld.idx.msk [tilespmem:v14+s14+$0x0], $0xffff  }
0xd9: {  	v14 =	vor.u32 $0xB, v2;
	v9 =	vld.idx.msk [tilespmem:v9+s12+$0x0], $0xffff  }
0xda: {  	v3 =	vadd.f32 v4, v3;
	v4 =	vmul.f32 v8, v10;
	v10 =	vor.u32 $0xC, v1;
	v8 =	vld.idx.msk [tilespmem:v15+s14+$0x0], $0xffff  }
0xdb: {  	v15 =	vor.u32 $0xC, v2;
	v11 =	vld.idx.msk [tilespmem:v11+s12+$0x0], $0xffff  }
0xdc: {  	v3 =	vadd.f32 v4, v3;
	v4 =	vmul.f32 v5, v12;
	v12 =	vor.u32 $0xD, v1;
	v5 =	vld.idx.msk [tilespmem:v16+s14+$0x0], $0xffff  }
0xdd: {  	v16 =	vor.u32 $0xD, v2;
	v13 =	vld.idx.msk [tilespmem:v13+s12+$0x0], $0xffff  }
0xde: {  	v3 =	vadd.f32 v4, v3;
	v4 =	vmul.f32 v6, v7;
	v7 =	vor.u32 $0xE, v1;
	v6 =	vld.idx.msk [tilespmem:v14+s14+$0x0], $0xffff  }
0xdf: {  	v14 =	vor.u32 $0xE, v2;
	v10 =	vld.idx.msk [tilespmem:v10+s12+$0x0], $0xffff  }
0xe0: {  	v3 =	vadd.f32 v4, v3;
	v4 =	vmul.f32 v8, v9;
	v9 =	vor.u32 $0xF, v1;
	v8 =	vld.idx.msk [tilespmem:v15+s14+$0x0], $0xffff  }
0xe1: {  	v15 =	vor.u32 $0xF, v2;
	v12 =	vld.idx.msk [tilespmem:v12+s12+$0x0], $0xffff  }
0xe2: {  	v3 =	vadd.f32 v4, v3;
	v4 =	vmul.f32 v5, v11;
	v11 =	vor.u32 $0x10, v1;
	v5 =	vld.idx.msk [tilespmem:v16+s14+$0x0], $0xffff  }
0xe3: {  	v16 =	vor.u32 $0x10, v2;
	v7 =	vld.idx.msk [tilespmem:v7+s12+$0x0], $0xffff  }
0xe4: {  	v3 =	vadd.f32 v4, v3;
	v4 =	vmul.f32 v6, v13;
	v13 =	vor.u32 $0x11, v1;
	v6 =	vld.idx.msk [tilespmem:v14+s14+$0x0], $0xffff  }
0xe5: {  	v14 =	vor.u32 $0x11, v2;
	v9 =	vld.idx.msk [tilespmem:v9+s12+$0x0], $0xffff  }
0xe6: {  	v3 =	vadd.f32 v4, v3;
	v4 =	vmul.f32 v8, v10;
	v10 =	vor.u32 $0x12, v1;
	v8 =	vld.idx.msk [tilespmem:v15+s14+$0x0], $0xffff  }
0xe7: {  	v15 =	vor.u32 $0x12, v2;
	v11 =	vld.idx.msk [tilespmem:v11+s12+$0x0], $0xffff  }
0xe8: {  	v3 =	vadd.f32 v4, v3;
	v4 =	vmul.f32 v5, v12;
	v12 =	vor.u32 $0x13, v1;
	v5 =	vld.idx.msk [tilespmem:v16+s14+$0x0], $0xffff  }
0xe9: {  	v16 =	vor.u32 $0x13, v2;
	v13 =	vld.idx.msk [tilespmem:v13+s12+$0x0], $0xffff  }
0xea: {  	v3 =	vadd.f32 v4, v3;
	v4 =	vmul.f32 v6, v7;
	v7 =	vor.u32 $0x14, v1;
	v6 =	vld.idx.msk [tilespmem:v14+s14+$0x0], $0xffff  }
0xeb: {  	v14 =	vor.u32 $0x14, v2;
	v10 =	vld.idx.msk [tilespmem:v10+s12+$0x0], $0xffff  }
0xec: {  	v3 =	vadd.f32 v4, v3;
	v4 =	vmul.f32 v8, v9;
	v9 =	vor.u32 $0x15, v1;
	v8 =	vld.idx.msk [tilespmem:v15+s14+$0x0], $0xffff  }
0xed: {  	v15 =	vor.u32 $0x15, v2;
	v12 =	vld.idx.msk [tilespmem:v12+s12+$0x0], $0xffff  }
0xee: {  	v3 =	vadd.f32 v4, v3;
	v4 =	vmul.f32 v5, v11;
	v11 =	vor.u32 $0x16, v1;
	v5 =	vld.idx.msk [tilespmem:v16+s14+$0x0], $0xffff  }
0xef: {  	v16 =	vor.u32 $0x16, v2;
	v7 =	vld.idx.msk [tilespmem:v7+s12+$0x0], $0xffff  }
0xf0: {  	v3 =	vadd.f32 v4, v3;
	v4 =	vmul.f32 v6, v13;
	v13 =	vor.u32 $0x17, v1;
	v6 =	vld.idx.msk [tilespmem:v14+s14+$0x0], $0xffff  }
0xf1: {  	v14 =	vor.u32 $0x17, v2;
	v9 =	vld.idx.msk [tilespmem:v9+s12+$0x0], $0xffff  }
0xf2: {  	v3 =	vadd.f32 v4, v3;
	v4 =	vmul.f32 v8, v10;
	v10 =	vor.u32 $0x18, v1;
	v8 =	vld.idx.msk [tilespmem:v15+s14+$0x0], $0xffff  }
0xf3: {  	v15 =	vor.u32 $0x18, v2;
	v11 =	vld.idx.msk [tilespmem:v11+s12+$0x0], $0xffff  }
0xf4: {  	v3 =	vadd.f32 v4, v3;
	v4 =	vmul.f32 v5, v12;
	v12 =	vor.u32 $0x19, v1;
	v5 =	vld.idx.msk [tilespmem:v16+s14+$0x0], $0xffff  }
0xf5: {  	v16 =	vor.u32 $0x19, v2;
	v13 =	vld.idx.msk [tilespmem:v13+s12+$0x0], $0xffff  }
0xf6: {  	v3 =	vadd.f32 v4, v3;
	v4 =	vmul.f32 v6, v7;
	v7 =	vor.u32 $0x1A, v1;
	v6 =	vld.idx.msk [tilespmem:v14+s14+$0x0], $0xffff  }
0xf7: {  	v14 =	vor.u32 $0x1A, v2;
	v10 =	vld.idx.msk [tilespmem:v10+s12+$0x0], $0xffff  }
0xf8: {  	v3 =	vadd.f32 v4, v3;
	v4 =	vmul.f32 v8, v9;
	v9 =	vor.u32 $0x1B, v1;
	v8 =	vld.idx.msk [tilespmem:v15+s14+$0x0], $0xffff  }
0xf9: {  	v15 =	vor.u32 $0x1B, v2;
	v12 =	vld.idx.msk [tilespmem:v12+s12+$0x0], $0xffff  }
0xfa: {  	v3 =	vadd.f32 v4, v3;
	v4 =	vmul.f32 v5, v11;
	v11 =	vor.u32 $0x1C, v1;
	v5 =	vld.idx.msk [tilespmem:v16+s14+$0x0], $0xffff  }
0xfb: {  	v16 =	vor.u32 $0x1C, v2;
	v7 =	vld.idx.msk [tilespmem:v7+s12+$0x0], $0xffff  }
0xfc: {  	v3 =	vadd.f32 v4, v3;
	v4 =	vmul.f32 v6, v13;
	v13 =	vor.u32 $0x1D, v1;
	v6 =	vld.idx.msk [tilespmem:v14+s14+$0x0], $0xffff  }
0xfd: {  	v14 =	vor.u32 $0x1D, v2;
	v9 =	vld.idx.msk [tilespmem:v9+s12+$0x0], $0xffff  }
0xfe: {  	v3 =	vadd.f32 v4, v3;
	v4 =	vmul.f32 v8, v10;
	v10 =	vor.u32 $0x1E, v1;
	v8 =	vld.idx.msk [tilespmem:v15+s14+$0x0], $0xffff  }
0xff: {  	v15 =	vor.u32 $0x1E, v2;
	v11 =	vld.idx.msk [tilespmem:v11+s12+$0x0], $0xffff  }
0x100: {  	v1 =	vor.u32 $0x1F, v1;
	v3 =	vadd.f32 v4, v3;
	v4 =	vmul.f32 v5, v12;
	v5 =	vld.idx.msk [tilespmem:v16+s14+$0x0], $0xffff  }
0x101: {  	v2 =	vor.u32 $0x1F, v2;
	v12 =	vld.idx.msk [tilespmem:v13+s12+$0x0], $0xffff  }
0x102: {  	v3 =	vadd.f32 v4, v3;
	v4 =	vmul.f32 v6, v7;
	v6 =	vld.idx.msk [tilespmem:v14+s14+$0x0], $0xffff  }
0x103: {  	v7 =	vld.idx.msk [tilespmem:v10+s12+$0x0], $0xffff  }
0x104: {  	v3 =	vadd.f32 v4, v3;
	v4 =	vmul.f32 v8, v9;
	v8 =	vld.idx.msk [tilespmem:v15+s14+$0x0], $0xffff  }
0x105: {  	v1 =	vld.idx.msk [tilespmem:v1+s12+$0x0], $0xffff  }
0x106: {  	v3 =	vadd.f32 v4, v3;
	v4 =	vmul.f32 v5, v11;
	v2 =	vld.idx.msk [tilespmem:v2+s14+$0x0], $0xffff;
	_ =	sdelay $0x1  }
0x107: {  	v3 =	vadd.f32 v4, v3;
	v4 =	vmul.f32 v6, v12;
	_ =	sdelay $0x1  }
0x108: {  	v3 =	vadd.f32 v4, v3;
	v4 =	vmul.f32 v8, v7;
	_ =	sdelay $0x1  }
0x109: {  	v3 =	vadd.f32 v4, v3;
	v1 =	vmul.f32 v2, v1;
	_ =	sdelay $0x1  }
.Ltmp0:
0x10a: {  	v1 =	vadd.f32 v1, v3;
	(pc) =	sbr.rel @p0 .LBB2_2-.Ltmp0, $4  }
0x10b: {  	s28 =	sadd.s32 $0x10, s28  }
0x10c: {  	s0 =	sadd.s32 $0x10, s0;
	[tilespmem:s28+$0x0] =	vst v1  }
0x10d: {  	s30 =	sadd.s32 $0x10, s30;
	v1 =	vld [tilespmem:s0+$0x0]  }
0x10e: {  	s31 =	sadd.s32 $0x10, s31;
	v2 =	vld [tilespmem:s30+$0x0]  }
0x10f: {  	_ =	sdelay $0x1  }
0x110: {  	v3 =	vmov s29  }
0x111: {  	v3 =	vshll.u32 v3, $0x7;
	v1 =	vshrl.u32 v1, $0xA  }
0x112: {  	v3 =	vor.u32 v0, v3;
	v2 =	vshrl.u32 v2, $0xD;
	v4 =	vand.u32 $0x3FFF80, v1  }
0x113: {  	v1 =	vand.u32 $0x60, v1;
	v4 =	vadd.s32 v3, v4;
	v5 =	vand.u32 $0x7FF80, v2  }
0x114: {  	v2 =	vand.u32 $0x60, v2;
	v1 =	vor.u32 v1, v4;
	v3 =	vadd.s32 v3, v5  }
0x115: {  	v2 =	vor.u32 v2, v3  }
0x116: {  	v3 =	vor.u32 $0x1, v1  }
0x117: {  	v60 =	vor.u32 $0x1, v2  }
0x118: {  	v61 =	vor.u32 $0x2, v1  }
0x119: {  	v7 =	vor.u32 $0x2, v2;
	v6 =	vld.idx.msk [tilespmem:v1+s12+$0x0], $0xffff  }
0x11a: {  	v9 =	vor.u32 $0x3, v1;
	v8 =	vld.idx.msk [tilespmem:v2+s14+$0x0], $0xffff  }
0x11b: {  	v10 =	vor.u32 $0x3, v2;
	v3 =	vld.idx.msk [tilespmem:v3+s12+$0x0], $0xffff  }
0x11c: {  	v11 =	vor.u32 $0x4, v1;
	v4 =	vld.idx.msk [tilespmem:v60+s14+$0x0], $0xffff  }
0x11d: {  	v12 =	vor.u32 $0x4, v2;
	v5 =	vld.idx.msk [tilespmem:v61+s12+$0x0], $0xffff  }
0x11e: {  	v13 =	vor.u32 $0x5, v1;
	v7 =	vld.idx.msk [tilespmem:v7+s14+$0x0], $0xffff  }
0x11f: {  	v14 =	vor.u32 $0x5, v2;
	v9 =	vld.idx.msk [tilespmem:v9+s12+$0x0], $0xffff;
	v6 =	vmul.f32 v8, v6  }
0x120: {  	v63 =	vor.u32 $0x6, v1;
	v62 =	vld.idx.msk [tilespmem:v10+s14+$0x0], $0xffff  }
0x121: {  	v15 =	vor.u32 $0x6, v2;
	v11 =	vld.idx.msk [tilespmem:v11+s12+$0x0], $0xffff;
	v3 =	vmul.f32 v4, v3;
	v6 =	vadd.f32 $0.0e+00, v6  }
0x122: {  	v21 =	vor.u32 $0x7, v1;
	v20 =	vld.idx.msk [tilespmem:v12+s14+$0x0], $0xffff  }
0x123: {  	v16 =	vor.u32 $0x7, v2;
	v13 =	vld.idx.msk [tilespmem:v13+s12+$0x0], $0xffff;
	v5 =	vmul.f32 v7, v5;
	v3 =	vadd.f32 v3, v6  }
0x124: {  	v24 =	vor.u32 $0x8, v2;
	v22 =	vld.idx.msk [tilespmem:v14+s14+$0x0], $0xffff  }
0x125: {  	v23 =	vor.u32 $0x8, v1;
	v10 =	vld.idx.msk [tilespmem:v63+s12+$0x0], $0xffff;
	v25 =	vmul.f32 v62, v9;
	v3 =	vadd.f32 v5, v3  }
0x126: {  	v28 =	vor.u32 $0x9, v2;
	v26 =	vld.idx.msk [tilespmem:v15+s14+$0x0], $0xffff  }
0x127: {  	v27 =	vor.u32 $0x9, v1;
	v12 =	vld.idx.msk [tilespmem:v21+s12+$0x0], $0xffff;
	v4 =	vmul.f32 v20, v11;
	v3 =	vadd.f32 v25, v3  }
0x128: {  	v31 =	vor.u32 $0xA, v2;
	v29 =	vld.idx.msk [tilespmem:v16+s14+$0x0], $0xffff  }
0x129: {  	v30 =	vor.u32 $0xA, v1;
	v33 =	vld.idx.msk [tilespmem:v24+s14+$0x0], $0xffff;
	v32 =	vmul.f32 v22, v13;
	v3 =	vadd.f32 v4, v3  }
0x12a: {  	v35 =	vor.u32 $0xB, v2;
	v7 =	vld.idx.msk [tilespmem:v23+s12+$0x0], $0xffff  }
0x12b: {  	v34 =	vor.u32 $0xB, v1;
	v37 =	vld.idx.msk [tilespmem:v28+s14+$0x0], $0xffff;
	v36 =	vmul.f32 v26, v10;
	v3 =	vadd.f32 v32, v3  }
0x12c: {  	v39 =	vor.u32 $0xC, v2;
	v9 =	vld.idx.msk [tilespmem:v27+s12+$0x0], $0xffff  }
0x12d: {  	v38 =	vor.u32 $0xC, v1;
	v41 =	vld.idx.msk [tilespmem:v31+s14+$0x0], $0xffff;
	v40 =	vmul.f32 v29, v12;
	v3 =	vadd.f32 v36, v3  }
0x12e: {  	v43 =	vor.u32 $0xD, v2;
	v11 =	vld.idx.msk [tilespmem:v30+s12+$0x0], $0xffff  }
0x12f: {  	v42 =	vor.u32 $0xD, v1;
	v45 =	vld.idx.msk [tilespmem:v35+s14+$0x0], $0xffff;
	v44 =	vmul.f32 v33, v7;
	v3 =	vadd.f32 v40, v3  }
0x130: {  	v47 =	vor.u32 $0xE, v2;
	v13 =	vld.idx.msk [tilespmem:v34+s12+$0x0], $0xffff  }
0x131: {  	v46 =	vor.u32 $0xE, v1;
	v49 =	vld.idx.msk [tilespmem:v39+s14+$0x0], $0xffff;
	v48 =	vmul.f32 v37, v9;
	v3 =	vadd.f32 v44, v3  }
0x132: {  	v51 =	vor.u32 $0xF, v2;
	v10 =	vld.idx.msk [tilespmem:v38+s12+$0x0], $0xffff  }
0x133: {  	v50 =	vor.u32 $0xF, v1;
	v53 =	vld.idx.msk [tilespmem:v43+s14+$0x0], $0xffff;
	v52 =	vmul.f32 v41, v11;
	v3 =	vadd.f32 v48, v3  }
0x134: {  	v55 =	vor.u32 $0x10, v2;
	v12 =	vld.idx.msk [tilespmem:v42+s12+$0x0], $0xffff  }
0x135: {  	v54 =	vor.u32 $0x10, v1;
	v57 =	vld.idx.msk [tilespmem:v47+s14+$0x0], $0xffff;
	v56 =	vmul.f32 v45, v13;
	v3 =	vadd.f32 v52, v3  }
0x136: {  	v58 =	vor.u32 $0x11, v1;
	v7 =	vld.idx.msk [tilespmem:v46+s12+$0x0], $0xffff  }
0x137: {  	v59 =	vor.u32 $0x11, v2;
	v61 =	vld.idx.msk [tilespmem:v51+s14+$0x0], $0xffff;
	v60 =	vmul.f32 v49, v10;
	v3 =	vadd.f32 v56, v3  }
0x138: {  	v63 =	vor.u32 $0x12, v2;
	v9 =	vld.idx.msk [tilespmem:v50+s12+$0x0], $0xffff  }
0x139: {  	v21 =	vld.idx.msk [tilespmem:v55+s14+$0x0], $0xffff;
	v62 =	vor.u32 $0x12, v1;
	v20 =	vmul.f32 v53, v12;
	v3 =	vadd.f32 v60, v3  }
0x13a: {  	v22 =	vor.u32 $0x13, v1;
	v11 =	vld.idx.msk [tilespmem:v54+s12+$0x0], $0xffff  }
0x13b: {  	v23 =	vor.u32 $0x13, v2;
	v13 =	vld.idx.msk [tilespmem:v58+s12+$0x0], $0xffff;
	v24 =	vmul.f32 v57, v7;
	v3 =	vadd.f32 v20, v3  }
0x13c: {  	v27 =	vor.u32 $0x14, v2;
	v25 =	vld.idx.msk [tilespmem:v59+s14+$0x0], $0xffff  }
0x13d: {  	v26 =	vor.u32 $0x14, v1;
	v29 =	vld.idx.msk [tilespmem:v63+s14+$0x0], $0xffff;
	v28 =	vmul.f32 v61, v9;
	v3 =	vadd.f32 v24, v3  }
0x13e: {  	v31 =	vor.u32 $0x15, v2;
	v10 =	vld.idx.msk [tilespmem:v62+s12+$0x0], $0xffff  }
0x13f: {  	v30 =	vor.u32 $0x15, v1;
	v12 =	vld.idx.msk [tilespmem:v22+s12+$0x0], $0xffff;
	v32 =	vmul.f32 v21, v11;
	v3 =	vadd.f32 v28, v3  }
0x140: {  	v35 =	vor.u32 $0x16, v2;
	v33 =	vld.idx.msk [tilespmem:v23+s14+$0x0], $0xffff  }
0x141: {  	v34 =	vor.u32 $0x16, v1;
	v37 =	vld.idx.msk [tilespmem:v27+s14+$0x0], $0xffff;
	v36 =	vmul.f32 v25, v13;
	v3 =	vadd.f32 v32, v3  }
0x142: {  	v39 =	vor.u32 $0x17, v2;
	v7 =	vld.idx.msk [tilespmem:v26+s12+$0x0], $0xffff  }
0x143: {  	v38 =	vor.u32 $0x17, v1;
	v41 =	vld.idx.msk [tilespmem:v31+s14+$0x0], $0xffff;
	v40 =	vmul.f32 v29, v10;
	v3 =	vadd.f32 v36, v3  }
0x144: {  	v43 =	vor.u32 $0x18, v2;
	v9 =	vld.idx.msk [tilespmem:v30+s12+$0x0], $0xffff  }
0x145: {  	v42 =	vor.u32 $0x18, v1;
	v45 =	vld.idx.msk [tilespmem:v35+s14+$0x0], $0xffff;
	v44 =	vmul.f32 v33, v12;
	v3 =	vadd.f32 v40, v3  }
0x146: {  	v47 =	vor.u32 $0x19, v2;
	v11 =	vld.idx.msk [tilespmem:v34+s12+$0x0], $0xffff  }
0x147: {  	v46 =	vor.u32 $0x19, v1;
	v49 =	vld.idx.msk [tilespmem:v39+s14+$0x0], $0xffff;
	v48 =	vmul.f32 v37, v7;
	v3 =	vadd.f32 v44, v3  }
0x148: {  	v51 =	vor.u32 $0x1A, v2;
	v13 =	vld.idx.msk [tilespmem:v38+s12+$0x0], $0xffff  }
0x149: {  	v50 =	vor.u32 $0x1A, v1;
	v53 =	vld.idx.msk [tilespmem:v43+s14+$0x0], $0xffff;
	v52 =	vmul.f32 v41, v9;
	v3 =	vadd.f32 v48, v3  }
0x14a: {  	v55 =	vor.u32 $0x1B, v2;
	v10 =	vld.idx.msk [tilespmem:v42+s12+$0x0], $0xffff  }
0x14b: {  	v54 =	vor.u32 $0x1B, v1;
	v57 =	vld.idx.msk [tilespmem:v47+s14+$0x0], $0xffff;
	v56 =	vmul.f32 v45, v11;
	v3 =	vadd.f32 v52, v3  }
0x14c: {  	v59 =	vor.u32 $0x1C, v2;
	v12 =	vld.idx.msk [tilespmem:v46+s12+$0x0], $0xffff  }
0x14d: {  	v58 =	vor.u32 $0x1C, v1;
	v61 =	vld.idx.msk [tilespmem:v51+s14+$0x0], $0xffff;
	v60 =	vmul.f32 v49, v13;
	v3 =	vadd.f32 v56, v3  }
0x14e: {  	v63 =	vor.u32 $0x1D, v2;
	v7 =	vld.idx.msk [tilespmem:v50+s12+$0x0], $0xffff  }
0x14f: {  	v19 =	vld.idx.msk [tilespmem:v55+s14+$0x0], $0xffff;
	v62 =	vor.u32 $0x1D, v1;
	v18 =	vmul.f32 v53, v10;
	v3 =	vadd.f32 v60, v3  }
0x150: {  	v21 =	vor.u32 $0x1E, v2;
	v9 =	vld.idx.msk [tilespmem:v54+s12+$0x0], $0xffff  }
0x151: {  	v23 =	vld.idx.msk [tilespmem:v59+s14+$0x0], $0xffff;
	v22 =	vmul.f32 v57, v12;
	v20 =	vor.u32 $0x1E, v1;
	v3 =	vadd.f32 v18, v3  }
0x152: {  	v2 =	vor.u32 $0x1F, v2;
	v11 =	vld.idx.msk [tilespmem:v58+s12+$0x0], $0xffff  }
0x153: {  	v26 =	vld.idx.msk [tilespmem:v63+s14+$0x0], $0xffff;
	v25 =	vmul.f32 v61, v7;
	v1 =	vor.u32 $0x1F, v1;
	v3 =	vadd.f32 v22, v3  }
0x154: {  	v24 =	vld.idx.msk [tilespmem:v62+s12+$0x0], $0xffff  }
0x155: {  	v29 =	vld.idx.msk [tilespmem:v21+s14+$0x0], $0xffff;
	v28 =	vmul.f32 v19, v9;
	v3 =	vadd.f32 v25, v3  }
0x156: {  	v27 =	vld.idx.msk [tilespmem:v20+s12+$0x0], $0xffff  }
0x157: {  	v2 =	vld.idx.msk [tilespmem:v2+s14+$0x0], $0xffff;
	v30 =	vmul.f32 v23, v11;
	v3 =	vadd.f32 v28, v3  }
0x158: {  	v1 =	vld.idx.msk [tilespmem:v1+s12+$0x0], $0xffff  }
0x159: {  	v31 =	vmul.f32 v26, v24;
	v3 =	vadd.f32 v30, v3;
	_ =	sdelay $0x1  }
0x15a: {  	v32 =	vmul.f32 v29, v27;
	v3 =	vadd.f32 v31, v3;
	_ =	sdelay $0x1  }
0x15b: {  	v1 =	vmul.f32 v2, v1;
	v3 =	vadd.f32 v32, v3;
	_ =	sdelay $0x1  }
0x15c: {  	v1 =	vadd.f32 v1, v3  }
0x15d: {  	s0 =	sadd.s32 $0x10, s28  }
0x15e: {  	[tilespmem:s0+$0x0] =	vst v1  }
0x15f: {  	_ =	swait.ge [sflag:s15], $0x4000  }
0x160: {  	[sflag:s15] =	ssyncset.done $0x0  }
0x161: {  	[sflag:s15] =	ssyncadd.s32 $0xFFFFC000  }
0x162: {  	_ =	swait.ge [sflag:s16], $0x4000  }
0x163: {  	[sflag:s16] =	ssyncset.done $0x0  }
0x164: {  	s0 =	simm.s32 $0x80;
	[sflag:s16] =	ssyncadd.s32 $0xFFFFC000  }
0x165: {  	[tilespmem:s12], [sflag:$0x1] =	stream.indirect.gather [hbm4b:s3+s0], $0x80, s21, s0, $0xb8;
	[tilespmem:$0x10A00] =	vst v63  }
0x166: {  	_ = 	snop  }
0x167: {  	[tilespmem:s14], [sflag:$0x2] =	stream.indirect.gather [hbm4b:s4+s0], $0x80, s22, s0, $0xb8;
	[tilespmem:$0x10A00] =	vst v63  }
0x168: {  	s28 =	simm.s32 $0x280;
	v1 =	vld [tilespmem:s0+$0x0]  }
0x169: {  	v2 =	vld [tilespmem:s28+$0x0];
	_ =	sdelay $0x1  }
0x16a: {  	s0 =	simm.s32 $0x0  }
0x16b: {  	v3 =	vmov s0  }
0x16c: {  	v3 =	vshll.u32 v3, $0x7;
	v1 =	vshrl.u32 v1, $0xA  }
0x16d: {  	v3 =	vor.u32 v0, v3;
	v2 =	vshrl.u32 v2, $0xD;
	v33 =	vand.u32 $0x3FFF80, v1  }
0x16e: {  	v1 =	vand.u32 $0x60, v1;
	v34 =	vand.u32 $0x7FF80, v2;
	v4 =	vadd.s32 v3, v33  }
0x16f: {  	v2 =	vand.u32 $0x60, v2;
	v3 =	vadd.s32 v3, v34;
	v1 =	vor.u32 v1, v4  }
0x170: {  	v2 =	vor.u32 v2, v3  }
0x171: {  	v3 =	vor.u32 $0x1, v1  }
0x172: {  	v35 =	vor.u32 $0x1, v2  }
0x173: {  	v36 =	vor.u32 $0x2, v1  }
0x174: {  	v38 =	vor.u32 $0x2, v2;
	v37 =	vld.idx.msk [tilespmem:v1+s18+$0x0], $0xffff  }
0x175: {  	v40 =	vor.u32 $0x3, v1;
	v39 =	vld.idx.msk [tilespmem:v2+s20+$0x0], $0xffff  }
0x176: {  	v41 =	vor.u32 $0x3, v2;
	v3 =	vld.idx.msk [tilespmem:v3+s18+$0x0], $0xffff  }
0x177: {  	v42 =	vor.u32 $0x4, v1;
	v4 =	vld.idx.msk [tilespmem:v35+s20+$0x0], $0xffff  }
0x178: {  	v43 =	vor.u32 $0x4, v2;
	v5 =	vld.idx.msk [tilespmem:v36+s18+$0x0], $0xffff  }
0x179: {  	v44 =	vor.u32 $0x5, v1;
	v7 =	vld.idx.msk [tilespmem:v38+s20+$0x0], $0xffff  }
0x17a: {  	v45 =	vor.u32 $0x5, v2;
	v9 =	vld.idx.msk [tilespmem:v40+s18+$0x0], $0xffff;
	v6 =	vmul.f32 v39, v37  }
0x17b: {  	v47 =	vor.u32 $0x6, v1;
	v46 =	vld.idx.msk [tilespmem:v41+s20+$0x0], $0xffff  }
0x17c: {  	v48 =	vor.u32 $0x6, v2;
	v11 =	vld.idx.msk [tilespmem:v42+s18+$0x0], $0xffff;
	v3 =	vmul.f32 v4, v3;
	v6 =	vadd.f32 $0.0e+00, v6  }
0x17d: {  	v50 =	vor.u32 $0x7, v1;
	v49 =	vld.idx.msk [tilespmem:v43+s20+$0x0], $0xffff  }
0x17e: {  	v51 =	vor.u32 $0x7, v2;
	v13 =	vld.idx.msk [tilespmem:v44+s18+$0x0], $0xffff;
	v5 =	vmul.f32 v7, v5;
	v3 =	vadd.f32 v3, v6  }
0x17f: {  	v54 =	vor.u32 $0x8, v2;
	v52 =	vld.idx.msk [tilespmem:v45+s20+$0x0], $0xffff  }
0x180: {  	v53 =	vor.u32 $0x8, v1;
	v10 =	vld.idx.msk [tilespmem:v47+s18+$0x0], $0xffff;
	v55 =	vmul.f32 v46, v9;
	v3 =	vadd.f32 v5, v3  }
0x181: {  	v58 =	vor.u32 $0x9, v2;
	v56 =	vld.idx.msk [tilespmem:v48+s20+$0x0], $0xffff  }
0x182: {  	v57 =	vor.u32 $0x9, v1;
	v12 =	vld.idx.msk [tilespmem:v50+s18+$0x0], $0xffff;
	v4 =	vmul.f32 v49, v11;
	v3 =	vadd.f32 v55, v3  }
0x183: {  	v61 =	vor.u32 $0xA, v2;
	v59 =	vld.idx.msk [tilespmem:v51+s20+$0x0], $0xffff  }
0x184: {  	v60 =	vor.u32 $0xA, v1;
	v63 =	vld.idx.msk [tilespmem:v54+s20+$0x0], $0xffff;
	v62 =	vmul.f32 v52, v13;
	v3 =	vadd.f32 v4, v3  }
0x185: {  	v20 =	vor.u32 $0xB, v2;
	v7 =	vld.idx.msk [tilespmem:v53+s18+$0x0], $0xffff  }
0x186: {  	v19 =	vor.u32 $0xB, v1;
	v22 =	vld.idx.msk [tilespmem:v58+s20+$0x0], $0xffff;
	v21 =	vmul.f32 v56, v10;
	v3 =	vadd.f32 v62, v3  }
0x187: {  	v24 =	vor.u32 $0xC, v2;
	v9 =	vld.idx.msk [tilespmem:v57+s18+$0x0], $0xffff  }
0x188: {  	v23 =	vor.u32 $0xC, v1;
	v26 =	vld.idx.msk [tilespmem:v61+s20+$0x0], $0xffff;
	v25 =	vmul.f32 v59, v12;
	v3 =	vadd.f32 v21, v3  }
0x189: {  	v28 =	vor.u32 $0xD, v2;
	v11 =	vld.idx.msk [tilespmem:v60+s18+$0x0], $0xffff  }
0x18a: {  	v27 =	vor.u32 $0xD, v1;
	v30 =	vld.idx.msk [tilespmem:v20+s20+$0x0], $0xffff;
	v29 =	vmul.f32 v63, v7;
	v3 =	vadd.f32 v25, v3  }
0x18b: {  	v32 =	vor.u32 $0xE, v2;
	v13 =	vld.idx.msk [tilespmem:v19+s18+$0x0], $0xffff  }
0x18c: {  	v31 =	vor.u32 $0xE, v1;
	v34 =	vld.idx.msk [tilespmem:v24+s20+$0x0], $0xffff;
	v33 =	vmul.f32 v22, v9;
	v3 =	vadd.f32 v29, v3  }
0x18d: {  	v36 =	vor.u32 $0xF, v2;
	v10 =	vld.idx.msk [tilespmem:v23+s18+$0x0], $0xffff  }
0x18e: {  	v35 =	vor.u32 $0xF, v1;
	v38 =	vld.idx.msk [tilespmem:v28+s20+$0x0], $0xffff;
	v37 =	vmul.f32 v26, v11;
	v3 =	vadd.f32 v33, v3  }
0x18f: {  	v40 =	vor.u32 $0x10, v2;
	v12 =	vld.idx.msk [tilespmem:v27+s18+$0x0], $0xffff  }
0x190: {  	v42 =	vld.idx.msk [tilespmem:v32+s20+$0x0], $0xffff;
	v39 =	vor.u32 $0x10, v1;
	v41 =	vmul.f32 v30, v13;
	v3 =	vadd.f32 v37, v3  }
0x191: {  	v44 =	vor.u32 $0x11, v2;
	v7 =	vld.idx.msk [tilespmem:v31+s18+$0x0], $0xffff  }
0x192: {  	v43 =	vor.u32 $0x11, v1;
	v46 =	vld.idx.msk [tilespmem:v36+s20+$0x0], $0xffff;
	v45 =	vmul.f32 v34, v10;
	v3 =	vadd.f32 v41, v3  }
0x193: {  	v48 =	vor.u32 $0x12, v2;
	v9 =	vld.idx.msk [tilespmem:v35+s18+$0x0], $0xffff  }
0x194: {  	v47 =	vor.u32 $0x12, v1;
	v50 =	vld.idx.msk [tilespmem:v40+s20+$0x0], $0xffff;
	v49 =	vmul.f32 v38, v12;
	v3 =	vadd.f32 v45, v3  }
0x195: {  	v51 =	vor.u32 $0x13, v1;
	v11 =	vld.idx.msk [tilespmem:v39+s18+$0x0], $0xffff  }
0x196: {  	v52 =	vor.u32 $0x13, v2;
	v54 =	vld.idx.msk [tilespmem:v44+s20+$0x0], $0xffff;
	v53 =	vmul.f32 v42, v7;
	v3 =	vadd.f32 v49, v3  }
0x197: {  	v56 =	vor.u32 $0x14, v2;
	v13 =	vld.idx.msk [tilespmem:v43+s18+$0x0], $0xffff  }
0x198: {  	v58 =	vld.idx.msk [tilespmem:v48+s20+$0x0], $0xffff;
	v55 =	vor.u32 $0x14, v1;
	v57 =	vmul.f32 v46, v9;
	v3 =	vadd.f32 v53, v3  }
0x199: {  	v60 =	vor.u32 $0x15, v2;
	v10 =	vld.idx.msk [tilespmem:v47+s18+$0x0], $0xffff  }
0x19a: {  	v59 =	vor.u32 $0x15, v1;
	v12 =	vld.idx.msk [tilespmem:v51+s18+$0x0], $0xffff;
	v61 =	vmul.f32 v50, v11;
	v3 =	vadd.f32 v57, v3  }
0x19b: {  	v20 =	vor.u32 $0x16, v2;
	v62 =	vld.idx.msk [tilespmem:v52+s20+$0x0], $0xffff  }
0x19c: {  	v63 =	vor.u32 $0x16, v1;
	v22 =	vld.idx.msk [tilespmem:v56+s20+$0x0], $0xffff;
	v21 =	vmul.f32 v54, v13;
	v3 =	vadd.f32 v61, v3  }
0x19d: {  	v24 =	vor.u32 $0x17, v2;
	v7 =	vld.idx.msk [tilespmem:v55+s18+$0x0], $0xffff  }
0x19e: {  	v23 =	vor.u32 $0x17, v1;
	v26 =	vld.idx.msk [tilespmem:v60+s20+$0x0], $0xffff;
	v25 =	vmul.f32 v58, v10;
	v3 =	vadd.f32 v21, v3  }
0x19f: {  	v28 =	vor.u32 $0x18, v2;
	v9 =	vld.idx.msk [tilespmem:v59+s18+$0x0], $0xffff  }
0x1a0: {  	v27 =	vor.u32 $0x18, v1;
	v30 =	vld.idx.msk [tilespmem:v20+s20+$0x0], $0xffff;
	v29 =	vmul.f32 v62, v12;
	v3 =	vadd.f32 v25, v3  }
0x1a1: {  	v32 =	vor.u32 $0x19, v2;
	v11 =	vld.idx.msk [tilespmem:v63+s18+$0x0], $0xffff  }
0x1a2: {  	v31 =	vor.u32 $0x19, v1;
	v34 =	vld.idx.msk [tilespmem:v24+s20+$0x0], $0xffff;
	v33 =	vmul.f32 v22, v7;
	v3 =	vadd.f32 v29, v3  }
0x1a3: {  	v36 =	vor.u32 $0x1A, v2;
	v13 =	vld.idx.msk [tilespmem:v23+s18+$0x0], $0xffff  }
0x1a4: {  	v35 =	vor.u32 $0x1A, v1;
	v38 =	vld.idx.msk [tilespmem:v28+s20+$0x0], $0xffff;
	v37 =	vmul.f32 v26, v9;
	v3 =	vadd.f32 v33, v3  }
0x1a5: {  	v40 =	vor.u32 $0x1B, v2;
	v10 =	vld.idx.msk [tilespmem:v27+s18+$0x0], $0xffff  }
0x1a6: {  	v39 =	vor.u32 $0x1B, v1;
	v42 =	vld.idx.msk [tilespmem:v32+s20+$0x0], $0xffff;
	v41 =	vmul.f32 v30, v11;
	v3 =	vadd.f32 v37, v3  }
0x1a7: {  	v44 =	vor.u32 $0x1C, v2;
	v12 =	vld.idx.msk [tilespmem:v31+s18+$0x0], $0xffff  }
0x1a8: {  	v43 =	vor.u32 $0x1C, v1;
	v46 =	vld.idx.msk [tilespmem:v36+s20+$0x0], $0xffff;
	v45 =	vmul.f32 v34, v13;
	v3 =	vadd.f32 v41, v3  }
0x1a9: {  	v47 =	vor.u32 $0x1D, v1;
	v7 =	vld.idx.msk [tilespmem:v35+s18+$0x0], $0xffff  }
0x1aa: {  	v48 =	vor.u32 $0x1D, v2;
	v50 =	vld.idx.msk [tilespmem:v40+s20+$0x0], $0xffff;
	v49 =	vmul.f32 v38, v10;
	v3 =	vadd.f32 v45, v3  }
0x1ab: {  	v51 =	vor.u32 $0x1E, v1;
	v9 =	vld.idx.msk [tilespmem:v39+s18+$0x0], $0xffff  }
0x1ac: {  	v52 =	vor.u32 $0x1E, v2;
	v54 =	vld.idx.msk [tilespmem:v44+s20+$0x0], $0xffff;
	v53 =	vmul.f32 v42, v12;
	v3 =	vadd.f32 v49, v3  }
0x1ad: {  	v1 =	vor.u32 $0x1F, v1;
	v11 =	vld.idx.msk [tilespmem:v43+s18+$0x0], $0xffff  }
0x1ae: {  	v2 =	vor.u32 $0x1F, v2;
	v55 =	vld.idx.msk [tilespmem:v47+s18+$0x0], $0xffff;
	v56 =	vmul.f32 v46, v7;
	v3 =	vadd.f32 v53, v3  }
0x1af: {  	v57 =	vld.idx.msk [tilespmem:v48+s20+$0x0], $0xffff  }
0x1b0: {  	v58 =	vld.idx.msk [tilespmem:v51+s18+$0x0], $0xffff;
	v59 =	vmul.f32 v50, v9;
	v3 =	vadd.f32 v56, v3  }
0x1b1: {  	v60 =	vld.idx.msk [tilespmem:v52+s20+$0x0], $0xffff  }
0x1b2: {  	v1 =	vld.idx.msk [tilespmem:v1+s18+$0x0], $0xffff;
	v61 =	vmul.f32 v54, v11;
	v3 =	vadd.f32 v59, v3  }
0x1b3: {  	v2 =	vld.idx.msk [tilespmem:v2+s20+$0x0], $0xffff  }
0x1b4: {  	v62 =	vmul.f32 v57, v55;
	v3 =	vadd.f32 v61, v3;
	_ =	sdelay $0x1  }
0x1b5: {  	v63 =	vmul.f32 v60, v58;
	v3 =	vadd.f32 v62, v3;
	_ =	sdelay $0x1  }
0x1b6: {  	v1 =	vmul.f32 v2, v1;
	v3 =	vadd.f32 v63, v3;
	_ =	sdelay $0x1  }
0x1b7: {  	v1 =	vadd.f32 v1, v3  }
0x1b8: {  	s28 =	simm.s32 $0x10880  }
0x1b9: {  	s29 =	simm.s32 $0x90;
	[tilespmem:s28+$0x0] =	vst v1  }
0x1ba: {  	s30 =	simm.s32 $0x290;
	v1 =	vld [tilespmem:s29+$0x0]  }
0x1bb: {  	s31 =	simm.s32 $0x10;
	s0 =	simm.s32 $0x20;
	v2 =	vld [tilespmem:s30+$0x0]  }
.LBB2_4:
0x1bc: {  	p0 =	sne.s32 s0, $0x70;
	_ =	sdelay $0x1  }
0x1bd: {  	v3 =	vmov s31;
	s31 =	smov.u32 s0  }
0x1be: {  	v3 =	vshll.u32 v3, $0x7;
	v1 =	vshrl.u32 v1, $0xA  }
0x1bf: {  	v3 =	vor.u32 v0, v3;
	v2 =	vshrl.u32 v2, $0xD;
	v4 =	vand.u32 $0x3FFF80, v1  }
0x1c0: {  	v1 =	vand.u32 $0x60, v1;
	v4 =	vadd.s32 v3, v4;
	v5 =	vand.u32 $0x7FF80, v2  }
0x1c1: {  	v2 =	vand.u32 $0x60, v2;
	v1 =	vor.u32 v1, v4;
	v3 =	vadd.s32 v3, v5  }
0x1c2: {  	v2 =	vor.u32 v2, v3  }
0x1c3: {  	v3 =	vor.u32 $0x1, v1  }
0x1c4: {  	v4 =	vor.u32 $0x1, v2  }
0x1c5: {  	v5 =	vor.u32 $0x2, v1  }
0x1c6: {  	v7 =	vor.u32 $0x2, v2;
	v6 =	vld.idx.msk [tilespmem:v1+s18+$0x0], $0xffff  }
0x1c7: {  	v9 =	vor.u32 $0x3, v1;
	v8 =	vld.idx.msk [tilespmem:v2+s20+$0x0], $0xffff  }
0x1c8: {  	v10 =	vor.u32 $0x3, v2;
	v3 =	vld.idx.msk [tilespmem:v3+s18+$0x0], $0xffff  }
0x1c9: {  	v11 =	vor.u32 $0x4, v1;
	v4 =	vld.idx.msk [tilespmem:v4+s20+$0x0], $0xffff  }
0x1ca: {  	v12 =	vor.u32 $0x4, v2;
	v5 =	vld.idx.msk [tilespmem:v5+s18+$0x0], $0xffff  }
0x1cb: {  	v13 =	vor.u32 $0x5, v1;
	v7 =	vld.idx.msk [tilespmem:v7+s20+$0x0], $0xffff  }
0x1cc: {  	v14 =	vor.u32 $0x5, v2;
	v9 =	vld.idx.msk [tilespmem:v9+s18+$0x0], $0xffff  }
0x1cd: {  	v6 =	vmul.f32 v8, v6;
	v8 =	vld.idx.msk [tilespmem:v10+s20+$0x0], $0xffff;
	v10 =	vor.u32 $0x6, v1  }
0x1ce: {  	v15 =	vor.u32 $0x6, v2;
	v11 =	vld.idx.msk [tilespmem:v11+s18+$0x0], $0xffff  }
0x1cf: {  	v6 =	vadd.f32 $0.0e+00, v6;
	v3 =	vmul.f32 v4, v3;
	v4 =	vld.idx.msk [tilespmem:v12+s20+$0x0], $0xffff;
	v12 =	vor.u32 $0x7, v1  }
0x1d0: {  	v16 =	vor.u32 $0x7, v2;
	v13 =	vld.idx.msk [tilespmem:v13+s18+$0x0], $0xffff  }
0x1d1: {  	v3 =	vadd.f32 v3, v6;
	v5 =	vmul.f32 v7, v5;
	v7 =	vor.u32 $0x8, v1;
	v6 =	vld.idx.msk [tilespmem:v14+s20+$0x0], $0xffff  }
0x1d2: {  	v14 =	vor.u32 $0x8, v2;
	v10 =	vld.idx.msk [tilespmem:v10+s18+$0x0], $0xffff  }
0x1d3: {  	v3 =	vadd.f32 v5, v3;
	v5 =	vmul.f32 v8, v9;
	v9 =	vor.u32 $0x9, v1;
	v8 =	vld.idx.msk [tilespmem:v15+s20+$0x0], $0xffff  }
0x1d4: {  	v15 =	vor.u32 $0x9, v2;
	v12 =	vld.idx.msk [tilespmem:v12+s18+$0x0], $0xffff  }
0x1d5: {  	v3 =	vadd.f32 v5, v3;
	v4 =	vmul.f32 v4, v11;
	v11 =	vor.u32 $0xA, v1;
	v5 =	vld.idx.msk [tilespmem:v16+s20+$0x0], $0xffff  }
0x1d6: {  	v16 =	vor.u32 $0xA, v2;
	v7 =	vld.idx.msk [tilespmem:v7+s18+$0x0], $0xffff  }
0x1d7: {  	v3 =	vadd.f32 v4, v3;
	v4 =	vmul.f32 v6, v13;
	v13 =	vor.u32 $0xB, v1;
	v6 =	vld.idx.msk [tilespmem:v14+s20+$0x0], $0xffff  }
0x1d8: {  	v14 =	vor.u32 $0xB, v2;
	v9 =	vld.idx.msk [tilespmem:v9+s18+$0x0], $0xffff  }
0x1d9: {  	v3 =	vadd.f32 v4, v3;
	v4 =	vmul.f32 v8, v10;
	v10 =	vor.u32 $0xC, v1;
	v8 =	vld.idx.msk [tilespmem:v15+s20+$0x0], $0xffff  }
0x1da: {  	v15 =	vor.u32 $0xC, v2;
	v11 =	vld.idx.msk [tilespmem:v11+s18+$0x0], $0xffff  }
0x1db: {  	v3 =	vadd.f32 v4, v3;
	v4 =	vmul.f32 v5, v12;
	v12 =	vor.u32 $0xD, v1;
	v5 =	vld.idx.msk [tilespmem:v16+s20+$0x0], $0xffff  }
0x1dc: {  	v16 =	vor.u32 $0xD, v2;
	v13 =	vld.idx.msk [tilespmem:v13+s18+$0x0], $0xffff  }
0x1dd: {  	v3 =	vadd.f32 v4, v3;
	v4 =	vmul.f32 v6, v7;
	v7 =	vor.u32 $0xE, v1;
	v6 =	vld.idx.msk [tilespmem:v14+s20+$0x0], $0xffff  }
0x1de: {  	v14 =	vor.u32 $0xE, v2;
	v10 =	vld.idx.msk [tilespmem:v10+s18+$0x0], $0xffff  }
0x1df: {  	v3 =	vadd.f32 v4, v3;
	v4 =	vmul.f32 v8, v9;
	v9 =	vor.u32 $0xF, v1;
	v8 =	vld.idx.msk [tilespmem:v15+s20+$0x0], $0xffff  }
0x1e0: {  	v15 =	vor.u32 $0xF, v2;
	v12 =	vld.idx.msk [tilespmem:v12+s18+$0x0], $0xffff  }
0x1e1: {  	v3 =	vadd.f32 v4, v3;
	v4 =	vmul.f32 v5, v11;
	v11 =	vor.u32 $0x10, v1;
	v5 =	vld.idx.msk [tilespmem:v16+s20+$0x0], $0xffff  }
0x1e2: {  	v16 =	vor.u32 $0x10, v2;
	v7 =	vld.idx.msk [tilespmem:v7+s18+$0x0], $0xffff  }
0x1e3: {  	v3 =	vadd.f32 v4, v3;
	v4 =	vmul.f32 v6, v13;
	v13 =	vor.u32 $0x11, v1;
	v6 =	vld.idx.msk [tilespmem:v14+s20+$0x0], $0xffff  }
0x1e4: {  	v14 =	vor.u32 $0x11, v2;
	v9 =	vld.idx.msk [tilespmem:v9+s18+$0x0], $0xffff  }
0x1e5: {  	v3 =	vadd.f32 v4, v3;
	v4 =	vmul.f32 v8, v10;
	v10 =	vor.u32 $0x12, v1;
	v8 =	vld.idx.msk [tilespmem:v15+s20+$0x0], $0xffff  }
0x1e6: {  	v15 =	vor.u32 $0x12, v2;
	v11 =	vld.idx.msk [tilespmem:v11+s18+$0x0], $0xffff  }
0x1e7: {  	v3 =	vadd.f32 v4, v3;
	v4 =	vmul.f32 v5, v12;
	v12 =	vor.u32 $0x13, v1;
	v5 =	vld.idx.msk [tilespmem:v16+s20+$0x0], $0xffff  }
0x1e8: {  	v16 =	vor.u32 $0x13, v2;
	v13 =	vld.idx.msk [tilespmem:v13+s18+$0x0], $0xffff  }
0x1e9: {  	v3 =	vadd.f32 v4, v3;
	v4 =	vmul.f32 v6, v7;
	v7 =	vor.u32 $0x14, v1;
	v6 =	vld.idx.msk [tilespmem:v14+s20+$0x0], $0xffff  }
0x1ea: {  	v14 =	vor.u32 $0x14, v2;
	v10 =	vld.idx.msk [tilespmem:v10+s18+$0x0], $0xffff  }
0x1eb: {  	v3 =	vadd.f32 v4, v3;
	v4 =	vmul.f32 v8, v9;
	v9 =	vor.u32 $0x15, v1;
	v8 =	vld.idx.msk [tilespmem:v15+s20+$0x0], $0xffff  }
0x1ec: {  	v15 =	vor.u32 $0x15, v2;
	v12 =	vld.idx.msk [tilespmem:v12+s18+$0x0], $0xffff  }
0x1ed: {  	v3 =	vadd.f32 v4, v3;
	v4 =	vmul.f32 v5, v11;
	v11 =	vor.u32 $0x16, v1;
	v5 =	vld.idx.msk [tilespmem:v16+s20+$0x0], $0xffff  }
0x1ee: {  	v16 =	vor.u32 $0x16, v2;
	v7 =	vld.idx.msk [tilespmem:v7+s18+$0x0], $0xffff  }
0x1ef: {  	v3 =	vadd.f32 v4, v3;
	v4 =	vmul.f32 v6, v13;
	v13 =	vor.u32 $0x17, v1;
	v6 =	vld.idx.msk [tilespmem:v14+s20+$0x0], $0xffff  }
0x1f0: {  	v14 =	vor.u32 $0x17, v2;
	v9 =	vld.idx.msk [tilespmem:v9+s18+$0x0], $0xffff  }
0x1f1: {  	v3 =	vadd.f32 v4, v3;
	v4 =	vmul.f32 v8, v10;
	v10 =	vor.u32 $0x18, v1;
	v8 =	vld.idx.msk [tilespmem:v15+s20+$0x0], $0xffff  }
0x1f2: {  	v15 =	vor.u32 $0x18, v2;
	v11 =	vld.idx.msk [tilespmem:v11+s18+$0x0], $0xffff  }
0x1f3: {  	v3 =	vadd.f32 v4, v3;
	v4 =	vmul.f32 v5, v12;
	v12 =	vor.u32 $0x19, v1;
	v5 =	vld.idx.msk [tilespmem:v16+s20+$0x0], $0xffff  }
0x1f4: {  	v16 =	vor.u32 $0x19, v2;
	v13 =	vld.idx.msk [tilespmem:v13+s18+$0x0], $0xffff  }
0x1f5: {  	v3 =	vadd.f32 v4, v3;
	v4 =	vmul.f32 v6, v7;
	v7 =	vor.u32 $0x1A, v1;
	v6 =	vld.idx.msk [tilespmem:v14+s20+$0x0], $0xffff  }
0x1f6: {  	v14 =	vor.u32 $0x1A, v2;
	v10 =	vld.idx.msk [tilespmem:v10+s18+$0x0], $0xffff  }
0x1f7: {  	v3 =	vadd.f32 v4, v3;
	v4 =	vmul.f32 v8, v9;
	v9 =	vor.u32 $0x1B, v1;
	v8 =	vld.idx.msk [tilespmem:v15+s20+$0x0], $0xffff  }
0x1f8: {  	v15 =	vor.u32 $0x1B, v2;
	v12 =	vld.idx.msk [tilespmem:v12+s18+$0x0], $0xffff  }
0x1f9: {  	v3 =	vadd.f32 v4, v3;
	v4 =	vmul.f32 v5, v11;
	v11 =	vor.u32 $0x1C, v1;
	v5 =	vld.idx.msk [tilespmem:v16+s20+$0x0], $0xffff  }
0x1fa: {  	v16 =	vor.u32 $0x1C, v2;
	v7 =	vld.idx.msk [tilespmem:v7+s18+$0x0], $0xffff  }
0x1fb: {  	v3 =	vadd.f32 v4, v3;
	v4 =	vmul.f32 v6, v13;
	v13 =	vor.u32 $0x1D, v1;
	v6 =	vld.idx.msk [tilespmem:v14+s20+$0x0], $0xffff  }
0x1fc: {  	v14 =	vor.u32 $0x1D, v2;
	v9 =	vld.idx.msk [tilespmem:v9+s18+$0x0], $0xffff  }
0x1fd: {  	v3 =	vadd.f32 v4, v3;
	v4 =	vmul.f32 v8, v10;
	v10 =	vor.u32 $0x1E, v1;
	v8 =	vld.idx.msk [tilespmem:v15+s20+$0x0], $0xffff  }
0x1fe: {  	v15 =	vor.u32 $0x1E, v2;
	v11 =	vld.idx.msk [tilespmem:v11+s18+$0x0], $0xffff  }
0x1ff: {  	v1 =	vor.u32 $0x1F, v1;
	v3 =	vadd.f32 v4, v3;
	v4 =	vmul.f32 v5, v12;
	v5 =	vld.idx.msk [tilespmem:v16+s20+$0x0], $0xffff  }
0x200: {  	v2 =	vor.u32 $0x1F, v2;
	v12 =	vld.idx.msk [tilespmem:v13+s18+$0x0], $0xffff  }
0x201: {  	v3 =	vadd.f32 v4, v3;
	v4 =	vmul.f32 v6, v7;
	v6 =	vld.idx.msk [tilespmem:v14+s20+$0x0], $0xffff  }
0x202: {  	v7 =	vld.idx.msk [tilespmem:v10+s18+$0x0], $0xffff  }
0x203: {  	v3 =	vadd.f32 v4, v3;
	v4 =	vmul.f32 v8, v9;
	v8 =	vld.idx.msk [tilespmem:v15+s20+$0x0], $0xffff  }
0x204: {  	v1 =	vld.idx.msk [tilespmem:v1+s18+$0x0], $0xffff  }
0x205: {  	v3 =	vadd.f32 v4, v3;
	v4 =	vmul.f32 v5, v11;
	v2 =	vld.idx.msk [tilespmem:v2+s20+$0x0], $0xffff;
	_ =	sdelay $0x1  }
0x206: {  	v3 =	vadd.f32 v4, v3;
	v4 =	vmul.f32 v6, v12;
	_ =	sdelay $0x1  }
0x207: {  	v3 =	vadd.f32 v4, v3;
	v4 =	vmul.f32 v8, v7;
	_ =	sdelay $0x1  }
0x208: {  	v3 =	vadd.f32 v4, v3;
	v1 =	vmul.f32 v2, v1;
	_ =	sdelay $0x1  }
.Ltmp1:
0x209: {  	v1 =	vadd.f32 v1, v3;
	(pc) =	sbr.rel @p0 .LBB2_4-.Ltmp1, $4  }
0x20a: {  	s28 =	sadd.s32 $0x10, s28  }
0x20b: {  	s29 =	sadd.s32 $0x10, s29;
	[tilespmem:s28+$0x0] =	vst v1  }
0x20c: {  	s30 =	sadd.s32 $0x10, s30;
	v1 =	vld [tilespmem:s29+$0x0]  }
0x20d: {  	s0 =	sadd.s32 $0x10, s0;
	v2 =	vld [tilespmem:s30+$0x0]  }
0x20e: {  	_ =	sdelay $0x1  }
0x20f: {  	v3 =	vmov s31  }
0x210: {  	v3 =	vshll.u32 v3, $0x7;
	v1 =	vshrl.u32 v1, $0xA  }
0x211: {  	v3 =	vor.u32 v0, v3;
	v2 =	vshrl.u32 v2, $0xD;
	v4 =	vand.u32 $0x3FFF80, v1  }
0x212: {  	v1 =	vand.u32 $0x60, v1;
	v4 =	vadd.s32 v3, v4;
	v5 =	vand.u32 $0x7FF80, v2  }
0x213: {  	v2 =	vand.u32 $0x60, v2;
	v1 =	vor.u32 v1, v4;
	v3 =	vadd.s32 v3, v5  }
0x214: {  	v2 =	vor.u32 v2, v3  }
0x215: {  	v3 =	vor.u32 $0x1, v1  }
0x216: {  	v60 =	vor.u32 $0x1, v2  }
0x217: {  	v61 =	vor.u32 $0x2, v1  }
0x218: {  	v7 =	vor.u32 $0x2, v2;
	v6 =	vld.idx.msk [tilespmem:v1+s18+$0x0], $0xffff  }
0x219: {  	v9 =	vor.u32 $0x3, v1;
	v8 =	vld.idx.msk [tilespmem:v2+s20+$0x0], $0xffff  }
0x21a: {  	v10 =	vor.u32 $0x3, v2;
	v3 =	vld.idx.msk [tilespmem:v3+s18+$0x0], $0xffff  }
0x21b: {  	v11 =	vor.u32 $0x4, v1;
	v4 =	vld.idx.msk [tilespmem:v60+s20+$0x0], $0xffff  }
0x21c: {  	v12 =	vor.u32 $0x4, v2;
	v5 =	vld.idx.msk [tilespmem:v61+s18+$0x0], $0xffff  }
0x21d: {  	v13 =	vor.u32 $0x5, v1;
	v7 =	vld.idx.msk [tilespmem:v7+s20+$0x0], $0xffff  }
0x21e: {  	v14 =	vor.u32 $0x5, v2;
	v9 =	vld.idx.msk [tilespmem:v9+s18+$0x0], $0xffff;
	v6 =	vmul.f32 v8, v6  }
0x21f: {  	v63 =	vor.u32 $0x6, v1;
	v62 =	vld.idx.msk [tilespmem:v10+s20+$0x0], $0xffff  }
0x220: {  	v15 =	vor.u32 $0x6, v2;
	v11 =	vld.idx.msk [tilespmem:v11+s18+$0x0], $0xffff;
	v3 =	vmul.f32 v4, v3;
	v6 =	vadd.f32 $0.0e+00, v6  }
0x221: {  	v21 =	vor.u32 $0x7, v1;
	v20 =	vld.idx.msk [tilespmem:v12+s20+$0x0], $0xffff  }
0x222: {  	v16 =	vor.u32 $0x7, v2;
	v13 =	vld.idx.msk [tilespmem:v13+s18+$0x0], $0xffff;
	v5 =	vmul.f32 v7, v5;
	v3 =	vadd.f32 v3, v6  }
0x223: {  	v24 =	vor.u32 $0x8, v2;
	v22 =	vld.idx.msk [tilespmem:v14+s20+$0x0], $0xffff  }
0x224: {  	v23 =	vor.u32 $0x8, v1;
	v10 =	vld.idx.msk [tilespmem:v63+s18+$0x0], $0xffff;
	v25 =	vmul.f32 v62, v9;
	v3 =	vadd.f32 v5, v3  }
0x225: {  	v28 =	vor.u32 $0x9, v2;
	v26 =	vld.idx.msk [tilespmem:v15+s20+$0x0], $0xffff  }
0x226: {  	v27 =	vor.u32 $0x9, v1;
	v12 =	vld.idx.msk [tilespmem:v21+s18+$0x0], $0xffff;
	v4 =	vmul.f32 v20, v11;
	v3 =	vadd.f32 v25, v3  }
0x227: {  	v31 =	vor.u32 $0xA, v2;
	v29 =	vld.idx.msk [tilespmem:v16+s20+$0x0], $0xffff  }
0x228: {  	v30 =	vor.u32 $0xA, v1;
	v33 =	vld.idx.msk [tilespmem:v24+s20+$0x0], $0xffff;
	v32 =	vmul.f32 v22, v13;
	v3 =	vadd.f32 v4, v3  }
0x229: {  	v35 =	vor.u32 $0xB, v2;
	v7 =	vld.idx.msk [tilespmem:v23+s18+$0x0], $0xffff  }
0x22a: {  	v34 =	vor.u32 $0xB, v1;
	v37 =	vld.idx.msk [tilespmem:v28+s20+$0x0], $0xffff;
	v36 =	vmul.f32 v26, v10;
	v3 =	vadd.f32 v32, v3  }
0x22b: {  	v39 =	vor.u32 $0xC, v2;
	v9 =	vld.idx.msk [tilespmem:v27+s18+$0x0], $0xffff  }
0x22c: {  	v38 =	vor.u32 $0xC, v1;
	v41 =	vld.idx.msk [tilespmem:v31+s20+$0x0], $0xffff;
	v40 =	vmul.f32 v29, v12;
	v3 =	vadd.f32 v36, v3  }
0x22d: {  	v43 =	vor.u32 $0xD, v2;
	v11 =	vld.idx.msk [tilespmem:v30+s18+$0x0], $0xffff  }
0x22e: {  	v42 =	vor.u32 $0xD, v1;
	v45 =	vld.idx.msk [tilespmem:v35+s20+$0x0], $0xffff;
	v44 =	vmul.f32 v33, v7;
	v3 =	vadd.f32 v40, v3  }
0x22f: {  	v47 =	vor.u32 $0xE, v2;
	v13 =	vld.idx.msk [tilespmem:v34+s18+$0x0], $0xffff  }
0x230: {  	v46 =	vor.u32 $0xE, v1;
	v49 =	vld.idx.msk [tilespmem:v39+s20+$0x0], $0xffff;
	v48 =	vmul.f32 v37, v9;
	v3 =	vadd.f32 v44, v3  }
0x231: {  	v51 =	vor.u32 $0xF, v2;
	v10 =	vld.idx.msk [tilespmem:v38+s18+$0x0], $0xffff  }
0x232: {  	v50 =	vor.u32 $0xF, v1;
	v53 =	vld.idx.msk [tilespmem:v43+s20+$0x0], $0xffff;
	v52 =	vmul.f32 v41, v11;
	v3 =	vadd.f32 v48, v3  }
0x233: {  	v55 =	vor.u32 $0x10, v2;
	v12 =	vld.idx.msk [tilespmem:v42+s18+$0x0], $0xffff  }
0x234: {  	v54 =	vor.u32 $0x10, v1;
	v57 =	vld.idx.msk [tilespmem:v47+s20+$0x0], $0xffff;
	v56 =	vmul.f32 v45, v13;
	v3 =	vadd.f32 v52, v3  }
0x235: {  	v58 =	vor.u32 $0x11, v1;
	v7 =	vld.idx.msk [tilespmem:v46+s18+$0x0], $0xffff  }
0x236: {  	v59 =	vor.u32 $0x11, v2;
	v61 =	vld.idx.msk [tilespmem:v51+s20+$0x0], $0xffff;
	v60 =	vmul.f32 v49, v10;
	v3 =	vadd.f32 v56, v3  }
0x237: {  	v63 =	vor.u32 $0x12, v2;
	v9 =	vld.idx.msk [tilespmem:v50+s18+$0x0], $0xffff  }
0x238: {  	v21 =	vld.idx.msk [tilespmem:v55+s20+$0x0], $0xffff;
	v62 =	vor.u32 $0x12, v1;
	v20 =	vmul.f32 v53, v12;
	v3 =	vadd.f32 v60, v3  }
0x239: {  	v22 =	vor.u32 $0x13, v1;
	v11 =	vld.idx.msk [tilespmem:v54+s18+$0x0], $0xffff  }
0x23a: {  	v23 =	vor.u32 $0x13, v2;
	v13 =	vld.idx.msk [tilespmem:v58+s18+$0x0], $0xffff;
	v24 =	vmul.f32 v57, v7;
	v3 =	vadd.f32 v20, v3  }
0x23b: {  	v27 =	vor.u32 $0x14, v2;
	v25 =	vld.idx.msk [tilespmem:v59+s20+$0x0], $0xffff  }
0x23c: {  	v26 =	vor.u32 $0x14, v1;
	v29 =	vld.idx.msk [tilespmem:v63+s20+$0x0], $0xffff;
	v28 =	vmul.f32 v61, v9;
	v3 =	vadd.f32 v24, v3  }
0x23d: {  	v31 =	vor.u32 $0x15, v2;
	v10 =	vld.idx.msk [tilespmem:v62+s18+$0x0], $0xffff  }
0x23e: {  	v30 =	vor.u32 $0x15, v1;
	v12 =	vld.idx.msk [tilespmem:v22+s18+$0x0], $0xffff;
	v32 =	vmul.f32 v21, v11;
	v3 =	vadd.f32 v28, v3  }
0x23f: {  	v35 =	vor.u32 $0x16, v2;
	v33 =	vld.idx.msk [tilespmem:v23+s20+$0x0], $0xffff  }
0x240: {  	v34 =	vor.u32 $0x16, v1;
	v37 =	vld.idx.msk [tilespmem:v27+s20+$0x0], $0xffff;
	v36 =	vmul.f32 v25, v13;
	v3 =	vadd.f32 v32, v3  }
0x241: {  	v39 =	vor.u32 $0x17, v2;
	v7 =	vld.idx.msk [tilespmem:v26+s18+$0x0], $0xffff  }
0x242: {  	v38 =	vor.u32 $0x17, v1;
	v41 =	vld.idx.msk [tilespmem:v31+s20+$0x0], $0xffff;
	v40 =	vmul.f32 v29, v10;
	v3 =	vadd.f32 v36, v3  }
0x243: {  	v43 =	vor.u32 $0x18, v2;
	v9 =	vld.idx.msk [tilespmem:v30+s18+$0x0], $0xffff  }
0x244: {  	v42 =	vor.u32 $0x18, v1;
	v45 =	vld.idx.msk [tilespmem:v35+s20+$0x0], $0xffff;
	v44 =	vmul.f32 v33, v12;
	v3 =	vadd.f32 v40, v3  }
0x245: {  	v47 =	vor.u32 $0x19, v2;
	v11 =	vld.idx.msk [tilespmem:v34+s18+$0x0], $0xffff  }
0x246: {  	v46 =	vor.u32 $0x19, v1;
	v49 =	vld.idx.msk [tilespmem:v39+s20+$0x0], $0xffff;
	v48 =	vmul.f32 v37, v7;
	v3 =	vadd.f32 v44, v3  }
0x247: {  	v51 =	vor.u32 $0x1A, v2;
	v13 =	vld.idx.msk [tilespmem:v38+s18+$0x0], $0xffff  }
0x248: {  	v50 =	vor.u32 $0x1A, v1;
	v53 =	vld.idx.msk [tilespmem:v43+s20+$0x0], $0xffff;
	v52 =	vmul.f32 v41, v9;
	v3 =	vadd.f32 v48, v3  }
0x249: {  	v55 =	vor.u32 $0x1B, v2;
	v10 =	vld.idx.msk [tilespmem:v42+s18+$0x0], $0xffff  }
0x24a: {  	v54 =	vor.u32 $0x1B, v1;
	v57 =	vld.idx.msk [tilespmem:v47+s20+$0x0], $0xffff;
	v56 =	vmul.f32 v45, v11;
	v3 =	vadd.f32 v52, v3  }
0x24b: {  	v59 =	vor.u32 $0x1C, v2;
	v12 =	vld.idx.msk [tilespmem:v46+s18+$0x0], $0xffff  }
0x24c: {  	v58 =	vor.u32 $0x1C, v1;
	v61 =	vld.idx.msk [tilespmem:v51+s20+$0x0], $0xffff;
	v60 =	vmul.f32 v49, v13;
	v3 =	vadd.f32 v56, v3  }
0x24d: {  	v63 =	vor.u32 $0x1D, v2;
	v7 =	vld.idx.msk [tilespmem:v50+s18+$0x0], $0xffff  }
0x24e: {  	v19 =	vld.idx.msk [tilespmem:v55+s20+$0x0], $0xffff;
	v62 =	vor.u32 $0x1D, v1;
	v18 =	vmul.f32 v53, v10;
	v3 =	vadd.f32 v60, v3  }
0x24f: {  	v21 =	vor.u32 $0x1E, v2;
	v9 =	vld.idx.msk [tilespmem:v54+s18+$0x0], $0xffff  }
0x250: {  	v23 =	vld.idx.msk [tilespmem:v59+s20+$0x0], $0xffff;
	v22 =	vmul.f32 v57, v12;
	v20 =	vor.u32 $0x1E, v1;
	v3 =	vadd.f32 v18, v3  }
0x251: {  	v2 =	vor.u32 $0x1F, v2;
	v11 =	vld.idx.msk [tilespmem:v58+s18+$0x0], $0xffff  }
0x252: {  	v26 =	vld.idx.msk [tilespmem:v63+s20+$0x0], $0xffff;
	v25 =	vmul.f32 v61, v7;
	v1 =	vor.u32 $0x1F, v1;
	v3 =	vadd.f32 v22, v3  }
0x253: {  	v24 =	vld.idx.msk [tilespmem:v62+s18+$0x0], $0xffff  }
0x254: {  	v29 =	vld.idx.msk [tilespmem:v21+s20+$0x0], $0xffff;
	v28 =	vmul.f32 v19, v9;
	v3 =	vadd.f32 v25, v3  }
0x255: {  	v27 =	vld.idx.msk [tilespmem:v20+s18+$0x0], $0xffff  }
0x256: {  	v2 =	vld.idx.msk [tilespmem:v2+s20+$0x0], $0xffff;
	v30 =	vmul.f32 v23, v11;
	v3 =	vadd.f32 v28, v3  }
0x257: {  	v1 =	vld.idx.msk [tilespmem:v1+s18+$0x0], $0xffff  }
0x258: {  	v31 =	vmul.f32 v26, v24;
	v3 =	vadd.f32 v30, v3;
	_ =	sdelay $0x1  }
0x259: {  	v32 =	vmul.f32 v29, v27;
	v3 =	vadd.f32 v31, v3;
	_ =	sdelay $0x1  }
0x25a: {  	v1 =	vmul.f32 v2, v1;
	v3 =	vadd.f32 v32, v3;
	_ =	sdelay $0x1  }
0x25b: {  	v1 =	vadd.f32 v1, v3  }
0x25c: {  	s0 =	sadd.s32 $0x10, s28  }
0x25d: {  	[tilespmem:s0+$0x0] =	vst v1  }
0x25e: {  	_ =	swait.ge [sflag:s15], $0x4000  }
0x25f: {  	[sflag:s15] =	ssyncset.done $0x0  }
0x260: {  	[sflag:s15] =	ssyncadd.s32 $0xFFFFC000  }
0x261: {  	_ =	swait.ge [sflag:s16], $0x4000  }
0x262: {  	[sflag:s16] =	ssyncset.done $0x0  }
0x263: {  	[sflag:s16] =	ssyncadd.s32 $0xFFFFC000  }
0x264: {  	[tilespmem:s18], [sflag:$0x1] =	stream.indirect.gather [hbm4b:s3+s10], $0x80, s23, s10, $0xb8;
	[tilespmem:$0x10A00] =	vst v63  }
0x265: {  	s0 =	simm.s32 $0x100  }
0x266: {  	[tilespmem:s20], [sflag:$0x2] =	stream.indirect.gather [hbm4b:s4+s10], $0x80, s24, s10, $0xb8;
	[tilespmem:$0x10A00] =	vst v63  }
0x267: {  	s28 =	simm.s32 $0x300;
	v1 =	vld [tilespmem:s0+$0x0]  }
0x268: {  	v2 =	vld [tilespmem:s28+$0x0];
	_ =	sdelay $0x1  }
0x269: {  	s0 =	simm.s32 $0x0  }
0x26a: {  	v3 =	vmov s0  }
0x26b: {  	v3 =	vshll.u32 v3, $0x7;
	v1 =	vshrl.u32 v1, $0xA  }
0x26c: {  	v3 =	vor.u32 v0, v3;
	v2 =	vshrl.u32 v2, $0xD;
	v33 =	vand.u32 $0x3FFF80, v1  }
0x26d: {  	v1 =	vand.u32 $0x60, v1;
	v34 =	vand.u32 $0x7FF80, v2;
	v4 =	vadd.s32 v3, v33  }
0x26e: {  	v2 =	vand.u32 $0x60, v2;
	v3 =	vadd.s32 v3, v34;
	v1 =	vor.u32 v1, v4  }
0x26f: {  	v2 =	vor.u32 v2, v3  }
0x270: {  	v3 =	vor.u32 $0x1, v1  }
0x271: {  	v35 =	vor.u32 $0x1, v2  }
0x272: {  	v36 =	vor.u32 $0x2, v1  }
0x273: {  	v38 =	vor.u32 $0x2, v2;
	v37 =	vld.idx.msk [tilespmem:v1+s12+$0x0], $0xffff  }
0x274: {  	v40 =	vor.u32 $0x3, v1;
	v39 =	vld.idx.msk [tilespmem:v2+s14+$0x0], $0xffff  }
0x275: {  	v41 =	vor.u32 $0x3, v2;
	v3 =	vld.idx.msk [tilespmem:v3+s12+$0x0], $0xffff  }
0x276: {  	v42 =	vor.u32 $0x4, v1;
	v4 =	vld.idx.msk [tilespmem:v35+s14+$0x0], $0xffff  }
0x277: {  	v43 =	vor.u32 $0x4, v2;
	v5 =	vld.idx.msk [tilespmem:v36+s12+$0x0], $0xffff  }
0x278: {  	v44 =	vor.u32 $0x5, v1;
	v7 =	vld.idx.msk [tilespmem:v38+s14+$0x0], $0xffff  }
0x279: {  	v45 =	vor.u32 $0x5, v2;
	v9 =	vld.idx.msk [tilespmem:v40+s12+$0x0], $0xffff;
	v6 =	vmul.f32 v39, v37  }
0x27a: {  	v47 =	vor.u32 $0x6, v1;
	v46 =	vld.idx.msk [tilespmem:v41+s14+$0x0], $0xffff  }
0x27b: {  	v48 =	vor.u32 $0x6, v2;
	v11 =	vld.idx.msk [tilespmem:v42+s12+$0x0], $0xffff;
	v3 =	vmul.f32 v4, v3;
	v6 =	vadd.f32 $0.0e+00, v6  }
0x27c: {  	v50 =	vor.u32 $0x7, v1;
	v49 =	vld.idx.msk [tilespmem:v43+s14+$0x0], $0xffff  }
0x27d: {  	v51 =	vor.u32 $0x7, v2;
	v13 =	vld.idx.msk [tilespmem:v44+s12+$0x0], $0xffff;
	v5 =	vmul.f32 v7, v5;
	v3 =	vadd.f32 v3, v6  }
0x27e: {  	v54 =	vor.u32 $0x8, v2;
	v52 =	vld.idx.msk [tilespmem:v45+s14+$0x0], $0xffff  }
0x27f: {  	v53 =	vor.u32 $0x8, v1;
	v10 =	vld.idx.msk [tilespmem:v47+s12+$0x0], $0xffff;
	v55 =	vmul.f32 v46, v9;
	v3 =	vadd.f32 v5, v3  }
0x280: {  	v58 =	vor.u32 $0x9, v2;
	v56 =	vld.idx.msk [tilespmem:v48+s14+$0x0], $0xffff  }
0x281: {  	v57 =	vor.u32 $0x9, v1;
	v12 =	vld.idx.msk [tilespmem:v50+s12+$0x0], $0xffff;
	v4 =	vmul.f32 v49, v11;
	v3 =	vadd.f32 v55, v3  }
0x282: {  	v61 =	vor.u32 $0xA, v2;
	v59 =	vld.idx.msk [tilespmem:v51+s14+$0x0], $0xffff  }
0x283: {  	v60 =	vor.u32 $0xA, v1;
	v63 =	vld.idx.msk [tilespmem:v54+s14+$0x0], $0xffff;
	v62 =	vmul.f32 v52, v13;
	v3 =	vadd.f32 v4, v3  }
0x284: {  	v20 =	vor.u32 $0xB, v2;
	v7 =	vld.idx.msk [tilespmem:v53+s12+$0x0], $0xffff  }
0x285: {  	v19 =	vor.u32 $0xB, v1;
	v22 =	vld.idx.msk [tilespmem:v58+s14+$0x0], $0xffff;
	v21 =	vmul.f32 v56, v10;
	v3 =	vadd.f32 v62, v3  }
0x286: {  	v24 =	vor.u32 $0xC, v2;
	v9 =	vld.idx.msk [tilespmem:v57+s12+$0x0], $0xffff  }
0x287: {  	v23 =	vor.u32 $0xC, v1;
	v26 =	vld.idx.msk [tilespmem:v61+s14+$0x0], $0xffff;
	v25 =	vmul.f32 v59, v12;
	v3 =	vadd.f32 v21, v3  }
0x288: {  	v28 =	vor.u32 $0xD, v2;
	v11 =	vld.idx.msk [tilespmem:v60+s12+$0x0], $0xffff  }
0x289: {  	v27 =	vor.u32 $0xD, v1;
	v30 =	vld.idx.msk [tilespmem:v20+s14+$0x0], $0xffff;
	v29 =	vmul.f32 v63, v7;
	v3 =	vadd.f32 v25, v3  }
0x28a: {  	v32 =	vor.u32 $0xE, v2;
	v13 =	vld.idx.msk [tilespmem:v19+s12+$0x0], $0xffff  }
0x28b: {  	v31 =	vor.u32 $0xE, v1;
	v34 =	vld.idx.msk [tilespmem:v24+s14+$0x0], $0xffff;
	v33 =	vmul.f32 v22, v9;
	v3 =	vadd.f32 v29, v3  }
0x28c: {  	v36 =	vor.u32 $0xF, v2;
	v10 =	vld.idx.msk [tilespmem:v23+s12+$0x0], $0xffff  }
0x28d: {  	v35 =	vor.u32 $0xF, v1;
	v38 =	vld.idx.msk [tilespmem:v28+s14+$0x0], $0xffff;
	v37 =	vmul.f32 v26, v11;
	v3 =	vadd.f32 v33, v3  }
0x28e: {  	v40 =	vor.u32 $0x10, v2;
	v12 =	vld.idx.msk [tilespmem:v27+s12+$0x0], $0xffff  }
0x28f: {  	v42 =	vld.idx.msk [tilespmem:v32+s14+$0x0], $0xffff;
	v39 =	vor.u32 $0x10, v1;
	v41 =	vmul.f32 v30, v13;
	v3 =	vadd.f32 v37, v3  }
0x290: {  	v44 =	vor.u32 $0x11, v2;
	v7 =	vld.idx.msk [tilespmem:v31+s12+$0x0], $0xffff  }
0x291: {  	v43 =	vor.u32 $0x11, v1;
	v46 =	vld.idx.msk [tilespmem:v36+s14+$0x0], $0xffff;
	v45 =	vmul.f32 v34, v10;
	v3 =	vadd.f32 v41, v3  }
0x292: {  	v48 =	vor.u32 $0x12, v2;
	v9 =	vld.idx.msk [tilespmem:v35+s12+$0x0], $0xffff  }
0x293: {  	v47 =	vor.u32 $0x12, v1;
	v50 =	vld.idx.msk [tilespmem:v40+s14+$0x0], $0xffff;
	v49 =	vmul.f32 v38, v12;
	v3 =	vadd.f32 v45, v3  }
0x294: {  	v51 =	vor.u32 $0x13, v1;
	v11 =	vld.idx.msk [tilespmem:v39+s12+$0x0], $0xffff  }
0x295: {  	v52 =	vor.u32 $0x13, v2;
	v54 =	vld.idx.msk [tilespmem:v44+s14+$0x0], $0xffff;
	v53 =	vmul.f32 v42, v7;
	v3 =	vadd.f32 v49, v3  }
0x296: {  	v56 =	vor.u32 $0x14, v2;
	v13 =	vld.idx.msk [tilespmem:v43+s12+$0x0], $0xffff  }
0x297: {  	v58 =	vld.idx.msk [tilespmem:v48+s14+$0x0], $0xffff;
	v55 =	vor.u32 $0x14, v1;
	v57 =	vmul.f32 v46, v9;
	v3 =	vadd.f32 v53, v3  }
0x298: {  	v60 =	vor.u32 $0x15, v2;
	v10 =	vld.idx.msk [tilespmem:v47+s12+$0x0], $0xffff  }
0x299: {  	v59 =	vor.u32 $0x15, v1;
	v12 =	vld.idx.msk [tilespmem:v51+s12+$0x0], $0xffff;
	v61 =	vmul.f32 v50, v11;
	v3 =	vadd.f32 v57, v3  }
0x29a: {  	v20 =	vor.u32 $0x16, v2;
	v62 =	vld.idx.msk [tilespmem:v52+s14+$0x0], $0xffff  }
0x29b: {  	v63 =	vor.u32 $0x16, v1;
	v22 =	vld.idx.msk [tilespmem:v56+s14+$0x0], $0xffff;
	v21 =	vmul.f32 v54, v13;
	v3 =	vadd.f32 v61, v3  }
0x29c: {  	v24 =	vor.u32 $0x17, v2;
	v7 =	vld.idx.msk [tilespmem:v55+s12+$0x0], $0xffff  }
0x29d: {  	v23 =	vor.u32 $0x17, v1;
	v26 =	vld.idx.msk [tilespmem:v60+s14+$0x0], $0xffff;
	v25 =	vmul.f32 v58, v10;
	v3 =	vadd.f32 v21, v3  }
0x29e: {  	v28 =	vor.u32 $0x18, v2;
	v9 =	vld.idx.msk [tilespmem:v59+s12+$0x0], $0xffff  }
0x29f: {  	v27 =	vor.u32 $0x18, v1;
	v30 =	vld.idx.msk [tilespmem:v20+s14+$0x0], $0xffff;
	v29 =	vmul.f32 v62, v12;
	v3 =	vadd.f32 v25, v3  }
0x2a0: {  	v32 =	vor.u32 $0x19, v2;
	v11 =	vld.idx.msk [tilespmem:v63+s12+$0x0], $0xffff  }
0x2a1: {  	v31 =	vor.u32 $0x19, v1;
	v34 =	vld.idx.msk [tilespmem:v24+s14+$0x0], $0xffff;
	v33 =	vmul.f32 v22, v7;
	v3 =	vadd.f32 v29, v3  }
0x2a2: {  	v36 =	vor.u32 $0x1A, v2;
	v13 =	vld.idx.msk [tilespmem:v23+s12+$0x0], $0xffff  }
0x2a3: {  	v35 =	vor.u32 $0x1A, v1;
	v38 =	vld.idx.msk [tilespmem:v28+s14+$0x0], $0xffff;
	v37 =	vmul.f32 v26, v9;
	v3 =	vadd.f32 v33, v3  }
0x2a4: {  	v40 =	vor.u32 $0x1B, v2;
	v10 =	vld.idx.msk [tilespmem:v27+s12+$0x0], $0xffff  }
0x2a5: {  	v39 =	vor.u32 $0x1B, v1;
	v42 =	vld.idx.msk [tilespmem:v32+s14+$0x0], $0xffff;
	v41 =	vmul.f32 v30, v11;
	v3 =	vadd.f32 v37, v3  }
0x2a6: {  	v44 =	vor.u32 $0x1C, v2;
	v12 =	vld.idx.msk [tilespmem:v31+s12+$0x0], $0xffff  }
0x2a7: {  	v43 =	vor.u32 $0x1C, v1;
	v46 =	vld.idx.msk [tilespmem:v36+s14+$0x0], $0xffff;
	v45 =	vmul.f32 v34, v13;
	v3 =	vadd.f32 v41, v3  }
0x2a8: {  	v47 =	vor.u32 $0x1D, v1;
	v7 =	vld.idx.msk [tilespmem:v35+s12+$0x0], $0xffff  }
0x2a9: {  	v48 =	vor.u32 $0x1D, v2;
	v50 =	vld.idx.msk [tilespmem:v40+s14+$0x0], $0xffff;
	v49 =	vmul.f32 v38, v10;
	v3 =	vadd.f32 v45, v3  }
0x2aa: {  	v51 =	vor.u32 $0x1E, v1;
	v9 =	vld.idx.msk [tilespmem:v39+s12+$0x0], $0xffff  }
0x2ab: {  	v52 =	vor.u32 $0x1E, v2;
	v54 =	vld.idx.msk [tilespmem:v44+s14+$0x0], $0xffff;
	v53 =	vmul.f32 v42, v12;
	v3 =	vadd.f32 v49, v3  }
0x2ac: {  	v1 =	vor.u32 $0x1F, v1;
	v11 =	vld.idx.msk [tilespmem:v43+s12+$0x0], $0xffff  }
0x2ad: {  	v2 =	vor.u32 $0x1F, v2;
	v55 =	vld.idx.msk [tilespmem:v47+s12+$0x0], $0xffff;
	v56 =	vmul.f32 v46, v7;
	v3 =	vadd.f32 v53, v3  }
0x2ae: {  	v57 =	vld.idx.msk [tilespmem:v48+s14+$0x0], $0xffff  }
0x2af: {  	v58 =	vld.idx.msk [tilespmem:v51+s12+$0x0], $0xffff;
	v59 =	vmul.f32 v50, v9;
	v3 =	vadd.f32 v56, v3  }
0x2b0: {  	v60 =	vld.idx.msk [tilespmem:v52+s14+$0x0], $0xffff  }
0x2b1: {  	v1 =	vld.idx.msk [tilespmem:v1+s12+$0x0], $0xffff;
	v61 =	vmul.f32 v54, v11;
	v3 =	vadd.f32 v59, v3  }
0x2b2: {  	v2 =	vld.idx.msk [tilespmem:v2+s14+$0x0], $0xffff  }
0x2b3: {  	v62 =	vmul.f32 v57, v55;
	v3 =	vadd.f32 v61, v3;
	_ =	sdelay $0x1  }
0x2b4: {  	v63 =	vmul.f32 v60, v58;
	v3 =	vadd.f32 v62, v3;
	_ =	sdelay $0x1  }
0x2b5: {  	v1 =	vmul.f32 v2, v1;
	v3 =	vadd.f32 v63, v3;
	_ =	sdelay $0x1  }
0x2b6: {  	v1 =	vadd.f32 v1, v3  }
0x2b7: {  	s28 =	simm.s32 $0x10900  }
0x2b8: {  	s29 =	simm.s32 $0x110;
	[tilespmem:s28+$0x0] =	vst v1  }
0x2b9: {  	s30 =	simm.s32 $0x310;
	v1 =	vld [tilespmem:s29+$0x0]  }
0x2ba: {  	s31 =	simm.s32 $0x10;
	s0 =	simm.s32 $0x20;
	v2 =	vld [tilespmem:s30+$0x0]  }
.LBB2_6:
0x2bb: {  	p0 =	sne.s32 s0, $0x70;
	_ =	sdelay $0x1  }
0x2bc: {  	v3 =	vmov s31;
	s31 =	smov.u32 s0  }
0x2bd: {  	v3 =	vshll.u32 v3, $0x7;
	v1 =	vshrl.u32 v1, $0xA  }
0x2be: {  	v3 =	vor.u32 v0, v3;
	v2 =	vshrl.u32 v2, $0xD;
	v4 =	vand.u32 $0x3FFF80, v1  }
0x2bf: {  	v1 =	vand.u32 $0x60, v1;
	v4 =	vadd.s32 v3, v4;
	v5 =	vand.u32 $0x7FF80, v2  }
0x2c0: {  	v2 =	vand.u32 $0x60, v2;
	v1 =	vor.u32 v1, v4;
	v3 =	vadd.s32 v3, v5  }
0x2c1: {  	v2 =	vor.u32 v2, v3  }
0x2c2: {  	v3 =	vor.u32 $0x1, v1  }
0x2c3: {  	v4 =	vor.u32 $0x1, v2  }
0x2c4: {  	v5 =	vor.u32 $0x2, v1  }
0x2c5: {  	v7 =	vor.u32 $0x2, v2;
	v6 =	vld.idx.msk [tilespmem:v1+s12+$0x0], $0xffff  }
0x2c6: {  	v9 =	vor.u32 $0x3, v1;
	v8 =	vld.idx.msk [tilespmem:v2+s14+$0x0], $0xffff  }
0x2c7: {  	v10 =	vor.u32 $0x3, v2;
	v3 =	vld.idx.msk [tilespmem:v3+s12+$0x0], $0xffff  }
0x2c8: {  	v11 =	vor.u32 $0x4, v1;
	v4 =	vld.idx.msk [tilespmem:v4+s14+$0x0], $0xffff  }
0x2c9: {  	v12 =	vor.u32 $0x4, v2;
	v5 =	vld.idx.msk [tilespmem:v5+s12+$0x0], $0xffff  }
0x2ca: {  	v13 =	vor.u32 $0x5, v1;
	v7 =	vld.idx.msk [tilespmem:v7+s14+$0x0], $0xffff  }
0x2cb: {  	v14 =	vor.u32 $0x5, v2;
	v9 =	vld.idx.msk [tilespmem:v9+s12+$0x0], $0xffff  }
0x2cc: {  	v6 =	vmul.f32 v8, v6;
	v8 =	vld.idx.msk [tilespmem:v10+s14+$0x0], $0xffff;
	v10 =	vor.u32 $0x6, v1  }
0x2cd: {  	v15 =	vor.u32 $0x6, v2;
	v11 =	vld.idx.msk [tilespmem:v11+s12+$0x0], $0xffff  }
0x2ce: {  	v6 =	vadd.f32 $0.0e+00, v6;
	v3 =	vmul.f32 v4, v3;
	v4 =	vld.idx.msk [tilespmem:v12+s14+$0x0], $0xffff;
	v12 =	vor.u32 $0x7, v1  }
0x2cf: {  	v16 =	vor.u32 $0x7, v2;
	v13 =	vld.idx.msk [tilespmem:v13+s12+$0x0], $0xffff  }
0x2d0: {  	v3 =	vadd.f32 v3, v6;
	v5 =	vmul.f32 v7, v5;
	v7 =	vor.u32 $0x8, v1;
	v6 =	vld.idx.msk [tilespmem:v14+s14+$0x0], $0xffff  }
0x2d1: {  	v14 =	vor.u32 $0x8, v2;
	v10 =	vld.idx.msk [tilespmem:v10+s12+$0x0], $0xffff  }
0x2d2: {  	v3 =	vadd.f32 v5, v3;
	v5 =	vmul.f32 v8, v9;
	v9 =	vor.u32 $0x9, v1;
	v8 =	vld.idx.msk [tilespmem:v15+s14+$0x0], $0xffff  }
0x2d3: {  	v15 =	vor.u32 $0x9, v2;
	v12 =	vld.idx.msk [tilespmem:v12+s12+$0x0], $0xffff  }
0x2d4: {  	v3 =	vadd.f32 v5, v3;
	v4 =	vmul.f32 v4, v11;
	v11 =	vor.u32 $0xA, v1;
	v5 =	vld.idx.msk [tilespmem:v16+s14+$0x0], $0xffff  }
0x2d5: {  	v16 =	vor.u32 $0xA, v2;
	v7 =	vld.idx.msk [tilespmem:v7+s12+$0x0], $0xffff  }
0x2d6: {  	v3 =	vadd.f32 v4, v3;
	v4 =	vmul.f32 v6, v13;
	v13 =	vor.u32 $0xB, v1;
	v6 =	vld.idx.msk [tilespmem:v14+s14+$0x0], $0xffff  }
0x2d7: {  	v14 =	vor.u32 $0xB, v2;
	v9 =	vld.idx.msk [tilespmem:v9+s12+$0x0], $0xffff  }
0x2d8: {  	v3 =	vadd.f32 v4, v3;
	v4 =	vmul.f32 v8, v10;
	v10 =	vor.u32 $0xC, v1;
	v8 =	vld.idx.msk [tilespmem:v15+s14+$0x0], $0xffff  }
0x2d9: {  	v15 =	vor.u32 $0xC, v2;
	v11 =	vld.idx.msk [tilespmem:v11+s12+$0x0], $0xffff  }
0x2da: {  	v3 =	vadd.f32 v4, v3;
	v4 =	vmul.f32 v5, v12;
	v12 =	vor.u32 $0xD, v1;
	v5 =	vld.idx.msk [tilespmem:v16+s14+$0x0], $0xffff  }
0x2db: {  	v16 =	vor.u32 $0xD, v2;
	v13 =	vld.idx.msk [tilespmem:v13+s12+$0x0], $0xffff  }
0x2dc: {  	v3 =	vadd.f32 v4, v3;
	v4 =	vmul.f32 v6, v7;
	v7 =	vor.u32 $0xE, v1;
	v6 =	vld.idx.msk [tilespmem:v14+s14+$0x0], $0xffff  }
0x2dd: {  	v14 =	vor.u32 $0xE, v2;
	v10 =	vld.idx.msk [tilespmem:v10+s12+$0x0], $0xffff  }
0x2de: {  	v3 =	vadd.f32 v4, v3;
	v4 =	vmul.f32 v8, v9;
	v9 =	vor.u32 $0xF, v1;
	v8 =	vld.idx.msk [tilespmem:v15+s14+$0x0], $0xffff  }
0x2df: {  	v15 =	vor.u32 $0xF, v2;
	v12 =	vld.idx.msk [tilespmem:v12+s12+$0x0], $0xffff  }
0x2e0: {  	v3 =	vadd.f32 v4, v3;
	v4 =	vmul.f32 v5, v11;
	v11 =	vor.u32 $0x10, v1;
	v5 =	vld.idx.msk [tilespmem:v16+s14+$0x0], $0xffff  }
0x2e1: {  	v16 =	vor.u32 $0x10, v2;
	v7 =	vld.idx.msk [tilespmem:v7+s12+$0x0], $0xffff  }
0x2e2: {  	v3 =	vadd.f32 v4, v3;
	v4 =	vmul.f32 v6, v13;
	v13 =	vor.u32 $0x11, v1;
	v6 =	vld.idx.msk [tilespmem:v14+s14+$0x0], $0xffff  }
0x2e3: {  	v14 =	vor.u32 $0x11, v2;
	v9 =	vld.idx.msk [tilespmem:v9+s12+$0x0], $0xffff  }
0x2e4: {  	v3 =	vadd.f32 v4, v3;
	v4 =	vmul.f32 v8, v10;
	v10 =	vor.u32 $0x12, v1;
	v8 =	vld.idx.msk [tilespmem:v15+s14+$0x0], $0xffff  }
0x2e5: {  	v15 =	vor.u32 $0x12, v2;
	v11 =	vld.idx.msk [tilespmem:v11+s12+$0x0], $0xffff  }
0x2e6: {  	v3 =	vadd.f32 v4, v3;
	v4 =	vmul.f32 v5, v12;
	v12 =	vor.u32 $0x13, v1;
	v5 =	vld.idx.msk [tilespmem:v16+s14+$0x0], $0xffff  }
0x2e7: {  	v16 =	vor.u32 $0x13, v2;
	v13 =	vld.idx.msk [tilespmem:v13+s12+$0x0], $0xffff  }
0x2e8: {  	v3 =	vadd.f32 v4, v3;
	v4 =	vmul.f32 v6, v7;
	v7 =	vor.u32 $0x14, v1;
	v6 =	vld.idx.msk [tilespmem:v14+s14+$0x0], $0xffff  }
0x2e9: {  	v14 =	vor.u32 $0x14, v2;
	v10 =	vld.idx.msk [tilespmem:v10+s12+$0x0], $0xffff  }
0x2ea: {  	v3 =	vadd.f32 v4, v3;
	v4 =	vmul.f32 v8, v9;
	v9 =	vor.u32 $0x15, v1;
	v8 =	vld.idx.msk [tilespmem:v15+s14+$0x0], $0xffff  }
0x2eb: {  	v15 =	vor.u32 $0x15, v2;
	v12 =	vld.idx.msk [tilespmem:v12+s12+$0x0], $0xffff  }
0x2ec: {  	v3 =	vadd.f32 v4, v3;
	v4 =	vmul.f32 v5, v11;
	v11 =	vor.u32 $0x16, v1;
	v5 =	vld.idx.msk [tilespmem:v16+s14+$0x0], $0xffff  }
0x2ed: {  	v16 =	vor.u32 $0x16, v2;
	v7 =	vld.idx.msk [tilespmem:v7+s12+$0x0], $0xffff  }
0x2ee: {  	v3 =	vadd.f32 v4, v3;
	v4 =	vmul.f32 v6, v13;
	v13 =	vor.u32 $0x17, v1;
	v6 =	vld.idx.msk [tilespmem:v14+s14+$0x0], $0xffff  }
0x2ef: {  	v14 =	vor.u32 $0x17, v2;
	v9 =	vld.idx.msk [tilespmem:v9+s12+$0x0], $0xffff  }
0x2f0: {  	v3 =	vadd.f32 v4, v3;
	v4 =	vmul.f32 v8, v10;
	v10 =	vor.u32 $0x18, v1;
	v8 =	vld.idx.msk [tilespmem:v15+s14+$0x0], $0xffff  }
0x2f1: {  	v15 =	vor.u32 $0x18, v2;
	v11 =	vld.idx.msk [tilespmem:v11+s12+$0x0], $0xffff  }
0x2f2: {  	v3 =	vadd.f32 v4, v3;
	v4 =	vmul.f32 v5, v12;
	v12 =	vor.u32 $0x19, v1;
	v5 =	vld.idx.msk [tilespmem:v16+s14+$0x0], $0xffff  }
0x2f3: {  	v16 =	vor.u32 $0x19, v2;
	v13 =	vld.idx.msk [tilespmem:v13+s12+$0x0], $0xffff  }
0x2f4: {  	v3 =	vadd.f32 v4, v3;
	v4 =	vmul.f32 v6, v7;
	v7 =	vor.u32 $0x1A, v1;
	v6 =	vld.idx.msk [tilespmem:v14+s14+$0x0], $0xffff  }
0x2f5: {  	v14 =	vor.u32 $0x1A, v2;
	v10 =	vld.idx.msk [tilespmem:v10+s12+$0x0], $0xffff  }
0x2f6: {  	v3 =	vadd.f32 v4, v3;
	v4 =	vmul.f32 v8, v9;
	v9 =	vor.u32 $0x1B, v1;
	v8 =	vld.idx.msk [tilespmem:v15+s14+$0x0], $0xffff  }
0x2f7: {  	v15 =	vor.u32 $0x1B, v2;
	v12 =	vld.idx.msk [tilespmem:v12+s12+$0x0], $0xffff  }
0x2f8: {  	v3 =	vadd.f32 v4, v3;
	v4 =	vmul.f32 v5, v11;
	v11 =	vor.u32 $0x1C, v1;
	v5 =	vld.idx.msk [tilespmem:v16+s14+$0x0], $0xffff  }
0x2f9: {  	v16 =	vor.u32 $0x1C, v2;
	v7 =	vld.idx.msk [tilespmem:v7+s12+$0x0], $0xffff  }
0x2fa: {  	v3 =	vadd.f32 v4, v3;
	v4 =	vmul.f32 v6, v13;
	v13 =	vor.u32 $0x1D, v1;
	v6 =	vld.idx.msk [tilespmem:v14+s14+$0x0], $0xffff  }
0x2fb: {  	v14 =	vor.u32 $0x1D, v2;
	v9 =	vld.idx.msk [tilespmem:v9+s12+$0x0], $0xffff  }
0x2fc: {  	v3 =	vadd.f32 v4, v3;
	v4 =	vmul.f32 v8, v10;
	v10 =	vor.u32 $0x1E, v1;
	v8 =	vld.idx.msk [tilespmem:v15+s14+$0x0], $0xffff  }
0x2fd: {  	v15 =	vor.u32 $0x1E, v2;
	v11 =	vld.idx.msk [tilespmem:v11+s12+$0x0], $0xffff  }
0x2fe: {  	v1 =	vor.u32 $0x1F, v1;
	v3 =	vadd.f32 v4, v3;
	v4 =	vmul.f32 v5, v12;
	v5 =	vld.idx.msk [tilespmem:v16+s14+$0x0], $0xffff  }
0x2ff: {  	v2 =	vor.u32 $0x1F, v2;
	v12 =	vld.idx.msk [tilespmem:v13+s12+$0x0], $0xffff  }
0x300: {  	v3 =	vadd.f32 v4, v3;
	v4 =	vmul.f32 v6, v7;
	v6 =	vld.idx.msk [tilespmem:v14+s14+$0x0], $0xffff  }
0x301: {  	v7 =	vld.idx.msk [tilespmem:v10+s12+$0x0], $0xffff  }
0x302: {  	v3 =	vadd.f32 v4, v3;
	v4 =	vmul.f32 v8, v9;
	v8 =	vld.idx.msk [tilespmem:v15+s14+$0x0], $0xffff  }
0x303: {  	v1 =	vld.idx.msk [tilespmem:v1+s12+$0x0], $0xffff  }
0x304: {  	v3 =	vadd.f32 v4, v3;
	v4 =	vmul.f32 v5, v11;
	v2 =	vld.idx.msk [tilespmem:v2+s14+$0x0], $0xffff;
	_ =	sdelay $0x1  }
0x305: {  	v3 =	vadd.f32 v4, v3;
	v4 =	vmul.f32 v6, v12;
	_ =	sdelay $0x1  }
0x306: {  	v3 =	vadd.f32 v4, v3;
	v4 =	vmul.f32 v8, v7;
	_ =	sdelay $0x1  }
0x307: {  	v3 =	vadd.f32 v4, v3;
	v1 =	vmul.f32 v2, v1;
	_ =	sdelay $0x1  }
.Ltmp2:
0x308: {  	v1 =	vadd.f32 v1, v3;
	(pc) =	sbr.rel @p0 .LBB2_6-.Ltmp2, $4  }
0x309: {  	s28 =	sadd.s32 $0x10, s28  }
0x30a: {  	s29 =	sadd.s32 $0x10, s29;
	[tilespmem:s28+$0x0] =	vst v1  }
0x30b: {  	s30 =	sadd.s32 $0x10, s30;
	v1 =	vld [tilespmem:s29+$0x0]  }
0x30c: {  	s0 =	sadd.s32 $0x10, s0;
	v2 =	vld [tilespmem:s30+$0x0]  }
0x30d: {  	_ =	sdelay $0x1  }
0x30e: {  	v3 =	vmov s31  }
0x30f: {  	v3 =	vshll.u32 v3, $0x7;
	v1 =	vshrl.u32 v1, $0xA  }
0x310: {  	v3 =	vor.u32 v0, v3;
	v2 =	vshrl.u32 v2, $0xD;
	v4 =	vand.u32 $0x3FFF80, v1  }
0x311: {  	v1 =	vand.u32 $0x60, v1;
	v4 =	vadd.s32 v3, v4;
	v5 =	vand.u32 $0x7FF80, v2  }
0x312: {  	v2 =	vand.u32 $0x60, v2;
	v1 =	vor.u32 v1, v4;
	v3 =	vadd.s32 v3, v5  }
0x313: {  	v2 =	vor.u32 v2, v3  }
0x314: {  	v3 =	vor.u32 $0x1, v1  }
0x315: {  	v60 =	vor.u32 $0x1, v2  }
0x316: {  	v61 =	vor.u32 $0x2, v1  }
0x317: {  	v7 =	vor.u32 $0x2, v2;
	v6 =	vld.idx.msk [tilespmem:v1+s12+$0x0], $0xffff  }
0x318: {  	v9 =	vor.u32 $0x3, v1;
	v8 =	vld.idx.msk [tilespmem:v2+s14+$0x0], $0xffff  }
0x319: {  	v10 =	vor.u32 $0x3, v2;
	v3 =	vld.idx.msk [tilespmem:v3+s12+$0x0], $0xffff  }
0x31a: {  	v11 =	vor.u32 $0x4, v1;
	v4 =	vld.idx.msk [tilespmem:v60+s14+$0x0], $0xffff  }
0x31b: {  	v12 =	vor.u32 $0x4, v2;
	v5 =	vld.idx.msk [tilespmem:v61+s12+$0x0], $0xffff  }
0x31c: {  	v13 =	vor.u32 $0x5, v1;
	v7 =	vld.idx.msk [tilespmem:v7+s14+$0x0], $0xffff  }
0x31d: {  	v14 =	vor.u32 $0x5, v2;
	v9 =	vld.idx.msk [tilespmem:v9+s12+$0x0], $0xffff;
	v6 =	vmul.f32 v8, v6  }
0x31e: {  	v63 =	vor.u32 $0x6, v1;
	v62 =	vld.idx.msk [tilespmem:v10+s14+$0x0], $0xffff  }
0x31f: {  	v15 =	vor.u32 $0x6, v2;
	v11 =	vld.idx.msk [tilespmem:v11+s12+$0x0], $0xffff;
	v3 =	vmul.f32 v4, v3;
	v6 =	vadd.f32 $0.0e+00, v6  }
0x320: {  	v21 =	vor.u32 $0x7, v1;
	v20 =	vld.idx.msk [tilespmem:v12+s14+$0x0], $0xffff  }
0x321: {  	v16 =	vor.u32 $0x7, v2;
	v13 =	vld.idx.msk [tilespmem:v13+s12+$0x0], $0xffff;
	v5 =	vmul.f32 v7, v5;
	v3 =	vadd.f32 v3, v6  }
0x322: {  	v24 =	vor.u32 $0x8, v2;
	v22 =	vld.idx.msk [tilespmem:v14+s14+$0x0], $0xffff  }
0x323: {  	v23 =	vor.u32 $0x8, v1;
	v10 =	vld.idx.msk [tilespmem:v63+s12+$0x0], $0xffff;
	v25 =	vmul.f32 v62, v9;
	v3 =	vadd.f32 v5, v3  }
0x324: {  	v28 =	vor.u32 $0x9, v2;
	v26 =	vld.idx.msk [tilespmem:v15+s14+$0x0], $0xffff  }
0x325: {  	v27 =	vor.u32 $0x9, v1;
	v12 =	vld.idx.msk [tilespmem:v21+s12+$0x0], $0xffff;
	v4 =	vmul.f32 v20, v11;
	v3 =	vadd.f32 v25, v3  }
0x326: {  	v31 =	vor.u32 $0xA, v2;
	v29 =	vld.idx.msk [tilespmem:v16+s14+$0x0], $0xffff  }
0x327: {  	v30 =	vor.u32 $0xA, v1;
	v33 =	vld.idx.msk [tilespmem:v24+s14+$0x0], $0xffff;
	v32 =	vmul.f32 v22, v13;
	v3 =	vadd.f32 v4, v3  }
0x328: {  	v35 =	vor.u32 $0xB, v2;
	v7 =	vld.idx.msk [tilespmem:v23+s12+$0x0], $0xffff  }
0x329: {  	v34 =	vor.u32 $0xB, v1;
	v37 =	vld.idx.msk [tilespmem:v28+s14+$0x0], $0xffff;
	v36 =	vmul.f32 v26, v10;
	v3 =	vadd.f32 v32, v3  }
0x32a: {  	v39 =	vor.u32 $0xC, v2;
	v9 =	vld.idx.msk [tilespmem:v27+s12+$0x0], $0xffff  }
0x32b: {  	v38 =	vor.u32 $0xC, v1;
	v41 =	vld.idx.msk [tilespmem:v31+s14+$0x0], $0xffff;
	v40 =	vmul.f32 v29, v12;
	v3 =	vadd.f32 v36, v3  }
0x32c: {  	v43 =	vor.u32 $0xD, v2;
	v11 =	vld.idx.msk [tilespmem:v30+s12+$0x0], $0xffff  }
0x32d: {  	v42 =	vor.u32 $0xD, v1;
	v45 =	vld.idx.msk [tilespmem:v35+s14+$0x0], $0xffff;
	v44 =	vmul.f32 v33, v7;
	v3 =	vadd.f32 v40, v3  }
0x32e: {  	v47 =	vor.u32 $0xE, v2;
	v13 =	vld.idx.msk [tilespmem:v34+s12+$0x0], $0xffff  }
0x32f: {  	v46 =	vor.u32 $0xE, v1;
	v49 =	vld.idx.msk [tilespmem:v39+s14+$0x0], $0xffff;
	v48 =	vmul.f32 v37, v9;
	v3 =	vadd.f32 v44, v3  }
0x330: {  	v51 =	vor.u32 $0xF, v2;
	v10 =	vld.idx.msk [tilespmem:v38+s12+$0x0], $0xffff  }
0x331: {  	v50 =	vor.u32 $0xF, v1;
	v53 =	vld.idx.msk [tilespmem:v43+s14+$0x0], $0xffff;
	v52 =	vmul.f32 v41, v11;
	v3 =	vadd.f32 v48, v3  }
0x332: {  	v55 =	vor.u32 $0x10, v2;
	v12 =	vld.idx.msk [tilespmem:v42+s12+$0x0], $0xffff  }
0x333: {  	v54 =	vor.u32 $0x10, v1;
	v57 =	vld.idx.msk [tilespmem:v47+s14+$0x0], $0xffff;
	v56 =	vmul.f32 v45, v13;
	v3 =	vadd.f32 v52, v3  }
0x334: {  	v58 =	vor.u32 $0x11, v1;
	v7 =	vld.idx.msk [tilespmem:v46+s12+$0x0], $0xffff  }
0x335: {  	v59 =	vor.u32 $0x11, v2;
	v61 =	vld.idx.msk [tilespmem:v51+s14+$0x0], $0xffff;
	v60 =	vmul.f32 v49, v10;
	v3 =	vadd.f32 v56, v3  }
0x336: {  	v63 =	vor.u32 $0x12, v2;
	v9 =	vld.idx.msk [tilespmem:v50+s12+$0x0], $0xffff  }
0x337: {  	v21 =	vld.idx.msk [tilespmem:v55+s14+$0x0], $0xffff;
	v62 =	vor.u32 $0x12, v1;
	v20 =	vmul.f32 v53, v12;
	v3 =	vadd.f32 v60, v3  }
0x338: {  	v22 =	vor.u32 $0x13, v1;
	v11 =	vld.idx.msk [tilespmem:v54+s12+$0x0], $0xffff  }
0x339: {  	v23 =	vor.u32 $0x13, v2;
	v13 =	vld.idx.msk [tilespmem:v58+s12+$0x0], $0xffff;
	v24 =	vmul.f32 v57, v7;
	v3 =	vadd.f32 v20, v3  }
0x33a: {  	v27 =	vor.u32 $0x14, v2;
	v25 =	vld.idx.msk [tilespmem:v59+s14+$0x0], $0xffff  }
0x33b: {  	v26 =	vor.u32 $0x14, v1;
	v29 =	vld.idx.msk [tilespmem:v63+s14+$0x0], $0xffff;
	v28 =	vmul.f32 v61, v9;
	v3 =	vadd.f32 v24, v3  }
0x33c: {  	v31 =	vor.u32 $0x15, v2;
	v10 =	vld.idx.msk [tilespmem:v62+s12+$0x0], $0xffff  }
0x33d: {  	v30 =	vor.u32 $0x15, v1;
	v12 =	vld.idx.msk [tilespmem:v22+s12+$0x0], $0xffff;
	v32 =	vmul.f32 v21, v11;
	v3 =	vadd.f32 v28, v3  }
0x33e: {  	v35 =	vor.u32 $0x16, v2;
	v33 =	vld.idx.msk [tilespmem:v23+s14+$0x0], $0xffff  }
0x33f: {  	v34 =	vor.u32 $0x16, v1;
	v37 =	vld.idx.msk [tilespmem:v27+s14+$0x0], $0xffff;
	v36 =	vmul.f32 v25, v13;
	v3 =	vadd.f32 v32, v3  }
0x340: {  	v39 =	vor.u32 $0x17, v2;
	v7 =	vld.idx.msk [tilespmem:v26+s12+$0x0], $0xffff  }
0x341: {  	v38 =	vor.u32 $0x17, v1;
	v41 =	vld.idx.msk [tilespmem:v31+s14+$0x0], $0xffff;
	v40 =	vmul.f32 v29, v10;
	v3 =	vadd.f32 v36, v3  }
0x342: {  	v43 =	vor.u32 $0x18, v2;
	v9 =	vld.idx.msk [tilespmem:v30+s12+$0x0], $0xffff  }
0x343: {  	v42 =	vor.u32 $0x18, v1;
	v45 =	vld.idx.msk [tilespmem:v35+s14+$0x0], $0xffff;
	v44 =	vmul.f32 v33, v12;
	v3 =	vadd.f32 v40, v3  }
0x344: {  	v47 =	vor.u32 $0x19, v2;
	v11 =	vld.idx.msk [tilespmem:v34+s12+$0x0], $0xffff  }
0x345: {  	v46 =	vor.u32 $0x19, v1;
	v49 =	vld.idx.msk [tilespmem:v39+s14+$0x0], $0xffff;
	v48 =	vmul.f32 v37, v7;
	v3 =	vadd.f32 v44, v3  }
0x346: {  	v51 =	vor.u32 $0x1A, v2;
	v13 =	vld.idx.msk [tilespmem:v38+s12+$0x0], $0xffff  }
0x347: {  	v50 =	vor.u32 $0x1A, v1;
	v53 =	vld.idx.msk [tilespmem:v43+s14+$0x0], $0xffff;
	v52 =	vmul.f32 v41, v9;
	v3 =	vadd.f32 v48, v3  }
0x348: {  	v55 =	vor.u32 $0x1B, v2;
	v10 =	vld.idx.msk [tilespmem:v42+s12+$0x0], $0xffff  }
0x349: {  	v54 =	vor.u32 $0x1B, v1;
	v57 =	vld.idx.msk [tilespmem:v47+s14+$0x0], $0xffff;
	v56 =	vmul.f32 v45, v11;
	v3 =	vadd.f32 v52, v3  }
0x34a: {  	v59 =	vor.u32 $0x1C, v2;
	v12 =	vld.idx.msk [tilespmem:v46+s12+$0x0], $0xffff  }
0x34b: {  	v58 =	vor.u32 $0x1C, v1;
	v61 =	vld.idx.msk [tilespmem:v51+s14+$0x0], $0xffff;
	v60 =	vmul.f32 v49, v13;
	v3 =	vadd.f32 v56, v3  }
0x34c: {  	v63 =	vor.u32 $0x1D, v2;
	v7 =	vld.idx.msk [tilespmem:v50+s12+$0x0], $0xffff  }
0x34d: {  	v19 =	vld.idx.msk [tilespmem:v55+s14+$0x0], $0xffff;
	v62 =	vor.u32 $0x1D, v1;
	v18 =	vmul.f32 v53, v10;
	v3 =	vadd.f32 v60, v3  }
0x34e: {  	v21 =	vor.u32 $0x1E, v2;
	v9 =	vld.idx.msk [tilespmem:v54+s12+$0x0], $0xffff  }
0x34f: {  	v23 =	vld.idx.msk [tilespmem:v59+s14+$0x0], $0xffff;
	v22 =	vmul.f32 v57, v12;
	v20 =	vor.u32 $0x1E, v1;
	v3 =	vadd.f32 v18, v3  }
0x350: {  	v2 =	vor.u32 $0x1F, v2;
	v11 =	vld.idx.msk [tilespmem:v58+s12+$0x0], $0xffff  }
0x351: {  	v26 =	vld.idx.msk [tilespmem:v63+s14+$0x0], $0xffff;
	v25 =	vmul.f32 v61, v7;
	v1 =	vor.u32 $0x1F, v1;
	v3 =	vadd.f32 v22, v3  }
0x352: {  	v24 =	vld.idx.msk [tilespmem:v62+s12+$0x0], $0xffff  }
0x353: {  	v29 =	vld.idx.msk [tilespmem:v21+s14+$0x0], $0xffff;
	v28 =	vmul.f32 v19, v9;
	v3 =	vadd.f32 v25, v3  }
0x354: {  	v27 =	vld.idx.msk [tilespmem:v20+s12+$0x0], $0xffff  }
0x355: {  	v2 =	vld.idx.msk [tilespmem:v2+s14+$0x0], $0xffff;
	v30 =	vmul.f32 v23, v11;
	v3 =	vadd.f32 v28, v3  }
0x356: {  	v1 =	vld.idx.msk [tilespmem:v1+s12+$0x0], $0xffff  }
0x357: {  	v31 =	vmul.f32 v26, v24;
	v3 =	vadd.f32 v30, v3;
	_ =	sdelay $0x1  }
0x358: {  	v32 =	vmul.f32 v29, v27;
	v3 =	vadd.f32 v31, v3;
	_ =	sdelay $0x1  }
0x359: {  	v1 =	vmul.f32 v2, v1;
	v3 =	vadd.f32 v32, v3;
	_ =	sdelay $0x1  }
0x35a: {  	v1 =	vadd.f32 v1, v3  }
0x35b: {  	s0 =	sadd.s32 $0x10, s28  }
0x35c: {  	[tilespmem:s0+$0x0] =	vst v1  }
0x35d: {  	_ =	swait.ge [sflag:s15], $0x4000  }
0x35e: {  	[sflag:s15] =	ssyncset.done $0x0  }
0x35f: {  	[sflag:s15] =	ssyncadd.s32 $0xFFFFC000  }
0x360: {  	_ =	swait.ge [sflag:s16], $0x4000  }
0x361: {  	[sflag:s16] =	ssyncset.done $0x0  }
0x362: {  	s0 =	simm.s32 $0x180;
	[sflag:s16] =	ssyncadd.s32 $0xFFFFC000  }
0x363: {  	s28 =	simm.s32 $0x380;
	v1 =	vld [tilespmem:s0+$0x0]  }
0x364: {  	v2 =	vld [tilespmem:s28+$0x0];
	_ =	sdelay $0x1  }
0x365: {  	s0 =	simm.s32 $0x0  }
0x366: {  	v3 =	vmov s0  }
0x367: {  	v3 =	vshll.u32 v3, $0x7;
	v1 =	vshrl.u32 v1, $0xA  }
0x368: {  	v3 =	vor.u32 v0, v3;
	v2 =	vshrl.u32 v2, $0xD;
	v33 =	vand.u32 $0x3FFF80, v1  }
0x369: {  	v1 =	vand.u32 $0x60, v1;
	v34 =	vand.u32 $0x7FF80, v2;
	v4 =	vadd.s32 v3, v33  }
0x36a: {  	v2 =	vand.u32 $0x60, v2;
	v3 =	vadd.s32 v3, v34;
	v1 =	vor.u32 v1, v4  }
0x36b: {  	v2 =	vor.u32 v2, v3  }
0x36c: {  	v3 =	vor.u32 $0x1, v1  }
0x36d: {  	v35 =	vor.u32 $0x1, v2  }
0x36e: {  	v36 =	vor.u32 $0x2, v1  }
0x36f: {  	v38 =	vor.u32 $0x2, v2;
	v37 =	vld.idx.msk [tilespmem:v1+s18+$0x0], $0xffff  }
0x370: {  	v40 =	vor.u32 $0x3, v1;
	v39 =	vld.idx.msk [tilespmem:v2+s20+$0x0], $0xffff  }
0x371: {  	v41 =	vor.u32 $0x3, v2;
	v3 =	vld.idx.msk [tilespmem:v3+s18+$0x0], $0xffff  }
0x372: {  	v42 =	vor.u32 $0x4, v1;
	v4 =	vld.idx.msk [tilespmem:v35+s20+$0x0], $0xffff  }
0x373: {  	v43 =	vor.u32 $0x4, v2;
	v5 =	vld.idx.msk [tilespmem:v36+s18+$0x0], $0xffff  }
0x374: {  	v44 =	vor.u32 $0x5, v1;
	v7 =	vld.idx.msk [tilespmem:v38+s20+$0x0], $0xffff  }
0x375: {  	v45 =	vor.u32 $0x5, v2;
	v9 =	vld.idx.msk [tilespmem:v40+s18+$0x0], $0xffff;
	v6 =	vmul.f32 v39, v37  }
0x376: {  	v47 =	vor.u32 $0x6, v1;
	v46 =	vld.idx.msk [tilespmem:v41+s20+$0x0], $0xffff  }
0x377: {  	v48 =	vor.u32 $0x6, v2;
	v11 =	vld.idx.msk [tilespmem:v42+s18+$0x0], $0xffff;
	v3 =	vmul.f32 v4, v3;
	v6 =	vadd.f32 $0.0e+00, v6  }
0x378: {  	v50 =	vor.u32 $0x7, v1;
	v49 =	vld.idx.msk [tilespmem:v43+s20+$0x0], $0xffff  }
0x379: {  	v51 =	vor.u32 $0x7, v2;
	v13 =	vld.idx.msk [tilespmem:v44+s18+$0x0], $0xffff;
	v5 =	vmul.f32 v7, v5;
	v3 =	vadd.f32 v3, v6  }
0x37a: {  	v54 =	vor.u32 $0x8, v2;
	v52 =	vld.idx.msk [tilespmem:v45+s20+$0x0], $0xffff  }
0x37b: {  	v53 =	vor.u32 $0x8, v1;
	v10 =	vld.idx.msk [tilespmem:v47+s18+$0x0], $0xffff;
	v55 =	vmul.f32 v46, v9;
	v3 =	vadd.f32 v5, v3  }
0x37c: {  	v58 =	vor.u32 $0x9, v2;
	v56 =	vld.idx.msk [tilespmem:v48+s20+$0x0], $0xffff  }
0x37d: {  	v57 =	vor.u32 $0x9, v1;
	v12 =	vld.idx.msk [tilespmem:v50+s18+$0x0], $0xffff;
	v4 =	vmul.f32 v49, v11;
	v3 =	vadd.f32 v55, v3  }
0x37e: {  	v61 =	vor.u32 $0xA, v2;
	v59 =	vld.idx.msk [tilespmem:v51+s20+$0x0], $0xffff  }
0x37f: {  	v60 =	vor.u32 $0xA, v1;
	v63 =	vld.idx.msk [tilespmem:v54+s20+$0x0], $0xffff;
	v62 =	vmul.f32 v52, v13;
	v3 =	vadd.f32 v4, v3  }
0x380: {  	v20 =	vor.u32 $0xB, v2;
	v7 =	vld.idx.msk [tilespmem:v53+s18+$0x0], $0xffff  }
0x381: {  	v19 =	vor.u32 $0xB, v1;
	v22 =	vld.idx.msk [tilespmem:v58+s20+$0x0], $0xffff;
	v21 =	vmul.f32 v56, v10;
	v3 =	vadd.f32 v62, v3  }
0x382: {  	v24 =	vor.u32 $0xC, v2;
	v9 =	vld.idx.msk [tilespmem:v57+s18+$0x0], $0xffff  }
0x383: {  	v23 =	vor.u32 $0xC, v1;
	v26 =	vld.idx.msk [tilespmem:v61+s20+$0x0], $0xffff;
	v25 =	vmul.f32 v59, v12;
	v3 =	vadd.f32 v21, v3  }
0x384: {  	v28 =	vor.u32 $0xD, v2;
	v11 =	vld.idx.msk [tilespmem:v60+s18+$0x0], $0xffff  }
0x385: {  	v27 =	vor.u32 $0xD, v1;
	v30 =	vld.idx.msk [tilespmem:v20+s20+$0x0], $0xffff;
	v29 =	vmul.f32 v63, v7;
	v3 =	vadd.f32 v25, v3  }
0x386: {  	v32 =	vor.u32 $0xE, v2;
	v13 =	vld.idx.msk [tilespmem:v19+s18+$0x0], $0xffff  }
0x387: {  	v31 =	vor.u32 $0xE, v1;
	v34 =	vld.idx.msk [tilespmem:v24+s20+$0x0], $0xffff;
	v33 =	vmul.f32 v22, v9;
	v3 =	vadd.f32 v29, v3  }
0x388: {  	v36 =	vor.u32 $0xF, v2;
	v10 =	vld.idx.msk [tilespmem:v23+s18+$0x0], $0xffff  }
0x389: {  	v35 =	vor.u32 $0xF, v1;
	v38 =	vld.idx.msk [tilespmem:v28+s20+$0x0], $0xffff;
	v37 =	vmul.f32 v26, v11;
	v3 =	vadd.f32 v33, v3  }
0x38a: {  	v40 =	vor.u32 $0x10, v2;
	v12 =	vld.idx.msk [tilespmem:v27+s18+$0x0], $0xffff  }
0x38b: {  	v42 =	vld.idx.msk [tilespmem:v32+s20+$0x0], $0xffff;
	v39 =	vor.u32 $0x10, v1;
	v41 =	vmul.f32 v30, v13;
	v3 =	vadd.f32 v37, v3  }
0x38c: {  	v44 =	vor.u32 $0x11, v2;
	v7 =	vld.idx.msk [tilespmem:v31+s18+$0x0], $0xffff  }
0x38d: {  	v43 =	vor.u32 $0x11, v1;
	v46 =	vld.idx.msk [tilespmem:v36+s20+$0x0], $0xffff;
	v45 =	vmul.f32 v34, v10;
	v3 =	vadd.f32 v41, v3  }
0x38e: {  	v48 =	vor.u32 $0x12, v2;
	v9 =	vld.idx.msk [tilespmem:v35+s18+$0x0], $0xffff  }
0x38f: {  	v47 =	vor.u32 $0x12, v1;
	v50 =	vld.idx.msk [tilespmem:v40+s20+$0x0], $0xffff;
	v49 =	vmul.f32 v38, v12;
	v3 =	vadd.f32 v45, v3  }
0x390: {  	v51 =	vor.u32 $0x13, v1;
	v11 =	vld.idx.msk [tilespmem:v39+s18+$0x0], $0xffff  }
0x391: {  	v52 =	vor.u32 $0x13, v2;
	v54 =	vld.idx.msk [tilespmem:v44+s20+$0x0], $0xffff;
	v53 =	vmul.f32 v42, v7;
	v3 =	vadd.f32 v49, v3  }
0x392: {  	v56 =	vor.u32 $0x14, v2;
	v13 =	vld.idx.msk [tilespmem:v43+s18+$0x0], $0xffff  }
0x393: {  	v58 =	vld.idx.msk [tilespmem:v48+s20+$0x0], $0xffff;
	v55 =	vor.u32 $0x14, v1;
	v57 =	vmul.f32 v46, v9;
	v3 =	vadd.f32 v53, v3  }
0x394: {  	v60 =	vor.u32 $0x15, v2;
	v10 =	vld.idx.msk [tilespmem:v47+s18+$0x0], $0xffff  }
0x395: {  	v59 =	vor.u32 $0x15, v1;
	v12 =	vld.idx.msk [tilespmem:v51+s18+$0x0], $0xffff;
	v61 =	vmul.f32 v50, v11;
	v3 =	vadd.f32 v57, v3  }
0x396: {  	v20 =	vor.u32 $0x16, v2;
	v62 =	vld.idx.msk [tilespmem:v52+s20+$0x0], $0xffff  }
0x397: {  	v63 =	vor.u32 $0x16, v1;
	v22 =	vld.idx.msk [tilespmem:v56+s20+$0x0], $0xffff;
	v21 =	vmul.f32 v54, v13;
	v3 =	vadd.f32 v61, v3  }
0x398: {  	v24 =	vor.u32 $0x17, v2;
	v7 =	vld.idx.msk [tilespmem:v55+s18+$0x0], $0xffff  }
0x399: {  	v23 =	vor.u32 $0x17, v1;
	v26 =	vld.idx.msk [tilespmem:v60+s20+$0x0], $0xffff;
	v25 =	vmul.f32 v58, v10;
	v3 =	vadd.f32 v21, v3  }
0x39a: {  	v28 =	vor.u32 $0x18, v2;
	v9 =	vld.idx.msk [tilespmem:v59+s18+$0x0], $0xffff  }
0x39b: {  	v27 =	vor.u32 $0x18, v1;
	v30 =	vld.idx.msk [tilespmem:v20+s20+$0x0], $0xffff;
	v29 =	vmul.f32 v62, v12;
	v3 =	vadd.f32 v25, v3  }
0x39c: {  	v32 =	vor.u32 $0x19, v2;
	v11 =	vld.idx.msk [tilespmem:v63+s18+$0x0], $0xffff  }
0x39d: {  	v31 =	vor.u32 $0x19, v1;
	v34 =	vld.idx.msk [tilespmem:v24+s20+$0x0], $0xffff;
	v33 =	vmul.f32 v22, v7;
	v3 =	vadd.f32 v29, v3  }
0x39e: {  	v36 =	vor.u32 $0x1A, v2;
	v13 =	vld.idx.msk [tilespmem:v23+s18+$0x0], $0xffff  }
0x39f: {  	v35 =	vor.u32 $0x1A, v1;
	v38 =	vld.idx.msk [tilespmem:v28+s20+$0x0], $0xffff;
	v37 =	vmul.f32 v26, v9;
	v3 =	vadd.f32 v33, v3  }
0x3a0: {  	v40 =	vor.u32 $0x1B, v2;
	v10 =	vld.idx.msk [tilespmem:v27+s18+$0x0], $0xffff  }
0x3a1: {  	v39 =	vor.u32 $0x1B, v1;
	v42 =	vld.idx.msk [tilespmem:v32+s20+$0x0], $0xffff;
	v41 =	vmul.f32 v30, v11;
	v3 =	vadd.f32 v37, v3  }
0x3a2: {  	v44 =	vor.u32 $0x1C, v2;
	v12 =	vld.idx.msk [tilespmem:v31+s18+$0x0], $0xffff  }
0x3a3: {  	v43 =	vor.u32 $0x1C, v1;
	v46 =	vld.idx.msk [tilespmem:v36+s20+$0x0], $0xffff;
	v45 =	vmul.f32 v34, v13;
	v3 =	vadd.f32 v41, v3  }
0x3a4: {  	v47 =	vor.u32 $0x1D, v1;
	v7 =	vld.idx.msk [tilespmem:v35+s18+$0x0], $0xffff  }
0x3a5: {  	v48 =	vor.u32 $0x1D, v2;
	v50 =	vld.idx.msk [tilespmem:v40+s20+$0x0], $0xffff;
	v49 =	vmul.f32 v38, v10;
	v3 =	vadd.f32 v45, v3  }
0x3a6: {  	v51 =	vor.u32 $0x1E, v1;
	v9 =	vld.idx.msk [tilespmem:v39+s18+$0x0], $0xffff  }
0x3a7: {  	v52 =	vor.u32 $0x1E, v2;
	v54 =	vld.idx.msk [tilespmem:v44+s20+$0x0], $0xffff;
	v53 =	vmul.f32 v42, v12;
	v3 =	vadd.f32 v49, v3  }
0x3a8: {  	v1 =	vor.u32 $0x1F, v1;
	v11 =	vld.idx.msk [tilespmem:v43+s18+$0x0], $0xffff  }
0x3a9: {  	v2 =	vor.u32 $0x1F, v2;
	v55 =	vld.idx.msk [tilespmem:v47+s18+$0x0], $0xffff;
	v56 =	vmul.f32 v46, v7;
	v3 =	vadd.f32 v53, v3  }
0x3aa: {  	v57 =	vld.idx.msk [tilespmem:v48+s20+$0x0], $0xffff  }
0x3ab: {  	v58 =	vld.idx.msk [tilespmem:v51+s18+$0x0], $0xffff;
	v59 =	vmul.f32 v50, v9;
	v3 =	vadd.f32 v56, v3  }
0x3ac: {  	v60 =	vld.idx.msk [tilespmem:v52+s20+$0x0], $0xffff  }
0x3ad: {  	v1 =	vld.idx.msk [tilespmem:v1+s18+$0x0], $0xffff;
	v61 =	vmul.f32 v54, v11;
	v3 =	vadd.f32 v59, v3  }
0x3ae: {  	v2 =	vld.idx.msk [tilespmem:v2+s20+$0x0], $0xffff  }
0x3af: {  	v62 =	vmul.f32 v57, v55;
	v3 =	vadd.f32 v61, v3;
	_ =	sdelay $0x1  }
0x3b0: {  	v63 =	vmul.f32 v60, v58;
	v3 =	vadd.f32 v62, v3;
	_ =	sdelay $0x1  }
0x3b1: {  	v1 =	vmul.f32 v2, v1;
	v3 =	vadd.f32 v63, v3;
	_ =	sdelay $0x1  }
0x3b2: {  	v1 =	vadd.f32 v1, v3  }
0x3b3: {  	s28 =	simm.s32 $0x10980  }
0x3b4: {  	s29 =	simm.s32 $0x190;
	[tilespmem:s28+$0x0] =	vst v1  }
0x3b5: {  	s30 =	simm.s32 $0x390;
	v1 =	vld [tilespmem:s29+$0x0]  }
0x3b6: {  	s31 =	simm.s32 $0x10;
	s0 =	simm.s32 $0x20;
	v2 =	vld [tilespmem:s30+$0x0]  }
.LBB2_8:
0x3b7: {  	p0 =	sne.s32 s0, $0x70;
	_ =	sdelay $0x1  }
0x3b8: {  	v3 =	vmov s31;
	s31 =	smov.u32 s0  }
0x3b9: {  	v3 =	vshll.u32 v3, $0x7;
	v1 =	vshrl.u32 v1, $0xA  }
0x3ba: {  	v3 =	vor.u32 v0, v3;
	v2 =	vshrl.u32 v2, $0xD;
	v4 =	vand.u32 $0x3FFF80, v1  }
0x3bb: {  	v1 =	vand.u32 $0x60, v1;
	v4 =	vadd.s32 v3, v4;
	v5 =	vand.u32 $0x7FF80, v2  }
0x3bc: {  	v2 =	vand.u32 $0x60, v2;
	v1 =	vor.u32 v1, v4;
	v3 =	vadd.s32 v3, v5  }
0x3bd: {  	v2 =	vor.u32 v2, v3  }
0x3be: {  	v3 =	vor.u32 $0x1, v1  }
0x3bf: {  	v4 =	vor.u32 $0x1, v2  }
0x3c0: {  	v5 =	vor.u32 $0x2, v1  }
0x3c1: {  	v7 =	vor.u32 $0x2, v2;
	v6 =	vld.idx.msk [tilespmem:v1+s18+$0x0], $0xffff  }
0x3c2: {  	v9 =	vor.u32 $0x3, v1;
	v8 =	vld.idx.msk [tilespmem:v2+s20+$0x0], $0xffff  }
0x3c3: {  	v10 =	vor.u32 $0x3, v2;
	v3 =	vld.idx.msk [tilespmem:v3+s18+$0x0], $0xffff  }
0x3c4: {  	v11 =	vor.u32 $0x4, v1;
	v4 =	vld.idx.msk [tilespmem:v4+s20+$0x0], $0xffff  }
0x3c5: {  	v12 =	vor.u32 $0x4, v2;
	v5 =	vld.idx.msk [tilespmem:v5+s18+$0x0], $0xffff  }
0x3c6: {  	v13 =	vor.u32 $0x5, v1;
	v7 =	vld.idx.msk [tilespmem:v7+s20+$0x0], $0xffff  }
0x3c7: {  	v14 =	vor.u32 $0x5, v2;
	v9 =	vld.idx.msk [tilespmem:v9+s18+$0x0], $0xffff  }
0x3c8: {  	v6 =	vmul.f32 v8, v6;
	v8 =	vld.idx.msk [tilespmem:v10+s20+$0x0], $0xffff;
	v10 =	vor.u32 $0x6, v1  }
0x3c9: {  	v15 =	vor.u32 $0x6, v2;
	v11 =	vld.idx.msk [tilespmem:v11+s18+$0x0], $0xffff  }
0x3ca: {  	v6 =	vadd.f32 $0.0e+00, v6;
	v3 =	vmul.f32 v4, v3;
	v4 =	vld.idx.msk [tilespmem:v12+s20+$0x0], $0xffff;
	v12 =	vor.u32 $0x7, v1  }
0x3cb: {  	v16 =	vor.u32 $0x7, v2;
	v13 =	vld.idx.msk [tilespmem:v13+s18+$0x0], $0xffff  }
0x3cc: {  	v3 =	vadd.f32 v3, v6;
	v5 =	vmul.f32 v7, v5;
	v7 =	vor.u32 $0x8, v1;
	v6 =	vld.idx.msk [tilespmem:v14+s20+$0x0], $0xffff  }
0x3cd: {  	v14 =	vor.u32 $0x8, v2;
	v10 =	vld.idx.msk [tilespmem:v10+s18+$0x0], $0xffff  }
0x3ce: {  	v3 =	vadd.f32 v5, v3;
	v5 =	vmul.f32 v8, v9;
	v9 =	vor.u32 $0x9, v1;
	v8 =	vld.idx.msk [tilespmem:v15+s20+$0x0], $0xffff  }
0x3cf: {  	v15 =	vor.u32 $0x9, v2;
	v12 =	vld.idx.msk [tilespmem:v12+s18+$0x0], $0xffff  }
0x3d0: {  	v3 =	vadd.f32 v5, v3;
	v4 =	vmul.f32 v4, v11;
	v11 =	vor.u32 $0xA, v1;
	v5 =	vld.idx.msk [tilespmem:v16+s20+$0x0], $0xffff  }
0x3d1: {  	v16 =	vor.u32 $0xA, v2;
	v7 =	vld.idx.msk [tilespmem:v7+s18+$0x0], $0xffff  }
0x3d2: {  	v3 =	vadd.f32 v4, v3;
	v4 =	vmul.f32 v6, v13;
	v13 =	vor.u32 $0xB, v1;
	v6 =	vld.idx.msk [tilespmem:v14+s20+$0x0], $0xffff  }
0x3d3: {  	v14 =	vor.u32 $0xB, v2;
	v9 =	vld.idx.msk [tilespmem:v9+s18+$0x0], $0xffff  }
0x3d4: {  	v3 =	vadd.f32 v4, v3;
	v4 =	vmul.f32 v8, v10;
	v10 =	vor.u32 $0xC, v1;
	v8 =	vld.idx.msk [tilespmem:v15+s20+$0x0], $0xffff  }
0x3d5: {  	v15 =	vor.u32 $0xC, v2;
	v11 =	vld.idx.msk [tilespmem:v11+s18+$0x0], $0xffff  }
0x3d6: {  	v3 =	vadd.f32 v4, v3;
	v4 =	vmul.f32 v5, v12;
	v12 =	vor.u32 $0xD, v1;
	v5 =	vld.idx.msk [tilespmem:v16+s20+$0x0], $0xffff  }
0x3d7: {  	v16 =	vor.u32 $0xD, v2;
	v13 =	vld.idx.msk [tilespmem:v13+s18+$0x0], $0xffff  }
0x3d8: {  	v3 =	vadd.f32 v4, v3;
	v4 =	vmul.f32 v6, v7;
	v7 =	vor.u32 $0xE, v1;
	v6 =	vld.idx.msk [tilespmem:v14+s20+$0x0], $0xffff  }
0x3d9: {  	v14 =	vor.u32 $0xE, v2;
	v10 =	vld.idx.msk [tilespmem:v10+s18+$0x0], $0xffff  }
0x3da: {  	v3 =	vadd.f32 v4, v3;
	v4 =	vmul.f32 v8, v9;
	v9 =	vor.u32 $0xF, v1;
	v8 =	vld.idx.msk [tilespmem:v15+s20+$0x0], $0xffff  }
0x3db: {  	v15 =	vor.u32 $0xF, v2;
	v12 =	vld.idx.msk [tilespmem:v12+s18+$0x0], $0xffff  }
0x3dc: {  	v3 =	vadd.f32 v4, v3;
	v4 =	vmul.f32 v5, v11;
	v11 =	vor.u32 $0x10, v1;
	v5 =	vld.idx.msk [tilespmem:v16+s20+$0x0], $0xffff  }
0x3dd: {  	v16 =	vor.u32 $0x10, v2;
	v7 =	vld.idx.msk [tilespmem:v7+s18+$0x0], $0xffff  }
0x3de: {  	v3 =	vadd.f32 v4, v3;
	v4 =	vmul.f32 v6, v13;
	v13 =	vor.u32 $0x11, v1;
	v6 =	vld.idx.msk [tilespmem:v14+s20+$0x0], $0xffff  }
0x3df: {  	v14 =	vor.u32 $0x11, v2;
	v9 =	vld.idx.msk [tilespmem:v9+s18+$0x0], $0xffff  }
0x3e0: {  	v3 =	vadd.f32 v4, v3;
	v4 =	vmul.f32 v8, v10;
	v10 =	vor.u32 $0x12, v1;
	v8 =	vld.idx.msk [tilespmem:v15+s20+$0x0], $0xffff  }
0x3e1: {  	v15 =	vor.u32 $0x12, v2;
	v11 =	vld.idx.msk [tilespmem:v11+s18+$0x0], $0xffff  }
0x3e2: {  	v3 =	vadd.f32 v4, v3;
	v4 =	vmul.f32 v5, v12;
	v12 =	vor.u32 $0x13, v1;
	v5 =	vld.idx.msk [tilespmem:v16+s20+$0x0], $0xffff  }
0x3e3: {  	v16 =	vor.u32 $0x13, v2;
	v13 =	vld.idx.msk [tilespmem:v13+s18+$0x0], $0xffff  }
0x3e4: {  	v3 =	vadd.f32 v4, v3;
	v4 =	vmul.f32 v6, v7;
	v7 =	vor.u32 $0x14, v1;
	v6 =	vld.idx.msk [tilespmem:v14+s20+$0x0], $0xffff  }
0x3e5: {  	v14 =	vor.u32 $0x14, v2;
	v10 =	vld.idx.msk [tilespmem:v10+s18+$0x0], $0xffff  }
0x3e6: {  	v3 =	vadd.f32 v4, v3;
	v4 =	vmul.f32 v8, v9;
	v9 =	vor.u32 $0x15, v1;
	v8 =	vld.idx.msk [tilespmem:v15+s20+$0x0], $0xffff  }
0x3e7: {  	v15 =	vor.u32 $0x15, v2;
	v12 =	vld.idx.msk [tilespmem:v12+s18+$0x0], $0xffff  }
0x3e8: {  	v3 =	vadd.f32 v4, v3;
	v4 =	vmul.f32 v5, v11;
	v11 =	vor.u32 $0x16, v1;
	v5 =	vld.idx.msk [tilespmem:v16+s20+$0x0], $0xffff  }
0x3e9: {  	v16 =	vor.u32 $0x16, v2;
	v7 =	vld.idx.msk [tilespmem:v7+s18+$0x0], $0xffff  }
0x3ea: {  	v3 =	vadd.f32 v4, v3;
	v4 =	vmul.f32 v6, v13;
	v13 =	vor.u32 $0x17, v1;
	v6 =	vld.idx.msk [tilespmem:v14+s20+$0x0], $0xffff  }
0x3eb: {  	v14 =	vor.u32 $0x17, v2;
	v9 =	vld.idx.msk [tilespmem:v9+s18+$0x0], $0xffff  }
0x3ec: {  	v3 =	vadd.f32 v4, v3;
	v4 =	vmul.f32 v8, v10;
	v10 =	vor.u32 $0x18, v1;
	v8 =	vld.idx.msk [tilespmem:v15+s20+$0x0], $0xffff  }
0x3ed: {  	v15 =	vor.u32 $0x18, v2;
	v11 =	vld.idx.msk [tilespmem:v11+s18+$0x0], $0xffff  }
0x3ee: {  	v3 =	vadd.f32 v4, v3;
	v4 =	vmul.f32 v5, v12;
	v12 =	vor.u32 $0x19, v1;
	v5 =	vld.idx.msk [tilespmem:v16+s20+$0x0], $0xffff  }
0x3ef: {  	v16 =	vor.u32 $0x19, v2;
	v13 =	vld.idx.msk [tilespmem:v13+s18+$0x0], $0xffff  }
0x3f0: {  	v3 =	vadd.f32 v4, v3;
	v4 =	vmul.f32 v6, v7;
	v7 =	vor.u32 $0x1A, v1;
	v6 =	vld.idx.msk [tilespmem:v14+s20+$0x0], $0xffff  }
0x3f1: {  	v14 =	vor.u32 $0x1A, v2;
	v10 =	vld.idx.msk [tilespmem:v10+s18+$0x0], $0xffff  }
0x3f2: {  	v3 =	vadd.f32 v4, v3;
	v4 =	vmul.f32 v8, v9;
	v9 =	vor.u32 $0x1B, v1;
	v8 =	vld.idx.msk [tilespmem:v15+s20+$0x0], $0xffff  }
0x3f3: {  	v15 =	vor.u32 $0x1B, v2;
	v12 =	vld.idx.msk [tilespmem:v12+s18+$0x0], $0xffff  }
0x3f4: {  	v3 =	vadd.f32 v4, v3;
	v4 =	vmul.f32 v5, v11;
	v11 =	vor.u32 $0x1C, v1;
	v5 =	vld.idx.msk [tilespmem:v16+s20+$0x0], $0xffff  }
0x3f5: {  	v16 =	vor.u32 $0x1C, v2;
	v7 =	vld.idx.msk [tilespmem:v7+s18+$0x0], $0xffff  }
0x3f6: {  	v3 =	vadd.f32 v4, v3;
	v4 =	vmul.f32 v6, v13;
	v13 =	vor.u32 $0x1D, v1;
	v6 =	vld.idx.msk [tilespmem:v14+s20+$0x0], $0xffff  }
0x3f7: {  	v14 =	vor.u32 $0x1D, v2;
	v9 =	vld.idx.msk [tilespmem:v9+s18+$0x0], $0xffff  }
0x3f8: {  	v3 =	vadd.f32 v4, v3;
	v4 =	vmul.f32 v8, v10;
	v10 =	vor.u32 $0x1E, v1;
	v8 =	vld.idx.msk [tilespmem:v15+s20+$0x0], $0xffff  }
0x3f9: {  	v15 =	vor.u32 $0x1E, v2;
	v11 =	vld.idx.msk [tilespmem:v11+s18+$0x0], $0xffff  }
0x3fa: {  	v1 =	vor.u32 $0x1F, v1;
	v3 =	vadd.f32 v4, v3;
	v4 =	vmul.f32 v5, v12;
	v5 =	vld.idx.msk [tilespmem:v16+s20+$0x0], $0xffff  }
0x3fb: {  	v2 =	vor.u32 $0x1F, v2;
	v12 =	vld.idx.msk [tilespmem:v13+s18+$0x0], $0xffff  }
0x3fc: {  	v3 =	vadd.f32 v4, v3;
	v4 =	vmul.f32 v6, v7;
	v6 =	vld.idx.msk [tilespmem:v14+s20+$0x0], $0xffff  }
0x3fd: {  	v7 =	vld.idx.msk [tilespmem:v10+s18+$0x0], $0xffff  }
0x3fe: {  	v3 =	vadd.f32 v4, v3;
	v4 =	vmul.f32 v8, v9;
	v8 =	vld.idx.msk [tilespmem:v15+s20+$0x0], $0xffff  }
0x3ff: {  	v1 =	vld.idx.msk [tilespmem:v1+s18+$0x0], $0xffff  }
0x400: {  	v3 =	vadd.f32 v4, v3;
	v4 =	vmul.f32 v5, v11;
	v2 =	vld.idx.msk [tilespmem:v2+s20+$0x0], $0xffff;
	_ =	sdelay $0x1  }
0x401: {  	v3 =	vadd.f32 v4, v3;
	v4 =	vmul.f32 v6, v12;
	_ =	sdelay $0x1  }
0x402: {  	v3 =	vadd.f32 v4, v3;
	v4 =	vmul.f32 v8, v7;
	_ =	sdelay $0x1  }
0x403: {  	v3 =	vadd.f32 v4, v3;
	v1 =	vmul.f32 v2, v1;
	_ =	sdelay $0x1  }
.Ltmp3:
0x404: {  	v1 =	vadd.f32 v1, v3;
	(pc) =	sbr.rel @p0 .LBB2_8-.Ltmp3, $4  }
0x405: {  	s28 =	sadd.s32 $0x10, s28  }
0x406: {  	s29 =	sadd.s32 $0x10, s29;
	[tilespmem:s28+$0x0] =	vst v1  }
0x407: {  	s30 =	sadd.s32 $0x10, s30;
	v1 =	vld [tilespmem:s29+$0x0]  }
0x408: {  	s0 =	sadd.s32 $0x10, s0;
	v2 =	vld [tilespmem:s30+$0x0]  }
0x409: {  	_ =	sdelay $0x1  }
0x40a: {  	v3 =	vmov s31  }
0x40b: {  	v3 =	vshll.u32 v3, $0x7;
	v1 =	vshrl.u32 v1, $0xA  }
0x40c: {  	v3 =	vor.u32 v0, v3;
	v2 =	vshrl.u32 v2, $0xD;
	v4 =	vand.u32 $0x3FFF80, v1  }
0x40d: {  	v1 =	vand.u32 $0x60, v1;
	v4 =	vadd.s32 v3, v4;
	v5 =	vand.u32 $0x7FF80, v2  }
0x40e: {  	v2 =	vand.u32 $0x60, v2;
	v1 =	vor.u32 v1, v4;
	v3 =	vadd.s32 v3, v5  }
0x40f: {  	v2 =	vor.u32 v2, v3  }
0x410: {  	v3 =	vor.u32 $0x1, v1  }
0x411: {  	v46 =	vor.u32 $0x1, v2  }
0x412: {  	v47 =	vor.u32 $0x2, v1  }
0x413: {  	v7 =	vor.u32 $0x2, v2;
	v6 =	vld.idx.msk [tilespmem:v1+s18+$0x0], $0xffff  }
0x414: {  	v9 =	vor.u32 $0x3, v1;
	v8 =	vld.idx.msk [tilespmem:v2+s20+$0x0], $0xffff  }
0x415: {  	v10 =	vor.u32 $0x3, v2;
	v3 =	vld.idx.msk [tilespmem:v3+s18+$0x0], $0xffff  }
0x416: {  	v11 =	vor.u32 $0x4, v1;
	v4 =	vld.idx.msk [tilespmem:v46+s20+$0x0], $0xffff  }
0x417: {  	v12 =	vor.u32 $0x4, v2;
	v5 =	vld.idx.msk [tilespmem:v47+s18+$0x0], $0xffff  }
0x418: {  	v13 =	vor.u32 $0x5, v1;
	v7 =	vld.idx.msk [tilespmem:v7+s20+$0x0], $0xffff  }
0x419: {  	v14 =	vor.u32 $0x5, v2;
	v9 =	vld.idx.msk [tilespmem:v9+s18+$0x0], $0xffff;
	v6 =	vmul.f32 v8, v6  }
0x41a: {  	v49 =	vor.u32 $0x6, v1;
	v48 =	vld.idx.msk [tilespmem:v10+s20+$0x0], $0xffff  }
0x41b: {  	v15 =	vor.u32 $0x6, v2;
	v11 =	vld.idx.msk [tilespmem:v11+s18+$0x0], $0xffff;
	v3 =	vmul.f32 v4, v3;
	v6 =	vadd.f32 $0.0e+00, v6  }
0x41c: {  	v51 =	vor.u32 $0x7, v1;
	v50 =	vld.idx.msk [tilespmem:v12+s20+$0x0], $0xffff  }
0x41d: {  	v16 =	vor.u32 $0x7, v2;
	v13 =	vld.idx.msk [tilespmem:v13+s18+$0x0], $0xffff;
	v5 =	vmul.f32 v7, v5;
	v3 =	vadd.f32 v3, v6  }
0x41e: {  	v54 =	vor.u32 $0x8, v2;
	v52 =	vld.idx.msk [tilespmem:v14+s20+$0x0], $0xffff  }
0x41f: {  	v53 =	vor.u32 $0x8, v1;
	v10 =	vld.idx.msk [tilespmem:v49+s18+$0x0], $0xffff;
	v55 =	vmul.f32 v48, v9;
	v3 =	vadd.f32 v5, v3  }
0x420: {  	v58 =	vor.u32 $0x9, v2;
	v56 =	vld.idx.msk [tilespmem:v15+s20+$0x0], $0xffff  }
0x421: {  	v57 =	vor.u32 $0x9, v1;
	v12 =	vld.idx.msk [tilespmem:v51+s18+$0x0], $0xffff;
	v4 =	vmul.f32 v50, v11;
	v3 =	vadd.f32 v55, v3  }
0x422: {  	v61 =	vor.u32 $0xA, v2;
	v59 =	vld.idx.msk [tilespmem:v16+s20+$0x0], $0xffff  }
0x423: {  	v60 =	vor.u32 $0xA, v1;
	v63 =	vld.idx.msk [tilespmem:v54+s20+$0x0], $0xffff;
	v62 =	vmul.f32 v52, v13;
	v3 =	vadd.f32 v4, v3  }
0x424: {  	v20 =	vor.u32 $0xB, v2;
	v7 =	vld.idx.msk [tilespmem:v53+s18+$0x0], $0xffff  }
0x425: {  	v19 =	vor.u32 $0xB, v1;
	v22 =	vld.idx.msk [tilespmem:v58+s20+$0x0], $0xffff;
	v21 =	vmul.f32 v56, v10;
	v3 =	vadd.f32 v62, v3  }
0x426: {  	v24 =	vor.u32 $0xC, v2;
	v9 =	vld.idx.msk [tilespmem:v57+s18+$0x0], $0xffff  }
0x427: {  	v23 =	vor.u32 $0xC, v1;
	v26 =	vld.idx.msk [tilespmem:v61+s20+$0x0], $0xffff;
	v25 =	vmul.f32 v59, v12;
	v3 =	vadd.f32 v21, v3  }
0x428: {  	v28 =	vor.u32 $0xD, v2;
	v11 =	vld.idx.msk [tilespmem:v60+s18+$0x0], $0xffff  }
0x429: {  	v27 =	vor.u32 $0xD, v1;
	v30 =	vld.idx.msk [tilespmem:v20+s20+$0x0], $0xffff;
	v29 =	vmul.f32 v63, v7;
	v3 =	vadd.f32 v25, v3  }
0x42a: {  	v32 =	vor.u32 $0xE, v2;
	v13 =	vld.idx.msk [tilespmem:v19+s18+$0x0], $0xffff  }
0x42b: {  	v31 =	vor.u32 $0xE, v1;
	v34 =	vld.idx.msk [tilespmem:v24+s20+$0x0], $0xffff;
	v33 =	vmul.f32 v22, v9;
	v3 =	vadd.f32 v29, v3  }
0x42c: {  	v36 =	vor.u32 $0xF, v2;
	v10 =	vld.idx.msk [tilespmem:v23+s18+$0x0], $0xffff  }
0x42d: {  	v35 =	vor.u32 $0xF, v1;
	v38 =	vld.idx.msk [tilespmem:v28+s20+$0x0], $0xffff;
	v37 =	vmul.f32 v26, v11;
	v3 =	vadd.f32 v33, v3  }
0x42e: {  	v40 =	vor.u32 $0x10, v2;
	v12 =	vld.idx.msk [tilespmem:v27+s18+$0x0], $0xffff  }
0x42f: {  	v39 =	vor.u32 $0x10, v1;
	v42 =	vld.idx.msk [tilespmem:v32+s20+$0x0], $0xffff;
	v41 =	vmul.f32 v30, v13;
	v3 =	vadd.f32 v37, v3  }
0x430: {  	v44 =	vor.u32 $0x11, v2;
	v7 =	vld.idx.msk [tilespmem:v31+s18+$0x0], $0xffff  }
0x431: {  	v43 =	vor.u32 $0x11, v1;
	v46 =	vld.idx.msk [tilespmem:v36+s20+$0x0], $0xffff;
	v45 =	vmul.f32 v34, v10;
	v3 =	vadd.f32 v41, v3  }
0x432: {  	v47 =	vor.u32 $0x12, v1;
	v9 =	vld.idx.msk [tilespmem:v35+s18+$0x0], $0xffff  }
0x433: {  	v48 =	vor.u32 $0x12, v2;
	v50 =	vld.idx.msk [tilespmem:v40+s20+$0x0], $0xffff;
	v49 =	vmul.f32 v38, v12;
	v3 =	vadd.f32 v45, v3  }
0x434: {  	v51 =	vor.u32 $0x13, v1;
	v11 =	vld.idx.msk [tilespmem:v39+s18+$0x0], $0xffff  }
0x435: {  	v54 =	vld.idx.msk [tilespmem:v44+s20+$0x0], $0xffff;
	v52 =	vor.u32 $0x13, v2;
	v53 =	vmul.f32 v42, v7;
	v3 =	vadd.f32 v49, v3  }
0x436: {  	v56 =	vor.u32 $0x14, v2;
	v13 =	vld.idx.msk [tilespmem:v43+s18+$0x0], $0xffff  }
0x437: {  	v10 =	vld.idx.msk [tilespmem:v47+s18+$0x0], $0xffff;
	v55 =	vor.u32 $0x14, v1;
	v57 =	vmul.f32 v46, v9;
	v3 =	vadd.f32 v53, v3  }
0x438: {  	v60 =	vor.u32 $0x15, v2;
	v58 =	vld.idx.msk [tilespmem:v48+s20+$0x0], $0xffff  }
0x439: {  	v59 =	vor.u32 $0x15, v1;
	v12 =	vld.idx.msk [tilespmem:v51+s18+$0x0], $0xffff;
	v61 =	vmul.f32 v50, v11;
	v3 =	vadd.f32 v57, v3  }
0x43a: {  	v20 =	vor.u32 $0x16, v2;
	v62 =	vld.idx.msk [tilespmem:v52+s20+$0x0], $0xffff  }
0x43b: {  	v63 =	vor.u32 $0x16, v1;
	v22 =	vld.idx.msk [tilespmem:v56+s20+$0x0], $0xffff;
	v21 =	vmul.f32 v54, v13;
	v3 =	vadd.f32 v61, v3  }
0x43c: {  	v24 =	vor.u32 $0x17, v2;
	v7 =	vld.idx.msk [tilespmem:v55+s18+$0x0], $0xffff  }
0x43d: {  	v23 =	vor.u32 $0x17, v1;
	v26 =	vld.idx.msk [tilespmem:v60+s20+$0x0], $0xffff;
	v25 =	vmul.f32 v58, v10;
	v3 =	vadd.f32 v21, v3  }
0x43e: {  	v28 =	vor.u32 $0x18, v2;
	v9 =	vld.idx.msk [tilespmem:v59+s18+$0x0], $0xffff  }
0x43f: {  	v27 =	vor.u32 $0x18, v1;
	v30 =	vld.idx.msk [tilespmem:v20+s20+$0x0], $0xffff;
	v29 =	vmul.f32 v62, v12;
	v3 =	vadd.f32 v25, v3  }
0x440: {  	v32 =	vor.u32 $0x19, v2;
	v11 =	vld.idx.msk [tilespmem:v63+s18+$0x0], $0xffff  }
0x441: {  	v31 =	vor.u32 $0x19, v1;
	v34 =	vld.idx.msk [tilespmem:v24+s20+$0x0], $0xffff;
	v33 =	vmul.f32 v22, v7;
	v3 =	vadd.f32 v29, v3  }
0x442: {  	v36 =	vor.u32 $0x1A, v2;
	v13 =	vld.idx.msk [tilespmem:v23+s18+$0x0], $0xffff  }
0x443: {  	v35 =	vor.u32 $0x1A, v1;
	v38 =	vld.idx.msk [tilespmem:v28+s20+$0x0], $0xffff;
	v37 =	vmul.f32 v26, v9;
	v3 =	vadd.f32 v33, v3  }
0x444: {  	v40 =	vor.u32 $0x1B, v2;
	v10 =	vld.idx.msk [tilespmem:v27+s18+$0x0], $0xffff  }
0x445: {  	v39 =	vor.u32 $0x1B, v1;
	v42 =	vld.idx.msk [tilespmem:v32+s20+$0x0], $0xffff;
	v41 =	vmul.f32 v30, v11;
	v3 =	vadd.f32 v37, v3  }
0x446: {  	v44 =	vor.u32 $0x1C, v2;
	v12 =	vld.idx.msk [tilespmem:v31+s18+$0x0], $0xffff  }
0x447: {  	v43 =	vor.u32 $0x1C, v1;
	v46 =	vld.idx.msk [tilespmem:v36+s20+$0x0], $0xffff;
	v45 =	vmul.f32 v34, v13;
	v3 =	vadd.f32 v41, v3  }
0x448: {  	v47 =	vor.u32 $0x1D, v1;
	v7 =	vld.idx.msk [tilespmem:v35+s18+$0x0], $0xffff  }
0x449: {  	v48 =	vor.u32 $0x1D, v2;
	v50 =	vld.idx.msk [tilespmem:v40+s20+$0x0], $0xffff;
	v49 =	vmul.f32 v38, v10;
	v3 =	vadd.f32 v45, v3  }
0x44a: {  	v51 =	vor.u32 $0x1E, v1;
	v9 =	vld.idx.msk [tilespmem:v39+s18+$0x0], $0xffff  }
0x44b: {  	v52 =	vor.u32 $0x1E, v2;
	v54 =	vld.idx.msk [tilespmem:v44+s20+$0x0], $0xffff;
	v53 =	vmul.f32 v42, v12;
	v3 =	vadd.f32 v49, v3  }
0x44c: {  	v1 =	vor.u32 $0x1F, v1;
	v11 =	vld.idx.msk [tilespmem:v43+s18+$0x0], $0xffff  }
0x44d: {  	v2 =	vor.u32 $0x1F, v2;
	v55 =	vld.idx.msk [tilespmem:v47+s18+$0x0], $0xffff;
	v56 =	vmul.f32 v46, v7;
	v3 =	vadd.f32 v53, v3  }
0x44e: {  	v57 =	vld.idx.msk [tilespmem:v48+s20+$0x0], $0xffff  }
0x44f: {  	v58 =	vld.idx.msk [tilespmem:v51+s18+$0x0], $0xffff;
	v59 =	vmul.f32 v50, v9;
	v3 =	vadd.f32 v56, v3  }
0x450: {  	v60 =	vld.idx.msk [tilespmem:v52+s20+$0x0], $0xffff  }
0x451: {  	v1 =	vld.idx.msk [tilespmem:v1+s18+$0x0], $0xffff;
	v61 =	vmul.f32 v54, v11;
	v3 =	vadd.f32 v59, v3  }
0x452: {  	v2 =	vld.idx.msk [tilespmem:v2+s20+$0x0], $0xffff  }
0x453: {  	v62 =	vmul.f32 v57, v55;
	v3 =	vadd.f32 v61, v3;
	_ =	sdelay $0x1  }
0x454: {  	v63 =	vmul.f32 v60, v58;
	v3 =	vadd.f32 v62, v3;
	_ =	sdelay $0x1  }
0x455: {  	v1 =	vmul.f32 v2, v1;
	v3 =	vadd.f32 v63, v3;
	_ =	sdelay $0x1  }
0x456: {  	s26 =	sadd.s32 $0x1, s26;
	v1 =	vadd.f32 v1, v3  }
0x457: {  	s0 =	sadd.s32 $0x10, s28;
	p0 =	sne.s32 s26, s8  }
.Ltmp4:
0x458: {  	[tilespmem:s0+$0x0] =	vst v1;
	(pc) =	sbr.rel @p0 .LBB2_1-.Ltmp4, $4  }
0x459: {  	[hbm4b:s7+s2] =	stream.linear.scatter [tilespmem:s25], [sflag:$0x3], $0x200, $0x38;
	[tilespmem:$0x10A00] =	vst v63  }
0x45a: {  	_ =	swait.ge [sflag:s9], $0x200  }
0x45b: {  	[sflag:s9] =	ssyncset.done $0x0  }
0x45c: {  	[sflag:s9] =	ssyncadd.s32 $0xFFFFFE00  }
0x45d: {  	_ =	sfence.sel $0x180000  }
0x45e: {  	[bflag:$0x0] =	sbarrier.arrive $0xFFFF  }
0x45f: {  	_ =	strace $0x90000047  }
0x460: {  	[bflag:$0x2] =	sbarrier.arrive $0xFFFF  }
0x461: {  	p0 =	sne.s32 s1, $0x0;
	s0 =	rddreg [dreg:$0x4]  }
0x462: {  	s0 =	sadd.s32 @!p0 $0x100000, s0  }
0x463: {  	[sflag:s0] =	ssyncadd.tile.s32 @!p0 $0x1;
	_ =	shalt  }
.Lfunc_end2:
_tile_overlayer_lowered:
.L_overlay_start_2:
0x464: {  	(tag) =	ssettag $0x2  }
0x465: {  	s0 =	rddreg [dreg:$0x0];
	s2 =	stileid.u32  }
0x466: {  	s1 =	rddreg [dreg:$0x1];
	p0 =	sne.s32 s2, $0x0  }
0x467: {  	s3 =	rddreg [dreg:$0x2];
	[bflag:$0x3] =	sbarrier.arrive $0xFFFF;
	s2 =	simm.s32 @!p0 $0x1C03  }
0x468: {  	[timem:s3], [sflag:s2] =	dma.local @!p0 [hbm:s0], s1  }
0x469: {  	s0 =	simm.s32 @!p0 $0x3  }
0x46a: {  	_ =	swait.ge @!p0 [sflag:s0], s1  }
0x46b: {  	s1 =	ssub.s32 @!p0 $0x0, s1;
	[sflag:s0] =	ssyncset.done @!p0 $0x0  }
0x46c: {  	[sflag:s0] =	ssyncadd.s32 @!p0 s1  }
0x46d: {  	[bflag:$0x3] =	sbarrier.arrive $0xFFFF  }
0x46e: {  	_ =	shalt  }

</sc_bundles>
